<compile_context>
chip_gen: v7x
topology: tpu7x:2x2x1
jax: 0.10.2.dev20260603
libtpu: 0.0.44.dev20260713+nightly
codegen_flags: <defaults>
</compile_context>

<pallas_src>
import functools

import jax
import jax.numpy as jnp
from jax import lax
from jax.experimental import pallas as pl
from jax.experimental.pallas import tpu as pltpu
from jax.experimental.pallas import tpu_sc as plsc

NC = 2
NS = 16
LANES = 16
NB = 4


def _dist_body(n_nodes, n_edges, chunk,
               rx_hbm, ry_hbm, rz_hbm, ox_hbm, oy_hbm, oz_hbm,
               ii_hbm, jj_hbm, out_hbm,
               rx_s, ry_s, rz_s,
               ii_v, jj_v, ox_v, oy_v, oz_v,
               gxi, gyi, gzi, gxj, gyj, gzj, out_v,
               sem_load, sem_gath, sem_out):
    cid = lax.axis_index("c")
    sid = lax.axis_index("s")
    wid = cid * NS + sid

    @pl.when(sid == 0)
    def _stage():
        pltpu.sync_copy(rx_hbm, rx_s)
        pltpu.sync_copy(ry_hbm, ry_s)
        pltpu.sync_copy(rz_hbm, rz_s)

    plsc.subcore_barrier()

    ept = n_edges // (NC * NS)
    nch = ept // chunk
    groups = chunk // LANES
    assert chunk % LANES == 0 and ept % chunk == 0 and nch % NB == 0
    tile0 = wid * ept

    lin_pairs = lambda b: (
        (ii_hbm, ii_v[b]), (jj_hbm, jj_v[b]),
        (ox_hbm, ox_v[b]), (oy_hbm, oy_v[b]), (oz_hbm, oz_v[b]))

    def fire_loads(ci, b):
        base = tile0 + ci * chunk
        for src, dst in lin_pairs(b):
            pltpu.async_copy(src.at[pl.ds(base, chunk)], dst, sem_load.at[b])

    def wait_loads(b):
        for src, dst in lin_pairs(b):
            pltpu.make_async_copy(src.at[pl.ds(0, chunk)], dst, sem_load.at[b]).wait()

    def gath_triples(b):
        return ((rx_s, ii_v[b], gxi[b]), (ry_s, ii_v[b], gyi[b]),
                (rz_s, ii_v[b], gzi[b]), (rx_s, jj_v[b], gxj[b]),
                (ry_s, jj_v[b], gyj[b]), (rz_s, jj_v[b], gzj[b]))

    def fire_gathers(b):
        for tab, idx, dst in gath_triples(b):
            pltpu.async_copy(tab.at[idx], dst, sem_gath.at[b])

    def wait_gathers(b):
        for tab, idx, dst in gath_triples(b):
            pltpu.make_async_copy(tab.at[idx], dst, sem_gath.at[b]).wait()

    def fire_store(ci, b):
        base = tile0 + ci * chunk
        pltpu.async_copy(out_v[b], out_hbm.at[pl.ds(base, chunk)], sem_out.at[b])

    def wait_store(b):
        pltpu.make_async_copy(out_v[b], out_hbm.at[pl.ds(0, chunk)], sem_out.at[b]).wait()

    def compute(b):
        def group_body(g, _):
            lin = g * LANES
            xi = gxi[b][pl.ds(lin, LANES)]
            yi = gyi[b][pl.ds(lin, LANES)]
            zi = gzi[b][pl.ds(lin, LANES)]
            xj = gxj[b][pl.ds(lin, LANES)]
            yj = gyj[b][pl.ds(lin, LANES)]
            zj = gzj[b][pl.ds(lin, LANES)]
            ox = ox_v[b][pl.ds(lin, LANES)]
            oy = oy_v[b][pl.ds(lin, LANES)]
            oz = oz_v[b][pl.ds(lin, LANES)]
            dx = xi - (xj + ox)
            dy = yi - (yj + oy)
            dz = zi - (zj + oz)
            s = dx * dx + dy * dy + dz * dz
            s = jnp.maximum(s, jnp.float32(1e-30))
            i = plsc.bitcast(s, jnp.int32)
            i = jnp.int32(0x5F3759DF) - (i >> 1)
            y = plsc.bitcast(i, jnp.float32)
            hs = s * jnp.float32(0.5)
            y = y * (jnp.float32(1.5) - hs * y * y)
            y = y * (jnp.float32(1.5) - hs * y * y)
            y = y * (jnp.float32(1.5) - hs * y * y)
            out_v[b][pl.ds(lin, LANES)] = s * y
            return ()

        lax.fori_loop(0, groups, group_body, (), unroll=4)

    for b in range(NB - 1):
        fire_loads(b, b)
    wait_loads(0)
    fire_gathers(0)

    def step(s, _):
        for b in range(NB):
            ci = s * NB + b

            wait_gathers(b)

            bn = (b + 1) % NB

            @pl.when(ci + 1 < nch)
            def _next_gath():
                wait_loads(bn)
                fire_gathers(bn)

            bl = (b + NB - 1) % NB

            @pl.when(ci + (NB - 1) < nch)
            def _next_loads():
                fire_loads(ci + (NB - 1), bl)

            @pl.when(ci >= NB)
            def _drain_store():
                wait_store(b)

            compute(b)
            fire_store(ci, b)
        return ()

    lax.fori_loop(0, nch // NB, step, ())

    for b in range(NB):
        wait_store(b)


@functools.partial(jax.jit, static_argnames=("n_nodes", "n_edges", "chunk"))
def _dist(rx, ry, rz, ox, oy, oz, ii, jj, *, n_nodes, n_edges, chunk):
    mesh = plsc.VectorSubcoreMesh(
        core_axis_name="c", subcore_axis_name="s",
        num_cores=NC, num_subcores=NS)
    body = functools.partial(_dist_body, n_nodes, n_edges, chunk)
    vf = lambda: [pltpu.VMEM((chunk,), jnp.float32) for _ in range(NB)]
    vi = lambda: [pltpu.VMEM((chunk,), jnp.int32) for _ in range(NB)]
    return pl.kernel(
        body,
        out_type=jax.ShapeDtypeStruct((n_edges,), jnp.float32),
        mesh=mesh,
        compiler_params=pltpu.CompilerParams(needs_layout_passes=False),
        scratch_types=[
            pltpu.VMEM_SHARED((n_nodes,), jnp.float32),
            pltpu.VMEM_SHARED((n_nodes,), jnp.float32),
            pltpu.VMEM_SHARED((n_nodes,), jnp.float32),
            vi(), vi(), vf(), vf(), vf(),
            vf(), vf(), vf(), vf(), vf(), vf(), vf(),
            pltpu.SemaphoreType.DMA((NB,)),
            pltpu.SemaphoreType.DMA((NB,)),
            pltpu.SemaphoreType.DMA((NB,)),
        ],
    )(rx, ry, rz, ox, oy, oz, ii, jj)


def kernel(r, offsets, idx_i, idx_j):
    r = r.astype(jnp.float32)
    offsets = offsets.astype(jnp.float32)
    n_nodes = r.shape[0]
    n_edges = idx_i.shape[0]
    rx, ry, rz = r[:, 0], r[:, 1], r[:, 2]
    ox, oy, oz = offsets[:, 0], offsets[:, 1], offsets[:, 2]
    ii = idx_i.astype(jnp.int32)
    jj = idx_j.astype(jnp.int32)
    out = _dist(rx, ry, rz, ox, oy, oz, ii, jj,
                n_nodes=n_nodes, n_edges=n_edges, chunk=2000)
    return out.reshape(n_edges, 1)

# --- scband reference (transcript-rebuilt; emitter-appended) ---
"""Pipeline reference for scband-euclidean-distances-17635135717708 (READ-ONLY COPY).

The authoritative reference and input builder live on the scoring server;
editing this copy changes nothing except your own understanding.
"""

import jax, jax.numpy as jnp
import numpy as np

N_NODES = 100000
N_EDGES = 6400000

def setup_inputs(seed: int = 0) -> dict:
    key = jax.random.key(seed)
    k1, k2, k3, k4 = jax.random.split(key, 4)
    r = jax.random.normal(k1, (N_NODES, 3), dtype=jnp.float32)
    offsets = jax.random.normal(k2, (N_EDGES, 3), dtype=jnp.float32)
    idx_i = jax.random.randint(k3, (N_EDGES,), 0, N_NODES, dtype=jnp.int64 if jax.config.jax_enable_x64 else jnp.int32)
    idx_j = jax.random.randint(k4, (N_EDGES,), 0, N_NODES, dtype=jnp.int64 if jax.config.jax_enable_x64 else jnp.int32)
    return {"r": r, "offsets": offsets, "idx_i": idx_i, "idx_j": idx_j}

def reference(r, offsets, idx_i, idx_j):
    r = r.astype(jnp.float32)
    ri = jnp.take(r, idx_i, axis=0)
    rj = jnp.take(r, idx_j, axis=0) + offsets
    rij = ri - rj
    dij2 = jnp.sum(rij ** 2, axis=-1, keepdims=True)
    dij = jnp.sqrt(dij2)
    return dij

if __name__ == "__main__":
    import jax
    _d = setup_inputs()
    print(jax.jit(kernel)(*tuple(_d.values())))

</pallas_src>

<mosaic_0001>
#map = affine_map<(d0, d1) -> (0)>
module attributes {stable_mosaic.version = 14 : i64} {
  func.func @_dist_body(%arg0: i32, %arg1: i32, %arg2: memref<100000xf32, #tpu.memory_space<hbm>>, %arg3: memref<100000xf32, #tpu.memory_space<hbm>>, %arg4: memref<100000xf32, #tpu.memory_space<hbm>>, %arg5: memref<6400000xf32, #tpu.memory_space<hbm>>, %arg6: memref<6400000xf32, #tpu.memory_space<hbm>>, %arg7: memref<6400000xf32, #tpu.memory_space<hbm>>, %arg8: memref<6400000xi32, #tpu.memory_space<hbm>>, %arg9: memref<6400000xi32, #tpu.memory_space<hbm>>, %arg10: memref<6400000xf32, #tpu.memory_space<hbm>>, %arg11: memref<100000xf32, #tpu.memory_space<vmem_shared>>, %arg12: memref<100000xf32, #tpu.memory_space<vmem_shared>>, %arg13: memref<100000xf32, #tpu.memory_space<vmem_shared>>, %arg14: memref<2000xi32, #tpu.memory_space<vmem>>, %arg15: memref<2000xi32, #tpu.memory_space<vmem>>, %arg16: memref<2000xi32, #tpu.memory_space<vmem>>, %arg17: memref<2000xi32, #tpu.memory_space<vmem>>, %arg18: memref<2000xi32, #tpu.memory_space<vmem>>, %arg19: memref<2000xi32, #tpu.memory_space<vmem>>, %arg20: memref<2000xi32, #tpu.memory_space<vmem>>, %arg21: memref<2000xi32, #tpu.memory_space<vmem>>, %arg22: memref<2000xf32, #tpu.memory_space<vmem>>, %arg23: memref<2000xf32, #tpu.memory_space<vmem>>, %arg24: memref<2000xf32, #tpu.memory_space<vmem>>, %arg25: memref<2000xf32, #tpu.memory_space<vmem>>, %arg26: memref<2000xf32, #tpu.memory_space<vmem>>, %arg27: memref<2000xf32, #tpu.memory_space<vmem>>, %arg28: memref<2000xf32, #tpu.memory_space<vmem>>, %arg29: memref<2000xf32, #tpu.memory_space<vmem>>, %arg30: memref<2000xf32, #tpu.memory_space<vmem>>, %arg31: memref<2000xf32, #tpu.memory_space<vmem>>, %arg32: memref<2000xf32, #tpu.memory_space<vmem>>, %arg33: memref<2000xf32, #tpu.memory_space<vmem>>, %arg34: memref<2000xf32, #tpu.memory_space<vmem>>, %arg35: memref<2000xf32, #tpu.memory_space<vmem>>, %arg36: memref<2000xf32, #tpu.memory_space<vmem>>, %arg37: memref<2000xf32, #tpu.memory_space<vmem>>, %arg38: memref<2000xf32, #tpu.memory_space<vmem>>, %arg39: memref<2000xf32, #tpu.memory_space<vmem>>, %arg40: memref<2000xf32, #tpu.memory_space<vmem>>, %arg41: memref<2000xf32, #tpu.memory_space<vmem>>, %arg42: memref<2000xf32, #tpu.memory_space<vmem>>, %arg43: memref<2000xf32, #tpu.memory_space<vmem>>, %arg44: memref<2000xf32, #tpu.memory_space<vmem>>, %arg45: memref<2000xf32, #tpu.memory_space<vmem>>, %arg46: memref<2000xf32, #tpu.memory_space<vmem>>, %arg47: memref<2000xf32, #tpu.memory_space<vmem>>, %arg48: memref<2000xf32, #tpu.memory_space<vmem>>, %arg49: memref<2000xf32, #tpu.memory_space<vmem>>, %arg50: memref<2000xf32, #tpu.memory_space<vmem>>, %arg51: memref<2000xf32, #tpu.memory_space<vmem>>, %arg52: memref<2000xf32, #tpu.memory_space<vmem>>, %arg53: memref<2000xf32, #tpu.memory_space<vmem>>, %arg54: memref<2000xf32, #tpu.memory_space<vmem>>, %arg55: memref<2000xf32, #tpu.memory_space<vmem>>, %arg56: memref<2000xf32, #tpu.memory_space<vmem>>, %arg57: memref<2000xf32, #tpu.memory_space<vmem>>, %arg58: memref<2000xf32, #tpu.memory_space<vmem>>, %arg59: memref<2000xf32, #tpu.memory_space<vmem>>, %arg60: memref<2000xf32, #tpu.memory_space<vmem>>, %arg61: memref<2000xf32, #tpu.memory_space<vmem>>, %arg62: memref<4x!tpu.dma_semaphore, #tpu.memory_space<semaphore_mem>>, %arg63: memref<4x!tpu.dma_semaphore, #tpu.memory_space<semaphore_mem>>, %arg64: memref<4x!tpu.dma_semaphore, #tpu.memory_space<semaphore_mem>>) attributes {dimension_semantics = [#tpu.dimension_semantics<core_parallel>, #tpu.dimension_semantics<subcore_parallel>], iteration_bounds = array<i64: 2, 16>, scalar_prefetch = 0 : i64, scratch_operands = 54 : i64, tpu.core_type = #tpu.core_type<sc_vector_subcore>, window_params = [{transform_indices = #map}, {transform_indices = #map}, {transform_indices = #map}, {transform_indices = #map}, {transform_indices = #map}, {transform_indices = #map}, {transform_indices = #map}, {transform_indices = #map}, {transform_indices = #map}]} {
    %mul3A = arith.constant 16 : i32
    %mul3A_0 = arith.muli %arg0, %mul3A : i32
    %add3A = arith.addi %mul3A_0, %arg1 : i32
    %eq3A = arith.constant 0 : i32
    %eq3A_1 = arith.cmpi eq, %arg1, %eq3A : i32
    %convert_element_type3A = arith.extui %eq3A_1 : i1 to i32
    %cond3A = arith.constant 0 : i32
    %cond3A_2 = arith.cmpi ne, %convert_element_type3A, %cond3A : i32
    scf.if %cond3A_2 {
      "tpu.region"() ({
        %run_scoped3A = tpu.sem_alloc : memref<!tpu.dma_semaphore, #tpu.memory_space<semaphore_mem>>
        tpu.enqueue_dma source(%arg2 : memref<100000xf32, #tpu.memory_space<hbm>>) target(%arg11 : memref<100000xf32, #tpu.memory_space<vmem_shared>>) target_semaphore(%run_scoped3A : memref<!tpu.dma_semaphore, #tpu.memory_space<semaphore_mem>>)
        tpu.wait_dma2 semaphore(%run_scoped3A : memref<!tpu.dma_semaphore, #tpu.memory_space<semaphore_mem>>) src(%arg2 : memref<100000xf32, #tpu.memory_space<hbm>>) dst(%arg11 : memref<100000xf32, #tpu.memory_space<vmem_shared>>)
        tpu.yield
      }) : () -> ()
      "tpu.region"() ({
        %run_scoped3A = tpu.sem_alloc : memref<!tpu.dma_semaphore, #tpu.memory_space<semaphore_mem>>
        tpu.enqueue_dma source(%arg3 : memref<100000xf32, #tpu.memory_space<hbm>>) target(%arg12 : memref<100000xf32, #tpu.memory_space<vmem_shared>>) target_semaphore(%run_scoped3A : memref<!tpu.dma_semaphore, #tpu.memory_space<semaphore_mem>>)
        tpu.wait_dma2 semaphore(%run_scoped3A : memref<!tpu.dma_semaphore, #tpu.memory_space<semaphore_mem>>) src(%arg3 : memref<100000xf32, #tpu.memory_space<hbm>>) dst(%arg12 : memref<100000xf32, #tpu.memory_space<vmem_shared>>)
        tpu.yield
      }) : () -> ()
      "tpu.region"() ({
        %run_scoped3A = tpu.sem_alloc : memref<!tpu.dma_semaphore, #tpu.memory_space<semaphore_mem>>
        tpu.enqueue_dma source(%arg4 : memref<100000xf32, #tpu.memory_space<hbm>>) target(%arg13 : memref<100000xf32, #tpu.memory_space<vmem_shared>>) target_semaphore(%run_scoped3A : memref<!tpu.dma_semaphore, #tpu.memory_space<semaphore_mem>>)
        tpu.wait_dma2 semaphore(%run_scoped3A : memref<!tpu.dma_semaphore, #tpu.memory_space<semaphore_mem>>) src(%arg4 : memref<100000xf32, #tpu.memory_space<hbm>>) dst(%arg13 : memref<100000xf32, #tpu.memory_space<vmem_shared>>)
        tpu.yield
      }) : () -> ()
    } else {
    }
    %barrier3A = arith.constant 0 : index
    tpu.barrier barrier_id(%barrier3A)
    %mul3A_3 = arith.constant 200000 : i32
    %mul3A_4 = arith.muli %add3A, %mul3A_3 : i32
    %add3A_5 = arith.constant 0 : i32
    %add3A_6 = arith.addi %mul3A_4, %add3A_5 : i32
    %dma_start3A = arith.constant 0 : i32
    %dma_start3A_7 = tpu.memref_slice %arg8[%add3A_6] : memref<6400000xi32, #tpu.memory_space<hbm>> -> memref<2000xi32, #tpu.memory_space<hbm>>
    %dma_start3A_8 = tpu.memref_slice %arg62[%dma_start3A] : memref<4x!tpu.dma_semaphore, #tpu.memory_space<semaphore_mem>> -> memref<1x!tpu.dma_semaphore, #tpu.memory_space<semaphore_mem>>
    %dma_start3A_9 = tpu.memref_squeeze %dma_start3A_8 : memref<1x!tpu.dma_semaphore, #tpu.memory_space<semaphore_mem>> -> memref<!tpu.dma_semaphore, #tpu.memory_space<semaphore_mem>>
    %dma_start3A_10 = tpu.memref_slice %arg8[%add3A_6] : memref<6400000xi32, #tpu.memory_space<hbm>> -> memref<2000xi32, #tpu.memory_space<hbm>>
    tpu.enqueue_dma source(%dma_start3A_10 : memref<2000xi32, #tpu.memory_space<hbm>>) target(%arg14 : memref<2000xi32, #tpu.memory_space<vmem>>) target_semaphore(%dma_start3A_9 : memref<!tpu.dma_semaphore, #tpu.memory_space<semaphore_mem>>)
    %dma_start3A_11 = arith.constant 0 : i32
    %dma_start3A_12 = tpu.memref_slice %arg9[%add3A_6] : memref<6400000xi32, #tpu.memory_space<hbm>> -> memref<2000xi32, #tpu.memory_space<hbm>>
    %dma_start3A_13 = tpu.memref_slice %arg62[%dma_start3A_11] : memref<4x!tpu.dma_semaphore, #tpu.memory_space<semaphore_mem>> -> memref<1x!tpu.dma_semaphore, #tpu.memory_space<semaphore_mem>>
    %dma_start3A_14 = tpu.memref_squeeze %dma_start3A_13 : memref<1x!tpu.dma_semaphore, #tpu.memory_space<semaphore_mem>> -> memref<!tpu.dma_semaphore, #tpu.memory_space<semaphore_mem>>
    %dma_start3A_15 = tpu.memref_slice %arg9[%add3A_6] : memref<6400000xi32, #tpu.memory_space<hbm>> -> memref<2000xi32, #tpu.memory_space<hbm>>
    tpu.enqueue_dma source(%dma_start3A_15 : memref<2000xi32, #tpu.memory_space<hbm>>) target(%arg18 : memref<2000xi32, #tpu.memory_space<vmem>>) target_semaphore(%dma_start3A_14 : memref<!tpu.dma_semaphore, #tpu.memory_space<semaphore_mem>>)
    %dma_start3A_16 = arith.constant 0 : i32
    %dma_start3A_17 = tpu.memref_slice %arg5[%add3A_6] : memref<6400000xf32, #tpu.memory_space<hbm>> -> memref<2000xf32, #tpu.memory_space<hbm>>
    %dma_start3A_18 = tpu.memref_slice %arg62[%dma_start3A_16] : memref<4x!tpu.dma_semaphore, #tpu.memory_space<semaphore_mem>> -> memref<1x!tpu.dma_semaphore, #tpu.memory_space<semaphore_mem>>
    %dma_start3A_19 = tpu.memref_squeeze %dma_start3A_18 : memref<1x!tpu.dma_semaphore, #tpu.memory_space<semaphore_mem>> -> memref<!tpu.dma_semaphore, #tpu.memory_space<semaphore_mem>>
    %dma_start3A_20 = tpu.memref_slice %arg5[%add3A_6] : memref<6400000xf32, #tpu.memory_space<hbm>> -> memref<2000xf32, #tpu.memory_space<hbm>>
    tpu.enqueue_dma source(%dma_start3A_20 : memref<2000xf32, #tpu.memory_space<hbm>>) target(%arg22 : memref<2000xf32, #tpu.memory_space<vmem>>) target_semaphore(%dma_start3A_19 : memref<!tpu.dma_semaphore, #tpu.memory_space<semaphore_mem>>)
    %dma_start3A_21 = arith.constant 0 : i32
    %dma_start3A_22 = tpu.memref_slice %arg6[%add3A_6] : memref<6400000xf32, #tpu.memory_space<hbm>> -> memref<2000xf32, #tpu.memory_space<hbm>>
    %dma_start3A_23 = tpu.memref_slice %arg62[%dma_start3A_21] : memref<4x!tpu.dma_semaphore, #tpu.memory_space<semaphore_mem>> -> memref<1x!tpu.dma_semaphore, #tpu.memory_space<semaphore_mem>>
    %dma_start3A_24 = tpu.memref_squeeze %dma_start3A_23 : memref<1x!tpu.dma_semaphore, #tpu.memory_space<semaphore_mem>> -> memref<!tpu.dma_semaphore, #tpu.memory_space<semaphore_mem>>
    %dma_start3A_25 = tpu.memref_slice %arg6[%add3A_6] : memref<6400000xf32, #tpu.memory_space<hbm>> -> memref<2000xf32, #tpu.memory_space<hbm>>
    tpu.enqueue_dma source(%dma_start3A_25 : memref<2000xf32, #tpu.memory_space<hbm>>) target(%arg26 : memref<2000xf32, #tpu.memory_space<vmem>>) target_semaphore(%dma_start3A_24 : memref<!tpu.dma_semaphore, #tpu.memory_space<semaphore_mem>>)
    %dma_start3A_26 = arith.constant 0 : i32
    %dma_start3A_27 = tpu.memref_slice %arg7[%add3A_6] : memref<6400000xf32, #tpu.memory_space<hbm>> -> memref<2000xf32, #tpu.memory_space<hbm>>
    %dma_start3A_28 = tpu.memref_slice %arg62[%dma_start3A_26] : memref<4x!tpu.dma_semaphore, #tpu.memory_space<semaphore_mem>> -> memref<1x!tpu.dma_semaphore, #tpu.memory_space<semaphore_mem>>
    %dma_start3A_29 = tpu.memref_squeeze %dma_start3A_28 : memref<1x!tpu.dma_semaphore, #tpu.memory_space<semaphore_mem>> -> memref<!tpu.dma_semaphore, #tpu.memory_space<semaphore_mem>>
    %dma_start3A_30 = tpu.memref_slice %arg7[%add3A_6] : memref<6400000xf32, #tpu.memory_space<hbm>> -> memref<2000xf32, #tpu.memory_space<hbm>>
    tpu.enqueue_dma source(%dma_start3A_30 : memref<2000xf32, #tpu.memory_space<hbm>>) target(%arg30 : memref<2000xf32, #tpu.memory_space<vmem>>) target_semaphore(%dma_start3A_29 : memref<!tpu.dma_semaphore, #tpu.memory_space<semaphore_mem>>)
    %add3A_31 = arith.constant 2000 : i32
    %add3A_32 = arith.addi %mul3A_4, %add3A_31 : i32
    %dma_start3A_33 = arith.constant 1 : i32
    %dma_start3A_34 = tpu.memref_slice %arg8[%add3A_32] : memref<6400000xi32, #tpu.memory_space<hbm>> -> memref<2000xi32, #tpu.memory_space<hbm>>
    %dma_start3A_35 = tpu.memref_slice %arg62[%dma_start3A_33] : memref<4x!tpu.dma_semaphore, #tpu.memory_space<semaphore_mem>> -> memref<1x!tpu.dma_semaphore, #tpu.memory_space<semaphore_mem>>
    %dma_start3A_36 = tpu.memref_squeeze %dma_start3A_35 : memref<1x!tpu.dma_semaphore, #tpu.memory_space<semaphore_mem>> -> memref<!tpu.dma_semaphore, #tpu.memory_space<semaphore_mem>>
    %dma_start3A_37 = tpu.memref_slice %arg8[%add3A_32] : memref<6400000xi32, #tpu.memory_space<hbm>> -> memref<2000xi32, #tpu.memory_space<hbm>>
    tpu.enqueue_dma source(%dma_start3A_37 : memref<2000xi32, #tpu.memory_space<hbm>>) target(%arg15 : memref<2000xi32, #tpu.memory_space<vmem>>) target_semaphore(%dma_start3A_36 : memref<!tpu.dma_semaphore, #tpu.memory_space<semaphore_mem>>)
    %dma_start3A_38 = arith.constant 1 : i32
    %dma_start3A_39 = tpu.memref_slice %arg9[%add3A_32] : memref<6400000xi32, #tpu.memory_space<hbm>> -> memref<2000xi32, #tpu.memory_space<hbm>>
    %dma_start3A_40 = tpu.memref_slice %arg62[%dma_start3A_38] : memref<4x!tpu.dma_semaphore, #tpu.memory_space<semaphore_mem>> -> memref<1x!tpu.dma_semaphore, #tpu.memory_space<semaphore_mem>>
    %dma_start3A_41 = tpu.memref_squeeze %dma_start3A_40 : memref<1x!tpu.dma_semaphore, #tpu.memory_space<semaphore_mem>> -> memref<!tpu.dma_semaphore, #tpu.memory_space<semaphore_mem>>
    %dma_start3A_42 = tpu.memref_slice %arg9[%add3A_32] : memref<6400000xi32, #tpu.memory_space<hbm>> -> memref<2000xi32, #tpu.memory_space<hbm>>
    tpu.enqueue_dma source(%dma_start3A_42 : memref<2000xi32, #tpu.memory_space<hbm>>) target(%arg19 : memref<2000xi32, #tpu.memory_space<vmem>>) target_semaphore(%dma_start3A_41 : memref<!tpu.dma_semaphore, #tpu.memory_space<semaphore_mem>>)
    %dma_start3A_43 = arith.constant 1 : i32
    %dma_start3A_44 = tpu.memref_slice %arg5[%add3A_32] : memref<6400000xf32, #tpu.memory_space<hbm>> -> memref<2000xf32, #tpu.memory_space<hbm>>
    %dma_start3A_45 = tpu.memref_slice %arg62[%dma_start3A_43] : memref<4x!tpu.dma_semaphore, #tpu.memory_space<semaphore_mem>> -> memref<1x!tpu.dma_semaphore, #tpu.memory_space<semaphore_mem>>
    %dma_start3A_46 = tpu.memref_squeeze %dma_start3A_45 : memref<1x!tpu.dma_semaphore, #tpu.memory_space<semaphore_mem>> -> memref<!tpu.dma_semaphore, #tpu.memory_space<semaphore_mem>>
    %dma_start3A_47 = tpu.memref_slice %arg5[%add3A_32] : memref<6400000xf32, #tpu.memory_space<hbm>> -> memref<2000xf32, #tpu.memory_space<hbm>>
    tpu.enqueue_dma source(%dma_start3A_47 : memref<2000xf32, #tpu.memory_space<hbm>>) target(%arg23 : memref<2000xf32, #tpu.memory_space<vmem>>) target_semaphore(%dma_start3A_46 : memref<!tpu.dma_semaphore, #tpu.memory_space<semaphore_mem>>)
    %dma_start3A_48 = arith.constant 1 : i32
    %dma_start3A_49 = tpu.memref_slice %arg6[%add3A_32] : memref<6400000xf32, #tpu.memory_space<hbm>> -> memref<2000xf32, #tpu.memory_space<hbm>>
    %dma_start3A_50 = tpu.memref_slice %arg62[%dma_start3A_48] : memref<4x!tpu.dma_semaphore, #tpu.memory_space<semaphore_mem>> -> memref<1x!tpu.dma_semaphore, #tpu.memory_space<semaphore_mem>>
    %dma_start3A_51 = tpu.memref_squeeze %dma_start3A_50 : memref<1x!tpu.dma_semaphore, #tpu.memory_space<semaphore_mem>> -> memref<!tpu.dma_semaphore, #tpu.memory_space<semaphore_mem>>
    %dma_start3A_52 = tpu.memref_slice %arg6[%add3A_32] : memref<6400000xf32, #tpu.memory_space<hbm>> -> memref<2000xf32, #tpu.memory_space<hbm>>
    tpu.enqueue_dma source(%dma_start3A_52 : memref<2000xf32, #tpu.memory_space<hbm>>) target(%arg27 : memref<2000xf32, #tpu.memory_space<vmem>>) target_semaphore(%dma_start3A_51 : memref<!tpu.dma_semaphore, #tpu.memory_space<semaphore_mem>>)
    %dma_start3A_53 = arith.constant 1 : i32
    %dma_start3A_54 = tpu.memref_slice %arg7[%add3A_32] : memref<6400000xf32, #tpu.memory_space<hbm>> -> memref<2000xf32, #tpu.memory_space<hbm>>
    %dma_start3A_55 = tpu.memref_slice %arg62[%dma_start3A_53] : memref<4x!tpu.dma_semaphore, #tpu.memory_space<semaphore_mem>> -> memref<1x!tpu.dma_semaphore, #tpu.memory_space<semaphore_mem>>
    %dma_start3A_56 = tpu.memref_squeeze %dma_start3A_55 : memref<1x!tpu.dma_semaphore, #tpu.memory_space<semaphore_mem>> -> memref<!tpu.dma_semaphore, #tpu.memory_space<semaphore_mem>>
    %dma_start3A_57 = tpu.memref_slice %arg7[%add3A_32] : memref<6400000xf32, #tpu.memory_space<hbm>> -> memref<2000xf32, #tpu.memory_space<hbm>>
    tpu.enqueue_dma source(%dma_start3A_57 : memref<2000xf32, #tpu.memory_space<hbm>>) target(%arg31 : memref<2000xf32, #tpu.memory_space<vmem>>) target_semaphore(%dma_start3A_56 : memref<!tpu.dma_semaphore, #tpu.memory_space<semaphore_mem>>)
    %add3A_58 = arith.constant 4000 : i32
    %add3A_59 = arith.addi %mul3A_4, %add3A_58 : i32
    %dma_start3A_60 = arith.constant 2 : i32
    %dma_start3A_61 = tpu.memref_slice %arg8[%add3A_59] : memref<6400000xi32, #tpu.memory_space<hbm>> -> memref<2000xi32, #tpu.memory_space<hbm>>
    %dma_start3A_62 = tpu.memref_slice %arg62[%dma_start3A_60] : memref<4x!tpu.dma_semaphore, #tpu.memory_space<semaphore_mem>> -> memref<1x!tpu.dma_semaphore, #tpu.memory_space<semaphore_mem>>
    %dma_start3A_63 = tpu.memref_squeeze %dma_start3A_62 : memref<1x!tpu.dma_semaphore, #tpu.memory_space<semaphore_mem>> -> memref<!tpu.dma_semaphore, #tpu.memory_space<semaphore_mem>>
    %dma_start3A_64 = tpu.memref_slice %arg8[%add3A_59] : memref<6400000xi32, #tpu.memory_space<hbm>> -> memref<2000xi32, #tpu.memory_space<hbm>>
    tpu.enqueue_dma source(%dma_start3A_64 : memref<2000xi32, #tpu.memory_space<hbm>>) target(%arg16 : memref<2000xi32, #tpu.memory_space<vmem>>) target_semaphore(%dma_start3A_63 : memref<!tpu.dma_semaphore, #tpu.memory_space<semaphore_mem>>)
    %dma_start3A_65 = arith.constant 2 : i32
    %dma_start3A_66 = tpu.memref_slice %arg9[%add3A_59] : memref<6400000xi32, #tpu.memory_space<hbm>> -> memref<2000xi32, #tpu.memory_space<hbm>>
    %dma_start3A_67 = tpu.memref_slice %arg62[%dma_start3A_65] : memref<4x!tpu.dma_semaphore, #tpu.memory_space<semaphore_mem>> -> memref<1x!tpu.dma_semaphore, #tpu.memory_space<semaphore_mem>>
    %dma_start3A_68 = tpu.memref_squeeze %dma_start3A_67 : memref<1x!tpu.dma_semaphore, #tpu.memory_space<semaphore_mem>> -> memref<!tpu.dma_semaphore, #tpu.memory_space<semaphore_mem>>
    %dma_start3A_69 = tpu.memref_slice %arg9[%add3A_59] : memref<6400000xi32, #tpu.memory_space<hbm>> -> memref<2000xi32, #tpu.memory_space<hbm>>
    tpu.enqueue_dma source(%dma_start3A_69 : memref<2000xi32, #tpu.memory_space<hbm>>) target(%arg20 : memref<2000xi32, #tpu.memory_space<vmem>>) target_semaphore(%dma_start3A_68 : memref<!tpu.dma_semaphore, #tpu.memory_space<semaphore_mem>>)
    %dma_start3A_70 = arith.constant 2 : i32
    %dma_start3A_71 = tpu.memref_slice %arg5[%add3A_59] : memref<6400000xf32, #tpu.memory_space<hbm>> -> memref<2000xf32, #tpu.memory_space<hbm>>
    %dma_start3A_72 = tpu.memref_slice %arg62[%dma_start3A_70] : memref<4x!tpu.dma_semaphore, #tpu.memory_space<semaphore_mem>> -> memref<1x!tpu.dma_semaphore, #tpu.memory_space<semaphore_mem>>
    %dma_start3A_73 = tpu.memref_squeeze %dma_start3A_72 : memref<1x!tpu.dma_semaphore, #tpu.memory_space<semaphore_mem>> -> memref<!tpu.dma_semaphore, #tpu.memory_space<semaphore_mem>>
    %dma_start3A_74 = tpu.memref_slice %arg5[%add3A_59] : memref<6400000xf32, #tpu.memory_space<hbm>> -> memref<2000xf32, #tpu.memory_space<hbm>>
    tpu.enqueue_dma source(%dma_start3A_74 : memref<2000xf32, #tpu.memory_space<hbm>>) target(%arg24 : memref<2000xf32, #tpu.memory_space<vmem>>) target_semaphore(%dma_start3A_73 : memref<!tpu.dma_semaphore, #tpu.memory_space<semaphore_mem>>)
    %dma_start3A_75 = arith.constant 2 : i32
    %dma_start3A_76 = tpu.memref_slice %arg6[%add3A_59] : memref<6400000xf32, #tpu.memory_space<hbm>> -> memref<2000xf32, #tpu.memory_space<hbm>>
    %dma_start3A_77 = tpu.memref_slice %arg62[%dma_start3A_75] : memref<4x!tpu.dma_semaphore, #tpu.memory_space<semaphore_mem>> -> memref<1x!tpu.dma_semaphore, #tpu.memory_space<semaphore_mem>>
    %dma_start3A_78 = tpu.memref_squeeze %dma_start3A_77 : memref<1x!tpu.dma_semaphore, #tpu.memory_space<semaphore_mem>> -> memref<!tpu.dma_semaphore, #tpu.memory_space<semaphore_mem>>
    %dma_start3A_79 = tpu.memref_slice %arg6[%add3A_59] : memref<6400000xf32, #tpu.memory_space<hbm>> -> memref<2000xf32, #tpu.memory_space<hbm>>
    tpu.enqueue_dma source(%dma_start3A_79 : memref<2000xf32, #tpu.memory_space<hbm>>) target(%arg28 : memref<2000xf32, #tpu.memory_space<vmem>>) target_semaphore(%dma_start3A_78 : memref<!tpu.dma_semaphore, #tpu.memory_space<semaphore_mem>>)
    %dma_start3A_80 = arith.constant 2 : i32
    %dma_start3A_81 = tpu.memref_slice %arg7[%add3A_59] : memref<6400000xf32, #tpu.memory_space<hbm>> -> memref<2000xf32, #tpu.memory_space<hbm>>
    %dma_start3A_82 = tpu.memref_slice %arg62[%dma_start3A_80] : memref<4x!tpu.dma_semaphore, #tpu.memory_space<semaphore_mem>> -> memref<1x!tpu.dma_semaphore, #tpu.memory_space<semaphore_mem>>
    %dma_start3A_83 = tpu.memref_squeeze %dma_start3A_82 : memref<1x!tpu.dma_semaphore, #tpu.memory_space<semaphore_mem>> -> memref<!tpu.dma_semaphore, #tpu.memory_space<semaphore_mem>>
    %dma_start3A_84 = tpu.memref_slice %arg7[%add3A_59] : memref<6400000xf32, #tpu.memory_space<hbm>> -> memref<2000xf32, #tpu.memory_space<hbm>>
    tpu.enqueue_dma source(%dma_start3A_84 : memref<2000xf32, #tpu.memory_space<hbm>>) target(%arg32 : memref<2000xf32, #tpu.memory_space<vmem>>) target_semaphore(%dma_start3A_83 : memref<!tpu.dma_semaphore, #tpu.memory_space<semaphore_mem>>)
    %dma_wait3A = arith.constant 0 : i32
    %dma_wait3A_85 = arith.constant 0 : i32
    %dma_wait3A_86 = tpu.memref_slice %arg8[%dma_wait3A_85] : memref<6400000xi32, #tpu.memory_space<hbm>> -> memref<2000xi32, #tpu.memory_space<hbm>>
    %dma_wait3A_87 = tpu.memref_slice %arg62[%dma_wait3A] : memref<4x!tpu.dma_semaphore, #tpu.memory_space<semaphore_mem>> -> memref<1x!tpu.dma_semaphore, #tpu.memory_space<semaphore_mem>>
    %dma_wait3A_88 = tpu.memref_squeeze %dma_wait3A_87 : memref<1x!tpu.dma_semaphore, #tpu.memory_space<semaphore_mem>> -> memref<!tpu.dma_semaphore, #tpu.memory_space<semaphore_mem>>
    %dma_wait3A_89 = arith.constant 0 : i32
    %dma_wait3A_90 = tpu.memref_slice %arg8[%dma_wait3A_89] : memref<6400000xi32, #tpu.memory_space<hbm>> -> memref<2000xi32, #tpu.memory_space<hbm>>
    tpu.wait_dma2 semaphore(%dma_wait3A_88 : memref<!tpu.dma_semaphore, #tpu.memory_space<semaphore_mem>>) src(%dma_wait3A_90 : memref<2000xi32, #tpu.memory_space<hbm>>) dst(%arg14 : memref<2000xi32, #tpu.memory_space<vmem>>)
    %dma_wait3A_91 = arith.constant 0 : i32
    %dma_wait3A_92 = arith.constant 0 : i32
    %dma_wait3A_93 = tpu.memref_slice %arg9[%dma_wait3A_92] : memref<6400000xi32, #tpu.memory_space<hbm>> -> memref<2000xi32, #tpu.memory_space<hbm>>
    %dma_wait3A_94 = tpu.memref_slice %arg62[%dma_wait3A_91] : memref<4x!tpu.dma_semaphore, #tpu.memory_space<semaphore_mem>> -> memref<1x!tpu.dma_semaphore, #tpu.memory_space<semaphore_mem>>
    %dma_wait3A_95 = tpu.memref_squeeze %dma_wait3A_94 : memref<1x!tpu.dma_semaphore, #tpu.memory_space<semaphore_mem>> -> memref<!tpu.dma_semaphore, #tpu.memory_space<semaphore_mem>>
    %dma_wait3A_96 = arith.constant 0 : i32
    %dma_wait3A_97 = tpu.memref_slice %arg9[%dma_wait3A_96] : memref<6400000xi32, #tpu.memory_space<hbm>> -> memref<2000xi32, #tpu.memory_space<hbm>>
    tpu.wait_dma2 semaphore(%dma_wait3A_95 : memref<!tpu.dma_semaphore, #tpu.memory_space<semaphore_mem>>) src(%dma_wait3A_97 : memref<2000xi32, #tpu.memory_space<hbm>>) dst(%arg18 : memref<2000xi32, #tpu.memory_space<vmem>>)
    %dma_wait3A_98 = arith.constant 0 : i32
    %dma_wait3A_99 = arith.constant 0 : i32
    %dma_wait3A_100 = tpu.memref_slice %arg5[%dma_wait3A_99] : memref<6400000xf32, #tpu.memory_space<hbm>> -> memref<2000xf32, #tpu.memory_space<hbm>>
    %dma_wait3A_101 = tpu.memref_slice %arg62[%dma_wait3A_98] : memref<4x!tpu.dma_semaphore, #tpu.memory_space<semaphore_mem>> -> memref<1x!tpu.dma_semaphore, #tpu.memory_space<semaphore_mem>>
    %dma_wait3A_102 = tpu.memref_squeeze %dma_wait3A_101 : memref<1x!tpu.dma_semaphore, #tpu.memory_space<semaphore_mem>> -> memref<!tpu.dma_semaphore, #tpu.memory_space<semaphore_mem>>
    %dma_wait3A_103 = arith.constant 0 : i32
    %dma_wait3A_104 = tpu.memref_slice %arg5[%dma_wait3A_103] : memref<6400000xf32, #tpu.memory_space<hbm>> -> memref<2000xf32, #tpu.memory_space<hbm>>
    tpu.wait_dma2 semaphore(%dma_wait3A_102 : memref<!tpu.dma_semaphore, #tpu.memory_space<semaphore_mem>>) src(%dma_wait3A_104 : memref<2000xf32, #tpu.memory_space<hbm>>) dst(%arg22 : memref<2000xf32, #tpu.memory_space<vmem>>)
    %dma_wait3A_105 = arith.constant 0 : i32
    %dma_wait3A_106 = arith.constant 0 : i32
    %dma_wait3A_107 = tpu.memref_slice %arg6[%dma_wait3A_106] : memref<6400000xf32, #tpu.memory_space<hbm>> -> memref<2000xf32, #tpu.memory_space<hbm>>
    %dma_wait3A_108 = tpu.memref_slice %arg62[%dma_wait3A_105] : memref<4x!tpu.dma_semaphore, #tpu.memory_space<semaphore_mem>> -> memref<1x!tpu.dma_semaphore, #tpu.memory_space<semaphore_mem>>
    %dma_wait3A_109 = tpu.memref_squeeze %dma_wait3A_108 : memref<1x!tpu.dma_semaphore, #tpu.memory_space<semaphore_mem>> -> memref<!tpu.dma_semaphore, #tpu.memory_space<semaphore_mem>>
    %dma_wait3A_110 = arith.constant 0 : i32
    %dma_wait3A_111 = tpu.memref_slice %arg6[%dma_wait3A_110] : memref<6400000xf32, #tpu.memory_space<hbm>> -> memref<2000xf32, #tpu.memory_space<hbm>>
    tpu.wait_dma2 semaphore(%dma_wait3A_109 : memref<!tpu.dma_semaphore, #tpu.memory_space<semaphore_mem>>) src(%dma_wait3A_111 : memref<2000xf32, #tpu.memory_space<hbm>>) dst(%arg26 : memref<2000xf32, #tpu.memory_space<vmem>>)
    %dma_wait3A_112 = arith.constant 0 : i32
    %dma_wait3A_113 = arith.constant 0 : i32
    %dma_wait3A_114 = tpu.memref_slice %arg7[%dma_wait3A_113] : memref<6400000xf32, #tpu.memory_space<hbm>> -> memref<2000xf32, #tpu.memory_space<hbm>>
    %dma_wait3A_115 = tpu.memref_slice %arg62[%dma_wait3A_112] : memref<4x!tpu.dma_semaphore, #tpu.memory_space<semaphore_mem>> -> memref<1x!tpu.dma_semaphore, #tpu.memory_space<semaphore_mem>>
    %dma_wait3A_116 = tpu.memref_squeeze %dma_wait3A_115 : memref<1x!tpu.dma_semaphore, #tpu.memory_space<semaphore_mem>> -> memref<!tpu.dma_semaphore, #tpu.memory_space<semaphore_mem>>
    %dma_wait3A_117 = arith.constant 0 : i32
    %dma_wait3A_118 = tpu.memref_slice %arg7[%dma_wait3A_117] : memref<6400000xf32, #tpu.memory_space<hbm>> -> memref<2000xf32, #tpu.memory_space<hbm>>
    tpu.wait_dma2 semaphore(%dma_wait3A_116 : memref<!tpu.dma_semaphore, #tpu.memory_space<semaphore_mem>>) src(%dma_wait3A_118 : memref<2000xf32, #tpu.memory_space<hbm>>) dst(%arg30 : memref<2000xf32, #tpu.memory_space<vmem>>)
    %dma_start3A_119 = arith.constant 0 : i32
    %dma_start3A_120 = arith.constant 0 : i32
    %dma_start3A_121 = tpu.memref_slice %arg11[%dma_start3A_120] : memref<100000xf32, #tpu.memory_space<vmem_shared>> -> memref<100000xf32, #tpu.memory_space<vmem_shared>>
    %dma_start3A_122 = tpu.memref_slice %arg63[%dma_start3A_119] : memref<4x!tpu.dma_semaphore, #tpu.memory_space<semaphore_mem>> -> memref<1x!tpu.dma_semaphore, #tpu.memory_space<semaphore_mem>>
    %dma_start3A_123 = tpu.memref_squeeze %dma_start3A_122 : memref<1x!tpu.dma_semaphore, #tpu.memory_space<semaphore_mem>> -> memref<!tpu.dma_semaphore, #tpu.memory_space<semaphore_mem>>
    tpu.enqueue_indirect_dma source(%dma_start3A_121 : memref<100000xf32, #tpu.memory_space<vmem_shared>>) target(%arg34 : memref<2000xf32, #tpu.memory_space<vmem>>) offsets(%arg14 : memref<2000xi32, #tpu.memory_space<vmem>>) semaphore(%dma_start3A_123 : memref<!tpu.dma_semaphore, #tpu.memory_space<semaphore_mem>>)
    %dma_start3A_124 = arith.constant 0 : i32
    %dma_start3A_125 = arith.constant 0 : i32
    %dma_start3A_126 = tpu.memref_slice %arg12[%dma_start3A_125] : memref<100000xf32, #tpu.memory_space<vmem_shared>> -> memref<100000xf32, #tpu.memory_space<vmem_shared>>
    %dma_start3A_127 = tpu.memref_slice %arg63[%dma_start3A_124] : memref<4x!tpu.dma_semaphore, #tpu.memory_space<semaphore_mem>> -> memref<1x!tpu.dma_semaphore, #tpu.memory_space<semaphore_mem>>
    %dma_start3A_128 = tpu.memref_squeeze %dma_start3A_127 : memref<1x!tpu.dma_semaphore, #tpu.memory_space<semaphore_mem>> -> memref<!tpu.dma_semaphore, #tpu.memory_space<semaphore_mem>>
    tpu.enqueue_indirect_dma source(%dma_start3A_126 : memref<100000xf32, #tpu.memory_space<vmem_shared>>) target(%arg38 : memref<2000xf32, #tpu.memory_space<vmem>>) offsets(%arg14 : memref<2000xi32, #tpu.memory_space<vmem>>) semaphore(%dma_start3A_128 : memref<!tpu.dma_semaphore, #tpu.memory_space<semaphore_mem>>)
    %dma_start3A_129 = arith.constant 0 : i32
    %dma_start3A_130 = arith.constant 0 : i32
    %dma_start3A_131 = tpu.memref_slice %arg13[%dma_start3A_130] : memref<100000xf32, #tpu.memory_space<vmem_shared>> -> memref<100000xf32, #tpu.memory_space<vmem_shared>>
    %dma_start3A_132 = tpu.memref_slice %arg63[%dma_start3A_129] : memref<4x!tpu.dma_semaphore, #tpu.memory_space<semaphore_mem>> -> memref<1x!tpu.dma_semaphore, #tpu.memory_space<semaphore_mem>>
    %dma_start3A_133 = tpu.memref_squeeze %dma_start3A_132 : memref<1x!tpu.dma_semaphore, #tpu.memory_space<semaphore_mem>> -> memref<!tpu.dma_semaphore, #tpu.memory_space<semaphore_mem>>
    tpu.enqueue_indirect_dma source(%dma_start3A_131 : memref<100000xf32, #tpu.memory_space<vmem_shared>>) target(%arg42 : memref<2000xf32, #tpu.memory_space<vmem>>) offsets(%arg14 : memref<2000xi32, #tpu.memory_space<vmem>>) semaphore(%dma_start3A_133 : memref<!tpu.dma_semaphore, #tpu.memory_space<semaphore_mem>>)
    %dma_start3A_134 = arith.constant 0 : i32
    %dma_start3A_135 = arith.constant 0 : i32
    %dma_start3A_136 = tpu.memref_slice %arg11[%dma_start3A_135] : memref<100000xf32, #tpu.memory_space<vmem_shared>> -> memref<100000xf32, #tpu.memory_space<vmem_shared>>
    %dma_start3A_137 = tpu.memref_slice %arg63[%dma_start3A_134] : memref<4x!tpu.dma_semaphore, #tpu.memory_space<semaphore_mem>> -> memref<1x!tpu.dma_semaphore, #tpu.memory_space<semaphore_mem>>
    %dma_start3A_138 = tpu.memref_squeeze %dma_start3A_137 : memref<1x!tpu.dma_semaphore, #tpu.memory_space<semaphore_mem>> -> memref<!tpu.dma_semaphore, #tpu.memory_space<semaphore_mem>>
    tpu.enqueue_indirect_dma source(%dma_start3A_136 : memref<100000xf32, #tpu.memory_space<vmem_shared>>) target(%arg46 : memref<2000xf32, #tpu.memory_space<vmem>>) offsets(%arg18 : memref<2000xi32, #tpu.memory_space<vmem>>) semaphore(%dma_start3A_138 : memref<!tpu.dma_semaphore, #tpu.memory_space<semaphore_mem>>)
    %dma_start3A_139 = arith.constant 0 : i32
    %dma_start3A_140 = arith.constant 0 : i32
    %dma_start3A_141 = tpu.memref_slice %arg12[%dma_start3A_140] : memref<100000xf32, #tpu.memory_space<vmem_shared>> -> memref<100000xf32, #tpu.memory_space<vmem_shared>>
    %dma_start3A_142 = tpu.memref_slice %arg63[%dma_start3A_139] : memref<4x!tpu.dma_semaphore, #tpu.memory_space<semaphore_mem>> -> memref<1x!tpu.dma_semaphore, #tpu.memory_space<semaphore_mem>>
    %dma_start3A_143 = tpu.memref_squeeze %dma_start3A_142 : memref<1x!tpu.dma_semaphore, #tpu.memory_space<semaphore_mem>> -> memref<!tpu.dma_semaphore, #tpu.memory_space<semaphore_mem>>
    tpu.enqueue_indirect_dma source(%dma_start3A_141 : memref<100000xf32, #tpu.memory_space<vmem_shared>>) target(%arg50 : memref<2000xf32, #tpu.memory_space<vmem>>) offsets(%arg18 : memref<2000xi32, #tpu.memory_space<vmem>>) semaphore(%dma_start3A_143 : memref<!tpu.dma_semaphore, #tpu.memory_space<semaphore_mem>>)
    %dma_start3A_144 = arith.constant 0 : i32
    %dma_start3A_145 = arith.constant 0 : i32
    %dma_start3A_146 = tpu.memref_slice %arg13[%dma_start3A_145] : memref<100000xf32, #tpu.memory_space<vmem_shared>> -> memref<100000xf32, #tpu.memory_space<vmem_shared>>
    %dma_start3A_147 = tpu.memref_slice %arg63[%dma_start3A_144] : memref<4x!tpu.dma_semaphore, #tpu.memory_space<semaphore_mem>> -> memref<1x!tpu.dma_semaphore, #tpu.memory_space<semaphore_mem>>
    %dma_start3A_148 = tpu.memref_squeeze %dma_start3A_147 : memref<1x!tpu.dma_semaphore, #tpu.memory_space<semaphore_mem>> -> memref<!tpu.dma_semaphore, #tpu.memory_space<semaphore_mem>>
    tpu.enqueue_indirect_dma source(%dma_start3A_146 : memref<100000xf32, #tpu.memory_space<vmem_shared>>) target(%arg54 : memref<2000xf32, #tpu.memory_space<vmem>>) offsets(%arg18 : memref<2000xi32, #tpu.memory_space<vmem>>) semaphore(%dma_start3A_148 : memref<!tpu.dma_semaphore, #tpu.memory_space<semaphore_mem>>)
    %scan3A = arith.constant 0 : i32
    %scan3A_149 = arith.constant 25 : i32
    %scan3A_150 = arith.addi %scan3A, %scan3A_149 : i32
    %scan3A_151 = arith.constant 1 : i32
    scf.for %scan3A_181 = %scan3A to %scan3A_150 step %scan3A_151  : i32 {
      %mul3A_182 = arith.constant 4 : i32
      %mul3A_183 = arith.muli %scan3A_181, %mul3A_182 : i32
      %add3A_184 = arith.constant 0 : i32
      %add3A_185 = arith.addi %mul3A_183, %add3A_184 : i32
      %dma_wait3A_186 = arith.constant 0 : i32
      %dma_wait3A_187 = arith.constant 0 : i32
      %dma_wait3A_188 = tpu.memref_slice %arg11[%dma_wait3A_187] : memref<100000xf32, #tpu.memory_space<vmem_shared>> -> memref<100000xf32, #tpu.memory_space<vmem_shared>>
      %dma_wait3A_189 = tpu.memref_slice %arg63[%dma_wait3A_186] : memref<4x!tpu.dma_semaphore, #tpu.memory_space<semaphore_mem>> -> memref<1x!tpu.dma_semaphore, #tpu.memory_space<semaphore_mem>>
      %dma_wait3A_190 = tpu.memref_squeeze %dma_wait3A_189 : memref<1x!tpu.dma_semaphore, #tpu.memory_space<semaphore_mem>> -> memref<!tpu.dma_semaphore, #tpu.memory_space<semaphore_mem>>
      tpu.wait_indirect_dma semaphore(%dma_wait3A_190 : memref<!tpu.dma_semaphore, #tpu.memory_space<semaphore_mem>>) src(%dma_wait3A_188 : memref<100000xf32, #tpu.memory_space<vmem_shared>>) dst(%arg34 : memref<2000xf32, #tpu.memory_space<vmem>>)
      %dma_wait3A_191 = arith.constant 0 : i32
      %dma_wait3A_192 = arith.constant 0 : i32
      %dma_wait3A_193 = tpu.memref_slice %arg12[%dma_wait3A_192] : memref<100000xf32, #tpu.memory_space<vmem_shared>> -> memref<100000xf32, #tpu.memory_space<vmem_shared>>
      %dma_wait3A_194 = tpu.memref_slice %arg63[%dma_wait3A_191] : memref<4x!tpu.dma_semaphore, #tpu.memory_space<semaphore_mem>> -> memref<1x!tpu.dma_semaphore, #tpu.memory_space<semaphore_mem>>
      %dma_wait3A_195 = tpu.memref_squeeze %dma_wait3A_194 : memref<1x!tpu.dma_semaphore, #tpu.memory_space<semaphore_mem>> -> memref<!tpu.dma_semaphore, #tpu.memory_space<semaphore_mem>>
      tpu.wait_indirect_dma semaphore(%dma_wait3A_195 : memref<!tpu.dma_semaphore, #tpu.memory_space<semaphore_mem>>) src(%dma_wait3A_193 : memref<100000xf32, #tpu.memory_space<vmem_shared>>) dst(%arg38 : memref<2000xf32, #tpu.memory_space<vmem>>)
      %dma_wait3A_196 = arith.constant 0 : i32
      %dma_wait3A_197 = arith.constant 0 : i32
      %dma_wait3A_198 = tpu.memref_slice %arg13[%dma_wait3A_197] : memref<100000xf32, #tpu.memory_space<vmem_shared>> -> memref<100000xf32, #tpu.memory_space<vmem_shared>>
      %dma_wait3A_199 = tpu.memref_slice %arg63[%dma_wait3A_196] : memref<4x!tpu.dma_semaphore, #tpu.memory_space<semaphore_mem>> -> memref<1x!tpu.dma_semaphore, #tpu.memory_space<semaphore_mem>>
      %dma_wait3A_200 = tpu.memref_squeeze %dma_wait3A_199 : memref<1x!tpu.dma_semaphore, #tpu.memory_space<semaphore_mem>> -> memref<!tpu.dma_semaphore, #tpu.memory_space<semaphore_mem>>
      tpu.wait_indirect_dma semaphore(%dma_wait3A_200 : memref<!tpu.dma_semaphore, #tpu.memory_space<semaphore_mem>>) src(%dma_wait3A_198 : memref<100000xf32, #tpu.memory_space<vmem_shared>>) dst(%arg42 : memref<2000xf32, #tpu.memory_space<vmem>>)
      %dma_wait3A_201 = arith.constant 0 : i32
      %dma_wait3A_202 = arith.constant 0 : i32
      %dma_wait3A_203 = tpu.memref_slice %arg11[%dma_wait3A_202] : memref<100000xf32, #tpu.memory_space<vmem_shared>> -> memref<100000xf32, #tpu.memory_space<vmem_shared>>
      %dma_wait3A_204 = tpu.memref_slice %arg63[%dma_wait3A_201] : memref<4x!tpu.dma_semaphore, #tpu.memory_space<semaphore_mem>> -> memref<1x!tpu.dma_semaphore, #tpu.memory_space<semaphore_mem>>
      %dma_wait3A_205 = tpu.memref_squeeze %dma_wait3A_204 : memref<1x!tpu.dma_semaphore, #tpu.memory_space<semaphore_mem>> -> memref<!tpu.dma_semaphore, #tpu.memory_space<semaphore_mem>>
      tpu.wait_indirect_dma semaphore(%dma_wait3A_205 : memref<!tpu.dma_semaphore, #tpu.memory_space<semaphore_mem>>) src(%dma_wait3A_203 : memref<100000xf32, #tpu.memory_space<vmem_shared>>) dst(%arg46 : memref<2000xf32, #tpu.memory_space<vmem>>)
      %dma_wait3A_206 = arith.constant 0 : i32
      %dma_wait3A_207 = arith.constant 0 : i32
      %dma_wait3A_208 = tpu.memref_slice %arg12[%dma_wait3A_207] : memref<100000xf32, #tpu.memory_space<vmem_shared>> -> memref<100000xf32, #tpu.memory_space<vmem_shared>>
      %dma_wait3A_209 = tpu.memref_slice %arg63[%dma_wait3A_206] : memref<4x!tpu.dma_semaphore, #tpu.memory_space<semaphore_mem>> -> memref<1x!tpu.dma_semaphore, #tpu.memory_space<semaphore_mem>>
      %dma_wait3A_210 = tpu.memref_squeeze %dma_wait3A_209 : memref<1x!tpu.dma_semaphore, #tpu.memory_space<semaphore_mem>> -> memref<!tpu.dma_semaphore, #tpu.memory_space<semaphore_mem>>
      tpu.wait_indirect_dma semaphore(%dma_wait3A_210 : memref<!tpu.dma_semaphore, #tpu.memory_space<semaphore_mem>>) src(%dma_wait3A_208 : memref<100000xf32, #tpu.memory_space<vmem_shared>>) dst(%arg50 : memref<2000xf32, #tpu.memory_space<vmem>>)
      %dma_wait3A_211 = arith.constant 0 : i32
      %dma_wait3A_212 = arith.constant 0 : i32
      %dma_wait3A_213 = tpu.memref_slice %arg13[%dma_wait3A_212] : memref<100000xf32, #tpu.memory_space<vmem_shared>> -> memref<100000xf32, #tpu.memory_space<vmem_shared>>
      %dma_wait3A_214 = tpu.memref_slice %arg63[%dma_wait3A_211] : memref<4x!tpu.dma_semaphore, #tpu.memory_space<semaphore_mem>> -> memref<1x!tpu.dma_semaphore, #tpu.memory_space<semaphore_mem>>
      %dma_wait3A_215 = tpu.memref_squeeze %dma_wait3A_214 : memref<1x!tpu.dma_semaphore, #tpu.memory_space<semaphore_mem>> -> memref<!tpu.dma_semaphore, #tpu.memory_space<semaphore_mem>>
      tpu.wait_indirect_dma semaphore(%dma_wait3A_215 : memref<!tpu.dma_semaphore, #tpu.memory_space<semaphore_mem>>) src(%dma_wait3A_213 : memref<100000xf32, #tpu.memory_space<vmem_shared>>) dst(%arg54 : memref<2000xf32, #tpu.memory_space<vmem>>)
      %add3A_216 = arith.constant 1 : i32
      %add3A_217 = arith.addi %add3A_185, %add3A_216 : i32
      %lt3A = arith.constant 100 : i32
      %lt3A_218 = arith.cmpi slt, %add3A_217, %lt3A : i32
      %convert_element_type3A_219 = arith.extui %lt3A_218 : i1 to i32
      %cond3A_220 = arith.constant 0 : i32
      %cond3A_221 = arith.cmpi ne, %convert_element_type3A_219, %cond3A_220 : i32
      scf.if %cond3A_221 {
        %dma_wait3A_710 = arith.constant 1 : i32
        %dma_wait3A_711 = arith.constant 0 : i32
        %dma_wait3A_712 = tpu.memref_slice %arg8[%dma_wait3A_711] : memref<6400000xi32, #tpu.memory_space<hbm>> -> memref<2000xi32, #tpu.memory_space<hbm>>
        %dma_wait3A_713 = tpu.memref_slice %arg62[%dma_wait3A_710] : memref<4x!tpu.dma_semaphore, #tpu.memory_space<semaphore_mem>> -> memref<1x!tpu.dma_semaphore, #tpu.memory_space<semaphore_mem>>
        %dma_wait3A_714 = tpu.memref_squeeze %dma_wait3A_713 : memref<1x!tpu.dma_semaphore, #tpu.memory_space<semaphore_mem>> -> memref<!tpu.dma_semaphore, #tpu.memory_space<semaphore_mem>>
        %dma_wait3A_715 = arith.constant 0 : i32
        %dma_wait3A_716 = tpu.memref_slice %arg8[%dma_wait3A_715] : memref<6400000xi32, #tpu.memory_space<hbm>> -> memref<2000xi32, #tpu.memory_space<hbm>>
        tpu.wait_dma2 semaphore(%dma_wait3A_714 : memref<!tpu.dma_semaphore, #tpu.memory_space<semaphore_mem>>) src(%dma_wait3A_716 : memref<2000xi32, #tpu.memory_space<hbm>>) dst(%arg15 : memref<2000xi32, #tpu.memory_space<vmem>>)
        %dma_wait3A_717 = arith.constant 1 : i32
        %dma_wait3A_718 = arith.constant 0 : i32
        %dma_wait3A_719 = tpu.memref_slice %arg9[%dma_wait3A_718] : memref<6400000xi32, #tpu.memory_space<hbm>> -> memref<2000xi32, #tpu.memory_space<hbm>>
        %dma_wait3A_720 = tpu.memref_slice %arg62[%dma_wait3A_717] : memref<4x!tpu.dma_semaphore, #tpu.memory_space<semaphore_mem>> -> memref<1x!tpu.dma_semaphore, #tpu.memory_space<semaphore_mem>>
        %dma_wait3A_721 = tpu.memref_squeeze %dma_wait3A_720 : memref<1x!tpu.dma_semaphore, #tpu.memory_space<semaphore_mem>> -> memref<!tpu.dma_semaphore, #tpu.memory_space<semaphore_mem>>
        %dma_wait3A_722 = arith.constant 0 : i32
        %dma_wait3A_723 = tpu.memref_slice %arg9[%dma_wait3A_722] : memref<6400000xi32, #tpu.memory_space<hbm>> -> memref<2000xi32, #tpu.memory_space<hbm>>
        tpu.wait_dma2 semaphore(%dma_wait3A_721 : memref<!tpu.dma_semaphore, #tpu.memory_space<semaphore_mem>>) src(%dma_wait3A_723 : memref<2000xi32, #tpu.memory_space<hbm>>) dst(%arg19 : memref<2000xi32, #tpu.memory_space<vmem>>)
        %dma_wait3A_724 = arith.constant 1 : i32
        %dma_wait3A_725 = arith.constant 0 : i32
        %dma_wait3A_726 = tpu.memref_slice %arg5[%dma_wait3A_725] : memref<6400000xf32, #tpu.memory_space<hbm>> -> memref<2000xf32, #tpu.memory_space<hbm>>
        %dma_wait3A_727 = tpu.memref_slice %arg62[%dma_wait3A_724] : memref<4x!tpu.dma_semaphore, #tpu.memory_space<semaphore_mem>> -> memref<1x!tpu.dma_semaphore, #tpu.memory_space<semaphore_mem>>
        %dma_wait3A_728 = tpu.memref_squeeze %dma_wait3A_727 : memref<1x!tpu.dma_semaphore, #tpu.memory_space<semaphore_mem>> -> memref<!tpu.dma_semaphore, #tpu.memory_space<semaphore_mem>>
        %dma_wait3A_729 = arith.constant 0 : i32
        %dma_wait3A_730 = tpu.memref_slice %arg5[%dma_wait3A_729] : memref<6400000xf32, #tpu.memory_space<hbm>> -> memref<2000xf32, #tpu.memory_space<hbm>>
        tpu.wait_dma2 semaphore(%dma_wait3A_728 : memref<!tpu.dma_semaphore, #tpu.memory_space<semaphore_mem>>) src(%dma_wait3A_730 : memref<2000xf32, #tpu.memory_space<hbm>>) dst(%arg23 : memref<2000xf32, #tpu.memory_space<vmem>>)
        %dma_wait3A_731 = arith.constant 1 : i32
        %dma_wait3A_732 = arith.constant 0 : i32
        %dma_wait3A_733 = tpu.memref_slice %arg6[%dma_wait3A_732] : memref<6400000xf32, #tpu.memory_space<hbm>> -> memref<2000xf32, #tpu.memory_space<hbm>>
        %dma_wait3A_734 = tpu.memref_slice %arg62[%dma_wait3A_731] : memref<4x!tpu.dma_semaphore, #tpu.memory_space<semaphore_mem>> -> memref<1x!tpu.dma_semaphore, #tpu.memory_space<semaphore_mem>>
        %dma_wait3A_735 = tpu.memref_squeeze %dma_wait3A_734 : memref<1x!tpu.dma_semaphore, #tpu.memory_space<semaphore_mem>> -> memref<!tpu.dma_semaphore, #tpu.memory_space<semaphore_mem>>
        %dma_wait3A_736 = arith.constant 0 : i32
        %dma_wait3A_737 = tpu.memref_slice %arg6[%dma_wait3A_736] : memref<6400000xf32, #tpu.memory_space<hbm>> -> memref<2000xf32, #tpu.memory_space<hbm>>
        tpu.wait_dma2 semaphore(%dma_wait3A_735 : memref<!tpu.dma_semaphore, #tpu.memory_space<semaphore_mem>>) src(%dma_wait3A_737 : memref<2000xf32, #tpu.memory_space<hbm>>) dst(%arg27 : memref<2000xf32, #tpu.memory_space<vmem>>)
        %dma_wait3A_738 = arith.constant 1 : i32
        %dma_wait3A_739 = arith.constant 0 : i32
        %dma_wait3A_740 = tpu.memref_slice %arg7[%dma_wait3A_739] : memref<6400000xf32, #tpu.memory_space<hbm>> -> memref<2000xf32, #tpu.memory_space<hbm>>
        %dma_wait3A_741 = tpu.memref_slice %arg62[%dma_wait3A_738] : memref<4x!tpu.dma_semaphore, #tpu.memory_space<semaphore_mem>> -> memref<1x!tpu.dma_semaphore, #tpu.memory_space<semaphore_mem>>
        %dma_wait3A_742 = tpu.memref_squeeze %dma_wait3A_741 : memref<1x!tpu.dma_semaphore, #tpu.memory_space<semaphore_mem>> -> memref<!tpu.dma_semaphore, #tpu.memory_space<semaphore_mem>>
        %dma_wait3A_743 = arith.constant 0 : i32
        %dma_wait3A_744 = tpu.memref_slice %arg7[%dma_wait3A_743] : memref<6400000xf32, #tpu.memory_space<hbm>> -> memref<2000xf32, #tpu.memory_space<hbm>>
        tpu.wait_dma2 semaphore(%dma_wait3A_742 : memref<!tpu.dma_semaphore, #tpu.memory_space<semaphore_mem>>) src(%dma_wait3A_744 : memref<2000xf32, #tpu.memory_space<hbm>>) dst(%arg31 : memref<2000xf32, #tpu.memory_space<vmem>>)
        %dma_start3A_745 = arith.constant 1 : i32
        %dma_start3A_746 = arith.constant 0 : i32
        %dma_start3A_747 = tpu.memref_slice %arg11[%dma_start3A_746] : memref<100000xf32, #tpu.memory_space<vmem_shared>> -> memref<100000xf32, #tpu.memory_space<vmem_shared>>
        %dma_start3A_748 = tpu.memref_slice %arg63[%dma_start3A_745] : memref<4x!tpu.dma_semaphore, #tpu.memory_space<semaphore_mem>> -> memref<1x!tpu.dma_semaphore, #tpu.memory_space<semaphore_mem>>
        %dma_start3A_749 = tpu.memref_squeeze %dma_start3A_748 : memref<1x!tpu.dma_semaphore, #tpu.memory_space<semaphore_mem>> -> memref<!tpu.dma_semaphore, #tpu.memory_space<semaphore_mem>>
        tpu.enqueue_indirect_dma source(%dma_start3A_747 : memref<100000xf32, #tpu.memory_space<vmem_shared>>) target(%arg35 : memref<2000xf32, #tpu.memory_space<vmem>>) offsets(%arg15 : memref<2000xi32, #tpu.memory_space<vmem>>) semaphore(%dma_start3A_749 : memref<!tpu.dma_semaphore, #tpu.memory_space<semaphore_mem>>)
        %dma_start3A_750 = arith.constant 1 : i32
        %dma_start3A_751 = arith.constant 0 : i32
        %dma_start3A_752 = tpu.memref_slice %arg12[%dma_start3A_751] : memref<100000xf32, #tpu.memory_space<vmem_shared>> -> memref<100000xf32, #tpu.memory_space<vmem_shared>>
        %dma_start3A_753 = tpu.memref_slice %arg63[%dma_start3A_750] : memref<4x!tpu.dma_semaphore, #tpu.memory_space<semaphore_mem>> -> memref<1x!tpu.dma_semaphore, #tpu.memory_space<semaphore_mem>>
        %dma_start3A_754 = tpu.memref_squeeze %dma_start3A_753 : memref<1x!tpu.dma_semaphore, #tpu.memory_space<semaphore_mem>> -> memref<!tpu.dma_semaphore, #tpu.memory_space<semaphore_mem>>
        tpu.enqueue_indirect_dma source(%dma_start3A_752 : memref<100000xf32, #tpu.memory_space<vmem_shared>>) target(%arg39 : memref<2000xf32, #tpu.memory_space<vmem>>) offsets(%arg15 : memref<2000xi32, #tpu.memory_space<vmem>>) semaphore(%dma_start3A_754 : memref<!tpu.dma_semaphore, #tpu.memory_space<semaphore_mem>>)
        %dma_start3A_755 = arith.constant 1 : i32
        %dma_start3A_756 = arith.constant 0 : i32
        %dma_start3A_757 = tpu.memref_slice %arg13[%dma_start3A_756] : memref<100000xf32, #tpu.memory_space<vmem_shared>> -> memref<100000xf32, #tpu.memory_space<vmem_shared>>
        %dma_start3A_758 = tpu.memref_slice %arg63[%dma_start3A_755] : memref<4x!tpu.dma_semaphore, #tpu.memory_space<semaphore_mem>> -> memref<1x!tpu.dma_semaphore, #tpu.memory_space<semaphore_mem>>
        %dma_start3A_759 = tpu.memref_squeeze %dma_start3A_758 : memref<1x!tpu.dma_semaphore, #tpu.memory_space<semaphore_mem>> -> memref<!tpu.dma_semaphore, #tpu.memory_space<semaphore_mem>>
        tpu.enqueue_indirect_dma source(%dma_start3A_757 : memref<100000xf32, #tpu.memory_space<vmem_shared>>) target(%arg43 : memref<2000xf32, #tpu.memory_space<vmem>>) offsets(%arg15 : memref<2000xi32, #tpu.memory_space<vmem>>) semaphore(%dma_start3A_759 : memref<!tpu.dma_semaphore, #tpu.memory_space<semaphore_mem>>)
        %dma_start3A_760 = arith.constant 1 : i32
        %dma_start3A_761 = arith.constant 0 : i32
        %dma_start3A_762 = tpu.memref_slice %arg11[%dma_start3A_761] : memref<100000xf32, #tpu.memory_space<vmem_shared>> -> memref<100000xf32, #tpu.memory_space<vmem_shared>>
        %dma_start3A_763 = tpu.memref_slice %arg63[%dma_start3A_760] : memref<4x!tpu.dma_semaphore, #tpu.memory_space<semaphore_mem>> -> memref<1x!tpu.dma_semaphore, #tpu.memory_space<semaphore_mem>>
        %dma_start3A_764 = tpu.memref_squeeze %dma_start3A_763 : memref<1x!tpu.dma_semaphore, #tpu.memory_space<semaphore_mem>> -> memref<!tpu.dma_semaphore, #tpu.memory_space<semaphore_mem>>
        tpu.enqueue_indirect_dma source(%dma_start3A_762 : memref<100000xf32, #tpu.memory_space<vmem_shared>>) target(%arg47 : memref<2000xf32, #tpu.memory_space<vmem>>) offsets(%arg19 : memref<2000xi32, #tpu.memory_space<vmem>>) semaphore(%dma_start3A_764 : memref<!tpu.dma_semaphore, #tpu.memory_space<semaphore_mem>>)
        %dma_start3A_765 = arith.constant 1 : i32
        %dma_start3A_766 = arith.constant 0 : i32
        %dma_start3A_767 = tpu.memref_slice %arg12[%dma_start3A_766] : memref<100000xf32, #tpu.memory_space<vmem_shared>> -> memref<100000xf32, #tpu.memory_space<vmem_shared>>
        %dma_start3A_768 = tpu.memref_slice %arg63[%dma_start3A_765] : memref<4x!tpu.dma_semaphore, #tpu.memory_space<semaphore_mem>> -> memref<1x!tpu.dma_semaphore, #tpu.memory_space<semaphore_mem>>
        %dma_start3A_769 = tpu.memref_squeeze %dma_start3A_768 : memref<1x!tpu.dma_semaphore, #tpu.memory_space<semaphore_mem>> -> memref<!tpu.dma_semaphore, #tpu.memory_space<semaphore_mem>>
        tpu.enqueue_indirect_dma source(%dma_start3A_767 : memref<100000xf32, #tpu.memory_space<vmem_shared>>) target(%arg51 : memref<2000xf32, #tpu.memory_space<vmem>>) offsets(%arg19 : memref<2000xi32, #tpu.memory_space<vmem>>) semaphore(%dma_start3A_769 : memref<!tpu.dma_semaphore, #tpu.memory_space<semaphore_mem>>)
        %dma_start3A_770 = arith.constant 1 : i32
        %dma_start3A_771 = arith.constant 0 : i32
        %dma_start3A_772 = tpu.memref_slice %arg13[%dma_start3A_771] : memref<100000xf32, #tpu.memory_space<vmem_shared>> -> memref<100000xf32, #tpu.memory_space<vmem_shared>>
        %dma_start3A_773 = tpu.memref_slice %arg63[%dma_start3A_770] : memref<4x!tpu.dma_semaphore, #tpu.memory_space<semaphore_mem>> -> memref<1x!tpu.dma_semaphore, #tpu.memory_space<semaphore_mem>>
        %dma_start3A_774 = tpu.memref_squeeze %dma_start3A_773 : memref<1x!tpu.dma_semaphore, #tpu.memory_space<semaphore_mem>> -> memref<!tpu.dma_semaphore, #tpu.memory_space<semaphore_mem>>
        tpu.enqueue_indirect_dma source(%dma_start3A_772 : memref<100000xf32, #tpu.memory_space<vmem_shared>>) target(%arg55 : memref<2000xf32, #tpu.memory_space<vmem>>) offsets(%arg19 : memref<2000xi32, #tpu.memory_space<vmem>>) semaphore(%dma_start3A_774 : memref<!tpu.dma_semaphore, #tpu.memory_space<semaphore_mem>>)
      } else {
      }
      %add3A_222 = arith.constant 3 : i32
      %add3A_223 = arith.addi %add3A_185, %add3A_222 : i32
      %lt3A_224 = arith.constant 100 : i32
      %lt3A_225 = arith.cmpi slt, %add3A_223, %lt3A_224 : i32
      %convert_element_type3A_226 = arith.extui %lt3A_225 : i1 to i32
      %cond3A_227 = arith.constant 0 : i32
      %cond3A_228 = arith.cmpi ne, %convert_element_type3A_226, %cond3A_227 : i32
      scf.if %cond3A_228 {
        %add3A_710 = arith.constant 3 : i32
        %add3A_711 = arith.addi %add3A_185, %add3A_710 : i32
        %mul3A_712 = arith.constant 2000 : i32
        %mul3A_713 = arith.muli %add3A_711, %mul3A_712 : i32
        %add3A_714 = arith.addi %mul3A_4, %mul3A_713 : i32
        %dma_start3A_715 = arith.constant 3 : i32
        %dma_start3A_716 = tpu.memref_slice %arg8[%add3A_714] : memref<6400000xi32, #tpu.memory_space<hbm>> -> memref<2000xi32, #tpu.memory_space<hbm>>
        %dma_start3A_717 = tpu.memref_slice %arg62[%dma_start3A_715] : memref<4x!tpu.dma_semaphore, #tpu.memory_space<semaphore_mem>> -> memref<1x!tpu.dma_semaphore, #tpu.memory_space<semaphore_mem>>
        %dma_start3A_718 = tpu.memref_squeeze %dma_start3A_717 : memref<1x!tpu.dma_semaphore, #tpu.memory_space<semaphore_mem>> -> memref<!tpu.dma_semaphore, #tpu.memory_space<semaphore_mem>>
        %dma_start3A_719 = tpu.memref_slice %arg8[%add3A_714] : memref<6400000xi32, #tpu.memory_space<hbm>> -> memref<2000xi32, #tpu.memory_space<hbm>>
        tpu.enqueue_dma source(%dma_start3A_719 : memref<2000xi32, #tpu.memory_space<hbm>>) target(%arg17 : memref<2000xi32, #tpu.memory_space<vmem>>) target_semaphore(%dma_start3A_718 : memref<!tpu.dma_semaphore, #tpu.memory_space<semaphore_mem>>)
        %dma_start3A_720 = arith.constant 3 : i32
        %dma_start3A_721 = tpu.memref_slice %arg9[%add3A_714] : memref<6400000xi32, #tpu.memory_space<hbm>> -> memref<2000xi32, #tpu.memory_space<hbm>>
        %dma_start3A_722 = tpu.memref_slice %arg62[%dma_start3A_720] : memref<4x!tpu.dma_semaphore, #tpu.memory_space<semaphore_mem>> -> memref<1x!tpu.dma_semaphore, #tpu.memory_space<semaphore_mem>>
        %dma_start3A_723 = tpu.memref_squeeze %dma_start3A_722 : memref<1x!tpu.dma_semaphore, #tpu.memory_space<semaphore_mem>> -> memref<!tpu.dma_semaphore, #tpu.memory_space<semaphore_mem>>
        %dma_start3A_724 = tpu.memref_slice %arg9[%add3A_714] : memref<6400000xi32, #tpu.memory_space<hbm>> -> memref<2000xi32, #tpu.memory_space<hbm>>
        tpu.enqueue_dma source(%dma_start3A_724 : memref<2000xi32, #tpu.memory_space<hbm>>) target(%arg21 : memref<2000xi32, #tpu.memory_space<vmem>>) target_semaphore(%dma_start3A_723 : memref<!tpu.dma_semaphore, #tpu.memory_space<semaphore_mem>>)
        %dma_start3A_725 = arith.constant 3 : i32
        %dma_start3A_726 = tpu.memref_slice %arg5[%add3A_714] : memref<6400000xf32, #tpu.memory_space<hbm>> -> memref<2000xf32, #tpu.memory_space<hbm>>
        %dma_start3A_727 = tpu.memref_slice %arg62[%dma_start3A_725] : memref<4x!tpu.dma_semaphore, #tpu.memory_space<semaphore_mem>> -> memref<1x!tpu.dma_semaphore, #tpu.memory_space<semaphore_mem>>
        %dma_start3A_728 = tpu.memref_squeeze %dma_start3A_727 : memref<1x!tpu.dma_semaphore, #tpu.memory_space<semaphore_mem>> -> memref<!tpu.dma_semaphore, #tpu.memory_space<semaphore_mem>>
        %dma_start3A_729 = tpu.memref_slice %arg5[%add3A_714] : memref<6400000xf32, #tpu.memory_space<hbm>> -> memref<2000xf32, #tpu.memory_space<hbm>>
        tpu.enqueue_dma source(%dma_start3A_729 : memref<2000xf32, #tpu.memory_space<hbm>>) target(%arg25 : memref<2000xf32, #tpu.memory_space<vmem>>) target_semaphore(%dma_start3A_728 : memref<!tpu.dma_semaphore, #tpu.memory_space<semaphore_mem>>)
        %dma_start3A_730 = arith.constant 3 : i32
        %dma_start3A_731 = tpu.memref_slice %arg6[%add3A_714] : memref<6400000xf32, #tpu.memory_space<hbm>> -> memref<2000xf32, #tpu.memory_space<hbm>>
        %dma_start3A_732 = tpu.memref_slice %arg62[%dma_start3A_730] : memref<4x!tpu.dma_semaphore, #tpu.memory_space<semaphore_mem>> -> memref<1x!tpu.dma_semaphore, #tpu.memory_space<semaphore_mem>>
        %dma_start3A_733 = tpu.memref_squeeze %dma_start3A_732 : memref<1x!tpu.dma_semaphore, #tpu.memory_space<semaphore_mem>> -> memref<!tpu.dma_semaphore, #tpu.memory_space<semaphore_mem>>
        %dma_start3A_734 = tpu.memref_slice %arg6[%add3A_714] : memref<6400000xf32, #tpu.memory_space<hbm>> -> memref<2000xf32, #tpu.memory_space<hbm>>
        tpu.enqueue_dma source(%dma_start3A_734 : memref<2000xf32, #tpu.memory_space<hbm>>) target(%arg29 : memref<2000xf32, #tpu.memory_space<vmem>>) target_semaphore(%dma_start3A_733 : memref<!tpu.dma_semaphore, #tpu.memory_space<semaphore_mem>>)
        %dma_start3A_735 = arith.constant 3 : i32
        %dma_start3A_736 = tpu.memref_slice %arg7[%add3A_714] : memref<6400000xf32, #tpu.memory_space<hbm>> -> memref<2000xf32, #tpu.memory_space<hbm>>
        %dma_start3A_737 = tpu.memref_slice %arg62[%dma_start3A_735] : memref<4x!tpu.dma_semaphore, #tpu.memory_space<semaphore_mem>> -> memref<1x!tpu.dma_semaphore, #tpu.memory_space<semaphore_mem>>
        %dma_start3A_738 = tpu.memref_squeeze %dma_start3A_737 : memref<1x!tpu.dma_semaphore, #tpu.memory_space<semaphore_mem>> -> memref<!tpu.dma_semaphore, #tpu.memory_space<semaphore_mem>>
        %dma_start3A_739 = tpu.memref_slice %arg7[%add3A_714] : memref<6400000xf32, #tpu.memory_space<hbm>> -> memref<2000xf32, #tpu.memory_space<hbm>>
        tpu.enqueue_dma source(%dma_start3A_739 : memref<2000xf32, #tpu.memory_space<hbm>>) target(%arg33 : memref<2000xf32, #tpu.memory_space<vmem>>) target_semaphore(%dma_start3A_738 : memref<!tpu.dma_semaphore, #tpu.memory_space<semaphore_mem>>)
      } else {
      }
      %ge3A = arith.constant 4 : i32
      %ge3A_229 = arith.cmpi sge, %add3A_185, %ge3A : i32
      %convert_element_type3A_230 = arith.extui %ge3A_229 : i1 to i32
      %cond3A_231 = arith.constant 0 : i32
      %cond3A_232 = arith.cmpi ne, %convert_element_type3A_230, %cond3A_231 : i32
      scf.if %cond3A_232 {
        %dma_wait3A_710 = arith.constant 0 : i32
        %dma_wait3A_711 = arith.constant 0 : i32
        %dma_wait3A_712 = tpu.memref_slice %arg10[%dma_wait3A_711] : memref<6400000xf32, #tpu.memory_space<hbm>> -> memref<2000xf32, #tpu.memory_space<hbm>>
        %dma_wait3A_713 = tpu.memref_slice %arg64[%dma_wait3A_710] : memref<4x!tpu.dma_semaphore, #tpu.memory_space<semaphore_mem>> -> memref<1x!tpu.dma_semaphore, #tpu.memory_space<semaphore_mem>>
        %dma_wait3A_714 = tpu.memref_squeeze %dma_wait3A_713 : memref<1x!tpu.dma_semaphore, #tpu.memory_space<semaphore_mem>> -> memref<!tpu.dma_semaphore, #tpu.memory_space<semaphore_mem>>
        %dma_wait3A_715 = arith.constant 0 : i32
        %dma_wait3A_716 = tpu.memref_slice %arg10[%dma_wait3A_715] : memref<6400000xf32, #tpu.memory_space<hbm>> -> memref<2000xf32, #tpu.memory_space<hbm>>
        tpu.wait_dma2 semaphore(%dma_wait3A_714 : memref<!tpu.dma_semaphore, #tpu.memory_space<semaphore_mem>>) src(%arg58 : memref<2000xf32, #tpu.memory_space<vmem>>) dst(%dma_wait3A_716 : memref<2000xf32, #tpu.memory_space<hbm>>)
      } else {
      }
      %scan3A_233 = arith.constant 0 : i32
      %scan3A_234 = arith.constant 124 : i32
      %scan3A_235 = arith.addi %scan3A_233, %scan3A_234 : i32
      %scan3A_236 = arith.constant 4 : i32
      scf.for %scan3A_710 = %scan3A_233 to %scan3A_235 step %scan3A_236  : i32 {
        %mul3A_711 = arith.constant 16 : i32
        %mul3A_712 = arith.muli %scan3A_710, %mul3A_711 : i32
        %get3A_713 = arith.index_cast %mul3A_712 : i32 to index
        %get3A_714 = tpu.vector_load %arg34[%get3A_713] {strides = array<i32>} : memref<2000xf32, #tpu.memory_space<vmem>>, vector<16xf32>,
        %get3A_715 = arith.index_cast %mul3A_712 : i32 to index
        %get3A_716 = tpu.vector_load %arg38[%get3A_715] {strides = array<i32>} : memref<2000xf32, #tpu.memory_space<vmem>>, vector<16xf32>,
        %get3A_717 = arith.index_cast %mul3A_712 : i32 to index
        %get3A_718 = tpu.vector_load %arg42[%get3A_717] {strides = array<i32>} : memref<2000xf32, #tpu.memory_space<vmem>>, vector<16xf32>,
        %get3A_719 = arith.index_cast %mul3A_712 : i32 to index
        %get3A_720 = tpu.vector_load %arg46[%get3A_719] {strides = array<i32>} : memref<2000xf32, #tpu.memory_space<vmem>>, vector<16xf32>,
        %get3A_721 = arith.index_cast %mul3A_712 : i32 to index
        %get3A_722 = tpu.vector_load %arg50[%get3A_721] {strides = array<i32>} : memref<2000xf32, #tpu.memory_space<vmem>>, vector<16xf32>,
        %get3A_723 = arith.index_cast %mul3A_712 : i32 to index
        %get3A_724 = tpu.vector_load %arg54[%get3A_723] {strides = array<i32>} : memref<2000xf32, #tpu.memory_space<vmem>>, vector<16xf32>,
        %get3A_725 = arith.index_cast %mul3A_712 : i32 to index
        %get3A_726 = tpu.vector_load %arg22[%get3A_725] {strides = array<i32>} : memref<2000xf32, #tpu.memory_space<vmem>>, vector<16xf32>,
        %get3A_727 = arith.index_cast %mul3A_712 : i32 to index
        %get3A_728 = tpu.vector_load %arg26[%get3A_727] {strides = array<i32>} : memref<2000xf32, #tpu.memory_space<vmem>>, vector<16xf32>,
        %get3A_729 = arith.index_cast %mul3A_712 : i32 to index
        %get3A_730 = tpu.vector_load %arg30[%get3A_729] {strides = array<i32>} : memref<2000xf32, #tpu.memory_space<vmem>>, vector<16xf32>,
        %add3A_731 = arith.addf %get3A_720, %get3A_726 : vector<16xf32>
        %sub3A_732 = arith.subf %get3A_714, %add3A_731 : vector<16xf32>
        %add3A_733 = arith.addf %get3A_722, %get3A_728 : vector<16xf32>
        %sub3A_734 = arith.subf %get3A_716, %add3A_733 : vector<16xf32>
        %add3A_735 = arith.addf %get3A_724, %get3A_730 : vector<16xf32>
        %sub3A_736 = arith.subf %get3A_718, %add3A_735 : vector<16xf32>
        %mul3A_737 = arith.mulf %sub3A_732, %sub3A_732 : vector<16xf32>
        %mul3A_738 = arith.mulf %sub3A_734, %sub3A_734 : vector<16xf32>
        %add3A_739 = arith.addf %mul3A_737, %mul3A_738 : vector<16xf32>
        %mul3A_740 = arith.mulf %sub3A_736, %sub3A_736 : vector<16xf32>
        %add3A_741 = arith.addf %add3A_739, %mul3A_740 : vector<16xf32>
        %max3A_742 = arith.constant 1.000000e-30 : f32
        %max3A_743 = vector.broadcast %max3A_742 : f32 to vector<16xf32>
        %max3A_744 = arith.maximumf %add3A_741, %max3A_743 : vector<16xf32>
        %bitcast3A_745 = vector.bitcast %max3A_744 : vector<16xf32> to vector<16xi32>
        %shift_right_arithmetic3A_746 = arith.constant 1 : i32
        %shift_right_arithmetic3A_747 = vector.broadcast %shift_right_arithmetic3A_746 : i32 to vector<16xi32>
        %shift_right_arithmetic3A_748 = arith.shrsi %bitcast3A_745, %shift_right_arithmetic3A_747 : vector<16xi32>
        %sub3A_749 = arith.constant 1597463007 : i32
        %sub3A_750 = vector.broadcast %sub3A_749 : i32 to vector<16xi32>
        %sub3A_751 = arith.subi %sub3A_750, %shift_right_arithmetic3A_748 : vector<16xi32>
        %bitcast3A_752 = vector.bitcast %sub3A_751 : vector<16xi32> to vector<16xf32>
        %mul3A_753 = arith.constant 5.000000e-01 : f32
        %mul3A_754 = vector.broadcast %mul3A_753 : f32 to vector<16xf32>
        %mul3A_755 = arith.mulf %max3A_744, %mul3A_754 : vector<16xf32>
        %mul3A_756 = arith.mulf %mul3A_755, %bitcast3A_752 : vector<16xf32>
        %mul3A_757 = arith.mulf %mul3A_756, %bitcast3A_752 : vector<16xf32>
        %sub3A_758 = arith.constant 1.500000e+00 : f32
        %sub3A_759 = vector.broadcast %sub3A_758 : f32 to vector<16xf32>
        %sub3A_760 = arith.subf %sub3A_759, %mul3A_757 : vector<16xf32>
        %mul3A_761 = arith.mulf %bitcast3A_752, %sub3A_760 : vector<16xf32>
        %mul3A_762 = arith.mulf %mul3A_755, %mul3A_761 : vector<16xf32>
        %mul3A_763 = arith.mulf %mul3A_762, %mul3A_761 : vector<16xf32>
        %sub3A_764 = arith.constant 1.500000e+00 : f32
        %sub3A_765 = vector.broadcast %sub3A_764 : f32 to vector<16xf32>
        %sub3A_766 = arith.subf %sub3A_765, %mul3A_763 : vector<16xf32>
        %mul3A_767 = arith.mulf %mul3A_761, %sub3A_766 : vector<16xf32>
        %mul3A_768 = arith.mulf %mul3A_755, %mul3A_767 : vector<16xf32>
        %mul3A_769 = arith.mulf %mul3A_768, %mul3A_767 : vector<16xf32>
        %sub3A_770 = arith.constant 1.500000e+00 : f32
        %sub3A_771 = vector.broadcast %sub3A_770 : f32 to vector<16xf32>
        %sub3A_772 = arith.subf %sub3A_771, %mul3A_769 : vector<16xf32>
        %mul3A_773 = arith.mulf %mul3A_767, %sub3A_772 : vector<16xf32>
        %mul3A_774 = arith.mulf %max3A_744, %mul3A_773 : vector<16xf32>
        %swap3A_775 = arith.index_cast %mul3A_712 : i32 to index
        %swap3A_776 = tpu.vector_load %arg58[%swap3A_775] {strides = array<i32>} : memref<2000xf32, #tpu.memory_space<vmem>>, vector<16xf32>,
        tpu.vector_store %arg58[%swap3A_775], %mul3A_774 {strides = array<i32>} : memref<2000xf32, #tpu.memory_space<vmem>>, vector<16xf32>,
        %scan3A_777 = arith.constant 1 : i32
        %scan3A_778 = arith.addi %scan3A_710, %scan3A_777 : i32
        %mul3A_779 = arith.constant 16 : i32
        %mul3A_780 = arith.muli %scan3A_778, %mul3A_779 : i32
        %get3A_781 = arith.index_cast %mul3A_780 : i32 to index
        %get3A_782 = tpu.vector_load %arg34[%get3A_781] {strides = array<i32>} : memref<2000xf32, #tpu.memory_space<vmem>>, vector<16xf32>,
        %get3A_783 = arith.index_cast %mul3A_780 : i32 to index
        %get3A_784 = tpu.vector_load %arg38[%get3A_783] {strides = array<i32>} : memref<2000xf32, #tpu.memory_space<vmem>>, vector<16xf32>,
        %get3A_785 = arith.index_cast %mul3A_780 : i32 to index
        %get3A_786 = tpu.vector_load %arg42[%get3A_785] {strides = array<i32>} : memref<2000xf32, #tpu.memory_space<vmem>>, vector<16xf32>,
        %get3A_787 = arith.index_cast %mul3A_780 : i32 to index
        %get3A_788 = tpu.vector_load %arg46[%get3A_787] {strides = array<i32>} : memref<2000xf32, #tpu.memory_space<vmem>>, vector<16xf32>,
        %get3A_789 = arith.index_cast %mul3A_780 : i32 to index
        %get3A_790 = tpu.vector_load %arg50[%get3A_789] {strides = array<i32>} : memref<2000xf32, #tpu.memory_space<vmem>>, vector<16xf32>,
        %get3A_791 = arith.index_cast %mul3A_780 : i32 to index
        %get3A_792 = tpu.vector_load %arg54[%get3A_791] {strides = array<i32>} : memref<2000xf32, #tpu.memory_space<vmem>>, vector<16xf32>,
        %get3A_793 = arith.index_cast %mul3A_780 : i32 to index
        %get3A_794 = tpu.vector_load %arg22[%get3A_793] {strides = array<i32>} : memref<2000xf32, #tpu.memory_space<vmem>>, vector<16xf32>,
        %get3A_795 = arith.index_cast %mul3A_780 : i32 to index
        %get3A_796 = tpu.vector_load %arg26[%get3A_795] {strides = array<i32>} : memref<2000xf32, #tpu.memory_space<vmem>>, vector<16xf32>,
        %get3A_797 = arith.index_cast %mul3A_780 : i32 to index
        %get3A_798 = tpu.vector_load %arg30[%get3A_797] {strides = array<i32>} : memref<2000xf32, #tpu.memory_space<vmem>>, vector<16xf32>,
        %add3A_799 = arith.addf %get3A_788, %get3A_794 : vector<16xf32>
        %sub3A_800 = arith.subf %get3A_782, %add3A_799 : vector<16xf32>
        %add3A_801 = arith.addf %get3A_790, %get3A_796 : vector<16xf32>
        %sub3A_802 = arith.subf %get3A_784, %add3A_801 : vector<16xf32>
        %add3A_803 = arith.addf %get3A_792, %get3A_798 : vector<16xf32>
        %sub3A_804 = arith.subf %get3A_786, %add3A_803 : vector<16xf32>
        %mul3A_805 = arith.mulf %sub3A_800, %sub3A_800 : vector<16xf32>
        %mul3A_806 = arith.mulf %sub3A_802, %sub3A_802 : vector<16xf32>
        %add3A_807 = arith.addf %mul3A_805, %mul3A_806 : vector<16xf32>
        %mul3A_808 = arith.mulf %sub3A_804, %sub3A_804 : vector<16xf32>
        %add3A_809 = arith.addf %add3A_807, %mul3A_808 : vector<16xf32>
        %max3A_810 = arith.constant 1.000000e-30 : f32
        %max3A_811 = vector.broadcast %max3A_810 : f32 to vector<16xf32>
        %max3A_812 = arith.maximumf %add3A_809, %max3A_811 : vector<16xf32>
        %bitcast3A_813 = vector.bitcast %max3A_812 : vector<16xf32> to vector<16xi32>
        %shift_right_arithmetic3A_814 = arith.constant 1 : i32
        %shift_right_arithmetic3A_815 = vector.broadcast %shift_right_arithmetic3A_814 : i32 to vector<16xi32>
        %shift_right_arithmetic3A_816 = arith.shrsi %bitcast3A_813, %shift_right_arithmetic3A_815 : vector<16xi32>
        %sub3A_817 = arith.constant 1597463007 : i32
        %sub3A_818 = vector.broadcast %sub3A_817 : i32 to vector<16xi32>
        %sub3A_819 = arith.subi %sub3A_818, %shift_right_arithmetic3A_816 : vector<16xi32>
        %bitcast3A_820 = vector.bitcast %sub3A_819 : vector<16xi32> to vector<16xf32>
        %mul3A_821 = arith.constant 5.000000e-01 : f32
        %mul3A_822 = vector.broadcast %mul3A_821 : f32 to vector<16xf32>
        %mul3A_823 = arith.mulf %max3A_812, %mul3A_822 : vector<16xf32>
        %mul3A_824 = arith.mulf %mul3A_823, %bitcast3A_820 : vector<16xf32>
        %mul3A_825 = arith.mulf %mul3A_824, %bitcast3A_820 : vector<16xf32>
        %sub3A_826 = arith.constant 1.500000e+00 : f32
        %sub3A_827 = vector.broadcast %sub3A_826 : f32 to vector<16xf32>
        %sub3A_828 = arith.subf %sub3A_827, %mul3A_825 : vector<16xf32>
        %mul3A_829 = arith.mulf %bitcast3A_820, %sub3A_828 : vector<16xf32>
        %mul3A_830 = arith.mulf %mul3A_823, %mul3A_829 : vector<16xf32>
        %mul3A_831 = arith.mulf %mul3A_830, %mul3A_829 : vector<16xf32>
        %sub3A_832 = arith.constant 1.500000e+00 : f32
        %sub3A_833 = vector.broadcast %sub3A_832 : f32 to vector<16xf32>
        %sub3A_834 = arith.subf %sub3A_833, %mul3A_831 : vector<16xf32>
        %mul3A_835 = arith.mulf %mul3A_829, %sub3A_834 : vector<16xf32>
        %mul3A_836 = arith.mulf %mul3A_823, %mul3A_835 : vector<16xf32>
        %mul3A_837 = arith.mulf %mul3A_836, %mul3A_835 : vector<16xf32>
        %sub3A_838 = arith.constant 1.500000e+00 : f32
        %sub3A_839 = vector.broadcast %sub3A_838 : f32 to vector<16xf32>
        %sub3A_840 = arith.subf %sub3A_839, %mul3A_837 : vector<16xf32>
        %mul3A_841 = arith.mulf %mul3A_835, %sub3A_840 : vector<16xf32>
        %mul3A_842 = arith.mulf %max3A_812, %mul3A_841 : vector<16xf32>
        %swap3A_843 = arith.index_cast %mul3A_780 : i32 to index
        %swap3A_844 = tpu.vector_load %arg58[%swap3A_843] {strides = array<i32>} : memref<2000xf32, #tpu.memory_space<vmem>>, vector<16xf32>,
        tpu.vector_store %arg58[%swap3A_843], %mul3A_842 {strides = array<i32>} : memref<2000xf32, #tpu.memory_space<vmem>>, vector<16xf32>,
        %scan3A_845 = arith.constant 2 : i32
        %scan3A_846 = arith.addi %scan3A_710, %scan3A_845 : i32
        %mul3A_847 = arith.constant 16 : i32
        %mul3A_848 = arith.muli %scan3A_846, %mul3A_847 : i32
        %get3A_849 = arith.index_cast %mul3A_848 : i32 to index
        %get3A_850 = tpu.vector_load %arg34[%get3A_849] {strides = array<i32>} : memref<2000xf32, #tpu.memory_space<vmem>>, vector<16xf32>,
        %get3A_851 = arith.index_cast %mul3A_848 : i32 to index
        %get3A_852 = tpu.vector_load %arg38[%get3A_851] {strides = array<i32>} : memref<2000xf32, #tpu.memory_space<vmem>>, vector<16xf32>,
        %get3A_853 = arith.index_cast %mul3A_848 : i32 to index
        %get3A_854 = tpu.vector_load %arg42[%get3A_853] {strides = array<i32>} : memref<2000xf32, #tpu.memory_space<vmem>>, vector<16xf32>,
        %get3A_855 = arith.index_cast %mul3A_848 : i32 to index
        %get3A_856 = tpu.vector_load %arg46[%get3A_855] {strides = array<i32>} : memref<2000xf32, #tpu.memory_space<vmem>>, vector<16xf32>,
        %get3A_857 = arith.index_cast %mul3A_848 : i32 to index
        %get3A_858 = tpu.vector_load %arg50[%get3A_857] {strides = array<i32>} : memref<2000xf32, #tpu.memory_space<vmem>>, vector<16xf32>,
        %get3A_859 = arith.index_cast %mul3A_848 : i32 to index
        %get3A_860 = tpu.vector_load %arg54[%get3A_859] {strides = array<i32>} : memref<2000xf32, #tpu.memory_space<vmem>>, vector<16xf32>,
        %get3A_861 = arith.index_cast %mul3A_848 : i32 to index
        %get3A_862 = tpu.vector_load %arg22[%get3A_861] {strides = array<i32>} : memref<2000xf32, #tpu.memory_space<vmem>>, vector<16xf32>,
        %get3A_863 = arith.index_cast %mul3A_848 : i32 to index
        %get3A_864 = tpu.vector_load %arg26[%get3A_863] {strides = array<i32>} : memref<2000xf32, #tpu.memory_space<vmem>>, vector<16xf32>,
        %get3A_865 = arith.index_cast %mul3A_848 : i32 to index
        %get3A_866 = tpu.vector_load %arg30[%get3A_865] {strides = array<i32>} : memref<2000xf32, #tpu.memory_space<vmem>>, vector<16xf32>,
        %add3A_867 = arith.addf %get3A_856, %get3A_862 : vector<16xf32>
        %sub3A_868 = arith.subf %get3A_850, %add3A_867 : vector<16xf32>
        %add3A_869 = arith.addf %get3A_858, %get3A_864 : vector<16xf32>
        %sub3A_870 = arith.subf %get3A_852, %add3A_869 : vector<16xf32>
        %add3A_871 = arith.addf %get3A_860, %get3A_866 : vector<16xf32>
        %sub3A_872 = arith.subf %get3A_854, %add3A_871 : vector<16xf32>
        %mul3A_873 = arith.mulf %sub3A_868, %sub3A_868 : vector<16xf32>
        %mul3A_874 = arith.mulf %sub3A_870, %sub3A_870 : vector<16xf32>
        %add3A_875 = arith.addf %mul3A_873, %mul3A_874 : vector<16xf32>
        %mul3A_876 = arith.mulf %sub3A_872, %sub3A_872 : vector<16xf32>
        %add3A_877 = arith.addf %add3A_875, %mul3A_876 : vector<16xf32>
        %max3A_878 = arith.constant 1.000000e-30 : f32
        %max3A_879 = vector.broadcast %max3A_878 : f32 to vector<16xf32>
        %max3A_880 = arith.maximumf %add3A_877, %max3A_879 : vector<16xf32>
        %bitcast3A_881 = vector.bitcast %max3A_880 : vector<16xf32> to vector<16xi32>
        %shift_right_arithmetic3A_882 = arith.constant 1 : i32
        %shift_right_arithmetic3A_883 = vector.broadcast %shift_right_arithmetic3A_882 : i32 to vector<16xi32>
        %shift_right_arithmetic3A_884 = arith.shrsi %bitcast3A_881, %shift_right_arithmetic3A_883 : vector<16xi32>
        %sub3A_885 = arith.constant 1597463007 : i32
        %sub3A_886 = vector.broadcast %sub3A_885 : i32 to vector<16xi32>
        %sub3A_887 = arith.subi %sub3A_886, %shift_right_arithmetic3A_884 : vector<16xi32>
        %bitcast3A_888 = vector.bitcast %sub3A_887 : vector<16xi32> to vector<16xf32>
        %mul3A_889 = arith.constant 5.000000e-01 : f32
        %mul3A_890 = vector.broadcast %mul3A_889 : f32 to vector<16xf32>
        %mul3A_891 = arith.mulf %max3A_880, %mul3A_890 : vector<16xf32>
        %mul3A_892 = arith.mulf %mul3A_891, %bitcast3A_888 : vector<16xf32>
        %mul3A_893 = arith.mulf %mul3A_892, %bitcast3A_888 : vector<16xf32>
        %sub3A_894 = arith.constant 1.500000e+00 : f32
        %sub3A_895 = vector.broadcast %sub3A_894 : f32 to vector<16xf32>
        %sub3A_896 = arith.subf %sub3A_895, %mul3A_893 : vector<16xf32>
        %mul3A_897 = arith.mulf %bitcast3A_888, %sub3A_896 : vector<16xf32>
        %mul3A_898 = arith.mulf %mul3A_891, %mul3A_897 : vector<16xf32>
        %mul3A_899 = arith.mulf %mul3A_898, %mul3A_897 : vector<16xf32>
        %sub3A_900 = arith.constant 1.500000e+00 : f32
        %sub3A_901 = vector.broadcast %sub3A_900 : f32 to vector<16xf32>
        %sub3A_902 = arith.subf %sub3A_901, %mul3A_899 : vector<16xf32>
        %mul3A_903 = arith.mulf %mul3A_897, %sub3A_902 : vector<16xf32>
        %mul3A_904 = arith.mulf %mul3A_891, %mul3A_903 : vector<16xf32>
        %mul3A_905 = arith.mulf %mul3A_904, %mul3A_903 : vector<16xf32>
        %sub3A_906 = arith.constant 1.500000e+00 : f32
        %sub3A_907 = vector.broadcast %sub3A_906 : f32 to vector<16xf32>
        %sub3A_908 = arith.subf %sub3A_907, %mul3A_905 : vector<16xf32>
        %mul3A_909 = arith.mulf %mul3A_903, %sub3A_908 : vector<16xf32>
        %mul3A_910 = arith.mulf %max3A_880, %mul3A_909 : vector<16xf32>
        %swap3A_911 = arith.index_cast %mul3A_848 : i32 to index
        %swap3A_912 = tpu.vector_load %arg58[%swap3A_911] {strides = array<i32>} : memref<2000xf32, #tpu.memory_space<vmem>>, vector<16xf32>,
        tpu.vector_store %arg58[%swap3A_911], %mul3A_910 {strides = array<i32>} : memref<2000xf32, #tpu.memory_space<vmem>>, vector<16xf32>,
        %scan3A_913 = arith.constant 3 : i32
        %scan3A_914 = arith.addi %scan3A_710, %scan3A_913 : i32
        %mul3A_915 = arith.constant 16 : i32
        %mul3A_916 = arith.muli %scan3A_914, %mul3A_915 : i32
        %get3A_917 = arith.index_cast %mul3A_916 : i32 to index
        %get3A_918 = tpu.vector_load %arg34[%get3A_917] {strides = array<i32>} : memref<2000xf32, #tpu.memory_space<vmem>>, vector<16xf32>,
        %get3A_919 = arith.index_cast %mul3A_916 : i32 to index
        %get3A_920 = tpu.vector_load %arg38[%get3A_919] {strides = array<i32>} : memref<2000xf32, #tpu.memory_space<vmem>>, vector<16xf32>,
        %get3A_921 = arith.index_cast %mul3A_916 : i32 to index
        %get3A_922 = tpu.vector_load %arg42[%get3A_921] {strides = array<i32>} : memref<2000xf32, #tpu.memory_space<vmem>>, vector<16xf32>,
        %get3A_923 = arith.index_cast %mul3A_916 : i32 to index
        %get3A_924 = tpu.vector_load %arg46[%get3A_923] {strides = array<i32>} : memref<2000xf32, #tpu.memory_space<vmem>>, vector<16xf32>,
        %get3A_925 = arith.index_cast %mul3A_916 : i32 to index
        %get3A_926 = tpu.vector_load %arg50[%get3A_925] {strides = array<i32>} : memref<2000xf32, #tpu.memory_space<vmem>>, vector<16xf32>,
        %get3A_927 = arith.index_cast %mul3A_916 : i32 to index
        %get3A_928 = tpu.vector_load %arg54[%get3A_927] {strides = array<i32>} : memref<2000xf32, #tpu.memory_space<vmem>>, vector<16xf32>,
        %get3A_929 = arith.index_cast %mul3A_916 : i32 to index
        %get3A_930 = tpu.vector_load %arg22[%get3A_929] {strides = array<i32>} : memref<2000xf32, #tpu.memory_space<vmem>>, vector<16xf32>,
        %get3A_931 = arith.index_cast %mul3A_916 : i32 to index
        %get3A_932 = tpu.vector_load %arg26[%get3A_931] {strides = array<i32>} : memref<2000xf32, #tpu.memory_space<vmem>>, vector<16xf32>,
        %get3A_933 = arith.index_cast %mul3A_916 : i32 to index
        %get3A_934 = tpu.vector_load %arg30[%get3A_933] {strides = array<i32>} : memref<2000xf32, #tpu.memory_space<vmem>>, vector<16xf32>,
        %add3A_935 = arith.addf %get3A_924, %get3A_930 : vector<16xf32>
        %sub3A_936 = arith.subf %get3A_918, %add3A_935 : vector<16xf32>
        %add3A_937 = arith.addf %get3A_926, %get3A_932 : vector<16xf32>
        %sub3A_938 = arith.subf %get3A_920, %add3A_937 : vector<16xf32>
        %add3A_939 = arith.addf %get3A_928, %get3A_934 : vector<16xf32>
        %sub3A_940 = arith.subf %get3A_922, %add3A_939 : vector<16xf32>
        %mul3A_941 = arith.mulf %sub3A_936, %sub3A_936 : vector<16xf32>
        %mul3A_942 = arith.mulf %sub3A_938, %sub3A_938 : vector<16xf32>
        %add3A_943 = arith.addf %mul3A_941, %mul3A_942 : vector<16xf32>
        %mul3A_944 = arith.mulf %sub3A_940, %sub3A_940 : vector<16xf32>
        %add3A_945 = arith.addf %add3A_943, %mul3A_944 : vector<16xf32>
        %max3A_946 = arith.constant 1.000000e-30 : f32
        %max3A_947 = vector.broadcast %max3A_946 : f32 to vector<16xf32>
        %max3A_948 = arith.maximumf %add3A_945, %max3A_947 : vector<16xf32>
        %bitcast3A_949 = vector.bitcast %max3A_948 : vector<16xf32> to vector<16xi32>
        %shift_right_arithmetic3A_950 = arith.constant 1 : i32
        %shift_right_arithmetic3A_951 = vector.broadcast %shift_right_arithmetic3A_950 : i32 to vector<16xi32>
        %shift_right_arithmetic3A_952 = arith.shrsi %bitcast3A_949, %shift_right_arithmetic3A_951 : vector<16xi32>
        %sub3A_953 = arith.constant 1597463007 : i32
        %sub3A_954 = vector.broadcast %sub3A_953 : i32 to vector<16xi32>
        %sub3A_955 = arith.subi %sub3A_954, %shift_right_arithmetic3A_952 : vector<16xi32>
        %bitcast3A_956 = vector.bitcast %sub3A_955 : vector<16xi32> to vector<16xf32>
        %mul3A_957 = arith.constant 5.000000e-01 : f32
        %mul3A_958 = vector.broadcast %mul3A_957 : f32 to vector<16xf32>
        %mul3A_959 = arith.mulf %max3A_948, %mul3A_958 : vector<16xf32>
        %mul3A_960 = arith.mulf %mul3A_959, %bitcast3A_956 : vector<16xf32>
        %mul3A_961 = arith.mulf %mul3A_960, %bitcast3A_956 : vector<16xf32>
        %sub3A_962 = arith.constant 1.500000e+00 : f32
        %sub3A_963 = vector.broadcast %sub3A_962 : f32 to vector<16xf32>
        %sub3A_964 = arith.subf %sub3A_963, %mul3A_961 : vector<16xf32>
        %mul3A_965 = arith.mulf %bitcast3A_956, %sub3A_964 : vector<16xf32>
        %mul3A_966 = arith.mulf %mul3A_959, %mul3A_965 : vector<16xf32>
        %mul3A_967 = arith.mulf %mul3A_966, %mul3A_965 : vector<16xf32>
        %sub3A_968 = arith.constant 1.500000e+00 : f32
        %sub3A_969 = vector.broadcast %sub3A_968 : f32 to vector<16xf32>
        %sub3A_970 = arith.subf %sub3A_969, %mul3A_967 : vector<16xf32>
        %mul3A_971 = arith.mulf %mul3A_965, %sub3A_970 : vector<16xf32>
        %mul3A_972 = arith.mulf %mul3A_959, %mul3A_971 : vector<16xf32>
        %mul3A_973 = arith.mulf %mul3A_972, %mul3A_971 : vector<16xf32>
        %sub3A_974 = arith.constant 1.500000e+00 : f32
        %sub3A_975 = vector.broadcast %sub3A_974 : f32 to vector<16xf32>
        %sub3A_976 = arith.subf %sub3A_975, %mul3A_973 : vector<16xf32>
        %mul3A_977 = arith.mulf %mul3A_971, %sub3A_976 : vector<16xf32>
        %mul3A_978 = arith.mulf %max3A_948, %mul3A_977 : vector<16xf32>
        %swap3A_979 = arith.index_cast %mul3A_916 : i32 to index
        %swap3A_980 = tpu.vector_load %arg58[%swap3A_979] {strides = array<i32>} : memref<2000xf32, #tpu.memory_space<vmem>>, vector<16xf32>,
        tpu.vector_store %arg58[%swap3A_979], %mul3A_978 {strides = array<i32>} : memref<2000xf32, #tpu.memory_space<vmem>>, vector<16xf32>,
      }
      %scan3A_237 = arith.constant 124 : i32
      %scan3A_238 = arith.addi %scan3A_233, %scan3A_237 : i32
      %mul3A_239 = arith.constant 16 : i32
      %mul3A_240 = arith.muli %scan3A_238, %mul3A_239 : i32
      %get3A = arith.index_cast %mul3A_240 : i32 to index
      %get3A_241 = tpu.vector_load %arg34[%get3A] {strides = array<i32>} : memref<2000xf32, #tpu.memory_space<vmem>>, vector<16xf32>,
      %get3A_242 = arith.index_cast %mul3A_240 : i32 to index
      %get3A_243 = tpu.vector_load %arg38[%get3A_242] {strides = array<i32>} : memref<2000xf32, #tpu.memory_space<vmem>>, vector<16xf32>,
      %get3A_244 = arith.index_cast %mul3A_240 : i32 to index
      %get3A_245 = tpu.vector_load %arg42[%get3A_244] {strides = array<i32>} : memref<2000xf32, #tpu.memory_space<vmem>>, vector<16xf32>,
      %get3A_246 = arith.index_cast %mul3A_240 : i32 to index
      %get3A_247 = tpu.vector_load %arg46[%get3A_246] {strides = array<i32>} : memref<2000xf32, #tpu.memory_space<vmem>>, vector<16xf32>,
      %get3A_248 = arith.index_cast %mul3A_240 : i32 to index
      %get3A_249 = tpu.vector_load %arg50[%get3A_248] {strides = array<i32>} : memref<2000xf32, #tpu.memory_space<vmem>>, vector<16xf32>,
      %get3A_250 = arith.index_cast %mul3A_240 : i32 to index
      %get3A_251 = tpu.vector_load %arg54[%get3A_250] {strides = array<i32>} : memref<2000xf32, #tpu.memory_space<vmem>>, vector<16xf32>,
      %get3A_252 = arith.index_cast %mul3A_240 : i32 to index
      %get3A_253 = tpu.vector_load %arg22[%get3A_252] {strides = array<i32>} : memref<2000xf32, #tpu.memory_space<vmem>>, vector<16xf32>,
      %get3A_254 = arith.index_cast %mul3A_240 : i32 to index
      %get3A_255 = tpu.vector_load %arg26[%get3A_254] {strides = array<i32>} : memref<2000xf32, #tpu.memory_space<vmem>>, vector<16xf32>,
      %get3A_256 = arith.index_cast %mul3A_240 : i32 to index
      %get3A_257 = tpu.vector_load %arg30[%get3A_256] {strides = array<i32>} : memref<2000xf32, #tpu.memory_space<vmem>>, vector<16xf32>,
      %add3A_258 = arith.addf %get3A_247, %get3A_253 : vector<16xf32>
      %sub3A = arith.subf %get3A_241, %add3A_258 : vector<16xf32>
      %add3A_259 = arith.addf %get3A_249, %get3A_255 : vector<16xf32>
      %sub3A_260 = arith.subf %get3A_243, %add3A_259 : vector<16xf32>
      %add3A_261 = arith.addf %get3A_251, %get3A_257 : vector<16xf32>
      %sub3A_262 = arith.subf %get3A_245, %add3A_261 : vector<16xf32>
      %mul3A_263 = arith.mulf %sub3A, %sub3A : vector<16xf32>
      %mul3A_264 = arith.mulf %sub3A_260, %sub3A_260 : vector<16xf32>
      %add3A_265 = arith.addf %mul3A_263, %mul3A_264 : vector<16xf32>
      %mul3A_266 = arith.mulf %sub3A_262, %sub3A_262 : vector<16xf32>
      %add3A_267 = arith.addf %add3A_265, %mul3A_266 : vector<16xf32>
      %max3A = arith.constant 1.000000e-30 : f32
      %max3A_268 = vector.broadcast %max3A : f32 to vector<16xf32>
      %max3A_269 = arith.maximumf %add3A_267, %max3A_268 : vector<16xf32>
      %bitcast3A = vector.bitcast %max3A_269 : vector<16xf32> to vector<16xi32>
      %shift_right_arithmetic3A = arith.constant 1 : i32
      %shift_right_arithmetic3A_270 = vector.broadcast %shift_right_arithmetic3A : i32 to vector<16xi32>
      %shift_right_arithmetic3A_271 = arith.shrsi %bitcast3A, %shift_right_arithmetic3A_270 : vector<16xi32>
      %sub3A_272 = arith.constant 1597463007 : i32
      %sub3A_273 = vector.broadcast %sub3A_272 : i32 to vector<16xi32>
      %sub3A_274 = arith.subi %sub3A_273, %shift_right_arithmetic3A_271 : vector<16xi32>
      %bitcast3A_275 = vector.bitcast %sub3A_274 : vector<16xi32> to vector<16xf32>
      %mul3A_276 = arith.constant 5.000000e-01 : f32
      %mul3A_277 = vector.broadcast %mul3A_276 : f32 to vector<16xf32>
      %mul3A_278 = arith.mulf %max3A_269, %mul3A_277 : vector<16xf32>
      %mul3A_279 = arith.mulf %mul3A_278, %bitcast3A_275 : vector<16xf32>
      %mul3A_280 = arith.mulf %mul3A_279, %bitcast3A_275 : vector<16xf32>
      %sub3A_281 = arith.constant 1.500000e+00 : f32
      %sub3A_282 = vector.broadcast %sub3A_281 : f32 to vector<16xf32>
      %sub3A_283 = arith.subf %sub3A_282, %mul3A_280 : vector<16xf32>
      %mul3A_284 = arith.mulf %bitcast3A_275, %sub3A_283 : vector<16xf32>
      %mul3A_285 = arith.mulf %mul3A_278, %mul3A_284 : vector<16xf32>
      %mul3A_286 = arith.mulf %mul3A_285, %mul3A_284 : vector<16xf32>
      %sub3A_287 = arith.constant 1.500000e+00 : f32
      %sub3A_288 = vector.broadcast %sub3A_287 : f32 to vector<16xf32>
      %sub3A_289 = arith.subf %sub3A_288, %mul3A_286 : vector<16xf32>
      %mul3A_290 = arith.mulf %mul3A_284, %sub3A_289 : vector<16xf32>
      %mul3A_291 = arith.mulf %mul3A_278, %mul3A_290 : vector<16xf32>
      %mul3A_292 = arith.mulf %mul3A_291, %mul3A_290 : vector<16xf32>
      %sub3A_293 = arith.constant 1.500000e+00 : f32
      %sub3A_294 = vector.broadcast %sub3A_293 : f32 to vector<16xf32>
      %sub3A_295 = arith.subf %sub3A_294, %mul3A_292 : vector<16xf32>
      %mul3A_296 = arith.mulf %mul3A_290, %sub3A_295 : vector<16xf32>
      %mul3A_297 = arith.mulf %max3A_269, %mul3A_296 : vector<16xf32>
      %swap3A = arith.index_cast %mul3A_240 : i32 to index
      %swap3A_298 = tpu.vector_load %arg58[%swap3A] {strides = array<i32>} : memref<2000xf32, #tpu.memory_space<vmem>>, vector<16xf32>,
      tpu.vector_store %arg58[%swap3A], %mul3A_297 {strides = array<i32>} : memref<2000xf32, #tpu.memory_space<vmem>>, vector<16xf32>,
      %scan3A_299 = arith.constant 125 : i32
      %mul3A_300 = arith.constant 2000 : i32
      %mul3A_301 = arith.muli %add3A_185, %mul3A_300 : i32
      %add3A_302 = arith.addi %mul3A_4, %mul3A_301 : i32
      %dma_start3A_303 = arith.constant 0 : i32
      %dma_start3A_304 = tpu.memref_slice %arg10[%add3A_302] : memref<6400000xf32, #tpu.memory_space<hbm>> -> memref<2000xf32, #tpu.memory_space<hbm>>
      %dma_start3A_305 = tpu.memref_slice %arg64[%dma_start3A_303] : memref<4x!tpu.dma_semaphore, #tpu.memory_space<semaphore_mem>> -> memref<1x!tpu.dma_semaphore, #tpu.memory_space<semaphore_mem>>
      %dma_start3A_306 = tpu.memref_squeeze %dma_start3A_305 : memref<1x!tpu.dma_semaphore, #tpu.memory_space<semaphore_mem>> -> memref<!tpu.dma_semaphore, #tpu.memory_space<semaphore_mem>>
      %dma_start3A_307 = tpu.memref_slice %arg10[%add3A_302] : memref<6400000xf32, #tpu.memory_space<hbm>> -> memref<2000xf32, #tpu.memory_space<hbm>>
      tpu.enqueue_dma source(%arg58 : memref<2000xf32, #tpu.memory_space<vmem>>) target(%dma_start3A_307 : memref<2000xf32, #tpu.memory_space<hbm>>) target_semaphore(%dma_start3A_306 : memref<!tpu.dma_semaphore, #tpu.memory_space<semaphore_mem>>)
      %mul3A_308 = arith.constant 4 : i32
      %mul3A_309 = arith.muli %scan3A_181, %mul3A_308 : i32
      %add3A_310 = arith.constant 1 : i32
      %add3A_311 = arith.addi %mul3A_309, %add3A_310 : i32
      %dma_wait3A_312 = arith.constant 1 : i32
      %dma_wait3A_313 = arith.constant 0 : i32
      %dma_wait3A_314 = tpu.memref_slice %arg11[%dma_wait3A_313] : memref<100000xf32, #tpu.memory_space<vmem_shared>> -> memref<100000xf32, #tpu.memory_space<vmem_shared>>
      %dma_wait3A_315 = tpu.memref_slice %arg63[%dma_wait3A_312] : memref<4x!tpu.dma_semaphore, #tpu.memory_space<semaphore_mem>> -> memref<1x!tpu.dma_semaphore, #tpu.memory_space<semaphore_mem>>
      %dma_wait3A_316 = tpu.memref_squeeze %dma_wait3A_315 : memref<1x!tpu.dma_semaphore, #tpu.memory_space<semaphore_mem>> -> memref<!tpu.dma_semaphore, #tpu.memory_space<semaphore_mem>>
      tpu.wait_indirect_dma semaphore(%dma_wait3A_316 : memref<!tpu.dma_semaphore, #tpu.memory_space<semaphore_mem>>) src(%dma_wait3A_314 : memref<100000xf32, #tpu.memory_space<vmem_shared>>) dst(%arg35 : memref<2000xf32, #tpu.memory_space<vmem>>)
      %dma_wait3A_317 = arith.constant 1 : i32
      %dma_wait3A_318 = arith.constant 0 : i32
      %dma_wait3A_319 = tpu.memref_slice %arg12[%dma_wait3A_318] : memref<100000xf32, #tpu.memory_space<vmem_shared>> -> memref<100000xf32, #tpu.memory_space<vmem_shared>>
      %dma_wait3A_320 = tpu.memref_slice %arg63[%dma_wait3A_317] : memref<4x!tpu.dma_semaphore, #tpu.memory_space<semaphore_mem>> -> memref<1x!tpu.dma_semaphore, #tpu.memory_space<semaphore_mem>>
      %dma_wait3A_321 = tpu.memref_squeeze %dma_wait3A_320 : memref<1x!tpu.dma_semaphore, #tpu.memory_space<semaphore_mem>> -> memref<!tpu.dma_semaphore, #tpu.memory_space<semaphore_mem>>
      tpu.wait_indirect_dma semaphore(%dma_wait3A_321 : memref<!tpu.dma_semaphore, #tpu.memory_space<semaphore_mem>>) src(%dma_wait3A_319 : memref<100000xf32, #tpu.memory_space<vmem_shared>>) dst(%arg39 : memref<2000xf32, #tpu.memory_space<vmem>>)
      %dma_wait3A_322 = arith.constant 1 : i32
      %dma_wait3A_323 = arith.constant 0 : i32
      %dma_wait3A_324 = tpu.memref_slice %arg13[%dma_wait3A_323] : memref<100000xf32, #tpu.memory_space<vmem_shared>> -> memref<100000xf32, #tpu.memory_space<vmem_shared>>
      %dma_wait3A_325 = tpu.memref_slice %arg63[%dma_wait3A_322] : memref<4x!tpu.dma_semaphore, #tpu.memory_space<semaphore_mem>> -> memref<1x!tpu.dma_semaphore, #tpu.memory_space<semaphore_mem>>
      %dma_wait3A_326 = tpu.memref_squeeze %dma_wait3A_325 : memref<1x!tpu.dma_semaphore, #tpu.memory_space<semaphore_mem>> -> memref<!tpu.dma_semaphore, #tpu.memory_space<semaphore_mem>>
      tpu.wait_indirect_dma semaphore(%dma_wait3A_326 : memref<!tpu.dma_semaphore, #tpu.memory_space<semaphore_mem>>) src(%dma_wait3A_324 : memref<100000xf32, #tpu.memory_space<vmem_shared>>) dst(%arg43 : memref<2000xf32, #tpu.memory_space<vmem>>)
      %dma_wait3A_327 = arith.constant 1 : i32
      %dma_wait3A_328 = arith.constant 0 : i32
      %dma_wait3A_329 = tpu.memref_slice %arg11[%dma_wait3A_328] : memref<100000xf32, #tpu.memory_space<vmem_shared>> -> memref<100000xf32, #tpu.memory_space<vmem_shared>>
      %dma_wait3A_330 = tpu.memref_slice %arg63[%dma_wait3A_327] : memref<4x!tpu.dma_semaphore, #tpu.memory_space<semaphore_mem>> -> memref<1x!tpu.dma_semaphore, #tpu.memory_space<semaphore_mem>>
      %dma_wait3A_331 = tpu.memref_squeeze %dma_wait3A_330 : memref<1x!tpu.dma_semaphore, #tpu.memory_space<semaphore_mem>> -> memref<!tpu.dma_semaphore, #tpu.memory_space<semaphore_mem>>
      tpu.wait_indirect_dma semaphore(%dma_wait3A_331 : memref<!tpu.dma_semaphore, #tpu.memory_space<semaphore_mem>>) src(%dma_wait3A_329 : memref<100000xf32, #tpu.memory_space<vmem_shared>>) dst(%arg47 : memref<2000xf32, #tpu.memory_space<vmem>>)
      %dma_wait3A_332 = arith.constant 1 : i32
      %dma_wait3A_333 = arith.constant 0 : i32
      %dma_wait3A_334 = tpu.memref_slice %arg12[%dma_wait3A_333] : memref<100000xf32, #tpu.memory_space<vmem_shared>> -> memref<100000xf32, #tpu.memory_space<vmem_shared>>
      %dma_wait3A_335 = tpu.memref_slice %arg63[%dma_wait3A_332] : memref<4x!tpu.dma_semaphore, #tpu.memory_space<semaphore_mem>> -> memref<1x!tpu.dma_semaphore, #tpu.memory_space<semaphore_mem>>
      %dma_wait3A_336 = tpu.memref_squeeze %dma_wait3A_335 : memref<1x!tpu.dma_semaphore, #tpu.memory_space<semaphore_mem>> -> memref<!tpu.dma_semaphore, #tpu.memory_space<semaphore_mem>>
      tpu.wait_indirect_dma semaphore(%dma_wait3A_336 : memref<!tpu.dma_semaphore, #tpu.memory_space<semaphore_mem>>) src(%dma_wait3A_334 : memref<100000xf32, #tpu.memory_space<vmem_shared>>) dst(%arg51 : memref<2000xf32, #tpu.memory_space<vmem>>)
      %dma_wait3A_337 = arith.constant 1 : i32
      %dma_wait3A_338 = arith.constant 0 : i32
      %dma_wait3A_339 = tpu.memref_slice %arg13[%dma_wait3A_338] : memref<100000xf32, #tpu.memory_space<vmem_shared>> -> memref<100000xf32, #tpu.memory_space<vmem_shared>>
      %dma_wait3A_340 = tpu.memref_slice %arg63[%dma_wait3A_337] : memref<4x!tpu.dma_semaphore, #tpu.memory_space<semaphore_mem>> -> memref<1x!tpu.dma_semaphore, #tpu.memory_space<semaphore_mem>>
      %dma_wait3A_341 = tpu.memref_squeeze %dma_wait3A_340 : memref<1x!tpu.dma_semaphore, #tpu.memory_space<semaphore_mem>> -> memref<!tpu.dma_semaphore, #tpu.memory_space<semaphore_mem>>
      tpu.wait_indirect_dma semaphore(%dma_wait3A_341 : memref<!tpu.dma_semaphore, #tpu.memory_space<semaphore_mem>>) src(%dma_wait3A_339 : memref<100000xf32, #tpu.memory_space<vmem_shared>>) dst(%arg55 : memref<2000xf32, #tpu.memory_space<vmem>>)
      %add3A_342 = arith.constant 1 : i32
      %add3A_343 = arith.addi %add3A_311, %add3A_342 : i32
      %lt3A_344 = arith.constant 100 : i32
      %lt3A_345 = arith.cmpi slt, %add3A_343, %lt3A_344 : i32
      %convert_element_type3A_346 = arith.extui %lt3A_345 : i1 to i32
      %cond3A_347 = arith.constant 0 : i32
      %cond3A_348 = arith.cmpi ne, %convert_element_type3A_346, %cond3A_347 : i32
      scf.if %cond3A_348 {
        %dma_wait3A_710 = arith.constant 2 : i32
        %dma_wait3A_711 = arith.constant 0 : i32
        %dma_wait3A_712 = tpu.memref_slice %arg8[%dma_wait3A_711] : memref<6400000xi32, #tpu.memory_space<hbm>> -> memref<2000xi32, #tpu.memory_space<hbm>>
        %dma_wait3A_713 = tpu.memref_slice %arg62[%dma_wait3A_710] : memref<4x!tpu.dma_semaphore, #tpu.memory_space<semaphore_mem>> -> memref<1x!tpu.dma_semaphore, #tpu.memory_space<semaphore_mem>>
        %dma_wait3A_714 = tpu.memref_squeeze %dma_wait3A_713 : memref<1x!tpu.dma_semaphore, #tpu.memory_space<semaphore_mem>> -> memref<!tpu.dma_semaphore, #tpu.memory_space<semaphore_mem>>
        %dma_wait3A_715 = arith.constant 0 : i32
        %dma_wait3A_716 = tpu.memref_slice %arg8[%dma_wait3A_715] : memref<6400000xi32, #tpu.memory_space<hbm>> -> memref<2000xi32, #tpu.memory_space<hbm>>
        tpu.wait_dma2 semaphore(%dma_wait3A_714 : memref<!tpu.dma_semaphore, #tpu.memory_space<semaphore_mem>>) src(%dma_wait3A_716 : memref<2000xi32, #tpu.memory_space<hbm>>) dst(%arg16 : memref<2000xi32, #tpu.memory_space<vmem>>)
        %dma_wait3A_717 = arith.constant 2 : i32
        %dma_wait3A_718 = arith.constant 0 : i32
        %dma_wait3A_719 = tpu.memref_slice %arg9[%dma_wait3A_718] : memref<6400000xi32, #tpu.memory_space<hbm>> -> memref<2000xi32, #tpu.memory_space<hbm>>
        %dma_wait3A_720 = tpu.memref_slice %arg62[%dma_wait3A_717] : memref<4x!tpu.dma_semaphore, #tpu.memory_space<semaphore_mem>> -> memref<1x!tpu.dma_semaphore, #tpu.memory_space<semaphore_mem>>
        %dma_wait3A_721 = tpu.memref_squeeze %dma_wait3A_720 : memref<1x!tpu.dma_semaphore, #tpu.memory_space<semaphore_mem>> -> memref<!tpu.dma_semaphore, #tpu.memory_space<semaphore_mem>>
        %dma_wait3A_722 = arith.constant 0 : i32
        %dma_wait3A_723 = tpu.memref_slice %arg9[%dma_wait3A_722] : memref<6400000xi32, #tpu.memory_space<hbm>> -> memref<2000xi32, #tpu.memory_space<hbm>>
        tpu.wait_dma2 semaphore(%dma_wait3A_721 : memref<!tpu.dma_semaphore, #tpu.memory_space<semaphore_mem>>) src(%dma_wait3A_723 : memref<2000xi32, #tpu.memory_space<hbm>>) dst(%arg20 : memref<2000xi32, #tpu.memory_space<vmem>>)
        %dma_wait3A_724 = arith.constant 2 : i32
        %dma_wait3A_725 = arith.constant 0 : i32
        %dma_wait3A_726 = tpu.memref_slice %arg5[%dma_wait3A_725] : memref<6400000xf32, #tpu.memory_space<hbm>> -> memref<2000xf32, #tpu.memory_space<hbm>>
        %dma_wait3A_727 = tpu.memref_slice %arg62[%dma_wait3A_724] : memref<4x!tpu.dma_semaphore, #tpu.memory_space<semaphore_mem>> -> memref<1x!tpu.dma_semaphore, #tpu.memory_space<semaphore_mem>>
        %dma_wait3A_728 = tpu.memref_squeeze %dma_wait3A_727 : memref<1x!tpu.dma_semaphore, #tpu.memory_space<semaphore_mem>> -> memref<!tpu.dma_semaphore, #tpu.memory_space<semaphore_mem>>
        %dma_wait3A_729 = arith.constant 0 : i32
        %dma_wait3A_730 = tpu.memref_slice %arg5[%dma_wait3A_729] : memref<6400000xf32, #tpu.memory_space<hbm>> -> memref<2000xf32, #tpu.memory_space<hbm>>
        tpu.wait_dma2 semaphore(%dma_wait3A_728 : memref<!tpu.dma_semaphore, #tpu.memory_space<semaphore_mem>>) src(%dma_wait3A_730 : memref<2000xf32, #tpu.memory_space<hbm>>) dst(%arg24 : memref<2000xf32, #tpu.memory_space<vmem>>)
        %dma_wait3A_731 = arith.constant 2 : i32
        %dma_wait3A_732 = arith.constant 0 : i32
        %dma_wait3A_733 = tpu.memref_slice %arg6[%dma_wait3A_732] : memref<6400000xf32, #tpu.memory_space<hbm>> -> memref<2000xf32, #tpu.memory_space<hbm>>
        %dma_wait3A_734 = tpu.memref_slice %arg62[%dma_wait3A_731] : memref<4x!tpu.dma_semaphore, #tpu.memory_space<semaphore_mem>> -> memref<1x!tpu.dma_semaphore, #tpu.memory_space<semaphore_mem>>
        %dma_wait3A_735 = tpu.memref_squeeze %dma_wait3A_734 : memref<1x!tpu.dma_semaphore, #tpu.memory_space<semaphore_mem>> -> memref<!tpu.dma_semaphore, #tpu.memory_space<semaphore_mem>>
        %dma_wait3A_736 = arith.constant 0 : i32
        %dma_wait3A_737 = tpu.memref_slice %arg6[%dma_wait3A_736] : memref<6400000xf32, #tpu.memory_space<hbm>> -> memref<2000xf32, #tpu.memory_space<hbm>>
        tpu.wait_dma2 semaphore(%dma_wait3A_735 : memref<!tpu.dma_semaphore, #tpu.memory_space<semaphore_mem>>) src(%dma_wait3A_737 : memref<2000xf32, #tpu.memory_space<hbm>>) dst(%arg28 : memref<2000xf32, #tpu.memory_space<vmem>>)
        %dma_wait3A_738 = arith.constant 2 : i32
        %dma_wait3A_739 = arith.constant 0 : i32
        %dma_wait3A_740 = tpu.memref_slice %arg7[%dma_wait3A_739] : memref<6400000xf32, #tpu.memory_space<hbm>> -> memref<2000xf32, #tpu.memory_space<hbm>>
        %dma_wait3A_741 = tpu.memref_slice %arg62[%dma_wait3A_738] : memref<4x!tpu.dma_semaphore, #tpu.memory_space<semaphore_mem>> -> memref<1x!tpu.dma_semaphore, #tpu.memory_space<semaphore_mem>>
        %dma_wait3A_742 = tpu.memref_squeeze %dma_wait3A_741 : memref<1x!tpu.dma_semaphore, #tpu.memory_space<semaphore_mem>> -> memref<!tpu.dma_semaphore, #tpu.memory_space<semaphore_mem>>
        %dma_wait3A_743 = arith.constant 0 : i32
        %dma_wait3A_744 = tpu.memref_slice %arg7[%dma_wait3A_743] : memref<6400000xf32, #tpu.memory_space<hbm>> -> memref<2000xf32, #tpu.memory_space<hbm>>
        tpu.wait_dma2 semaphore(%dma_wait3A_742 : memref<!tpu.dma_semaphore, #tpu.memory_space<semaphore_mem>>) src(%dma_wait3A_744 : memref<2000xf32, #tpu.memory_space<hbm>>) dst(%arg32 : memref<2000xf32, #tpu.memory_space<vmem>>)
        %dma_start3A_745 = arith.constant 2 : i32
        %dma_start3A_746 = arith.constant 0 : i32
        %dma_start3A_747 = tpu.memref_slice %arg11[%dma_start3A_746] : memref<100000xf32, #tpu.memory_space<vmem_shared>> -> memref<100000xf32, #tpu.memory_space<vmem_shared>>
        %dma_start3A_748 = tpu.memref_slice %arg63[%dma_start3A_745] : memref<4x!tpu.dma_semaphore, #tpu.memory_space<semaphore_mem>> -> memref<1x!tpu.dma_semaphore, #tpu.memory_space<semaphore_mem>>
        %dma_start3A_749 = tpu.memref_squeeze %dma_start3A_748 : memref<1x!tpu.dma_semaphore, #tpu.memory_space<semaphore_mem>> -> memref<!tpu.dma_semaphore, #tpu.memory_space<semaphore_mem>>
        tpu.enqueue_indirect_dma source(%dma_start3A_747 : memref<100000xf32, #tpu.memory_space<vmem_shared>>) target(%arg36 : memref<2000xf32, #tpu.memory_space<vmem>>) offsets(%arg16 : memref<2000xi32, #tpu.memory_space<vmem>>) semaphore(%dma_start3A_749 : memref<!tpu.dma_semaphore, #tpu.memory_space<semaphore_mem>>)
        %dma_start3A_750 = arith.constant 2 : i32
        %dma_start3A_751 = arith.constant 0 : i32
        %dma_start3A_752 = tpu.memref_slice %arg12[%dma_start3A_751] : memref<100000xf32, #tpu.memory_space<vmem_shared>> -> memref<100000xf32, #tpu.memory_space<vmem_shared>>
        %dma_start3A_753 = tpu.memref_slice %arg63[%dma_start3A_750] : memref<4x!tpu.dma_semaphore, #tpu.memory_space<semaphore_mem>> -> memref<1x!tpu.dma_semaphore, #tpu.memory_space<semaphore_mem>>
        %dma_start3A_754 = tpu.memref_squeeze %dma_start3A_753 : memref<1x!tpu.dma_semaphore, #tpu.memory_space<semaphore_mem>> -> memref<!tpu.dma_semaphore, #tpu.memory_space<semaphore_mem>>
        tpu.enqueue_indirect_dma source(%dma_start3A_752 : memref<100000xf32, #tpu.memory_space<vmem_shared>>) target(%arg40 : memref<2000xf32, #tpu.memory_space<vmem>>) offsets(%arg16 : memref<2000xi32, #tpu.memory_space<vmem>>) semaphore(%dma_start3A_754 : memref<!tpu.dma_semaphore, #tpu.memory_space<semaphore_mem>>)
        %dma_start3A_755 = arith.constant 2 : i32
        %dma_start3A_756 = arith.constant 0 : i32
        %dma_start3A_757 = tpu.memref_slice %arg13[%dma_start3A_756] : memref<100000xf32, #tpu.memory_space<vmem_shared>> -> memref<100000xf32, #tpu.memory_space<vmem_shared>>
        %dma_start3A_758 = tpu.memref_slice %arg63[%dma_start3A_755] : memref<4x!tpu.dma_semaphore, #tpu.memory_space<semaphore_mem>> -> memref<1x!tpu.dma_semaphore, #tpu.memory_space<semaphore_mem>>
        %dma_start3A_759 = tpu.memref_squeeze %dma_start3A_758 : memref<1x!tpu.dma_semaphore, #tpu.memory_space<semaphore_mem>> -> memref<!tpu.dma_semaphore, #tpu.memory_space<semaphore_mem>>
        tpu.enqueue_indirect_dma source(%dma_start3A_757 : memref<100000xf32, #tpu.memory_space<vmem_shared>>) target(%arg44 : memref<2000xf32, #tpu.memory_space<vmem>>) offsets(%arg16 : memref<2000xi32, #tpu.memory_space<vmem>>) semaphore(%dma_start3A_759 : memref<!tpu.dma_semaphore, #tpu.memory_space<semaphore_mem>>)
        %dma_start3A_760 = arith.constant 2 : i32
        %dma_start3A_761 = arith.constant 0 : i32
        %dma_start3A_762 = tpu.memref_slice %arg11[%dma_start3A_761] : memref<100000xf32, #tpu.memory_space<vmem_shared>> -> memref<100000xf32, #tpu.memory_space<vmem_shared>>
        %dma_start3A_763 = tpu.memref_slice %arg63[%dma_start3A_760] : memref<4x!tpu.dma_semaphore, #tpu.memory_space<semaphore_mem>> -> memref<1x!tpu.dma_semaphore, #tpu.memory_space<semaphore_mem>>
        %dma_start3A_764 = tpu.memref_squeeze %dma_start3A_763 : memref<1x!tpu.dma_semaphore, #tpu.memory_space<semaphore_mem>> -> memref<!tpu.dma_semaphore, #tpu.memory_space<semaphore_mem>>
        tpu.enqueue_indirect_dma source(%dma_start3A_762 : memref<100000xf32, #tpu.memory_space<vmem_shared>>) target(%arg48 : memref<2000xf32, #tpu.memory_space<vmem>>) offsets(%arg20 : memref<2000xi32, #tpu.memory_space<vmem>>) semaphore(%dma_start3A_764 : memref<!tpu.dma_semaphore, #tpu.memory_space<semaphore_mem>>)
        %dma_start3A_765 = arith.constant 2 : i32
        %dma_start3A_766 = arith.constant 0 : i32
        %dma_start3A_767 = tpu.memref_slice %arg12[%dma_start3A_766] : memref<100000xf32, #tpu.memory_space<vmem_shared>> -> memref<100000xf32, #tpu.memory_space<vmem_shared>>
        %dma_start3A_768 = tpu.memref_slice %arg63[%dma_start3A_765] : memref<4x!tpu.dma_semaphore, #tpu.memory_space<semaphore_mem>> -> memref<1x!tpu.dma_semaphore, #tpu.memory_space<semaphore_mem>>
        %dma_start3A_769 = tpu.memref_squeeze %dma_start3A_768 : memref<1x!tpu.dma_semaphore, #tpu.memory_space<semaphore_mem>> -> memref<!tpu.dma_semaphore, #tpu.memory_space<semaphore_mem>>
        tpu.enqueue_indirect_dma source(%dma_start3A_767 : memref<100000xf32, #tpu.memory_space<vmem_shared>>) target(%arg52 : memref<2000xf32, #tpu.memory_space<vmem>>) offsets(%arg20 : memref<2000xi32, #tpu.memory_space<vmem>>) semaphore(%dma_start3A_769 : memref<!tpu.dma_semaphore, #tpu.memory_space<semaphore_mem>>)
        %dma_start3A_770 = arith.constant 2 : i32
        %dma_start3A_771 = arith.constant 0 : i32
        %dma_start3A_772 = tpu.memref_slice %arg13[%dma_start3A_771] : memref<100000xf32, #tpu.memory_space<vmem_shared>> -> memref<100000xf32, #tpu.memory_space<vmem_shared>>
        %dma_start3A_773 = tpu.memref_slice %arg63[%dma_start3A_770] : memref<4x!tpu.dma_semaphore, #tpu.memory_space<semaphore_mem>> -> memref<1x!tpu.dma_semaphore, #tpu.memory_space<semaphore_mem>>
        %dma_start3A_774 = tpu.memref_squeeze %dma_start3A_773 : memref<1x!tpu.dma_semaphore, #tpu.memory_space<semaphore_mem>> -> memref<!tpu.dma_semaphore, #tpu.memory_space<semaphore_mem>>
        tpu.enqueue_indirect_dma source(%dma_start3A_772 : memref<100000xf32, #tpu.memory_space<vmem_shared>>) target(%arg56 : memref<2000xf32, #tpu.memory_space<vmem>>) offsets(%arg20 : memref<2000xi32, #tpu.memory_space<vmem>>) semaphore(%dma_start3A_774 : memref<!tpu.dma_semaphore, #tpu.memory_space<semaphore_mem>>)
      } else {
      }
      %add3A_349 = arith.constant 3 : i32
      %add3A_350 = arith.addi %add3A_311, %add3A_349 : i32
      %lt3A_351 = arith.constant 100 : i32
      %lt3A_352 = arith.cmpi slt, %add3A_350, %lt3A_351 : i32
      %convert_element_type3A_353 = arith.extui %lt3A_352 : i1 to i32
      %cond3A_354 = arith.constant 0 : i32
      %cond3A_355 = arith.cmpi ne, %convert_element_type3A_353, %cond3A_354 : i32
      scf.if %cond3A_355 {
        %add3A_710 = arith.constant 3 : i32
        %add3A_711 = arith.addi %add3A_311, %add3A_710 : i32
        %mul3A_712 = arith.constant 2000 : i32
        %mul3A_713 = arith.muli %add3A_711, %mul3A_712 : i32
        %add3A_714 = arith.addi %mul3A_4, %mul3A_713 : i32
        %dma_start3A_715 = arith.constant 0 : i32
        %dma_start3A_716 = tpu.memref_slice %arg8[%add3A_714] : memref<6400000xi32, #tpu.memory_space<hbm>> -> memref<2000xi32, #tpu.memory_space<hbm>>
        %dma_start3A_717 = tpu.memref_slice %arg62[%dma_start3A_715] : memref<4x!tpu.dma_semaphore, #tpu.memory_space<semaphore_mem>> -> memref<1x!tpu.dma_semaphore, #tpu.memory_space<semaphore_mem>>
        %dma_start3A_718 = tpu.memref_squeeze %dma_start3A_717 : memref<1x!tpu.dma_semaphore, #tpu.memory_space<semaphore_mem>> -> memref<!tpu.dma_semaphore, #tpu.memory_space<semaphore_mem>>
        %dma_start3A_719 = tpu.memref_slice %arg8[%add3A_714] : memref<6400000xi32, #tpu.memory_space<hbm>> -> memref<2000xi32, #tpu.memory_space<hbm>>
        tpu.enqueue_dma source(%dma_start3A_719 : memref<2000xi32, #tpu.memory_space<hbm>>) target(%arg14 : memref<2000xi32, #tpu.memory_space<vmem>>) target_semaphore(%dma_start3A_718 : memref<!tpu.dma_semaphore, #tpu.memory_space<semaphore_mem>>)
        %dma_start3A_720 = arith.constant 0 : i32
        %dma_start3A_721 = tpu.memref_slice %arg9[%add3A_714] : memref<6400000xi32, #tpu.memory_space<hbm>> -> memref<2000xi32, #tpu.memory_space<hbm>>
        %dma_start3A_722 = tpu.memref_slice %arg62[%dma_start3A_720] : memref<4x!tpu.dma_semaphore, #tpu.memory_space<semaphore_mem>> -> memref<1x!tpu.dma_semaphore, #tpu.memory_space<semaphore_mem>>
        %dma_start3A_723 = tpu.memref_squeeze %dma_start3A_722 : memref<1x!tpu.dma_semaphore, #tpu.memory_space<semaphore_mem>> -> memref<!tpu.dma_semaphore, #tpu.memory_space<semaphore_mem>>
        %dma_start3A_724 = tpu.memref_slice %arg9[%add3A_714] : memref<6400000xi32, #tpu.memory_space<hbm>> -> memref<2000xi32, #tpu.memory_space<hbm>>
        tpu.enqueue_dma source(%dma_start3A_724 : memref<2000xi32, #tpu.memory_space<hbm>>) target(%arg18 : memref<2000xi32, #tpu.memory_space<vmem>>) target_semaphore(%dma_start3A_723 : memref<!tpu.dma_semaphore, #tpu.memory_space<semaphore_mem>>)
        %dma_start3A_725 = arith.constant 0 : i32
        %dma_start3A_726 = tpu.memref_slice %arg5[%add3A_714] : memref<6400000xf32, #tpu.memory_space<hbm>> -> memref<2000xf32, #tpu.memory_space<hbm>>
        %dma_start3A_727 = tpu.memref_slice %arg62[%dma_start3A_725] : memref<4x!tpu.dma_semaphore, #tpu.memory_space<semaphore_mem>> -> memref<1x!tpu.dma_semaphore, #tpu.memory_space<semaphore_mem>>
        %dma_start3A_728 = tpu.memref_squeeze %dma_start3A_727 : memref<1x!tpu.dma_semaphore, #tpu.memory_space<semaphore_mem>> -> memref<!tpu.dma_semaphore, #tpu.memory_space<semaphore_mem>>
        %dma_start3A_729 = tpu.memref_slice %arg5[%add3A_714] : memref<6400000xf32, #tpu.memory_space<hbm>> -> memref<2000xf32, #tpu.memory_space<hbm>>
        tpu.enqueue_dma source(%dma_start3A_729 : memref<2000xf32, #tpu.memory_space<hbm>>) target(%arg22 : memref<2000xf32, #tpu.memory_space<vmem>>) target_semaphore(%dma_start3A_728 : memref<!tpu.dma_semaphore, #tpu.memory_space<semaphore_mem>>)
        %dma_start3A_730 = arith.constant 0 : i32
        %dma_start3A_731 = tpu.memref_slice %arg6[%add3A_714] : memref<6400000xf32, #tpu.memory_space<hbm>> -> memref<2000xf32, #tpu.memory_space<hbm>>
        %dma_start3A_732 = tpu.memref_slice %arg62[%dma_start3A_730] : memref<4x!tpu.dma_semaphore, #tpu.memory_space<semaphore_mem>> -> memref<1x!tpu.dma_semaphore, #tpu.memory_space<semaphore_mem>>
        %dma_start3A_733 = tpu.memref_squeeze %dma_start3A_732 : memref<1x!tpu.dma_semaphore, #tpu.memory_space<semaphore_mem>> -> memref<!tpu.dma_semaphore, #tpu.memory_space<semaphore_mem>>
        %dma_start3A_734 = tpu.memref_slice %arg6[%add3A_714] : memref<6400000xf32, #tpu.memory_space<hbm>> -> memref<2000xf32, #tpu.memory_space<hbm>>
        tpu.enqueue_dma source(%dma_start3A_734 : memref<2000xf32, #tpu.memory_space<hbm>>) target(%arg26 : memref<2000xf32, #tpu.memory_space<vmem>>) target_semaphore(%dma_start3A_733 : memref<!tpu.dma_semaphore, #tpu.memory_space<semaphore_mem>>)
        %dma_start3A_735 = arith.constant 0 : i32
        %dma_start3A_736 = tpu.memref_slice %arg7[%add3A_714] : memref<6400000xf32, #tpu.memory_space<hbm>> -> memref<2000xf32, #tpu.memory_space<hbm>>
        %dma_start3A_737 = tpu.memref_slice %arg62[%dma_start3A_735] : memref<4x!tpu.dma_semaphore, #tpu.memory_space<semaphore_mem>> -> memref<1x!tpu.dma_semaphore, #tpu.memory_space<semaphore_mem>>
        %dma_start3A_738 = tpu.memref_squeeze %dma_start3A_737 : memref<1x!tpu.dma_semaphore, #tpu.memory_space<semaphore_mem>> -> memref<!tpu.dma_semaphore, #tpu.memory_space<semaphore_mem>>
        %dma_start3A_739 = tpu.memref_slice %arg7[%add3A_714] : memref<6400000xf32, #tpu.memory_space<hbm>> -> memref<2000xf32, #tpu.memory_space<hbm>>
        tpu.enqueue_dma source(%dma_start3A_739 : memref<2000xf32, #tpu.memory_space<hbm>>) target(%arg30 : memref<2000xf32, #tpu.memory_space<vmem>>) target_semaphore(%dma_start3A_738 : memref<!tpu.dma_semaphore, #tpu.memory_space<semaphore_mem>>)
      } else {
      }
      %ge3A_356 = arith.constant 4 : i32
      %ge3A_357 = arith.cmpi sge, %add3A_311, %ge3A_356 : i32
      %convert_element_type3A_358 = arith.extui %ge3A_357 : i1 to i32
      %cond3A_359 = arith.constant 0 : i32
      %cond3A_360 = arith.cmpi ne, %convert_element_type3A_358, %cond3A_359 : i32
      scf.if %cond3A_360 {
        %dma_wait3A_710 = arith.constant 1 : i32
        %dma_wait3A_711 = arith.constant 0 : i32
        %dma_wait3A_712 = tpu.memref_slice %arg10[%dma_wait3A_711] : memref<6400000xf32, #tpu.memory_space<hbm>> -> memref<2000xf32, #tpu.memory_space<hbm>>
        %dma_wait3A_713 = tpu.memref_slice %arg64[%dma_wait3A_710] : memref<4x!tpu.dma_semaphore, #tpu.memory_space<semaphore_mem>> -> memref<1x!tpu.dma_semaphore, #tpu.memory_space<semaphore_mem>>
        %dma_wait3A_714 = tpu.memref_squeeze %dma_wait3A_713 : memref<1x!tpu.dma_semaphore, #tpu.memory_space<semaphore_mem>> -> memref<!tpu.dma_semaphore, #tpu.memory_space<semaphore_mem>>
        %dma_wait3A_715 = arith.constant 0 : i32
        %dma_wait3A_716 = tpu.memref_slice %arg10[%dma_wait3A_715] : memref<6400000xf32, #tpu.memory_space<hbm>> -> memref<2000xf32, #tpu.memory_space<hbm>>
        tpu.wait_dma2 semaphore(%dma_wait3A_714 : memref<!tpu.dma_semaphore, #tpu.memory_space<semaphore_mem>>) src(%arg59 : memref<2000xf32, #tpu.memory_space<vmem>>) dst(%dma_wait3A_716 : memref<2000xf32, #tpu.memory_space<hbm>>)
      } else {
      }
      %scan3A_361 = arith.constant 0 : i32
      %scan3A_362 = arith.constant 124 : i32
      %scan3A_363 = arith.addi %scan3A_361, %scan3A_362 : i32
      %scan3A_364 = arith.constant 4 : i32
      scf.for %scan3A_710 = %scan3A_361 to %scan3A_363 step %scan3A_364  : i32 {
        %mul3A_711 = arith.constant 16 : i32
        %mul3A_712 = arith.muli %scan3A_710, %mul3A_711 : i32
        %get3A_713 = arith.index_cast %mul3A_712 : i32 to index
        %get3A_714 = tpu.vector_load %arg35[%get3A_713] {strides = array<i32>} : memref<2000xf32, #tpu.memory_space<vmem>>, vector<16xf32>,
        %get3A_715 = arith.index_cast %mul3A_712 : i32 to index
        %get3A_716 = tpu.vector_load %arg39[%get3A_715] {strides = array<i32>} : memref<2000xf32, #tpu.memory_space<vmem>>, vector<16xf32>,
        %get3A_717 = arith.index_cast %mul3A_712 : i32 to index
        %get3A_718 = tpu.vector_load %arg43[%get3A_717] {strides = array<i32>} : memref<2000xf32, #tpu.memory_space<vmem>>, vector<16xf32>,
        %get3A_719 = arith.index_cast %mul3A_712 : i32 to index
        %get3A_720 = tpu.vector_load %arg47[%get3A_719] {strides = array<i32>} : memref<2000xf32, #tpu.memory_space<vmem>>, vector<16xf32>,
        %get3A_721 = arith.index_cast %mul3A_712 : i32 to index
        %get3A_722 = tpu.vector_load %arg51[%get3A_721] {strides = array<i32>} : memref<2000xf32, #tpu.memory_space<vmem>>, vector<16xf32>,
        %get3A_723 = arith.index_cast %mul3A_712 : i32 to index
        %get3A_724 = tpu.vector_load %arg55[%get3A_723] {strides = array<i32>} : memref<2000xf32, #tpu.memory_space<vmem>>, vector<16xf32>,
        %get3A_725 = arith.index_cast %mul3A_712 : i32 to index
        %get3A_726 = tpu.vector_load %arg23[%get3A_725] {strides = array<i32>} : memref<2000xf32, #tpu.memory_space<vmem>>, vector<16xf32>,
        %get3A_727 = arith.index_cast %mul3A_712 : i32 to index
        %get3A_728 = tpu.vector_load %arg27[%get3A_727] {strides = array<i32>} : memref<2000xf32, #tpu.memory_space<vmem>>, vector<16xf32>,
        %get3A_729 = arith.index_cast %mul3A_712 : i32 to index
        %get3A_730 = tpu.vector_load %arg31[%get3A_729] {strides = array<i32>} : memref<2000xf32, #tpu.memory_space<vmem>>, vector<16xf32>,
        %add3A_731 = arith.addf %get3A_720, %get3A_726 : vector<16xf32>
        %sub3A_732 = arith.subf %get3A_714, %add3A_731 : vector<16xf32>
        %add3A_733 = arith.addf %get3A_722, %get3A_728 : vector<16xf32>
        %sub3A_734 = arith.subf %get3A_716, %add3A_733 : vector<16xf32>
        %add3A_735 = arith.addf %get3A_724, %get3A_730 : vector<16xf32>
        %sub3A_736 = arith.subf %get3A_718, %add3A_735 : vector<16xf32>
        %mul3A_737 = arith.mulf %sub3A_732, %sub3A_732 : vector<16xf32>
        %mul3A_738 = arith.mulf %sub3A_734, %sub3A_734 : vector<16xf32>
        %add3A_739 = arith.addf %mul3A_737, %mul3A_738 : vector<16xf32>
        %mul3A_740 = arith.mulf %sub3A_736, %sub3A_736 : vector<16xf32>
        %add3A_741 = arith.addf %add3A_739, %mul3A_740 : vector<16xf32>
        %max3A_742 = arith.constant 1.000000e-30 : f32
        %max3A_743 = vector.broadcast %max3A_742 : f32 to vector<16xf32>
        %max3A_744 = arith.maximumf %add3A_741, %max3A_743 : vector<16xf32>
        %bitcast3A_745 = vector.bitcast %max3A_744 : vector<16xf32> to vector<16xi32>
        %shift_right_arithmetic3A_746 = arith.constant 1 : i32
        %shift_right_arithmetic3A_747 = vector.broadcast %shift_right_arithmetic3A_746 : i32 to vector<16xi32>
        %shift_right_arithmetic3A_748 = arith.shrsi %bitcast3A_745, %shift_right_arithmetic3A_747 : vector<16xi32>
        %sub3A_749 = arith.constant 1597463007 : i32
        %sub3A_750 = vector.broadcast %sub3A_749 : i32 to vector<16xi32>
        %sub3A_751 = arith.subi %sub3A_750, %shift_right_arithmetic3A_748 : vector<16xi32>
        %bitcast3A_752 = vector.bitcast %sub3A_751 : vector<16xi32> to vector<16xf32>
        %mul3A_753 = arith.constant 5.000000e-01 : f32
        %mul3A_754 = vector.broadcast %mul3A_753 : f32 to vector<16xf32>
        %mul3A_755 = arith.mulf %max3A_744, %mul3A_754 : vector<16xf32>
        %mul3A_756 = arith.mulf %mul3A_755, %bitcast3A_752 : vector<16xf32>
        %mul3A_757 = arith.mulf %mul3A_756, %bitcast3A_752 : vector<16xf32>
        %sub3A_758 = arith.constant 1.500000e+00 : f32
        %sub3A_759 = vector.broadcast %sub3A_758 : f32 to vector<16xf32>
        %sub3A_760 = arith.subf %sub3A_759, %mul3A_757 : vector<16xf32>
        %mul3A_761 = arith.mulf %bitcast3A_752, %sub3A_760 : vector<16xf32>
        %mul3A_762 = arith.mulf %mul3A_755, %mul3A_761 : vector<16xf32>
        %mul3A_763 = arith.mulf %mul3A_762, %mul3A_761 : vector<16xf32>
        %sub3A_764 = arith.constant 1.500000e+00 : f32
        %sub3A_765 = vector.broadcast %sub3A_764 : f32 to vector<16xf32>
        %sub3A_766 = arith.subf %sub3A_765, %mul3A_763 : vector<16xf32>
        %mul3A_767 = arith.mulf %mul3A_761, %sub3A_766 : vector<16xf32>
        %mul3A_768 = arith.mulf %mul3A_755, %mul3A_767 : vector<16xf32>
        %mul3A_769 = arith.mulf %mul3A_768, %mul3A_767 : vector<16xf32>
        %sub3A_770 = arith.constant 1.500000e+00 : f32
        %sub3A_771 = vector.broadcast %sub3A_770 : f32 to vector<16xf32>
        %sub3A_772 = arith.subf %sub3A_771, %mul3A_769 : vector<16xf32>
        %mul3A_773 = arith.mulf %mul3A_767, %sub3A_772 : vector<16xf32>
        %mul3A_774 = arith.mulf %max3A_744, %mul3A_773 : vector<16xf32>
        %swap3A_775 = arith.index_cast %mul3A_712 : i32 to index
        %swap3A_776 = tpu.vector_load %arg59[%swap3A_775] {strides = array<i32>} : memref<2000xf32, #tpu.memory_space<vmem>>, vector<16xf32>,
        tpu.vector_store %arg59[%swap3A_775], %mul3A_774 {strides = array<i32>} : memref<2000xf32, #tpu.memory_space<vmem>>, vector<16xf32>,
        %scan3A_777 = arith.constant 1 : i32
        %scan3A_778 = arith.addi %scan3A_710, %scan3A_777 : i32
        %mul3A_779 = arith.constant 16 : i32
        %mul3A_780 = arith.muli %scan3A_778, %mul3A_779 : i32
        %get3A_781 = arith.index_cast %mul3A_780 : i32 to index
        %get3A_782 = tpu.vector_load %arg35[%get3A_781] {strides = array<i32>} : memref<2000xf32, #tpu.memory_space<vmem>>, vector<16xf32>,
        %get3A_783 = arith.index_cast %mul3A_780 : i32 to index
        %get3A_784 = tpu.vector_load %arg39[%get3A_783] {strides = array<i32>} : memref<2000xf32, #tpu.memory_space<vmem>>, vector<16xf32>,
        %get3A_785 = arith.index_cast %mul3A_780 : i32 to index
        %get3A_786 = tpu.vector_load %arg43[%get3A_785] {strides = array<i32>} : memref<2000xf32, #tpu.memory_space<vmem>>, vector<16xf32>,
        %get3A_787 = arith.index_cast %mul3A_780 : i32 to index
        %get3A_788 = tpu.vector_load %arg47[%get3A_787] {strides = array<i32>} : memref<2000xf32, #tpu.memory_space<vmem>>, vector<16xf32>,
        %get3A_789 = arith.index_cast %mul3A_780 : i32 to index
        %get3A_790 = tpu.vector_load %arg51[%get3A_789] {strides = array<i32>} : memref<2000xf32, #tpu.memory_space<vmem>>, vector<16xf32>,
        %get3A_791 = arith.index_cast %mul3A_780 : i32 to index
        %get3A_792 = tpu.vector_load %arg55[%get3A_791] {strides = array<i32>} : memref<2000xf32, #tpu.memory_space<vmem>>, vector<16xf32>,
        %get3A_793 = arith.index_cast %mul3A_780 : i32 to index
        %get3A_794 = tpu.vector_load %arg23[%get3A_793] {strides = array<i32>} : memref<2000xf32, #tpu.memory_space<vmem>>, vector<16xf32>,
        %get3A_795 = arith.index_cast %mul3A_780 : i32 to index
        %get3A_796 = tpu.vector_load %arg27[%get3A_795] {strides = array<i32>} : memref<2000xf32, #tpu.memory_space<vmem>>, vector<16xf32>,
        %get3A_797 = arith.index_cast %mul3A_780 : i32 to index
        %get3A_798 = tpu.vector_load %arg31[%get3A_797] {strides = array<i32>} : memref<2000xf32, #tpu.memory_space<vmem>>, vector<16xf32>,
        %add3A_799 = arith.addf %get3A_788, %get3A_794 : vector<16xf32>
        %sub3A_800 = arith.subf %get3A_782, %add3A_799 : vector<16xf32>
        %add3A_801 = arith.addf %get3A_790, %get3A_796 : vector<16xf32>
        %sub3A_802 = arith.subf %get3A_784, %add3A_801 : vector<16xf32>
        %add3A_803 = arith.addf %get3A_792, %get3A_798 : vector<16xf32>
        %sub3A_804 = arith.subf %get3A_786, %add3A_803 : vector<16xf32>
        %mul3A_805 = arith.mulf %sub3A_800, %sub3A_800 : vector<16xf32>
        %mul3A_806 = arith.mulf %sub3A_802, %sub3A_802 : vector<16xf32>
        %add3A_807 = arith.addf %mul3A_805, %mul3A_806 : vector<16xf32>
        %mul3A_808 = arith.mulf %sub3A_804, %sub3A_804 : vector<16xf32>
        %add3A_809 = arith.addf %add3A_807, %mul3A_808 : vector<16xf32>
        %max3A_810 = arith.constant 1.000000e-30 : f32
        %max3A_811 = vector.broadcast %max3A_810 : f32 to vector<16xf32>
        %max3A_812 = arith.maximumf %add3A_809, %max3A_811 : vector<16xf32>
        %bitcast3A_813 = vector.bitcast %max3A_812 : vector<16xf32> to vector<16xi32>
        %shift_right_arithmetic3A_814 = arith.constant 1 : i32
        %shift_right_arithmetic3A_815 = vector.broadcast %shift_right_arithmetic3A_814 : i32 to vector<16xi32>
        %shift_right_arithmetic3A_816 = arith.shrsi %bitcast3A_813, %shift_right_arithmetic3A_815 : vector<16xi32>
        %sub3A_817 = arith.constant 1597463007 : i32
        %sub3A_818 = vector.broadcast %sub3A_817 : i32 to vector<16xi32>
        %sub3A_819 = arith.subi %sub3A_818, %shift_right_arithmetic3A_816 : vector<16xi32>
        %bitcast3A_820 = vector.bitcast %sub3A_819 : vector<16xi32> to vector<16xf32>
        %mul3A_821 = arith.constant 5.000000e-01 : f32
        %mul3A_822 = vector.broadcast %mul3A_821 : f32 to vector<16xf32>
        %mul3A_823 = arith.mulf %max3A_812, %mul3A_822 : vector<16xf32>
        %mul3A_824 = arith.mulf %mul3A_823, %bitcast3A_820 : vector<16xf32>
        %mul3A_825 = arith.mulf %mul3A_824, %bitcast3A_820 : vector<16xf32>
        %sub3A_826 = arith.constant 1.500000e+00 : f32
        %sub3A_827 = vector.broadcast %sub3A_826 : f32 to vector<16xf32>
        %sub3A_828 = arith.subf %sub3A_827, %mul3A_825 : vector<16xf32>
        %mul3A_829 = arith.mulf %bitcast3A_820, %sub3A_828 : vector<16xf32>
        %mul3A_830 = arith.mulf %mul3A_823, %mul3A_829 : vector<16xf32>
        %mul3A_831 = arith.mulf %mul3A_830, %mul3A_829 : vector<16xf32>
        %sub3A_832 = arith.constant 1.500000e+00 : f32
        %sub3A_833 = vector.broadcast %sub3A_832 : f32 to vector<16xf32>
        %sub3A_834 = arith.subf %sub3A_833, %mul3A_831 : vector<16xf32>
        %mul3A_835 = arith.mulf %mul3A_829, %sub3A_834 : vector<16xf32>
        %mul3A_836 = arith.mulf %mul3A_823, %mul3A_835 : vector<16xf32>
        %mul3A_837 = arith.mulf %mul3A_836, %mul3A_835 : vector<16xf32>
        %sub3A_838 = arith.constant 1.500000e+00 : f32
        %sub3A_839 = vector.broadcast %sub3A_838 : f32 to vector<16xf32>
        %sub3A_840 = arith.subf %sub3A_839, %mul3A_837 : vector<16xf32>
        %mul3A_841 = arith.mulf %mul3A_835, %sub3A_840 : vector<16xf32>
        %mul3A_842 = arith.mulf %max3A_812, %mul3A_841 : vector<16xf32>
        %swap3A_843 = arith.index_cast %mul3A_780 : i32 to index
        %swap3A_844 = tpu.vector_load %arg59[%swap3A_843] {strides = array<i32>} : memref<2000xf32, #tpu.memory_space<vmem>>, vector<16xf32>,
        tpu.vector_store %arg59[%swap3A_843], %mul3A_842 {strides = array<i32>} : memref<2000xf32, #tpu.memory_space<vmem>>, vector<16xf32>,
        %scan3A_845 = arith.constant 2 : i32
        %scan3A_846 = arith.addi %scan3A_710, %scan3A_845 : i32
        %mul3A_847 = arith.constant 16 : i32
        %mul3A_848 = arith.muli %scan3A_846, %mul3A_847 : i32
        %get3A_849 = arith.index_cast %mul3A_848 : i32 to index
        %get3A_850 = tpu.vector_load %arg35[%get3A_849] {strides = array<i32>} : memref<2000xf32, #tpu.memory_space<vmem>>, vector<16xf32>,
        %get3A_851 = arith.index_cast %mul3A_848 : i32 to index
        %get3A_852 = tpu.vector_load %arg39[%get3A_851] {strides = array<i32>} : memref<2000xf32, #tpu.memory_space<vmem>>, vector<16xf32>,
        %get3A_853 = arith.index_cast %mul3A_848 : i32 to index
        %get3A_854 = tpu.vector_load %arg43[%get3A_853] {strides = array<i32>} : memref<2000xf32, #tpu.memory_space<vmem>>, vector<16xf32>,
        %get3A_855 = arith.index_cast %mul3A_848 : i32 to index
        %get3A_856 = tpu.vector_load %arg47[%get3A_855] {strides = array<i32>} : memref<2000xf32, #tpu.memory_space<vmem>>, vector<16xf32>,
        %get3A_857 = arith.index_cast %mul3A_848 : i32 to index
        %get3A_858 = tpu.vector_load %arg51[%get3A_857] {strides = array<i32>} : memref<2000xf32, #tpu.memory_space<vmem>>, vector<16xf32>,
        %get3A_859 = arith.index_cast %mul3A_848 : i32 to index
        %get3A_860 = tpu.vector_load %arg55[%get3A_859] {strides = array<i32>} : memref<2000xf32, #tpu.memory_space<vmem>>, vector<16xf32>,
        %get3A_861 = arith.index_cast %mul3A_848 : i32 to index
        %get3A_862 = tpu.vector_load %arg23[%get3A_861] {strides = array<i32>} : memref<2000xf32, #tpu.memory_space<vmem>>, vector<16xf32>,
        %get3A_863 = arith.index_cast %mul3A_848 : i32 to index
        %get3A_864 = tpu.vector_load %arg27[%get3A_863] {strides = array<i32>} : memref<2000xf32, #tpu.memory_space<vmem>>, vector<16xf32>,
        %get3A_865 = arith.index_cast %mul3A_848 : i32 to index
        %get3A_866 = tpu.vector_load %arg31[%get3A_865] {strides = array<i32>} : memref<2000xf32, #tpu.memory_space<vmem>>, vector<16xf32>,
        %add3A_867 = arith.addf %get3A_856, %get3A_862 : vector<16xf32>
        %sub3A_868 = arith.subf %get3A_850, %add3A_867 : vector<16xf32>
        %add3A_869 = arith.addf %get3A_858, %get3A_864 : vector<16xf32>
        %sub3A_870 = arith.subf %get3A_852, %add3A_869 : vector<16xf32>
        %add3A_871 = arith.addf %get3A_860, %get3A_866 : vector<16xf32>
        %sub3A_872 = arith.subf %get3A_854, %add3A_871 : vector<16xf32>
        %mul3A_873 = arith.mulf %sub3A_868, %sub3A_868 : vector<16xf32>
        %mul3A_874 = arith.mulf %sub3A_870, %sub3A_870 : vector<16xf32>
        %add3A_875 = arith.addf %mul3A_873, %mul3A_874 : vector<16xf32>
        %mul3A_876 = arith.mulf %sub3A_872, %sub3A_872 : vector<16xf32>
        %add3A_877 = arith.addf %add3A_875, %mul3A_876 : vector<16xf32>
        %max3A_878 = arith.constant 1.000000e-30 : f32
        %max3A_879 = vector.broadcast %max3A_878 : f32 to vector<16xf32>
        %max3A_880 = arith.maximumf %add3A_877, %max3A_879 : vector<16xf32>
        %bitcast3A_881 = vector.bitcast %max3A_880 : vector<16xf32> to vector<16xi32>
        %shift_right_arithmetic3A_882 = arith.constant 1 : i32
        %shift_right_arithmetic3A_883 = vector.broadcast %shift_right_arithmetic3A_882 : i32 to vector<16xi32>
        %shift_right_arithmetic3A_884 = arith.shrsi %bitcast3A_881, %shift_right_arithmetic3A_883 : vector<16xi32>
        %sub3A_885 = arith.constant 1597463007 : i32
        %sub3A_886 = vector.broadcast %sub3A_885 : i32 to vector<16xi32>
        %sub3A_887 = arith.subi %sub3A_886, %shift_right_arithmetic3A_884 : vector<16xi32>
        %bitcast3A_888 = vector.bitcast %sub3A_887 : vector<16xi32> to vector<16xf32>
        %mul3A_889 = arith.constant 5.000000e-01 : f32
        %mul3A_890 = vector.broadcast %mul3A_889 : f32 to vector<16xf32>
        %mul3A_891 = arith.mulf %max3A_880, %mul3A_890 : vector<16xf32>
        %mul3A_892 = arith.mulf %mul3A_891, %bitcast3A_888 : vector<16xf32>
        %mul3A_893 = arith.mulf %mul3A_892, %bitcast3A_888 : vector<16xf32>
        %sub3A_894 = arith.constant 1.500000e+00 : f32
        %sub3A_895 = vector.broadcast %sub3A_894 : f32 to vector<16xf32>
        %sub3A_896 = arith.subf %sub3A_895, %mul3A_893 : vector<16xf32>
        %mul3A_897 = arith.mulf %bitcast3A_888, %sub3A_896 : vector<16xf32>
        %mul3A_898 = arith.mulf %mul3A_891, %mul3A_897 : vector<16xf32>
        %mul3A_899 = arith.mulf %mul3A_898, %mul3A_897 : vector<16xf32>
        %sub3A_900 = arith.constant 1.500000e+00 : f32
        %sub3A_901 = vector.broadcast %sub3A_900 : f32 to vector<16xf32>
        %sub3A_902 = arith.subf %sub3A_901, %mul3A_899 : vector<16xf32>
        %mul3A_903 = arith.mulf %mul3A_897, %sub3A_902 : vector<16xf32>
        %mul3A_904 = arith.mulf %mul3A_891, %mul3A_903 : vector<16xf32>
        %mul3A_905 = arith.mulf %mul3A_904, %mul3A_903 : vector<16xf32>
        %sub3A_906 = arith.constant 1.500000e+00 : f32
        %sub3A_907 = vector.broadcast %sub3A_906 : f32 to vector<16xf32>
        %sub3A_908 = arith.subf %sub3A_907, %mul3A_905 : vector<16xf32>
        %mul3A_909 = arith.mulf %mul3A_903, %sub3A_908 : vector<16xf32>
        %mul3A_910 = arith.mulf %max3A_880, %mul3A_909 : vector<16xf32>
        %swap3A_911 = arith.index_cast %mul3A_848 : i32 to index
        %swap3A_912 = tpu.vector_load %arg59[%swap3A_911] {strides = array<i32>} : memref<2000xf32, #tpu.memory_space<vmem>>, vector<16xf32>,
        tpu.vector_store %arg59[%swap3A_911], %mul3A_910 {strides = array<i32>} : memref<2000xf32, #tpu.memory_space<vmem>>, vector<16xf32>,
        %scan3A_913 = arith.constant 3 : i32
        %scan3A_914 = arith.addi %scan3A_710, %scan3A_913 : i32
        %mul3A_915 = arith.constant 16 : i32
        %mul3A_916 = arith.muli %scan3A_914, %mul3A_915 : i32
        %get3A_917 = arith.index_cast %mul3A_916 : i32 to index
        %get3A_918 = tpu.vector_load %arg35[%get3A_917] {strides = array<i32>} : memref<2000xf32, #tpu.memory_space<vmem>>, vector<16xf32>,
        %get3A_919 = arith.index_cast %mul3A_916 : i32 to index
        %get3A_920 = tpu.vector_load %arg39[%get3A_919] {strides = array<i32>} : memref<2000xf32, #tpu.memory_space<vmem>>, vector<16xf32>,
        %get3A_921 = arith.index_cast %mul3A_916 : i32 to index
        %get3A_922 = tpu.vector_load %arg43[%get3A_921] {strides = array<i32>} : memref<2000xf32, #tpu.memory_space<vmem>>, vector<16xf32>,
        %get3A_923 = arith.index_cast %mul3A_916 : i32 to index
        %get3A_924 = tpu.vector_load %arg47[%get3A_923] {strides = array<i32>} : memref<2000xf32, #tpu.memory_space<vmem>>, vector<16xf32>,
        %get3A_925 = arith.index_cast %mul3A_916 : i32 to index
        %get3A_926 = tpu.vector_load %arg51[%get3A_925] {strides = array<i32>} : memref<2000xf32, #tpu.memory_space<vmem>>, vector<16xf32>,
        %get3A_927 = arith.index_cast %mul3A_916 : i32 to index
        %get3A_928 = tpu.vector_load %arg55[%get3A_927] {strides = array<i32>} : memref<2000xf32, #tpu.memory_space<vmem>>, vector<16xf32>,
        %get3A_929 = arith.index_cast %mul3A_916 : i32 to index
        %get3A_930 = tpu.vector_load %arg23[%get3A_929] {strides = array<i32>} : memref<2000xf32, #tpu.memory_space<vmem>>, vector<16xf32>,
        %get3A_931 = arith.index_cast %mul3A_916 : i32 to index
        %get3A_932 = tpu.vector_load %arg27[%get3A_931] {strides = array<i32>} : memref<2000xf32, #tpu.memory_space<vmem>>, vector<16xf32>,
        %get3A_933 = arith.index_cast %mul3A_916 : i32 to index
        %get3A_934 = tpu.vector_load %arg31[%get3A_933] {strides = array<i32>} : memref<2000xf32, #tpu.memory_space<vmem>>, vector<16xf32>,
        %add3A_935 = arith.addf %get3A_924, %get3A_930 : vector<16xf32>
        %sub3A_936 = arith.subf %get3A_918, %add3A_935 : vector<16xf32>
        %add3A_937 = arith.addf %get3A_926, %get3A_932 : vector<16xf32>
        %sub3A_938 = arith.subf %get3A_920, %add3A_937 : vector<16xf32>
        %add3A_939 = arith.addf %get3A_928, %get3A_934 : vector<16xf32>
        %sub3A_940 = arith.subf %get3A_922, %add3A_939 : vector<16xf32>
        %mul3A_941 = arith.mulf %sub3A_936, %sub3A_936 : vector<16xf32>
        %mul3A_942 = arith.mulf %sub3A_938, %sub3A_938 : vector<16xf32>
        %add3A_943 = arith.addf %mul3A_941, %mul3A_942 : vector<16xf32>
        %mul3A_944 = arith.mulf %sub3A_940, %sub3A_940 : vector<16xf32>
        %add3A_945 = arith.addf %add3A_943, %mul3A_944 : vector<16xf32>
        %max3A_946 = arith.constant 1.000000e-30 : f32
        %max3A_947 = vector.broadcast %max3A_946 : f32 to vector<16xf32>
        %max3A_948 = arith.maximumf %add3A_945, %max3A_947 : vector<16xf32>
        %bitcast3A_949 = vector.bitcast %max3A_948 : vector<16xf32> to vector<16xi32>
        %shift_right_arithmetic3A_950 = arith.constant 1 : i32
        %shift_right_arithmetic3A_951 = vector.broadcast %shift_right_arithmetic3A_950 : i32 to vector<16xi32>
        %shift_right_arithmetic3A_952 = arith.shrsi %bitcast3A_949, %shift_right_arithmetic3A_951 : vector<16xi32>
        %sub3A_953 = arith.constant 1597463007 : i32
        %sub3A_954 = vector.broadcast %sub3A_953 : i32 to vector<16xi32>
        %sub3A_955 = arith.subi %sub3A_954, %shift_right_arithmetic3A_952 : vector<16xi32>
        %bitcast3A_956 = vector.bitcast %sub3A_955 : vector<16xi32> to vector<16xf32>
        %mul3A_957 = arith.constant 5.000000e-01 : f32
        %mul3A_958 = vector.broadcast %mul3A_957 : f32 to vector<16xf32>
        %mul3A_959 = arith.mulf %max3A_948, %mul3A_958 : vector<16xf32>
        %mul3A_960 = arith.mulf %mul3A_959, %bitcast3A_956 : vector<16xf32>
        %mul3A_961 = arith.mulf %mul3A_960, %bitcast3A_956 : vector<16xf32>
        %sub3A_962 = arith.constant 1.500000e+00 : f32
        %sub3A_963 = vector.broadcast %sub3A_962 : f32 to vector<16xf32>
        %sub3A_964 = arith.subf %sub3A_963, %mul3A_961 : vector<16xf32>
        %mul3A_965 = arith.mulf %bitcast3A_956, %sub3A_964 : vector<16xf32>
        %mul3A_966 = arith.mulf %mul3A_959, %mul3A_965 : vector<16xf32>
        %mul3A_967 = arith.mulf %mul3A_966, %mul3A_965 : vector<16xf32>
        %sub3A_968 = arith.constant 1.500000e+00 : f32
        %sub3A_969 = vector.broadcast %sub3A_968 : f32 to vector<16xf32>
        %sub3A_970 = arith.subf %sub3A_969, %mul3A_967 : vector<16xf32>
        %mul3A_971 = arith.mulf %mul3A_965, %sub3A_970 : vector<16xf32>
        %mul3A_972 = arith.mulf %mul3A_959, %mul3A_971 : vector<16xf32>
        %mul3A_973 = arith.mulf %mul3A_972, %mul3A_971 : vector<16xf32>
        %sub3A_974 = arith.constant 1.500000e+00 : f32
        %sub3A_975 = vector.broadcast %sub3A_974 : f32 to vector<16xf32>
        %sub3A_976 = arith.subf %sub3A_975, %mul3A_973 : vector<16xf32>
        %mul3A_977 = arith.mulf %mul3A_971, %sub3A_976 : vector<16xf32>
        %mul3A_978 = arith.mulf %max3A_948, %mul3A_977 : vector<16xf32>
        %swap3A_979 = arith.index_cast %mul3A_916 : i32 to index
        %swap3A_980 = tpu.vector_load %arg59[%swap3A_979] {strides = array<i32>} : memref<2000xf32, #tpu.memory_space<vmem>>, vector<16xf32>,
        tpu.vector_store %arg59[%swap3A_979], %mul3A_978 {strides = array<i32>} : memref<2000xf32, #tpu.memory_space<vmem>>, vector<16xf32>,
      }
      %scan3A_365 = arith.constant 124 : i32
      %scan3A_366 = arith.addi %scan3A_361, %scan3A_365 : i32
      %mul3A_367 = arith.constant 16 : i32
      %mul3A_368 = arith.muli %scan3A_366, %mul3A_367 : i32
      %get3A_369 = arith.index_cast %mul3A_368 : i32 to index
      %get3A_370 = tpu.vector_load %arg35[%get3A_369] {strides = array<i32>} : memref<2000xf32, #tpu.memory_space<vmem>>, vector<16xf32>,
      %get3A_371 = arith.index_cast %mul3A_368 : i32 to index
      %get3A_372 = tpu.vector_load %arg39[%get3A_371] {strides = array<i32>} : memref<2000xf32, #tpu.memory_space<vmem>>, vector<16xf32>,
      %get3A_373 = arith.index_cast %mul3A_368 : i32 to index
      %get3A_374 = tpu.vector_load %arg43[%get3A_373] {strides = array<i32>} : memref<2000xf32, #tpu.memory_space<vmem>>, vector<16xf32>,
      %get3A_375 = arith.index_cast %mul3A_368 : i32 to index
      %get3A_376 = tpu.vector_load %arg47[%get3A_375] {strides = array<i32>} : memref<2000xf32, #tpu.memory_space<vmem>>, vector<16xf32>,
      %get3A_377 = arith.index_cast %mul3A_368 : i32 to index
      %get3A_378 = tpu.vector_load %arg51[%get3A_377] {strides = array<i32>} : memref<2000xf32, #tpu.memory_space<vmem>>, vector<16xf32>,
      %get3A_379 = arith.index_cast %mul3A_368 : i32 to index
      %get3A_380 = tpu.vector_load %arg55[%get3A_379] {strides = array<i32>} : memref<2000xf32, #tpu.memory_space<vmem>>, vector<16xf32>,
      %get3A_381 = arith.index_cast %mul3A_368 : i32 to index
      %get3A_382 = tpu.vector_load %arg23[%get3A_381] {strides = array<i32>} : memref<2000xf32, #tpu.memory_space<vmem>>, vector<16xf32>,
      %get3A_383 = arith.index_cast %mul3A_368 : i32 to index
      %get3A_384 = tpu.vector_load %arg27[%get3A_383] {strides = array<i32>} : memref<2000xf32, #tpu.memory_space<vmem>>, vector<16xf32>,
      %get3A_385 = arith.index_cast %mul3A_368 : i32 to index
      %get3A_386 = tpu.vector_load %arg31[%get3A_385] {strides = array<i32>} : memref<2000xf32, #tpu.memory_space<vmem>>, vector<16xf32>,
      %add3A_387 = arith.addf %get3A_376, %get3A_382 : vector<16xf32>
      %sub3A_388 = arith.subf %get3A_370, %add3A_387 : vector<16xf32>
      %add3A_389 = arith.addf %get3A_378, %get3A_384 : vector<16xf32>
      %sub3A_390 = arith.subf %get3A_372, %add3A_389 : vector<16xf32>
      %add3A_391 = arith.addf %get3A_380, %get3A_386 : vector<16xf32>
      %sub3A_392 = arith.subf %get3A_374, %add3A_391 : vector<16xf32>
      %mul3A_393 = arith.mulf %sub3A_388, %sub3A_388 : vector<16xf32>
      %mul3A_394 = arith.mulf %sub3A_390, %sub3A_390 : vector<16xf32>
      %add3A_395 = arith.addf %mul3A_393, %mul3A_394 : vector<16xf32>
      %mul3A_396 = arith.mulf %sub3A_392, %sub3A_392 : vector<16xf32>
      %add3A_397 = arith.addf %add3A_395, %mul3A_396 : vector<16xf32>
      %max3A_398 = arith.constant 1.000000e-30 : f32
      %max3A_399 = vector.broadcast %max3A_398 : f32 to vector<16xf32>
      %max3A_400 = arith.maximumf %add3A_397, %max3A_399 : vector<16xf32>
      %bitcast3A_401 = vector.bitcast %max3A_400 : vector<16xf32> to vector<16xi32>
      %shift_right_arithmetic3A_402 = arith.constant 1 : i32
      %shift_right_arithmetic3A_403 = vector.broadcast %shift_right_arithmetic3A_402 : i32 to vector<16xi32>
      %shift_right_arithmetic3A_404 = arith.shrsi %bitcast3A_401, %shift_right_arithmetic3A_403 : vector<16xi32>
      %sub3A_405 = arith.constant 1597463007 : i32
      %sub3A_406 = vector.broadcast %sub3A_405 : i32 to vector<16xi32>
      %sub3A_407 = arith.subi %sub3A_406, %shift_right_arithmetic3A_404 : vector<16xi32>
      %bitcast3A_408 = vector.bitcast %sub3A_407 : vector<16xi32> to vector<16xf32>
      %mul3A_409 = arith.constant 5.000000e-01 : f32
      %mul3A_410 = vector.broadcast %mul3A_409 : f32 to vector<16xf32>
      %mul3A_411 = arith.mulf %max3A_400, %mul3A_410 : vector<16xf32>
      %mul3A_412 = arith.mulf %mul3A_411, %bitcast3A_408 : vector<16xf32>
      %mul3A_413 = arith.mulf %mul3A_412, %bitcast3A_408 : vector<16xf32>
      %sub3A_414 = arith.constant 1.500000e+00 : f32
      %sub3A_415 = vector.broadcast %sub3A_414 : f32 to vector<16xf32>
      %sub3A_416 = arith.subf %sub3A_415, %mul3A_413 : vector<16xf32>
      %mul3A_417 = arith.mulf %bitcast3A_408, %sub3A_416 : vector<16xf32>
      %mul3A_418 = arith.mulf %mul3A_411, %mul3A_417 : vector<16xf32>
      %mul3A_419 = arith.mulf %mul3A_418, %mul3A_417 : vector<16xf32>
      %sub3A_420 = arith.constant 1.500000e+00 : f32
      %sub3A_421 = vector.broadcast %sub3A_420 : f32 to vector<16xf32>
      %sub3A_422 = arith.subf %sub3A_421, %mul3A_419 : vector<16xf32>
      %mul3A_423 = arith.mulf %mul3A_417, %sub3A_422 : vector<16xf32>
      %mul3A_424 = arith.mulf %mul3A_411, %mul3A_423 : vector<16xf32>
      %mul3A_425 = arith.mulf %mul3A_424, %mul3A_423 : vector<16xf32>
      %sub3A_426 = arith.constant 1.500000e+00 : f32
      %sub3A_427 = vector.broadcast %sub3A_426 : f32 to vector<16xf32>
      %sub3A_428 = arith.subf %sub3A_427, %mul3A_425 : vector<16xf32>
      %mul3A_429 = arith.mulf %mul3A_423, %sub3A_428 : vector<16xf32>
      %mul3A_430 = arith.mulf %max3A_400, %mul3A_429 : vector<16xf32>
      %swap3A_431 = arith.index_cast %mul3A_368 : i32 to index
      %swap3A_432 = tpu.vector_load %arg59[%swap3A_431] {strides = array<i32>} : memref<2000xf32, #tpu.memory_space<vmem>>, vector<16xf32>,
      tpu.vector_store %arg59[%swap3A_431], %mul3A_430 {strides = array<i32>} : memref<2000xf32, #tpu.memory_space<vmem>>, vector<16xf32>,
      %scan3A_433 = arith.constant 125 : i32
      %mul3A_434 = arith.constant 2000 : i32
      %mul3A_435 = arith.muli %add3A_311, %mul3A_434 : i32
      %add3A_436 = arith.addi %mul3A_4, %mul3A_435 : i32
      %dma_start3A_437 = arith.constant 1 : i32
      %dma_start3A_438 = tpu.memref_slice %arg10[%add3A_436] : memref<6400000xf32, #tpu.memory_space<hbm>> -> memref<2000xf32, #tpu.memory_space<hbm>>
      %dma_start3A_439 = tpu.memref_slice %arg64[%dma_start3A_437] : memref<4x!tpu.dma_semaphore, #tpu.memory_space<semaphore_mem>> -> memref<1x!tpu.dma_semaphore, #tpu.memory_space<semaphore_mem>>
      %dma_start3A_440 = tpu.memref_squeeze %dma_start3A_439 : memref<1x!tpu.dma_semaphore, #tpu.memory_space<semaphore_mem>> -> memref<!tpu.dma_semaphore, #tpu.memory_space<semaphore_mem>>
      %dma_start3A_441 = tpu.memref_slice %arg10[%add3A_436] : memref<6400000xf32, #tpu.memory_space<hbm>> -> memref<2000xf32, #tpu.memory_space<hbm>>
      tpu.enqueue_dma source(%arg59 : memref<2000xf32, #tpu.memory_space<vmem>>) target(%dma_start3A_441 : memref<2000xf32, #tpu.memory_space<hbm>>) target_semaphore(%dma_start3A_440 : memref<!tpu.dma_semaphore, #tpu.memory_space<semaphore_mem>>)
      %mul3A_442 = arith.constant 4 : i32
      %mul3A_443 = arith.muli %scan3A_181, %mul3A_442 : i32
      %add3A_444 = arith.constant 2 : i32
      %add3A_445 = arith.addi %mul3A_443, %add3A_444 : i32
      %dma_wait3A_446 = arith.constant 2 : i32
      %dma_wait3A_447 = arith.constant 0 : i32
      %dma_wait3A_448 = tpu.memref_slice %arg11[%dma_wait3A_447] : memref<100000xf32, #tpu.memory_space<vmem_shared>> -> memref<100000xf32, #tpu.memory_space<vmem_shared>>
      %dma_wait3A_449 = tpu.memref_slice %arg63[%dma_wait3A_446] : memref<4x!tpu.dma_semaphore, #tpu.memory_space<semaphore_mem>> -> memref<1x!tpu.dma_semaphore, #tpu.memory_space<semaphore_mem>>
      %dma_wait3A_450 = tpu.memref_squeeze %dma_wait3A_449 : memref<1x!tpu.dma_semaphore, #tpu.memory_space<semaphore_mem>> -> memref<!tpu.dma_semaphore, #tpu.memory_space<semaphore_mem>>
      tpu.wait_indirect_dma semaphore(%dma_wait3A_450 : memref<!tpu.dma_semaphore, #tpu.memory_space<semaphore_mem>>) src(%dma_wait3A_448 : memref<100000xf32, #tpu.memory_space<vmem_shared>>) dst(%arg36 : memref<2000xf32, #tpu.memory_space<vmem>>)
      %dma_wait3A_451 = arith.constant 2 : i32
      %dma_wait3A_452 = arith.constant 0 : i32
      %dma_wait3A_453 = tpu.memref_slice %arg12[%dma_wait3A_452] : memref<100000xf32, #tpu.memory_space<vmem_shared>> -> memref<100000xf32, #tpu.memory_space<vmem_shared>>
      %dma_wait3A_454 = tpu.memref_slice %arg63[%dma_wait3A_451] : memref<4x!tpu.dma_semaphore, #tpu.memory_space<semaphore_mem>> -> memref<1x!tpu.dma_semaphore, #tpu.memory_space<semaphore_mem>>
      %dma_wait3A_455 = tpu.memref_squeeze %dma_wait3A_454 : memref<1x!tpu.dma_semaphore, #tpu.memory_space<semaphore_mem>> -> memref<!tpu.dma_semaphore, #tpu.memory_space<semaphore_mem>>
      tpu.wait_indirect_dma semaphore(%dma_wait3A_455 : memref<!tpu.dma_semaphore, #tpu.memory_space<semaphore_mem>>) src(%dma_wait3A_453 : memref<100000xf32, #tpu.memory_space<vmem_shared>>) dst(%arg40 : memref<2000xf32, #tpu.memory_space<vmem>>)
      %dma_wait3A_456 = arith.constant 2 : i32
      %dma_wait3A_457 = arith.constant 0 : i32
      %dma_wait3A_458 = tpu.memref_slice %arg13[%dma_wait3A_457] : memref<100000xf32, #tpu.memory_space<vmem_shared>> -> memref<100000xf32, #tpu.memory_space<vmem_shared>>
      %dma_wait3A_459 = tpu.memref_slice %arg63[%dma_wait3A_456] : memref<4x!tpu.dma_semaphore, #tpu.memory_space<semaphore_mem>> -> memref<1x!tpu.dma_semaphore, #tpu.memory_space<semaphore_mem>>
      %dma_wait3A_460 = tpu.memref_squeeze %dma_wait3A_459 : memref<1x!tpu.dma_semaphore, #tpu.memory_space<semaphore_mem>> -> memref<!tpu.dma_semaphore, #tpu.memory_space<semaphore_mem>>
      tpu.wait_indirect_dma semaphore(%dma_wait3A_460 : memref<!tpu.dma_semaphore, #tpu.memory_space<semaphore_mem>>) src(%dma_wait3A_458 : memref<100000xf32, #tpu.memory_space<vmem_shared>>) dst(%arg44 : memref<2000xf32, #tpu.memory_space<vmem>>)
      %dma_wait3A_461 = arith.constant 2 : i32
      %dma_wait3A_462 = arith.constant 0 : i32
      %dma_wait3A_463 = tpu.memref_slice %arg11[%dma_wait3A_462] : memref<100000xf32, #tpu.memory_space<vmem_shared>> -> memref<100000xf32, #tpu.memory_space<vmem_shared>>
      %dma_wait3A_464 = tpu.memref_slice %arg63[%dma_wait3A_461] : memref<4x!tpu.dma_semaphore, #tpu.memory_space<semaphore_mem>> -> memref<1x!tpu.dma_semaphore, #tpu.memory_space<semaphore_mem>>
      %dma_wait3A_465 = tpu.memref_squeeze %dma_wait3A_464 : memref<1x!tpu.dma_semaphore, #tpu.memory_space<semaphore_mem>> -> memref<!tpu.dma_semaphore, #tpu.memory_space<semaphore_mem>>
      tpu.wait_indirect_dma semaphore(%dma_wait3A_465 : memref<!tpu.dma_semaphore, #tpu.memory_space<semaphore_mem>>) src(%dma_wait3A_463 : memref<100000xf32, #tpu.memory_space<vmem_shared>>) dst(%arg48 : memref<2000xf32, #tpu.memory_space<vmem>>)
      %dma_wait3A_466 = arith.constant 2 : i32
      %dma_wait3A_467 = arith.constant 0 : i32
      %dma_wait3A_468 = tpu.memref_slice %arg12[%dma_wait3A_467] : memref<100000xf32, #tpu.memory_space<vmem_shared>> -> memref<100000xf32, #tpu.memory_space<vmem_shared>>
      %dma_wait3A_469 = tpu.memref_slice %arg63[%dma_wait3A_466] : memref<4x!tpu.dma_semaphore, #tpu.memory_space<semaphore_mem>> -> memref<1x!tpu.dma_semaphore, #tpu.memory_space<semaphore_mem>>
      %dma_wait3A_470 = tpu.memref_squeeze %dma_wait3A_469 : memref<1x!tpu.dma_semaphore, #tpu.memory_space<semaphore_mem>> -> memref<!tpu.dma_semaphore, #tpu.memory_space<semaphore_mem>>
      tpu.wait_indirect_dma semaphore(%dma_wait3A_470 : memref<!tpu.dma_semaphore, #tpu.memory_space<semaphore_mem>>) src(%dma_wait3A_468 : memref<100000xf32, #tpu.memory_space<vmem_shared>>) dst(%arg52 : memref<2000xf32, #tpu.memory_space<vmem>>)
      %dma_wait3A_471 = arith.constant 2 : i32
      %dma_wait3A_472 = arith.constant 0 : i32
      %dma_wait3A_473 = tpu.memref_slice %arg13[%dma_wait3A_472] : memref<100000xf32, #tpu.memory_space<vmem_shared>> -> memref<100000xf32, #tpu.memory_space<vmem_shared>>
      %dma_wait3A_474 = tpu.memref_slice %arg63[%dma_wait3A_471] : memref<4x!tpu.dma_semaphore, #tpu.memory_space<semaphore_mem>> -> memref<1x!tpu.dma_semaphore, #tpu.memory_space<semaphore_mem>>
      %dma_wait3A_475 = tpu.memref_squeeze %dma_wait3A_474 : memref<1x!tpu.dma_semaphore, #tpu.memory_space<semaphore_mem>> -> memref<!tpu.dma_semaphore, #tpu.memory_space<semaphore_mem>>
      tpu.wait_indirect_dma semaphore(%dma_wait3A_475 : memref<!tpu.dma_semaphore, #tpu.memory_space<semaphore_mem>>) src(%dma_wait3A_473 : memref<100000xf32, #tpu.memory_space<vmem_shared>>) dst(%arg56 : memref<2000xf32, #tpu.memory_space<vmem>>)
      %add3A_476 = arith.constant 1 : i32
      %add3A_477 = arith.addi %add3A_445, %add3A_476 : i32
      %lt3A_478 = arith.constant 100 : i32
      %lt3A_479 = arith.cmpi slt, %add3A_477, %lt3A_478 : i32
      %convert_element_type3A_480 = arith.extui %lt3A_479 : i1 to i32
      %cond3A_481 = arith.constant 0 : i32
      %cond3A_482 = arith.cmpi ne, %convert_element_type3A_480, %cond3A_481 : i32
      scf.if %cond3A_482 {
        %dma_wait3A_710 = arith.constant 3 : i32
        %dma_wait3A_711 = arith.constant 0 : i32
        %dma_wait3A_712 = tpu.memref_slice %arg8[%dma_wait3A_711] : memref<6400000xi32, #tpu.memory_space<hbm>> -> memref<2000xi32, #tpu.memory_space<hbm>>
        %dma_wait3A_713 = tpu.memref_slice %arg62[%dma_wait3A_710] : memref<4x!tpu.dma_semaphore, #tpu.memory_space<semaphore_mem>> -> memref<1x!tpu.dma_semaphore, #tpu.memory_space<semaphore_mem>>
        %dma_wait3A_714 = tpu.memref_squeeze %dma_wait3A_713 : memref<1x!tpu.dma_semaphore, #tpu.memory_space<semaphore_mem>> -> memref<!tpu.dma_semaphore, #tpu.memory_space<semaphore_mem>>
        %dma_wait3A_715 = arith.constant 0 : i32
        %dma_wait3A_716 = tpu.memref_slice %arg8[%dma_wait3A_715] : memref<6400000xi32, #tpu.memory_space<hbm>> -> memref<2000xi32, #tpu.memory_space<hbm>>
        tpu.wait_dma2 semaphore(%dma_wait3A_714 : memref<!tpu.dma_semaphore, #tpu.memory_space<semaphore_mem>>) src(%dma_wait3A_716 : memref<2000xi32, #tpu.memory_space<hbm>>) dst(%arg17 : memref<2000xi32, #tpu.memory_space<vmem>>)
        %dma_wait3A_717 = arith.constant 3 : i32
        %dma_wait3A_718 = arith.constant 0 : i32
        %dma_wait3A_719 = tpu.memref_slice %arg9[%dma_wait3A_718] : memref<6400000xi32, #tpu.memory_space<hbm>> -> memref<2000xi32, #tpu.memory_space<hbm>>
        %dma_wait3A_720 = tpu.memref_slice %arg62[%dma_wait3A_717] : memref<4x!tpu.dma_semaphore, #tpu.memory_space<semaphore_mem>> -> memref<1x!tpu.dma_semaphore, #tpu.memory_space<semaphore_mem>>
        %dma_wait3A_721 = tpu.memref_squeeze %dma_wait3A_720 : memref<1x!tpu.dma_semaphore, #tpu.memory_space<semaphore_mem>> -> memref<!tpu.dma_semaphore, #tpu.memory_space<semaphore_mem>>
        %dma_wait3A_722 = arith.constant 0 : i32
        %dma_wait3A_723 = tpu.memref_slice %arg9[%dma_wait3A_722] : memref<6400000xi32, #tpu.memory_space<hbm>> -> memref<2000xi32, #tpu.memory_space<hbm>>
        tpu.wait_dma2 semaphore(%dma_wait3A_721 : memref<!tpu.dma_semaphore, #tpu.memory_space<semaphore_mem>>) src(%dma_wait3A_723 : memref<2000xi32, #tpu.memory_space<hbm>>) dst(%arg21 : memref<2000xi32, #tpu.memory_space<vmem>>)
        %dma_wait3A_724 = arith.constant 3 : i32
        %dma_wait3A_725 = arith.constant 0 : i32
        %dma_wait3A_726 = tpu.memref_slice %arg5[%dma_wait3A_725] : memref<6400000xf32, #tpu.memory_space<hbm>> -> memref<2000xf32, #tpu.memory_space<hbm>>
        %dma_wait3A_727 = tpu.memref_slice %arg62[%dma_wait3A_724] : memref<4x!tpu.dma_semaphore, #tpu.memory_space<semaphore_mem>> -> memref<1x!tpu.dma_semaphore, #tpu.memory_space<semaphore_mem>>
        %dma_wait3A_728 = tpu.memref_squeeze %dma_wait3A_727 : memref<1x!tpu.dma_semaphore, #tpu.memory_space<semaphore_mem>> -> memref<!tpu.dma_semaphore, #tpu.memory_space<semaphore_mem>>
        %dma_wait3A_729 = arith.constant 0 : i32
        %dma_wait3A_730 = tpu.memref_slice %arg5[%dma_wait3A_729] : memref<6400000xf32, #tpu.memory_space<hbm>> -> memref<2000xf32, #tpu.memory_space<hbm>>
        tpu.wait_dma2 semaphore(%dma_wait3A_728 : memref<!tpu.dma_semaphore, #tpu.memory_space<semaphore_mem>>) src(%dma_wait3A_730 : memref<2000xf32, #tpu.memory_space<hbm>>) dst(%arg25 : memref<2000xf32, #tpu.memory_space<vmem>>)
        %dma_wait3A_731 = arith.constant 3 : i32
        %dma_wait3A_732 = arith.constant 0 : i32
        %dma_wait3A_733 = tpu.memref_slice %arg6[%dma_wait3A_732] : memref<6400000xf32, #tpu.memory_space<hbm>> -> memref<2000xf32, #tpu.memory_space<hbm>>
        %dma_wait3A_734 = tpu.memref_slice %arg62[%dma_wait3A_731] : memref<4x!tpu.dma_semaphore, #tpu.memory_space<semaphore_mem>> -> memref<1x!tpu.dma_semaphore, #tpu.memory_space<semaphore_mem>>
        %dma_wait3A_735 = tpu.memref_squeeze %dma_wait3A_734 : memref<1x!tpu.dma_semaphore, #tpu.memory_space<semaphore_mem>> -> memref<!tpu.dma_semaphore, #tpu.memory_space<semaphore_mem>>
        %dma_wait3A_736 = arith.constant 0 : i32
        %dma_wait3A_737 = tpu.memref_slice %arg6[%dma_wait3A_736] : memref<6400000xf32, #tpu.memory_space<hbm>> -> memref<2000xf32, #tpu.memory_space<hbm>>
        tpu.wait_dma2 semaphore(%dma_wait3A_735 : memref<!tpu.dma_semaphore, #tpu.memory_space<semaphore_mem>>) src(%dma_wait3A_737 : memref<2000xf32, #tpu.memory_space<hbm>>) dst(%arg29 : memref<2000xf32, #tpu.memory_space<vmem>>)
        %dma_wait3A_738 = arith.constant 3 : i32
        %dma_wait3A_739 = arith.constant 0 : i32
        %dma_wait3A_740 = tpu.memref_slice %arg7[%dma_wait3A_739] : memref<6400000xf32, #tpu.memory_space<hbm>> -> memref<2000xf32, #tpu.memory_space<hbm>>
        %dma_wait3A_741 = tpu.memref_slice %arg62[%dma_wait3A_738] : memref<4x!tpu.dma_semaphore, #tpu.memory_space<semaphore_mem>> -> memref<1x!tpu.dma_semaphore, #tpu.memory_space<semaphore_mem>>
        %dma_wait3A_742 = tpu.memref_squeeze %dma_wait3A_741 : memref<1x!tpu.dma_semaphore, #tpu.memory_space<semaphore_mem>> -> memref<!tpu.dma_semaphore, #tpu.memory_space<semaphore_mem>>
        %dma_wait3A_743 = arith.constant 0 : i32
        %dma_wait3A_744 = tpu.memref_slice %arg7[%dma_wait3A_743] : memref<6400000xf32, #tpu.memory_space<hbm>> -> memref<2000xf32, #tpu.memory_space<hbm>>
        tpu.wait_dma2 semaphore(%dma_wait3A_742 : memref<!tpu.dma_semaphore, #tpu.memory_space<semaphore_mem>>) src(%dma_wait3A_744 : memref<2000xf32, #tpu.memory_space<hbm>>) dst(%arg33 : memref<2000xf32, #tpu.memory_space<vmem>>)
        %dma_start3A_745 = arith.constant 3 : i32
        %dma_start3A_746 = arith.constant 0 : i32
        %dma_start3A_747 = tpu.memref_slice %arg11[%dma_start3A_746] : memref<100000xf32, #tpu.memory_space<vmem_shared>> -> memref<100000xf32, #tpu.memory_space<vmem_shared>>
        %dma_start3A_748 = tpu.memref_slice %arg63[%dma_start3A_745] : memref<4x!tpu.dma_semaphore, #tpu.memory_space<semaphore_mem>> -> memref<1x!tpu.dma_semaphore, #tpu.memory_space<semaphore_mem>>
        %dma_start3A_749 = tpu.memref_squeeze %dma_start3A_748 : memref<1x!tpu.dma_semaphore, #tpu.memory_space<semaphore_mem>> -> memref<!tpu.dma_semaphore, #tpu.memory_space<semaphore_mem>>
        tpu.enqueue_indirect_dma source(%dma_start3A_747 : memref<100000xf32, #tpu.memory_space<vmem_shared>>) target(%arg37 : memref<2000xf32, #tpu.memory_space<vmem>>) offsets(%arg17 : memref<2000xi32, #tpu.memory_space<vmem>>) semaphore(%dma_start3A_749 : memref<!tpu.dma_semaphore, #tpu.memory_space<semaphore_mem>>)
        %dma_start3A_750 = arith.constant 3 : i32
        %dma_start3A_751 = arith.constant 0 : i32
        %dma_start3A_752 = tpu.memref_slice %arg12[%dma_start3A_751] : memref<100000xf32, #tpu.memory_space<vmem_shared>> -> memref<100000xf32, #tpu.memory_space<vmem_shared>>
        %dma_start3A_753 = tpu.memref_slice %arg63[%dma_start3A_750] : memref<4x!tpu.dma_semaphore, #tpu.memory_space<semaphore_mem>> -> memref<1x!tpu.dma_semaphore, #tpu.memory_space<semaphore_mem>>
        %dma_start3A_754 = tpu.memref_squeeze %dma_start3A_753 : memref<1x!tpu.dma_semaphore, #tpu.memory_space<semaphore_mem>> -> memref<!tpu.dma_semaphore, #tpu.memory_space<semaphore_mem>>
        tpu.enqueue_indirect_dma source(%dma_start3A_752 : memref<100000xf32, #tpu.memory_space<vmem_shared>>) target(%arg41 : memref<2000xf32, #tpu.memory_space<vmem>>) offsets(%arg17 : memref<2000xi32, #tpu.memory_space<vmem>>) semaphore(%dma_start3A_754 : memref<!tpu.dma_semaphore, #tpu.memory_space<semaphore_mem>>)
        %dma_start3A_755 = arith.constant 3 : i32
        %dma_start3A_756 = arith.constant 0 : i32
        %dma_start3A_757 = tpu.memref_slice %arg13[%dma_start3A_756] : memref<100000xf32, #tpu.memory_space<vmem_shared>> -> memref<100000xf32, #tpu.memory_space<vmem_shared>>
        %dma_start3A_758 = tpu.memref_slice %arg63[%dma_start3A_755] : memref<4x!tpu.dma_semaphore, #tpu.memory_space<semaphore_mem>> -> memref<1x!tpu.dma_semaphore, #tpu.memory_space<semaphore_mem>>
        %dma_start3A_759 = tpu.memref_squeeze %dma_start3A_758 : memref<1x!tpu.dma_semaphore, #tpu.memory_space<semaphore_mem>> -> memref<!tpu.dma_semaphore, #tpu.memory_space<semaphore_mem>>
        tpu.enqueue_indirect_dma source(%dma_start3A_757 : memref<100000xf32, #tpu.memory_space<vmem_shared>>) target(%arg45 : memref<2000xf32, #tpu.memory_space<vmem>>) offsets(%arg17 : memref<2000xi32, #tpu.memory_space<vmem>>) semaphore(%dma_start3A_759 : memref<!tpu.dma_semaphore, #tpu.memory_space<semaphore_mem>>)
        %dma_start3A_760 = arith.constant 3 : i32
        %dma_start3A_761 = arith.constant 0 : i32
        %dma_start3A_762 = tpu.memref_slice %arg11[%dma_start3A_761] : memref<100000xf32, #tpu.memory_space<vmem_shared>> -> memref<100000xf32, #tpu.memory_space<vmem_shared>>
        %dma_start3A_763 = tpu.memref_slice %arg63[%dma_start3A_760] : memref<4x!tpu.dma_semaphore, #tpu.memory_space<semaphore_mem>> -> memref<1x!tpu.dma_semaphore, #tpu.memory_space<semaphore_mem>>
        %dma_start3A_764 = tpu.memref_squeeze %dma_start3A_763 : memref<1x!tpu.dma_semaphore, #tpu.memory_space<semaphore_mem>> -> memref<!tpu.dma_semaphore, #tpu.memory_space<semaphore_mem>>
        tpu.enqueue_indirect_dma source(%dma_start3A_762 : memref<100000xf32, #tpu.memory_space<vmem_shared>>) target(%arg49 : memref<2000xf32, #tpu.memory_space<vmem>>) offsets(%arg21 : memref<2000xi32, #tpu.memory_space<vmem>>) semaphore(%dma_start3A_764 : memref<!tpu.dma_semaphore, #tpu.memory_space<semaphore_mem>>)
        %dma_start3A_765 = arith.constant 3 : i32
        %dma_start3A_766 = arith.constant 0 : i32
        %dma_start3A_767 = tpu.memref_slice %arg12[%dma_start3A_766] : memref<100000xf32, #tpu.memory_space<vmem_shared>> -> memref<100000xf32, #tpu.memory_space<vmem_shared>>
        %dma_start3A_768 = tpu.memref_slice %arg63[%dma_start3A_765] : memref<4x!tpu.dma_semaphore, #tpu.memory_space<semaphore_mem>> -> memref<1x!tpu.dma_semaphore, #tpu.memory_space<semaphore_mem>>
        %dma_start3A_769 = tpu.memref_squeeze %dma_start3A_768 : memref<1x!tpu.dma_semaphore, #tpu.memory_space<semaphore_mem>> -> memref<!tpu.dma_semaphore, #tpu.memory_space<semaphore_mem>>
        tpu.enqueue_indirect_dma source(%dma_start3A_767 : memref<100000xf32, #tpu.memory_space<vmem_shared>>) target(%arg53 : memref<2000xf32, #tpu.memory_space<vmem>>) offsets(%arg21 : memref<2000xi32, #tpu.memory_space<vmem>>) semaphore(%dma_start3A_769 : memref<!tpu.dma_semaphore, #tpu.memory_space<semaphore_mem>>)
        %dma_start3A_770 = arith.constant 3 : i32
        %dma_start3A_771 = arith.constant 0 : i32
        %dma_start3A_772 = tpu.memref_slice %arg13[%dma_start3A_771] : memref<100000xf32, #tpu.memory_space<vmem_shared>> -> memref<100000xf32, #tpu.memory_space<vmem_shared>>
        %dma_start3A_773 = tpu.memref_slice %arg63[%dma_start3A_770] : memref<4x!tpu.dma_semaphore, #tpu.memory_space<semaphore_mem>> -> memref<1x!tpu.dma_semaphore, #tpu.memory_space<semaphore_mem>>
        %dma_start3A_774 = tpu.memref_squeeze %dma_start3A_773 : memref<1x!tpu.dma_semaphore, #tpu.memory_space<semaphore_mem>> -> memref<!tpu.dma_semaphore, #tpu.memory_space<semaphore_mem>>
        tpu.enqueue_indirect_dma source(%dma_start3A_772 : memref<100000xf32, #tpu.memory_space<vmem_shared>>) target(%arg57 : memref<2000xf32, #tpu.memory_space<vmem>>) offsets(%arg21 : memref<2000xi32, #tpu.memory_space<vmem>>) semaphore(%dma_start3A_774 : memref<!tpu.dma_semaphore, #tpu.memory_space<semaphore_mem>>)
      } else {
      }
      %add3A_483 = arith.constant 3 : i32
      %add3A_484 = arith.addi %add3A_445, %add3A_483 : i32
      %lt3A_485 = arith.constant 100 : i32
      %lt3A_486 = arith.cmpi slt, %add3A_484, %lt3A_485 : i32
      %convert_element_type3A_487 = arith.extui %lt3A_486 : i1 to i32
      %cond3A_488 = arith.constant 0 : i32
      %cond3A_489 = arith.cmpi ne, %convert_element_type3A_487, %cond3A_488 : i32
      scf.if %cond3A_489 {
        %add3A_710 = arith.constant 3 : i32
        %add3A_711 = arith.addi %add3A_445, %add3A_710 : i32
        %mul3A_712 = arith.constant 2000 : i32
        %mul3A_713 = arith.muli %add3A_711, %mul3A_712 : i32
        %add3A_714 = arith.addi %mul3A_4, %mul3A_713 : i32
        %dma_start3A_715 = arith.constant 1 : i32
        %dma_start3A_716 = tpu.memref_slice %arg8[%add3A_714] : memref<6400000xi32, #tpu.memory_space<hbm>> -> memref<2000xi32, #tpu.memory_space<hbm>>
        %dma_start3A_717 = tpu.memref_slice %arg62[%dma_start3A_715] : memref<4x!tpu.dma_semaphore, #tpu.memory_space<semaphore_mem>> -> memref<1x!tpu.dma_semaphore, #tpu.memory_space<semaphore_mem>>
        %dma_start3A_718 = tpu.memref_squeeze %dma_start3A_717 : memref<1x!tpu.dma_semaphore, #tpu.memory_space<semaphore_mem>> -> memref<!tpu.dma_semaphore, #tpu.memory_space<semaphore_mem>>
        %dma_start3A_719 = tpu.memref_slice %arg8[%add3A_714] : memref<6400000xi32, #tpu.memory_space<hbm>> -> memref<2000xi32, #tpu.memory_space<hbm>>
        tpu.enqueue_dma source(%dma_start3A_719 : memref<2000xi32, #tpu.memory_space<hbm>>) target(%arg15 : memref<2000xi32, #tpu.memory_space<vmem>>) target_semaphore(%dma_start3A_718 : memref<!tpu.dma_semaphore, #tpu.memory_space<semaphore_mem>>)
        %dma_start3A_720 = arith.constant 1 : i32
        %dma_start3A_721 = tpu.memref_slice %arg9[%add3A_714] : memref<6400000xi32, #tpu.memory_space<hbm>> -> memref<2000xi32, #tpu.memory_space<hbm>>
        %dma_start3A_722 = tpu.memref_slice %arg62[%dma_start3A_720] : memref<4x!tpu.dma_semaphore, #tpu.memory_space<semaphore_mem>> -> memref<1x!tpu.dma_semaphore, #tpu.memory_space<semaphore_mem>>
        %dma_start3A_723 = tpu.memref_squeeze %dma_start3A_722 : memref<1x!tpu.dma_semaphore, #tpu.memory_space<semaphore_mem>> -> memref<!tpu.dma_semaphore, #tpu.memory_space<semaphore_mem>>
        %dma_start3A_724 = tpu.memref_slice %arg9[%add3A_714] : memref<6400000xi32, #tpu.memory_space<hbm>> -> memref<2000xi32, #tpu.memory_space<hbm>>
        tpu.enqueue_dma source(%dma_start3A_724 : memref<2000xi32, #tpu.memory_space<hbm>>) target(%arg19 : memref<2000xi32, #tpu.memory_space<vmem>>) target_semaphore(%dma_start3A_723 : memref<!tpu.dma_semaphore, #tpu.memory_space<semaphore_mem>>)
        %dma_start3A_725 = arith.constant 1 : i32
        %dma_start3A_726 = tpu.memref_slice %arg5[%add3A_714] : memref<6400000xf32, #tpu.memory_space<hbm>> -> memref<2000xf32, #tpu.memory_space<hbm>>
        %dma_start3A_727 = tpu.memref_slice %arg62[%dma_start3A_725] : memref<4x!tpu.dma_semaphore, #tpu.memory_space<semaphore_mem>> -> memref<1x!tpu.dma_semaphore, #tpu.memory_space<semaphore_mem>>
        %dma_start3A_728 = tpu.memref_squeeze %dma_start3A_727 : memref<1x!tpu.dma_semaphore, #tpu.memory_space<semaphore_mem>> -> memref<!tpu.dma_semaphore, #tpu.memory_space<semaphore_mem>>
        %dma_start3A_729 = tpu.memref_slice %arg5[%add3A_714] : memref<6400000xf32, #tpu.memory_space<hbm>> -> memref<2000xf32, #tpu.memory_space<hbm>>
        tpu.enqueue_dma source(%dma_start3A_729 : memref<2000xf32, #tpu.memory_space<hbm>>) target(%arg23 : memref<2000xf32, #tpu.memory_space<vmem>>) target_semaphore(%dma_start3A_728 : memref<!tpu.dma_semaphore, #tpu.memory_space<semaphore_mem>>)
        %dma_start3A_730 = arith.constant 1 : i32
        %dma_start3A_731 = tpu.memref_slice %arg6[%add3A_714] : memref<6400000xf32, #tpu.memory_space<hbm>> -> memref<2000xf32, #tpu.memory_space<hbm>>
        %dma_start3A_732 = tpu.memref_slice %arg62[%dma_start3A_730] : memref<4x!tpu.dma_semaphore, #tpu.memory_space<semaphore_mem>> -> memref<1x!tpu.dma_semaphore, #tpu.memory_space<semaphore_mem>>
        %dma_start3A_733 = tpu.memref_squeeze %dma_start3A_732 : memref<1x!tpu.dma_semaphore, #tpu.memory_space<semaphore_mem>> -> memref<!tpu.dma_semaphore, #tpu.memory_space<semaphore_mem>>
        %dma_start3A_734 = tpu.memref_slice %arg6[%add3A_714] : memref<6400000xf32, #tpu.memory_space<hbm>> -> memref<2000xf32, #tpu.memory_space<hbm>>
        tpu.enqueue_dma source(%dma_start3A_734 : memref<2000xf32, #tpu.memory_space<hbm>>) target(%arg27 : memref<2000xf32, #tpu.memory_space<vmem>>) target_semaphore(%dma_start3A_733 : memref<!tpu.dma_semaphore, #tpu.memory_space<semaphore_mem>>)
        %dma_start3A_735 = arith.constant 1 : i32
        %dma_start3A_736 = tpu.memref_slice %arg7[%add3A_714] : memref<6400000xf32, #tpu.memory_space<hbm>> -> memref<2000xf32, #tpu.memory_space<hbm>>
        %dma_start3A_737 = tpu.memref_slice %arg62[%dma_start3A_735] : memref<4x!tpu.dma_semaphore, #tpu.memory_space<semaphore_mem>> -> memref<1x!tpu.dma_semaphore, #tpu.memory_space<semaphore_mem>>
        %dma_start3A_738 = tpu.memref_squeeze %dma_start3A_737 : memref<1x!tpu.dma_semaphore, #tpu.memory_space<semaphore_mem>> -> memref<!tpu.dma_semaphore, #tpu.memory_space<semaphore_mem>>
        %dma_start3A_739 = tpu.memref_slice %arg7[%add3A_714] : memref<6400000xf32, #tpu.memory_space<hbm>> -> memref<2000xf32, #tpu.memory_space<hbm>>
        tpu.enqueue_dma source(%dma_start3A_739 : memref<2000xf32, #tpu.memory_space<hbm>>) target(%arg31 : memref<2000xf32, #tpu.memory_space<vmem>>) target_semaphore(%dma_start3A_738 : memref<!tpu.dma_semaphore, #tpu.memory_space<semaphore_mem>>)
      } else {
      }
      %ge3A_490 = arith.constant 4 : i32
      %ge3A_491 = arith.cmpi sge, %add3A_445, %ge3A_490 : i32
      %convert_element_type3A_492 = arith.extui %ge3A_491 : i1 to i32
      %cond3A_493 = arith.constant 0 : i32
      %cond3A_494 = arith.cmpi ne, %convert_element_type3A_492, %cond3A_493 : i32
      scf.if %cond3A_494 {
        %dma_wait3A_710 = arith.constant 2 : i32
        %dma_wait3A_711 = arith.constant 0 : i32
        %dma_wait3A_712 = tpu.memref_slice %arg10[%dma_wait3A_711] : memref<6400000xf32, #tpu.memory_space<hbm>> -> memref<2000xf32, #tpu.memory_space<hbm>>
        %dma_wait3A_713 = tpu.memref_slice %arg64[%dma_wait3A_710] : memref<4x!tpu.dma_semaphore, #tpu.memory_space<semaphore_mem>> -> memref<1x!tpu.dma_semaphore, #tpu.memory_space<semaphore_mem>>
        %dma_wait3A_714 = tpu.memref_squeeze %dma_wait3A_713 : memref<1x!tpu.dma_semaphore, #tpu.memory_space<semaphore_mem>> -> memref<!tpu.dma_semaphore, #tpu.memory_space<semaphore_mem>>
        %dma_wait3A_715 = arith.constant 0 : i32
        %dma_wait3A_716 = tpu.memref_slice %arg10[%dma_wait3A_715] : memref<6400000xf32, #tpu.memory_space<hbm>> -> memref<2000xf32, #tpu.memory_space<hbm>>
        tpu.wait_dma2 semaphore(%dma_wait3A_714 : memref<!tpu.dma_semaphore, #tpu.memory_space<semaphore_mem>>) src(%arg60 : memref<2000xf32, #tpu.memory_space<vmem>>) dst(%dma_wait3A_716 : memref<2000xf32, #tpu.memory_space<hbm>>)
      } else {
      }
      %scan3A_495 = arith.constant 0 : i32
      %scan3A_496 = arith.constant 124 : i32
      %scan3A_497 = arith.addi %scan3A_495, %scan3A_496 : i32
      %scan3A_498 = arith.constant 4 : i32
      scf.for %scan3A_710 = %scan3A_495 to %scan3A_497 step %scan3A_498  : i32 {
        %mul3A_711 = arith.constant 16 : i32
        %mul3A_712 = arith.muli %scan3A_710, %mul3A_711 : i32
        %get3A_713 = arith.index_cast %mul3A_712 : i32 to index
        %get3A_714 = tpu.vector_load %arg36[%get3A_713] {strides = array<i32>} : memref<2000xf32, #tpu.memory_space<vmem>>, vector<16xf32>,
        %get3A_715 = arith.index_cast %mul3A_712 : i32 to index
        %get3A_716 = tpu.vector_load %arg40[%get3A_715] {strides = array<i32>} : memref<2000xf32, #tpu.memory_space<vmem>>, vector<16xf32>,
        %get3A_717 = arith.index_cast %mul3A_712 : i32 to index
        %get3A_718 = tpu.vector_load %arg44[%get3A_717] {strides = array<i32>} : memref<2000xf32, #tpu.memory_space<vmem>>, vector<16xf32>,
        %get3A_719 = arith.index_cast %mul3A_712 : i32 to index
        %get3A_720 = tpu.vector_load %arg48[%get3A_719] {strides = array<i32>} : memref<2000xf32, #tpu.memory_space<vmem>>, vector<16xf32>,
        %get3A_721 = arith.index_cast %mul3A_712 : i32 to index
        %get3A_722 = tpu.vector_load %arg52[%get3A_721] {strides = array<i32>} : memref<2000xf32, #tpu.memory_space<vmem>>, vector<16xf32>,
        %get3A_723 = arith.index_cast %mul3A_712 : i32 to index
        %get3A_724 = tpu.vector_load %arg56[%get3A_723] {strides = array<i32>} : memref<2000xf32, #tpu.memory_space<vmem>>, vector<16xf32>,
        %get3A_725 = arith.index_cast %mul3A_712 : i32 to index
        %get3A_726 = tpu.vector_load %arg24[%get3A_725] {strides = array<i32>} : memref<2000xf32, #tpu.memory_space<vmem>>, vector<16xf32>,
        %get3A_727 = arith.index_cast %mul3A_712 : i32 to index
        %get3A_728 = tpu.vector_load %arg28[%get3A_727] {strides = array<i32>} : memref<2000xf32, #tpu.memory_space<vmem>>, vector<16xf32>,
        %get3A_729 = arith.index_cast %mul3A_712 : i32 to index
        %get3A_730 = tpu.vector_load %arg32[%get3A_729] {strides = array<i32>} : memref<2000xf32, #tpu.memory_space<vmem>>, vector<16xf32>,
        %add3A_731 = arith.addf %get3A_720, %get3A_726 : vector<16xf32>
        %sub3A_732 = arith.subf %get3A_714, %add3A_731 : vector<16xf32>
        %add3A_733 = arith.addf %get3A_722, %get3A_728 : vector<16xf32>
        %sub3A_734 = arith.subf %get3A_716, %add3A_733 : vector<16xf32>
        %add3A_735 = arith.addf %get3A_724, %get3A_730 : vector<16xf32>
        %sub3A_736 = arith.subf %get3A_718, %add3A_735 : vector<16xf32>
        %mul3A_737 = arith.mulf %sub3A_732, %sub3A_732 : vector<16xf32>
        %mul3A_738 = arith.mulf %sub3A_734, %sub3A_734 : vector<16xf32>
        %add3A_739 = arith.addf %mul3A_737, %mul3A_738 : vector<16xf32>
        %mul3A_740 = arith.mulf %sub3A_736, %sub3A_736 : vector<16xf32>
        %add3A_741 = arith.addf %add3A_739, %mul3A_740 : vector<16xf32>
        %max3A_742 = arith.constant 1.000000e-30 : f32
        %max3A_743 = vector.broadcast %max3A_742 : f32 to vector<16xf32>
        %max3A_744 = arith.maximumf %add3A_741, %max3A_743 : vector<16xf32>
        %bitcast3A_745 = vector.bitcast %max3A_744 : vector<16xf32> to vector<16xi32>
        %shift_right_arithmetic3A_746 = arith.constant 1 : i32
        %shift_right_arithmetic3A_747 = vector.broadcast %shift_right_arithmetic3A_746 : i32 to vector<16xi32>
        %shift_right_arithmetic3A_748 = arith.shrsi %bitcast3A_745, %shift_right_arithmetic3A_747 : vector<16xi32>
        %sub3A_749 = arith.constant 1597463007 : i32
        %sub3A_750 = vector.broadcast %sub3A_749 : i32 to vector<16xi32>
        %sub3A_751 = arith.subi %sub3A_750, %shift_right_arithmetic3A_748 : vector<16xi32>
        %bitcast3A_752 = vector.bitcast %sub3A_751 : vector<16xi32> to vector<16xf32>
        %mul3A_753 = arith.constant 5.000000e-01 : f32
        %mul3A_754 = vector.broadcast %mul3A_753 : f32 to vector<16xf32>
        %mul3A_755 = arith.mulf %max3A_744, %mul3A_754 : vector<16xf32>
        %mul3A_756 = arith.mulf %mul3A_755, %bitcast3A_752 : vector<16xf32>
        %mul3A_757 = arith.mulf %mul3A_756, %bitcast3A_752 : vector<16xf32>
        %sub3A_758 = arith.constant 1.500000e+00 : f32
        %sub3A_759 = vector.broadcast %sub3A_758 : f32 to vector<16xf32>
        %sub3A_760 = arith.subf %sub3A_759, %mul3A_757 : vector<16xf32>
        %mul3A_761 = arith.mulf %bitcast3A_752, %sub3A_760 : vector<16xf32>
        %mul3A_762 = arith.mulf %mul3A_755, %mul3A_761 : vector<16xf32>
        %mul3A_763 = arith.mulf %mul3A_762, %mul3A_761 : vector<16xf32>
        %sub3A_764 = arith.constant 1.500000e+00 : f32
        %sub3A_765 = vector.broadcast %sub3A_764 : f32 to vector<16xf32>
        %sub3A_766 = arith.subf %sub3A_765, %mul3A_763 : vector<16xf32>
        %mul3A_767 = arith.mulf %mul3A_761, %sub3A_766 : vector<16xf32>
        %mul3A_768 = arith.mulf %mul3A_755, %mul3A_767 : vector<16xf32>
        %mul3A_769 = arith.mulf %mul3A_768, %mul3A_767 : vector<16xf32>
        %sub3A_770 = arith.constant 1.500000e+00 : f32
        %sub3A_771 = vector.broadcast %sub3A_770 : f32 to vector<16xf32>
        %sub3A_772 = arith.subf %sub3A_771, %mul3A_769 : vector<16xf32>
        %mul3A_773 = arith.mulf %mul3A_767, %sub3A_772 : vector<16xf32>
        %mul3A_774 = arith.mulf %max3A_744, %mul3A_773 : vector<16xf32>
        %swap3A_775 = arith.index_cast %mul3A_712 : i32 to index
        %swap3A_776 = tpu.vector_load %arg60[%swap3A_775] {strides = array<i32>} : memref<2000xf32, #tpu.memory_space<vmem>>, vector<16xf32>,
        tpu.vector_store %arg60[%swap3A_775], %mul3A_774 {strides = array<i32>} : memref<2000xf32, #tpu.memory_space<vmem>>, vector<16xf32>,
        %scan3A_777 = arith.constant 1 : i32
        %scan3A_778 = arith.addi %scan3A_710, %scan3A_777 : i32
        %mul3A_779 = arith.constant 16 : i32
        %mul3A_780 = arith.muli %scan3A_778, %mul3A_779 : i32
        %get3A_781 = arith.index_cast %mul3A_780 : i32 to index
        %get3A_782 = tpu.vector_load %arg36[%get3A_781] {strides = array<i32>} : memref<2000xf32, #tpu.memory_space<vmem>>, vector<16xf32>,
        %get3A_783 = arith.index_cast %mul3A_780 : i32 to index
        %get3A_784 = tpu.vector_load %arg40[%get3A_783] {strides = array<i32>} : memref<2000xf32, #tpu.memory_space<vmem>>, vector<16xf32>,
        %get3A_785 = arith.index_cast %mul3A_780 : i32 to index
        %get3A_786 = tpu.vector_load %arg44[%get3A_785] {strides = array<i32>} : memref<2000xf32, #tpu.memory_space<vmem>>, vector<16xf32>,
        %get3A_787 = arith.index_cast %mul3A_780 : i32 to index
        %get3A_788 = tpu.vector_load %arg48[%get3A_787] {strides = array<i32>} : memref<2000xf32, #tpu.memory_space<vmem>>, vector<16xf32>,
        %get3A_789 = arith.index_cast %mul3A_780 : i32 to index
        %get3A_790 = tpu.vector_load %arg52[%get3A_789] {strides = array<i32>} : memref<2000xf32, #tpu.memory_space<vmem>>, vector<16xf32>,
        %get3A_791 = arith.index_cast %mul3A_780 : i32 to index
        %get3A_792 = tpu.vector_load %arg56[%get3A_791] {strides = array<i32>} : memref<2000xf32, #tpu.memory_space<vmem>>, vector<16xf32>,
        %get3A_793 = arith.index_cast %mul3A_780 : i32 to index
        %get3A_794 = tpu.vector_load %arg24[%get3A_793] {strides = array<i32>} : memref<2000xf32, #tpu.memory_space<vmem>>, vector<16xf32>,
        %get3A_795 = arith.index_cast %mul3A_780 : i32 to index
        %get3A_796 = tpu.vector_load %arg28[%get3A_795] {strides = array<i32>} : memref<2000xf32, #tpu.memory_space<vmem>>, vector<16xf32>,
        %get3A_797 = arith.index_cast %mul3A_780 : i32 to index
        %get3A_798 = tpu.vector_load %arg32[%get3A_797] {strides = array<i32>} : memref<2000xf32, #tpu.memory_space<vmem>>, vector<16xf32>,
        %add3A_799 = arith.addf %get3A_788, %get3A_794 : vector<16xf32>
        %sub3A_800 = arith.subf %get3A_782, %add3A_799 : vector<16xf32>
        %add3A_801 = arith.addf %get3A_790, %get3A_796 : vector<16xf32>
        %sub3A_802 = arith.subf %get3A_784, %add3A_801 : vector<16xf32>
        %add3A_803 = arith.addf %get3A_792, %get3A_798 : vector<16xf32>
        %sub3A_804 = arith.subf %get3A_786, %add3A_803 : vector<16xf32>
        %mul3A_805 = arith.mulf %sub3A_800, %sub3A_800 : vector<16xf32>
        %mul3A_806 = arith.mulf %sub3A_802, %sub3A_802 : vector<16xf32>
        %add3A_807 = arith.addf %mul3A_805, %mul3A_806 : vector<16xf32>
        %mul3A_808 = arith.mulf %sub3A_804, %sub3A_804 : vector<16xf32>
        %add3A_809 = arith.addf %add3A_807, %mul3A_808 : vector<16xf32>
        %max3A_810 = arith.constant 1.000000e-30 : f32
        %max3A_811 = vector.broadcast %max3A_810 : f32 to vector<16xf32>
        %max3A_812 = arith.maximumf %add3A_809, %max3A_811 : vector<16xf32>
        %bitcast3A_813 = vector.bitcast %max3A_812 : vector<16xf32> to vector<16xi32>
        %shift_right_arithmetic3A_814 = arith.constant 1 : i32
        %shift_right_arithmetic3A_815 = vector.broadcast %shift_right_arithmetic3A_814 : i32 to vector<16xi32>
        %shift_right_arithmetic3A_816 = arith.shrsi %bitcast3A_813, %shift_right_arithmetic3A_815 : vector<16xi32>
        %sub3A_817 = arith.constant 1597463007 : i32
        %sub3A_818 = vector.broadcast %sub3A_817 : i32 to vector<16xi32>
        %sub3A_819 = arith.subi %sub3A_818, %shift_right_arithmetic3A_816 : vector<16xi32>
        %bitcast3A_820 = vector.bitcast %sub3A_819 : vector<16xi32> to vector<16xf32>
        %mul3A_821 = arith.constant 5.000000e-01 : f32
        %mul3A_822 = vector.broadcast %mul3A_821 : f32 to vector<16xf32>
        %mul3A_823 = arith.mulf %max3A_812, %mul3A_822 : vector<16xf32>
        %mul3A_824 = arith.mulf %mul3A_823, %bitcast3A_820 : vector<16xf32>
        %mul3A_825 = arith.mulf %mul3A_824, %bitcast3A_820 : vector<16xf32>
        %sub3A_826 = arith.constant 1.500000e+00 : f32
        %sub3A_827 = vector.broadcast %sub3A_826 : f32 to vector<16xf32>
        %sub3A_828 = arith.subf %sub3A_827, %mul3A_825 : vector<16xf32>
        %mul3A_829 = arith.mulf %bitcast3A_820, %sub3A_828 : vector<16xf32>
        %mul3A_830 = arith.mulf %mul3A_823, %mul3A_829 : vector<16xf32>
        %mul3A_831 = arith.mulf %mul3A_830, %mul3A_829 : vector<16xf32>
        %sub3A_832 = arith.constant 1.500000e+00 : f32
        %sub3A_833 = vector.broadcast %sub3A_832 : f32 to vector<16xf32>
        %sub3A_834 = arith.subf %sub3A_833, %mul3A_831 : vector<16xf32>
        %mul3A_835 = arith.mulf %mul3A_829, %sub3A_834 : vector<16xf32>
        %mul3A_836 = arith.mulf %mul3A_823, %mul3A_835 : vector<16xf32>
        %mul3A_837 = arith.mulf %mul3A_836, %mul3A_835 : vector<16xf32>
        %sub3A_838 = arith.constant 1.500000e+00 : f32
        %sub3A_839 = vector.broadcast %sub3A_838 : f32 to vector<16xf32>
        %sub3A_840 = arith.subf %sub3A_839, %mul3A_837 : vector<16xf32>
        %mul3A_841 = arith.mulf %mul3A_835, %sub3A_840 : vector<16xf32>
        %mul3A_842 = arith.mulf %max3A_812, %mul3A_841 : vector<16xf32>
        %swap3A_843 = arith.index_cast %mul3A_780 : i32 to index
        %swap3A_844 = tpu.vector_load %arg60[%swap3A_843] {strides = array<i32>} : memref<2000xf32, #tpu.memory_space<vmem>>, vector<16xf32>,
        tpu.vector_store %arg60[%swap3A_843], %mul3A_842 {strides = array<i32>} : memref<2000xf32, #tpu.memory_space<vmem>>, vector<16xf32>,
        %scan3A_845 = arith.constant 2 : i32
        %scan3A_846 = arith.addi %scan3A_710, %scan3A_845 : i32
        %mul3A_847 = arith.constant 16 : i32
        %mul3A_848 = arith.muli %scan3A_846, %mul3A_847 : i32
        %get3A_849 = arith.index_cast %mul3A_848 : i32 to index
        %get3A_850 = tpu.vector_load %arg36[%get3A_849] {strides = array<i32>} : memref<2000xf32, #tpu.memory_space<vmem>>, vector<16xf32>,
        %get3A_851 = arith.index_cast %mul3A_848 : i32 to index
        %get3A_852 = tpu.vector_load %arg40[%get3A_851] {strides = array<i32>} : memref<2000xf32, #tpu.memory_space<vmem>>, vector<16xf32>,
        %get3A_853 = arith.index_cast %mul3A_848 : i32 to index
        %get3A_854 = tpu.vector_load %arg44[%get3A_853] {strides = array<i32>} : memref<2000xf32, #tpu.memory_space<vmem>>, vector<16xf32>,
        %get3A_855 = arith.index_cast %mul3A_848 : i32 to index
        %get3A_856 = tpu.vector_load %arg48[%get3A_855] {strides = array<i32>} : memref<2000xf32, #tpu.memory_space<vmem>>, vector<16xf32>,
        %get3A_857 = arith.index_cast %mul3A_848 : i32 to index
        %get3A_858 = tpu.vector_load %arg52[%get3A_857] {strides = array<i32>} : memref<2000xf32, #tpu.memory_space<vmem>>, vector<16xf32>,
        %get3A_859 = arith.index_cast %mul3A_848 : i32 to index
        %get3A_860 = tpu.vector_load %arg56[%get3A_859] {strides = array<i32>} : memref<2000xf32, #tpu.memory_space<vmem>>, vector<16xf32>,
        %get3A_861 = arith.index_cast %mul3A_848 : i32 to index
        %get3A_862 = tpu.vector_load %arg24[%get3A_861] {strides = array<i32>} : memref<2000xf32, #tpu.memory_space<vmem>>, vector<16xf32>,
        %get3A_863 = arith.index_cast %mul3A_848 : i32 to index
        %get3A_864 = tpu.vector_load %arg28[%get3A_863] {strides = array<i32>} : memref<2000xf32, #tpu.memory_space<vmem>>, vector<16xf32>,
        %get3A_865 = arith.index_cast %mul3A_848 : i32 to index
        %get3A_866 = tpu.vector_load %arg32[%get3A_865] {strides = array<i32>} : memref<2000xf32, #tpu.memory_space<vmem>>, vector<16xf32>,
        %add3A_867 = arith.addf %get3A_856, %get3A_862 : vector<16xf32>
        %sub3A_868 = arith.subf %get3A_850, %add3A_867 : vector<16xf32>
        %add3A_869 = arith.addf %get3A_858, %get3A_864 : vector<16xf32>
        %sub3A_870 = arith.subf %get3A_852, %add3A_869 : vector<16xf32>
        %add3A_871 = arith.addf %get3A_860, %get3A_866 : vector<16xf32>
        %sub3A_872 = arith.subf %get3A_854, %add3A_871 : vector<16xf32>
        %mul3A_873 = arith.mulf %sub3A_868, %sub3A_868 : vector<16xf32>
        %mul3A_874 = arith.mulf %sub3A_870, %sub3A_870 : vector<16xf32>
        %add3A_875 = arith.addf %mul3A_873, %mul3A_874 : vector<16xf32>
        %mul3A_876 = arith.mulf %sub3A_872, %sub3A_872 : vector<16xf32>
        %add3A_877 = arith.addf %add3A_875, %mul3A_876 : vector<16xf32>
        %max3A_878 = arith.constant 1.000000e-30 : f32
        %max3A_879 = vector.broadcast %max3A_878 : f32 to vector<16xf32>
        %max3A_880 = arith.maximumf %add3A_877, %max3A_879 : vector<16xf32>
        %bitcast3A_881 = vector.bitcast %max3A_880 : vector<16xf32> to vector<16xi32>
        %shift_right_arithmetic3A_882 = arith.constant 1 : i32
        %shift_right_arithmetic3A_883 = vector.broadcast %shift_right_arithmetic3A_882 : i32 to vector<16xi32>
        %shift_right_arithmetic3A_884 = arith.shrsi %bitcast3A_881, %shift_right_arithmetic3A_883 : vector<16xi32>
        %sub3A_885 = arith.constant 1597463007 : i32
        %sub3A_886 = vector.broadcast %sub3A_885 : i32 to vector<16xi32>
        %sub3A_887 = arith.subi %sub3A_886, %shift_right_arithmetic3A_884 : vector<16xi32>
        %bitcast3A_888 = vector.bitcast %sub3A_887 : vector<16xi32> to vector<16xf32>
        %mul3A_889 = arith.constant 5.000000e-01 : f32
        %mul3A_890 = vector.broadcast %mul3A_889 : f32 to vector<16xf32>
        %mul3A_891 = arith.mulf %max3A_880, %mul3A_890 : vector<16xf32>
        %mul3A_892 = arith.mulf %mul3A_891, %bitcast3A_888 : vector<16xf32>
        %mul3A_893 = arith.mulf %mul3A_892, %bitcast3A_888 : vector<16xf32>
        %sub3A_894 = arith.constant 1.500000e+00 : f32
        %sub3A_895 = vector.broadcast %sub3A_894 : f32 to vector<16xf32>
        %sub3A_896 = arith.subf %sub3A_895, %mul3A_893 : vector<16xf32>
        %mul3A_897 = arith.mulf %bitcast3A_888, %sub3A_896 : vector<16xf32>
        %mul3A_898 = arith.mulf %mul3A_891, %mul3A_897 : vector<16xf32>
        %mul3A_899 = arith.mulf %mul3A_898, %mul3A_897 : vector<16xf32>
        %sub3A_900 = arith.constant 1.500000e+00 : f32
        %sub3A_901 = vector.broadcast %sub3A_900 : f32 to vector<16xf32>
        %sub3A_902 = arith.subf %sub3A_901, %mul3A_899 : vector<16xf32>
        %mul3A_903 = arith.mulf %mul3A_897, %sub3A_902 : vector<16xf32>
        %mul3A_904 = arith.mulf %mul3A_891, %mul3A_903 : vector<16xf32>
        %mul3A_905 = arith.mulf %mul3A_904, %mul3A_903 : vector<16xf32>
        %sub3A_906 = arith.constant 1.500000e+00 : f32
        %sub3A_907 = vector.broadcast %sub3A_906 : f32 to vector<16xf32>
        %sub3A_908 = arith.subf %sub3A_907, %mul3A_905 : vector<16xf32>
        %mul3A_909 = arith.mulf %mul3A_903, %sub3A_908 : vector<16xf32>
        %mul3A_910 = arith.mulf %max3A_880, %mul3A_909 : vector<16xf32>
        %swap3A_911 = arith.index_cast %mul3A_848 : i32 to index
        %swap3A_912 = tpu.vector_load %arg60[%swap3A_911] {strides = array<i32>} : memref<2000xf32, #tpu.memory_space<vmem>>, vector<16xf32>,
        tpu.vector_store %arg60[%swap3A_911], %mul3A_910 {strides = array<i32>} : memref<2000xf32, #tpu.memory_space<vmem>>, vector<16xf32>,
        %scan3A_913 = arith.constant 3 : i32
        %scan3A_914 = arith.addi %scan3A_710, %scan3A_913 : i32
        %mul3A_915 = arith.constant 16 : i32
        %mul3A_916 = arith.muli %scan3A_914, %mul3A_915 : i32
        %get3A_917 = arith.index_cast %mul3A_916 : i32 to index
        %get3A_918 = tpu.vector_load %arg36[%get3A_917] {strides = array<i32>} : memref<2000xf32, #tpu.memory_space<vmem>>, vector<16xf32>,
        %get3A_919 = arith.index_cast %mul3A_916 : i32 to index
        %get3A_920 = tpu.vector_load %arg40[%get3A_919] {strides = array<i32>} : memref<2000xf32, #tpu.memory_space<vmem>>, vector<16xf32>,
        %get3A_921 = arith.index_cast %mul3A_916 : i32 to index
        %get3A_922 = tpu.vector_load %arg44[%get3A_921] {strides = array<i32>} : memref<2000xf32, #tpu.memory_space<vmem>>, vector<16xf32>,
        %get3A_923 = arith.index_cast %mul3A_916 : i32 to index
        %get3A_924 = tpu.vector_load %arg48[%get3A_923] {strides = array<i32>} : memref<2000xf32, #tpu.memory_space<vmem>>, vector<16xf32>,
        %get3A_925 = arith.index_cast %mul3A_916 : i32 to index
        %get3A_926 = tpu.vector_load %arg52[%get3A_925] {strides = array<i32>} : memref<2000xf32, #tpu.memory_space<vmem>>, vector<16xf32>,
        %get3A_927 = arith.index_cast %mul3A_916 : i32 to index
        %get3A_928 = tpu.vector_load %arg56[%get3A_927] {strides = array<i32>} : memref<2000xf32, #tpu.memory_space<vmem>>, vector<16xf32>,
        %get3A_929 = arith.index_cast %mul3A_916 : i32 to index
        %get3A_930 = tpu.vector_load %arg24[%get3A_929] {strides = array<i32>} : memref<2000xf32, #tpu.memory_space<vmem>>, vector<16xf32>,
        %get3A_931 = arith.index_cast %mul3A_916 : i32 to index
        %get3A_932 = tpu.vector_load %arg28[%get3A_931] {strides = array<i32>} : memref<2000xf32, #tpu.memory_space<vmem>>, vector<16xf32>,
        %get3A_933 = arith.index_cast %mul3A_916 : i32 to index
        %get3A_934 = tpu.vector_load %arg32[%get3A_933] {strides = array<i32>} : memref<2000xf32, #tpu.memory_space<vmem>>, vector<16xf32>,
        %add3A_935 = arith.addf %get3A_924, %get3A_930 : vector<16xf32>
        %sub3A_936 = arith.subf %get3A_918, %add3A_935 : vector<16xf32>
        %add3A_937 = arith.addf %get3A_926, %get3A_932 : vector<16xf32>
        %sub3A_938 = arith.subf %get3A_920, %add3A_937 : vector<16xf32>
        %add3A_939 = arith.addf %get3A_928, %get3A_934 : vector<16xf32>
        %sub3A_940 = arith.subf %get3A_922, %add3A_939 : vector<16xf32>
        %mul3A_941 = arith.mulf %sub3A_936, %sub3A_936 : vector<16xf32>
        %mul3A_942 = arith.mulf %sub3A_938, %sub3A_938 : vector<16xf32>
        %add3A_943 = arith.addf %mul3A_941, %mul3A_942 : vector<16xf32>
        %mul3A_944 = arith.mulf %sub3A_940, %sub3A_940 : vector<16xf32>
        %add3A_945 = arith.addf %add3A_943, %mul3A_944 : vector<16xf32>
        %max3A_946 = arith.constant 1.000000e-30 : f32
        %max3A_947 = vector.broadcast %max3A_946 : f32 to vector<16xf32>
        %max3A_948 = arith.maximumf %add3A_945, %max3A_947 : vector<16xf32>
        %bitcast3A_949 = vector.bitcast %max3A_948 : vector<16xf32> to vector<16xi32>
        %shift_right_arithmetic3A_950 = arith.constant 1 : i32
        %shift_right_arithmetic3A_951 = vector.broadcast %shift_right_arithmetic3A_950 : i32 to vector<16xi32>
        %shift_right_arithmetic3A_952 = arith.shrsi %bitcast3A_949, %shift_right_arithmetic3A_951 : vector<16xi32>
        %sub3A_953 = arith.constant 1597463007 : i32
        %sub3A_954 = vector.broadcast %sub3A_953 : i32 to vector<16xi32>
        %sub3A_955 = arith.subi %sub3A_954, %shift_right_arithmetic3A_952 : vector<16xi32>
        %bitcast3A_956 = vector.bitcast %sub3A_955 : vector<16xi32> to vector<16xf32>
        %mul3A_957 = arith.constant 5.000000e-01 : f32
        %mul3A_958 = vector.broadcast %mul3A_957 : f32 to vector<16xf32>
        %mul3A_959 = arith.mulf %max3A_948, %mul3A_958 : vector<16xf32>
        %mul3A_960 = arith.mulf %mul3A_959, %bitcast3A_956 : vector<16xf32>
        %mul3A_961 = arith.mulf %mul3A_960, %bitcast3A_956 : vector<16xf32>
        %sub3A_962 = arith.constant 1.500000e+00 : f32
        %sub3A_963 = vector.broadcast %sub3A_962 : f32 to vector<16xf32>
        %sub3A_964 = arith.subf %sub3A_963, %mul3A_961 : vector<16xf32>
        %mul3A_965 = arith.mulf %bitcast3A_956, %sub3A_964 : vector<16xf32>
        %mul3A_966 = arith.mulf %mul3A_959, %mul3A_965 : vector<16xf32>
        %mul3A_967 = arith.mulf %mul3A_966, %mul3A_965 : vector<16xf32>
        %sub3A_968 = arith.constant 1.500000e+00 : f32
        %sub3A_969 = vector.broadcast %sub3A_968 : f32 to vector<16xf32>
        %sub3A_970 = arith.subf %sub3A_969, %mul3A_967 : vector<16xf32>
        %mul3A_971 = arith.mulf %mul3A_965, %sub3A_970 : vector<16xf32>
        %mul3A_972 = arith.mulf %mul3A_959, %mul3A_971 : vector<16xf32>
        %mul3A_973 = arith.mulf %mul3A_972, %mul3A_971 : vector<16xf32>
        %sub3A_974 = arith.constant 1.500000e+00 : f32
        %sub3A_975 = vector.broadcast %sub3A_974 : f32 to vector<16xf32>
        %sub3A_976 = arith.subf %sub3A_975, %mul3A_973 : vector<16xf32>
        %mul3A_977 = arith.mulf %mul3A_971, %sub3A_976 : vector<16xf32>
        %mul3A_978 = arith.mulf %max3A_948, %mul3A_977 : vector<16xf32>
        %swap3A_979 = arith.index_cast %mul3A_916 : i32 to index
        %swap3A_980 = tpu.vector_load %arg60[%swap3A_979] {strides = array<i32>} : memref<2000xf32, #tpu.memory_space<vmem>>, vector<16xf32>,
        tpu.vector_store %arg60[%swap3A_979], %mul3A_978 {strides = array<i32>} : memref<2000xf32, #tpu.memory_space<vmem>>, vector<16xf32>,
      }
      %scan3A_499 = arith.constant 124 : i32
      %scan3A_500 = arith.addi %scan3A_495, %scan3A_499 : i32
      %mul3A_501 = arith.constant 16 : i32
      %mul3A_502 = arith.muli %scan3A_500, %mul3A_501 : i32
      %get3A_503 = arith.index_cast %mul3A_502 : i32 to index
      %get3A_504 = tpu.vector_load %arg36[%get3A_503] {strides = array<i32>} : memref<2000xf32, #tpu.memory_space<vmem>>, vector<16xf32>,
      %get3A_505 = arith.index_cast %mul3A_502 : i32 to index
      %get3A_506 = tpu.vector_load %arg40[%get3A_505] {strides = array<i32>} : memref<2000xf32, #tpu.memory_space<vmem>>, vector<16xf32>,
      %get3A_507 = arith.index_cast %mul3A_502 : i32 to index
      %get3A_508 = tpu.vector_load %arg44[%get3A_507] {strides = array<i32>} : memref<2000xf32, #tpu.memory_space<vmem>>, vector<16xf32>,
      %get3A_509 = arith.index_cast %mul3A_502 : i32 to index
      %get3A_510 = tpu.vector_load %arg48[%get3A_509] {strides = array<i32>} : memref<2000xf32, #tpu.memory_space<vmem>>, vector<16xf32>,
      %get3A_511 = arith.index_cast %mul3A_502 : i32 to index
      %get3A_512 = tpu.vector_load %arg52[%get3A_511] {strides = array<i32>} : memref<2000xf32, #tpu.memory_space<vmem>>, vector<16xf32>,
      %get3A_513 = arith.index_cast %mul3A_502 : i32 to index
      %get3A_514 = tpu.vector_load %arg56[%get3A_513] {strides = array<i32>} : memref<2000xf32, #tpu.memory_space<vmem>>, vector<16xf32>,
      %get3A_515 = arith.index_cast %mul3A_502 : i32 to index
      %get3A_516 = tpu.vector_load %arg24[%get3A_515] {strides = array<i32>} : memref<2000xf32, #tpu.memory_space<vmem>>, vector<16xf32>,
      %get3A_517 = arith.index_cast %mul3A_502 : i32 to index
      %get3A_518 = tpu.vector_load %arg28[%get3A_517] {strides = array<i32>} : memref<2000xf32, #tpu.memory_space<vmem>>, vector<16xf32>,
      %get3A_519 = arith.index_cast %mul3A_502 : i32 to index
      %get3A_520 = tpu.vector_load %arg32[%get3A_519] {strides = array<i32>} : memref<2000xf32, #tpu.memory_space<vmem>>, vector<16xf32>,
      %add3A_521 = arith.addf %get3A_510, %get3A_516 : vector<16xf32>
      %sub3A_522 = arith.subf %get3A_504, %add3A_521 : vector<16xf32>
      %add3A_523 = arith.addf %get3A_512, %get3A_518 : vector<16xf32>
      %sub3A_524 = arith.subf %get3A_506, %add3A_523 : vector<16xf32>
      %add3A_525 = arith.addf %get3A_514, %get3A_520 : vector<16xf32>
      %sub3A_526 = arith.subf %get3A_508, %add3A_525 : vector<16xf32>
      %mul3A_527 = arith.mulf %sub3A_522, %sub3A_522 : vector<16xf32>
      %mul3A_528 = arith.mulf %sub3A_524, %sub3A_524 : vector<16xf32>
      %add3A_529 = arith.addf %mul3A_527, %mul3A_528 : vector<16xf32>
      %mul3A_530 = arith.mulf %sub3A_526, %sub3A_526 : vector<16xf32>
      %add3A_531 = arith.addf %add3A_529, %mul3A_530 : vector<16xf32>
      %max3A_532 = arith.constant 1.000000e-30 : f32
      %max3A_533 = vector.broadcast %max3A_532 : f32 to vector<16xf32>
      %max3A_534 = arith.maximumf %add3A_531, %max3A_533 : vector<16xf32>
      %bitcast3A_535 = vector.bitcast %max3A_534 : vector<16xf32> to vector<16xi32>
      %shift_right_arithmetic3A_536 = arith.constant 1 : i32
      %shift_right_arithmetic3A_537 = vector.broadcast %shift_right_arithmetic3A_536 : i32 to vector<16xi32>
      %shift_right_arithmetic3A_538 = arith.shrsi %bitcast3A_535, %shift_right_arithmetic3A_537 : vector<16xi32>
      %sub3A_539 = arith.constant 1597463007 : i32
      %sub3A_540 = vector.broadcast %sub3A_539 : i32 to vector<16xi32>
      %sub3A_541 = arith.subi %sub3A_540, %shift_right_arithmetic3A_538 : vector<16xi32>
      %bitcast3A_542 = vector.bitcast %sub3A_541 : vector<16xi32> to vector<16xf32>
      %mul3A_543 = arith.constant 5.000000e-01 : f32
      %mul3A_544 = vector.broadcast %mul3A_543 : f32 to vector<16xf32>
      %mul3A_545 = arith.mulf %max3A_534, %mul3A_544 : vector<16xf32>
      %mul3A_546 = arith.mulf %mul3A_545, %bitcast3A_542 : vector<16xf32>
      %mul3A_547 = arith.mulf %mul3A_546, %bitcast3A_542 : vector<16xf32>
      %sub3A_548 = arith.constant 1.500000e+00 : f32
      %sub3A_549 = vector.broadcast %sub3A_548 : f32 to vector<16xf32>
      %sub3A_550 = arith.subf %sub3A_549, %mul3A_547 : vector<16xf32>
      %mul3A_551 = arith.mulf %bitcast3A_542, %sub3A_550 : vector<16xf32>
      %mul3A_552 = arith.mulf %mul3A_545, %mul3A_551 : vector<16xf32>
      %mul3A_553 = arith.mulf %mul3A_552, %mul3A_551 : vector<16xf32>
      %sub3A_554 = arith.constant 1.500000e+00 : f32
      %sub3A_555 = vector.broadcast %sub3A_554 : f32 to vector<16xf32>
      %sub3A_556 = arith.subf %sub3A_555, %mul3A_553 : vector<16xf32>
      %mul3A_557 = arith.mulf %mul3A_551, %sub3A_556 : vector<16xf32>
      %mul3A_558 = arith.mulf %mul3A_545, %mul3A_557 : vector<16xf32>
      %mul3A_559 = arith.mulf %mul3A_558, %mul3A_557 : vector<16xf32>
      %sub3A_560 = arith.constant 1.500000e+00 : f32
      %sub3A_561 = vector.broadcast %sub3A_560 : f32 to vector<16xf32>
      %sub3A_562 = arith.subf %sub3A_561, %mul3A_559 : vector<16xf32>
      %mul3A_563 = arith.mulf %mul3A_557, %sub3A_562 : vector<16xf32>
      %mul3A_564 = arith.mulf %max3A_534, %mul3A_563 : vector<16xf32>
      %swap3A_565 = arith.index_cast %mul3A_502 : i32 to index
      %swap3A_566 = tpu.vector_load %arg60[%swap3A_565] {strides = array<i32>} : memref<2000xf32, #tpu.memory_space<vmem>>, vector<16xf32>,
      tpu.vector_store %arg60[%swap3A_565], %mul3A_564 {strides = array<i32>} : memref<2000xf32, #tpu.memory_space<vmem>>, vector<16xf32>,
      %scan3A_567 = arith.constant 125 : i32
      %mul3A_568 = arith.constant 2000 : i32
      %mul3A_569 = arith.muli %add3A_445, %mul3A_568 : i32
      %add3A_570 = arith.addi %mul3A_4, %mul3A_569 : i32
      %dma_start3A_571 = arith.constant 2 : i32
      %dma_start3A_572 = tpu.memref_slice %arg10[%add3A_570] : memref<6400000xf32, #tpu.memory_space<hbm>> -> memref<2000xf32, #tpu.memory_space<hbm>>
      %dma_start3A_573 = tpu.memref_slice %arg64[%dma_start3A_571] : memref<4x!tpu.dma_semaphore, #tpu.memory_space<semaphore_mem>> -> memref<1x!tpu.dma_semaphore, #tpu.memory_space<semaphore_mem>>
      %dma_start3A_574 = tpu.memref_squeeze %dma_start3A_573 : memref<1x!tpu.dma_semaphore, #tpu.memory_space<semaphore_mem>> -> memref<!tpu.dma_semaphore, #tpu.memory_space<semaphore_mem>>
      %dma_start3A_575 = tpu.memref_slice %arg10[%add3A_570] : memref<6400000xf32, #tpu.memory_space<hbm>> -> memref<2000xf32, #tpu.memory_space<hbm>>
      tpu.enqueue_dma source(%arg60 : memref<2000xf32, #tpu.memory_space<vmem>>) target(%dma_start3A_575 : memref<2000xf32, #tpu.memory_space<hbm>>) target_semaphore(%dma_start3A_574 : memref<!tpu.dma_semaphore, #tpu.memory_space<semaphore_mem>>)
      %mul3A_576 = arith.constant 4 : i32
      %mul3A_577 = arith.muli %scan3A_181, %mul3A_576 : i32
      %add3A_578 = arith.constant 3 : i32
      %add3A_579 = arith.addi %mul3A_577, %add3A_578 : i32
      %dma_wait3A_580 = arith.constant 3 : i32
      %dma_wait3A_581 = arith.constant 0 : i32
      %dma_wait3A_582 = tpu.memref_slice %arg11[%dma_wait3A_581] : memref<100000xf32, #tpu.memory_space<vmem_shared>> -> memref<100000xf32, #tpu.memory_space<vmem_shared>>
      %dma_wait3A_583 = tpu.memref_slice %arg63[%dma_wait3A_580] : memref<4x!tpu.dma_semaphore, #tpu.memory_space<semaphore_mem>> -> memref<1x!tpu.dma_semaphore, #tpu.memory_space<semaphore_mem>>
      %dma_wait3A_584 = tpu.memref_squeeze %dma_wait3A_583 : memref<1x!tpu.dma_semaphore, #tpu.memory_space<semaphore_mem>> -> memref<!tpu.dma_semaphore, #tpu.memory_space<semaphore_mem>>
      tpu.wait_indirect_dma semaphore(%dma_wait3A_584 : memref<!tpu.dma_semaphore, #tpu.memory_space<semaphore_mem>>) src(%dma_wait3A_582 : memref<100000xf32, #tpu.memory_space<vmem_shared>>) dst(%arg37 : memref<2000xf32, #tpu.memory_space<vmem>>)
      %dma_wait3A_585 = arith.constant 3 : i32
      %dma_wait3A_586 = arith.constant 0 : i32
      %dma_wait3A_587 = tpu.memref_slice %arg12[%dma_wait3A_586] : memref<100000xf32, #tpu.memory_space<vmem_shared>> -> memref<100000xf32, #tpu.memory_space<vmem_shared>>
      %dma_wait3A_588 = tpu.memref_slice %arg63[%dma_wait3A_585] : memref<4x!tpu.dma_semaphore, #tpu.memory_space<semaphore_mem>> -> memref<1x!tpu.dma_semaphore, #tpu.memory_space<semaphore_mem>>
      %dma_wait3A_589 = tpu.memref_squeeze %dma_wait3A_588 : memref<1x!tpu.dma_semaphore, #tpu.memory_space<semaphore_mem>> -> memref<!tpu.dma_semaphore, #tpu.memory_space<semaphore_mem>>
      tpu.wait_indirect_dma semaphore(%dma_wait3A_589 : memref<!tpu.dma_semaphore, #tpu.memory_space<semaphore_mem>>) src(%dma_wait3A_587 : memref<100000xf32, #tpu.memory_space<vmem_shared>>) dst(%arg41 : memref<2000xf32, #tpu.memory_space<vmem>>)
      %dma_wait3A_590 = arith.constant 3 : i32
      %dma_wait3A_591 = arith.constant 0 : i32
      %dma_wait3A_592 = tpu.memref_slice %arg13[%dma_wait3A_591] : memref<100000xf32, #tpu.memory_space<vmem_shared>> -> memref<100000xf32, #tpu.memory_space<vmem_shared>>
      %dma_wait3A_593 = tpu.memref_slice %arg63[%dma_wait3A_590] : memref<4x!tpu.dma_semaphore, #tpu.memory_space<semaphore_mem>> -> memref<1x!tpu.dma_semaphore, #tpu.memory_space<semaphore_mem>>
      %dma_wait3A_594 = tpu.memref_squeeze %dma_wait3A_593 : memref<1x!tpu.dma_semaphore, #tpu.memory_space<semaphore_mem>> -> memref<!tpu.dma_semaphore, #tpu.memory_space<semaphore_mem>>
      tpu.wait_indirect_dma semaphore(%dma_wait3A_594 : memref<!tpu.dma_semaphore, #tpu.memory_space<semaphore_mem>>) src(%dma_wait3A_592 : memref<100000xf32, #tpu.memory_space<vmem_shared>>) dst(%arg45 : memref<2000xf32, #tpu.memory_space<vmem>>)
      %dma_wait3A_595 = arith.constant 3 : i32
      %dma_wait3A_596 = arith.constant 0 : i32
      %dma_wait3A_597 = tpu.memref_slice %arg11[%dma_wait3A_596] : memref<100000xf32, #tpu.memory_space<vmem_shared>> -> memref<100000xf32, #tpu.memory_space<vmem_shared>>
      %dma_wait3A_598 = tpu.memref_slice %arg63[%dma_wait3A_595] : memref<4x!tpu.dma_semaphore, #tpu.memory_space<semaphore_mem>> -> memref<1x!tpu.dma_semaphore, #tpu.memory_space<semaphore_mem>>
      %dma_wait3A_599 = tpu.memref_squeeze %dma_wait3A_598 : memref<1x!tpu.dma_semaphore, #tpu.memory_space<semaphore_mem>> -> memref<!tpu.dma_semaphore, #tpu.memory_space<semaphore_mem>>
      tpu.wait_indirect_dma semaphore(%dma_wait3A_599 : memref<!tpu.dma_semaphore, #tpu.memory_space<semaphore_mem>>) src(%dma_wait3A_597 : memref<100000xf32, #tpu.memory_space<vmem_shared>>) dst(%arg49 : memref<2000xf32, #tpu.memory_space<vmem>>)
      %dma_wait3A_600 = arith.constant 3 : i32
      %dma_wait3A_601 = arith.constant 0 : i32
      %dma_wait3A_602 = tpu.memref_slice %arg12[%dma_wait3A_601] : memref<100000xf32, #tpu.memory_space<vmem_shared>> -> memref<100000xf32, #tpu.memory_space<vmem_shared>>
      %dma_wait3A_603 = tpu.memref_slice %arg63[%dma_wait3A_600] : memref<4x!tpu.dma_semaphore, #tpu.memory_space<semaphore_mem>> -> memref<1x!tpu.dma_semaphore, #tpu.memory_space<semaphore_mem>>
      %dma_wait3A_604 = tpu.memref_squeeze %dma_wait3A_603 : memref<1x!tpu.dma_semaphore, #tpu.memory_space<semaphore_mem>> -> memref<!tpu.dma_semaphore, #tpu.memory_space<semaphore_mem>>
      tpu.wait_indirect_dma semaphore(%dma_wait3A_604 : memref<!tpu.dma_semaphore, #tpu.memory_space<semaphore_mem>>) src(%dma_wait3A_602 : memref<100000xf32, #tpu.memory_space<vmem_shared>>) dst(%arg53 : memref<2000xf32, #tpu.memory_space<vmem>>)
      %dma_wait3A_605 = arith.constant 3 : i32
      %dma_wait3A_606 = arith.constant 0 : i32
      %dma_wait3A_607 = tpu.memref_slice %arg13[%dma_wait3A_606] : memref<100000xf32, #tpu.memory_space<vmem_shared>> -> memref<100000xf32, #tpu.memory_space<vmem_shared>>
      %dma_wait3A_608 = tpu.memref_slice %arg63[%dma_wait3A_605] : memref<4x!tpu.dma_semaphore, #tpu.memory_space<semaphore_mem>> -> memref<1x!tpu.dma_semaphore, #tpu.memory_space<semaphore_mem>>
      %dma_wait3A_609 = tpu.memref_squeeze %dma_wait3A_608 : memref<1x!tpu.dma_semaphore, #tpu.memory_space<semaphore_mem>> -> memref<!tpu.dma_semaphore, #tpu.memory_space<semaphore_mem>>
      tpu.wait_indirect_dma semaphore(%dma_wait3A_609 : memref<!tpu.dma_semaphore, #tpu.memory_space<semaphore_mem>>) src(%dma_wait3A_607 : memref<100000xf32, #tpu.memory_space<vmem_shared>>) dst(%arg57 : memref<2000xf32, #tpu.memory_space<vmem>>)
      %add3A_610 = arith.constant 1 : i32
      %add3A_611 = arith.addi %add3A_579, %add3A_610 : i32
      %lt3A_612 = arith.constant 100 : i32
      %lt3A_613 = arith.cmpi slt, %add3A_611, %lt3A_612 : i32
      %convert_element_type3A_614 = arith.extui %lt3A_613 : i1 to i32
      %cond3A_615 = arith.constant 0 : i32
      %cond3A_616 = arith.cmpi ne, %convert_element_type3A_614, %cond3A_615 : i32
      scf.if %cond3A_616 {
        %dma_wait3A_710 = arith.constant 0 : i32
        %dma_wait3A_711 = arith.constant 0 : i32
        %dma_wait3A_712 = tpu.memref_slice %arg8[%dma_wait3A_711] : memref<6400000xi32, #tpu.memory_space<hbm>> -> memref<2000xi32, #tpu.memory_space<hbm>>
        %dma_wait3A_713 = tpu.memref_slice %arg62[%dma_wait3A_710] : memref<4x!tpu.dma_semaphore, #tpu.memory_space<semaphore_mem>> -> memref<1x!tpu.dma_semaphore, #tpu.memory_space<semaphore_mem>>
        %dma_wait3A_714 = tpu.memref_squeeze %dma_wait3A_713 : memref<1x!tpu.dma_semaphore, #tpu.memory_space<semaphore_mem>> -> memref<!tpu.dma_semaphore, #tpu.memory_space<semaphore_mem>>
        %dma_wait3A_715 = arith.constant 0 : i32
        %dma_wait3A_716 = tpu.memref_slice %arg8[%dma_wait3A_715] : memref<6400000xi32, #tpu.memory_space<hbm>> -> memref<2000xi32, #tpu.memory_space<hbm>>
        tpu.wait_dma2 semaphore(%dma_wait3A_714 : memref<!tpu.dma_semaphore, #tpu.memory_space<semaphore_mem>>) src(%dma_wait3A_716 : memref<2000xi32, #tpu.memory_space<hbm>>) dst(%arg14 : memref<2000xi32, #tpu.memory_space<vmem>>)
        %dma_wait3A_717 = arith.constant 0 : i32
        %dma_wait3A_718 = arith.constant 0 : i32
        %dma_wait3A_719 = tpu.memref_slice %arg9[%dma_wait3A_718] : memref<6400000xi32, #tpu.memory_space<hbm>> -> memref<2000xi32, #tpu.memory_space<hbm>>
        %dma_wait3A_720 = tpu.memref_slice %arg62[%dma_wait3A_717] : memref<4x!tpu.dma_semaphore, #tpu.memory_space<semaphore_mem>> -> memref<1x!tpu.dma_semaphore, #tpu.memory_space<semaphore_mem>>
        %dma_wait3A_721 = tpu.memref_squeeze %dma_wait3A_720 : memref<1x!tpu.dma_semaphore, #tpu.memory_space<semaphore_mem>> -> memref<!tpu.dma_semaphore, #tpu.memory_space<semaphore_mem>>
        %dma_wait3A_722 = arith.constant 0 : i32
        %dma_wait3A_723 = tpu.memref_slice %arg9[%dma_wait3A_722] : memref<6400000xi32, #tpu.memory_space<hbm>> -> memref<2000xi32, #tpu.memory_space<hbm>>
        tpu.wait_dma2 semaphore(%dma_wait3A_721 : memref<!tpu.dma_semaphore, #tpu.memory_space<semaphore_mem>>) src(%dma_wait3A_723 : memref<2000xi32, #tpu.memory_space<hbm>>) dst(%arg18 : memref<2000xi32, #tpu.memory_space<vmem>>)
        %dma_wait3A_724 = arith.constant 0 : i32
        %dma_wait3A_725 = arith.constant 0 : i32
        %dma_wait3A_726 = tpu.memref_slice %arg5[%dma_wait3A_725] : memref<6400000xf32, #tpu.memory_space<hbm>> -> memref<2000xf32, #tpu.memory_space<hbm>>
        %dma_wait3A_727 = tpu.memref_slice %arg62[%dma_wait3A_724] : memref<4x!tpu.dma_semaphore, #tpu.memory_space<semaphore_mem>> -> memref<1x!tpu.dma_semaphore, #tpu.memory_space<semaphore_mem>>
        %dma_wait3A_728 = tpu.memref_squeeze %dma_wait3A_727 : memref<1x!tpu.dma_semaphore, #tpu.memory_space<semaphore_mem>> -> memref<!tpu.dma_semaphore, #tpu.memory_space<semaphore_mem>>
        %dma_wait3A_729 = arith.constant 0 : i32
        %dma_wait3A_730 = tpu.memref_slice %arg5[%dma_wait3A_729] : memref<6400000xf32, #tpu.memory_space<hbm>> -> memref<2000xf32, #tpu.memory_space<hbm>>
        tpu.wait_dma2 semaphore(%dma_wait3A_728 : memref<!tpu.dma_semaphore, #tpu.memory_space<semaphore_mem>>) src(%dma_wait3A_730 : memref<2000xf32, #tpu.memory_space<hbm>>) dst(%arg22 : memref<2000xf32, #tpu.memory_space<vmem>>)
        %dma_wait3A_731 = arith.constant 0 : i32
        %dma_wait3A_732 = arith.constant 0 : i32
        %dma_wait3A_733 = tpu.memref_slice %arg6[%dma_wait3A_732] : memref<6400000xf32, #tpu.memory_space<hbm>> -> memref<2000xf32, #tpu.memory_space<hbm>>
        %dma_wait3A_734 = tpu.memref_slice %arg62[%dma_wait3A_731] : memref<4x!tpu.dma_semaphore, #tpu.memory_space<semaphore_mem>> -> memref<1x!tpu.dma_semaphore, #tpu.memory_space<semaphore_mem>>
        %dma_wait3A_735 = tpu.memref_squeeze %dma_wait3A_734 : memref<1x!tpu.dma_semaphore, #tpu.memory_space<semaphore_mem>> -> memref<!tpu.dma_semaphore, #tpu.memory_space<semaphore_mem>>
        %dma_wait3A_736 = arith.constant 0 : i32
        %dma_wait3A_737 = tpu.memref_slice %arg6[%dma_wait3A_736] : memref<6400000xf32, #tpu.memory_space<hbm>> -> memref<2000xf32, #tpu.memory_space<hbm>>
        tpu.wait_dma2 semaphore(%dma_wait3A_735 : memref<!tpu.dma_semaphore, #tpu.memory_space<semaphore_mem>>) src(%dma_wait3A_737 : memref<2000xf32, #tpu.memory_space<hbm>>) dst(%arg26 : memref<2000xf32, #tpu.memory_space<vmem>>)
        %dma_wait3A_738 = arith.constant 0 : i32
        %dma_wait3A_739 = arith.constant 0 : i32
        %dma_wait3A_740 = tpu.memref_slice %arg7[%dma_wait3A_739] : memref<6400000xf32, #tpu.memory_space<hbm>> -> memref<2000xf32, #tpu.memory_space<hbm>>
        %dma_wait3A_741 = tpu.memref_slice %arg62[%dma_wait3A_738] : memref<4x!tpu.dma_semaphore, #tpu.memory_space<semaphore_mem>> -> memref<1x!tpu.dma_semaphore, #tpu.memory_space<semaphore_mem>>
        %dma_wait3A_742 = tpu.memref_squeeze %dma_wait3A_741 : memref<1x!tpu.dma_semaphore, #tpu.memory_space<semaphore_mem>> -> memref<!tpu.dma_semaphore, #tpu.memory_space<semaphore_mem>>
        %dma_wait3A_743 = arith.constant 0 : i32
        %dma_wait3A_744 = tpu.memref_slice %arg7[%dma_wait3A_743] : memref<6400000xf32, #tpu.memory_space<hbm>> -> memref<2000xf32, #tpu.memory_space<hbm>>
        tpu.wait_dma2 semaphore(%dma_wait3A_742 : memref<!tpu.dma_semaphore, #tpu.memory_space<semaphore_mem>>) src(%dma_wait3A_744 : memref<2000xf32, #tpu.memory_space<hbm>>) dst(%arg30 : memref<2000xf32, #tpu.memory_space<vmem>>)
        %dma_start3A_745 = arith.constant 0 : i32
        %dma_start3A_746 = arith.constant 0 : i32
        %dma_start3A_747 = tpu.memref_slice %arg11[%dma_start3A_746] : memref<100000xf32, #tpu.memory_space<vmem_shared>> -> memref<100000xf32, #tpu.memory_space<vmem_shared>>
        %dma_start3A_748 = tpu.memref_slice %arg63[%dma_start3A_745] : memref<4x!tpu.dma_semaphore, #tpu.memory_space<semaphore_mem>> -> memref<1x!tpu.dma_semaphore, #tpu.memory_space<semaphore_mem>>
        %dma_start3A_749 = tpu.memref_squeeze %dma_start3A_748 : memref<1x!tpu.dma_semaphore, #tpu.memory_space<semaphore_mem>> -> memref<!tpu.dma_semaphore, #tpu.memory_space<semaphore_mem>>
        tpu.enqueue_indirect_dma source(%dma_start3A_747 : memref<100000xf32, #tpu.memory_space<vmem_shared>>) target(%arg34 : memref<2000xf32, #tpu.memory_space<vmem>>) offsets(%arg14 : memref<2000xi32, #tpu.memory_space<vmem>>) semaphore(%dma_start3A_749 : memref<!tpu.dma_semaphore, #tpu.memory_space<semaphore_mem>>)
        %dma_start3A_750 = arith.constant 0 : i32
        %dma_start3A_751 = arith.constant 0 : i32
        %dma_start3A_752 = tpu.memref_slice %arg12[%dma_start3A_751] : memref<100000xf32, #tpu.memory_space<vmem_shared>> -> memref<100000xf32, #tpu.memory_space<vmem_shared>>
        %dma_start3A_753 = tpu.memref_slice %arg63[%dma_start3A_750] : memref<4x!tpu.dma_semaphore, #tpu.memory_space<semaphore_mem>> -> memref<1x!tpu.dma_semaphore, #tpu.memory_space<semaphore_mem>>
        %dma_start3A_754 = tpu.memref_squeeze %dma_start3A_753 : memref<1x!tpu.dma_semaphore, #tpu.memory_space<semaphore_mem>> -> memref<!tpu.dma_semaphore, #tpu.memory_space<semaphore_mem>>
        tpu.enqueue_indirect_dma source(%dma_start3A_752 : memref<100000xf32, #tpu.memory_space<vmem_shared>>) target(%arg38 : memref<2000xf32, #tpu.memory_space<vmem>>) offsets(%arg14 : memref<2000xi32, #tpu.memory_space<vmem>>) semaphore(%dma_start3A_754 : memref<!tpu.dma_semaphore, #tpu.memory_space<semaphore_mem>>)
        %dma_start3A_755 = arith.constant 0 : i32
        %dma_start3A_756 = arith.constant 0 : i32
        %dma_start3A_757 = tpu.memref_slice %arg13[%dma_start3A_756] : memref<100000xf32, #tpu.memory_space<vmem_shared>> -> memref<100000xf32, #tpu.memory_space<vmem_shared>>
        %dma_start3A_758 = tpu.memref_slice %arg63[%dma_start3A_755] : memref<4x!tpu.dma_semaphore, #tpu.memory_space<semaphore_mem>> -> memref<1x!tpu.dma_semaphore, #tpu.memory_space<semaphore_mem>>
        %dma_start3A_759 = tpu.memref_squeeze %dma_start3A_758 : memref<1x!tpu.dma_semaphore, #tpu.memory_space<semaphore_mem>> -> memref<!tpu.dma_semaphore, #tpu.memory_space<semaphore_mem>>
        tpu.enqueue_indirect_dma source(%dma_start3A_757 : memref<100000xf32, #tpu.memory_space<vmem_shared>>) target(%arg42 : memref<2000xf32, #tpu.memory_space<vmem>>) offsets(%arg14 : memref<2000xi32, #tpu.memory_space<vmem>>) semaphore(%dma_start3A_759 : memref<!tpu.dma_semaphore, #tpu.memory_space<semaphore_mem>>)
        %dma_start3A_760 = arith.constant 0 : i32
        %dma_start3A_761 = arith.constant 0 : i32
        %dma_start3A_762 = tpu.memref_slice %arg11[%dma_start3A_761] : memref<100000xf32, #tpu.memory_space<vmem_shared>> -> memref<100000xf32, #tpu.memory_space<vmem_shared>>
        %dma_start3A_763 = tpu.memref_slice %arg63[%dma_start3A_760] : memref<4x!tpu.dma_semaphore, #tpu.memory_space<semaphore_mem>> -> memref<1x!tpu.dma_semaphore, #tpu.memory_space<semaphore_mem>>
        %dma_start3A_764 = tpu.memref_squeeze %dma_start3A_763 : memref<1x!tpu.dma_semaphore, #tpu.memory_space<semaphore_mem>> -> memref<!tpu.dma_semaphore, #tpu.memory_space<semaphore_mem>>
        tpu.enqueue_indirect_dma source(%dma_start3A_762 : memref<100000xf32, #tpu.memory_space<vmem_shared>>) target(%arg46 : memref<2000xf32, #tpu.memory_space<vmem>>) offsets(%arg18 : memref<2000xi32, #tpu.memory_space<vmem>>) semaphore(%dma_start3A_764 : memref<!tpu.dma_semaphore, #tpu.memory_space<semaphore_mem>>)
        %dma_start3A_765 = arith.constant 0 : i32
        %dma_start3A_766 = arith.constant 0 : i32
        %dma_start3A_767 = tpu.memref_slice %arg12[%dma_start3A_766] : memref<100000xf32, #tpu.memory_space<vmem_shared>> -> memref<100000xf32, #tpu.memory_space<vmem_shared>>
        %dma_start3A_768 = tpu.memref_slice %arg63[%dma_start3A_765] : memref<4x!tpu.dma_semaphore, #tpu.memory_space<semaphore_mem>> -> memref<1x!tpu.dma_semaphore, #tpu.memory_space<semaphore_mem>>
        %dma_start3A_769 = tpu.memref_squeeze %dma_start3A_768 : memref<1x!tpu.dma_semaphore, #tpu.memory_space<semaphore_mem>> -> memref<!tpu.dma_semaphore, #tpu.memory_space<semaphore_mem>>
        tpu.enqueue_indirect_dma source(%dma_start3A_767 : memref<100000xf32, #tpu.memory_space<vmem_shared>>) target(%arg50 : memref<2000xf32, #tpu.memory_space<vmem>>) offsets(%arg18 : memref<2000xi32, #tpu.memory_space<vmem>>) semaphore(%dma_start3A_769 : memref<!tpu.dma_semaphore, #tpu.memory_space<semaphore_mem>>)
        %dma_start3A_770 = arith.constant 0 : i32
        %dma_start3A_771 = arith.constant 0 : i32
        %dma_start3A_772 = tpu.memref_slice %arg13[%dma_start3A_771] : memref<100000xf32, #tpu.memory_space<vmem_shared>> -> memref<100000xf32, #tpu.memory_space<vmem_shared>>
        %dma_start3A_773 = tpu.memref_slice %arg63[%dma_start3A_770] : memref<4x!tpu.dma_semaphore, #tpu.memory_space<semaphore_mem>> -> memref<1x!tpu.dma_semaphore, #tpu.memory_space<semaphore_mem>>
        %dma_start3A_774 = tpu.memref_squeeze %dma_start3A_773 : memref<1x!tpu.dma_semaphore, #tpu.memory_space<semaphore_mem>> -> memref<!tpu.dma_semaphore, #tpu.memory_space<semaphore_mem>>
        tpu.enqueue_indirect_dma source(%dma_start3A_772 : memref<100000xf32, #tpu.memory_space<vmem_shared>>) target(%arg54 : memref<2000xf32, #tpu.memory_space<vmem>>) offsets(%arg18 : memref<2000xi32, #tpu.memory_space<vmem>>) semaphore(%dma_start3A_774 : memref<!tpu.dma_semaphore, #tpu.memory_space<semaphore_mem>>)
      } else {
      }
      %add3A_617 = arith.constant 3 : i32
      %add3A_618 = arith.addi %add3A_579, %add3A_617 : i32
      %lt3A_619 = arith.constant 100 : i32
      %lt3A_620 = arith.cmpi slt, %add3A_618, %lt3A_619 : i32
      %convert_element_type3A_621 = arith.extui %lt3A_620 : i1 to i32
      %cond3A_622 = arith.constant 0 : i32
      %cond3A_623 = arith.cmpi ne, %convert_element_type3A_621, %cond3A_622 : i32
      scf.if %cond3A_623 {
        %add3A_710 = arith.constant 3 : i32
        %add3A_711 = arith.addi %add3A_579, %add3A_710 : i32
        %mul3A_712 = arith.constant 2000 : i32
        %mul3A_713 = arith.muli %add3A_711, %mul3A_712 : i32
        %add3A_714 = arith.addi %mul3A_4, %mul3A_713 : i32
        %dma_start3A_715 = arith.constant 2 : i32
        %dma_start3A_716 = tpu.memref_slice %arg8[%add3A_714] : memref<6400000xi32, #tpu.memory_space<hbm>> -> memref<2000xi32, #tpu.memory_space<hbm>>
        %dma_start3A_717 = tpu.memref_slice %arg62[%dma_start3A_715] : memref<4x!tpu.dma_semaphore, #tpu.memory_space<semaphore_mem>> -> memref<1x!tpu.dma_semaphore, #tpu.memory_space<semaphore_mem>>
        %dma_start3A_718 = tpu.memref_squeeze %dma_start3A_717 : memref<1x!tpu.dma_semaphore, #tpu.memory_space<semaphore_mem>> -> memref<!tpu.dma_semaphore, #tpu.memory_space<semaphore_mem>>
        %dma_start3A_719 = tpu.memref_slice %arg8[%add3A_714] : memref<6400000xi32, #tpu.memory_space<hbm>> -> memref<2000xi32, #tpu.memory_space<hbm>>
        tpu.enqueue_dma source(%dma_start3A_719 : memref<2000xi32, #tpu.memory_space<hbm>>) target(%arg16 : memref<2000xi32, #tpu.memory_space<vmem>>) target_semaphore(%dma_start3A_718 : memref<!tpu.dma_semaphore, #tpu.memory_space<semaphore_mem>>)
        %dma_start3A_720 = arith.constant 2 : i32
        %dma_start3A_721 = tpu.memref_slice %arg9[%add3A_714] : memref<6400000xi32, #tpu.memory_space<hbm>> -> memref<2000xi32, #tpu.memory_space<hbm>>
        %dma_start3A_722 = tpu.memref_slice %arg62[%dma_start3A_720] : memref<4x!tpu.dma_semaphore, #tpu.memory_space<semaphore_mem>> -> memref<1x!tpu.dma_semaphore, #tpu.memory_space<semaphore_mem>>
        %dma_start3A_723 = tpu.memref_squeeze %dma_start3A_722 : memref<1x!tpu.dma_semaphore, #tpu.memory_space<semaphore_mem>> -> memref<!tpu.dma_semaphore, #tpu.memory_space<semaphore_mem>>
        %dma_start3A_724 = tpu.memref_slice %arg9[%add3A_714] : memref<6400000xi32, #tpu.memory_space<hbm>> -> memref<2000xi32, #tpu.memory_space<hbm>>
        tpu.enqueue_dma source(%dma_start3A_724 : memref<2000xi32, #tpu.memory_space<hbm>>) target(%arg20 : memref<2000xi32, #tpu.memory_space<vmem>>) target_semaphore(%dma_start3A_723 : memref<!tpu.dma_semaphore, #tpu.memory_space<semaphore_mem>>)
        %dma_start3A_725 = arith.constant 2 : i32
        %dma_start3A_726 = tpu.memref_slice %arg5[%add3A_714] : memref<6400000xf32, #tpu.memory_space<hbm>> -> memref<2000xf32, #tpu.memory_space<hbm>>
        %dma_start3A_727 = tpu.memref_slice %arg62[%dma_start3A_725] : memref<4x!tpu.dma_semaphore, #tpu.memory_space<semaphore_mem>> -> memref<1x!tpu.dma_semaphore, #tpu.memory_space<semaphore_mem>>
        %dma_start3A_728 = tpu.memref_squeeze %dma_start3A_727 : memref<1x!tpu.dma_semaphore, #tpu.memory_space<semaphore_mem>> -> memref<!tpu.dma_semaphore, #tpu.memory_space<semaphore_mem>>
        %dma_start3A_729 = tpu.memref_slice %arg5[%add3A_714] : memref<6400000xf32, #tpu.memory_space<hbm>> -> memref<2000xf32, #tpu.memory_space<hbm>>
        tpu.enqueue_dma source(%dma_start3A_729 : memref<2000xf32, #tpu.memory_space<hbm>>) target(%arg24 : memref<2000xf32, #tpu.memory_space<vmem>>) target_semaphore(%dma_start3A_728 : memref<!tpu.dma_semaphore, #tpu.memory_space<semaphore_mem>>)
        %dma_start3A_730 = arith.constant 2 : i32
        %dma_start3A_731 = tpu.memref_slice %arg6[%add3A_714] : memref<6400000xf32, #tpu.memory_space<hbm>> -> memref<2000xf32, #tpu.memory_space<hbm>>
        %dma_start3A_732 = tpu.memref_slice %arg62[%dma_start3A_730] : memref<4x!tpu.dma_semaphore, #tpu.memory_space<semaphore_mem>> -> memref<1x!tpu.dma_semaphore, #tpu.memory_space<semaphore_mem>>
        %dma_start3A_733 = tpu.memref_squeeze %dma_start3A_732 : memref<1x!tpu.dma_semaphore, #tpu.memory_space<semaphore_mem>> -> memref<!tpu.dma_semaphore, #tpu.memory_space<semaphore_mem>>
        %dma_start3A_734 = tpu.memref_slice %arg6[%add3A_714] : memref<6400000xf32, #tpu.memory_space<hbm>> -> memref<2000xf32, #tpu.memory_space<hbm>>
        tpu.enqueue_dma source(%dma_start3A_734 : memref<2000xf32, #tpu.memory_space<hbm>>) target(%arg28 : memref<2000xf32, #tpu.memory_space<vmem>>) target_semaphore(%dma_start3A_733 : memref<!tpu.dma_semaphore, #tpu.memory_space<semaphore_mem>>)
        %dma_start3A_735 = arith.constant 2 : i32
        %dma_start3A_736 = tpu.memref_slice %arg7[%add3A_714] : memref<6400000xf32, #tpu.memory_space<hbm>> -> memref<2000xf32, #tpu.memory_space<hbm>>
        %dma_start3A_737 = tpu.memref_slice %arg62[%dma_start3A_735] : memref<4x!tpu.dma_semaphore, #tpu.memory_space<semaphore_mem>> -> memref<1x!tpu.dma_semaphore, #tpu.memory_space<semaphore_mem>>
        %dma_start3A_738 = tpu.memref_squeeze %dma_start3A_737 : memref<1x!tpu.dma_semaphore, #tpu.memory_space<semaphore_mem>> -> memref<!tpu.dma_semaphore, #tpu.memory_space<semaphore_mem>>
        %dma_start3A_739 = tpu.memref_slice %arg7[%add3A_714] : memref<6400000xf32, #tpu.memory_space<hbm>> -> memref<2000xf32, #tpu.memory_space<hbm>>
        tpu.enqueue_dma source(%dma_start3A_739 : memref<2000xf32, #tpu.memory_space<hbm>>) target(%arg32 : memref<2000xf32, #tpu.memory_space<vmem>>) target_semaphore(%dma_start3A_738 : memref<!tpu.dma_semaphore, #tpu.memory_space<semaphore_mem>>)
      } else {
      }
      %ge3A_624 = arith.constant 4 : i32
      %ge3A_625 = arith.cmpi sge, %add3A_579, %ge3A_624 : i32
      %convert_element_type3A_626 = arith.extui %ge3A_625 : i1 to i32
      %cond3A_627 = arith.constant 0 : i32
      %cond3A_628 = arith.cmpi ne, %convert_element_type3A_626, %cond3A_627 : i32
      scf.if %cond3A_628 {
        %dma_wait3A_710 = arith.constant 3 : i32
        %dma_wait3A_711 = arith.constant 0 : i32
        %dma_wait3A_712 = tpu.memref_slice %arg10[%dma_wait3A_711] : memref<6400000xf32, #tpu.memory_space<hbm>> -> memref<2000xf32, #tpu.memory_space<hbm>>
        %dma_wait3A_713 = tpu.memref_slice %arg64[%dma_wait3A_710] : memref<4x!tpu.dma_semaphore, #tpu.memory_space<semaphore_mem>> -> memref<1x!tpu.dma_semaphore, #tpu.memory_space<semaphore_mem>>
        %dma_wait3A_714 = tpu.memref_squeeze %dma_wait3A_713 : memref<1x!tpu.dma_semaphore, #tpu.memory_space<semaphore_mem>> -> memref<!tpu.dma_semaphore, #tpu.memory_space<semaphore_mem>>
        %dma_wait3A_715 = arith.constant 0 : i32
        %dma_wait3A_716 = tpu.memref_slice %arg10[%dma_wait3A_715] : memref<6400000xf32, #tpu.memory_space<hbm>> -> memref<2000xf32, #tpu.memory_space<hbm>>
        tpu.wait_dma2 semaphore(%dma_wait3A_714 : memref<!tpu.dma_semaphore, #tpu.memory_space<semaphore_mem>>) src(%arg61 : memref<2000xf32, #tpu.memory_space<vmem>>) dst(%dma_wait3A_716 : memref<2000xf32, #tpu.memory_space<hbm>>)
      } else {
      }
      %scan3A_629 = arith.constant 0 : i32
      %scan3A_630 = arith.constant 124 : i32
      %scan3A_631 = arith.addi %scan3A_629, %scan3A_630 : i32
      %scan3A_632 = arith.constant 4 : i32
      scf.for %scan3A_710 = %scan3A_629 to %scan3A_631 step %scan3A_632  : i32 {
        %mul3A_711 = arith.constant 16 : i32
        %mul3A_712 = arith.muli %scan3A_710, %mul3A_711 : i32
        %get3A_713 = arith.index_cast %mul3A_712 : i32 to index
        %get3A_714 = tpu.vector_load %arg37[%get3A_713] {strides = array<i32>} : memref<2000xf32, #tpu.memory_space<vmem>>, vector<16xf32>,
        %get3A_715 = arith.index_cast %mul3A_712 : i32 to index
        %get3A_716 = tpu.vector_load %arg41[%get3A_715] {strides = array<i32>} : memref<2000xf32, #tpu.memory_space<vmem>>, vector<16xf32>,
        %get3A_717 = arith.index_cast %mul3A_712 : i32 to index
        %get3A_718 = tpu.vector_load %arg45[%get3A_717] {strides = array<i32>} : memref<2000xf32, #tpu.memory_space<vmem>>, vector<16xf32>,
        %get3A_719 = arith.index_cast %mul3A_712 : i32 to index
        %get3A_720 = tpu.vector_load %arg49[%get3A_719] {strides = array<i32>} : memref<2000xf32, #tpu.memory_space<vmem>>, vector<16xf32>,
        %get3A_721 = arith.index_cast %mul3A_712 : i32 to index
        %get3A_722 = tpu.vector_load %arg53[%get3A_721] {strides = array<i32>} : memref<2000xf32, #tpu.memory_space<vmem>>, vector<16xf32>,
        %get3A_723 = arith.index_cast %mul3A_712 : i32 to index
        %get3A_724 = tpu.vector_load %arg57[%get3A_723] {strides = array<i32>} : memref<2000xf32, #tpu.memory_space<vmem>>, vector<16xf32>,
        %get3A_725 = arith.index_cast %mul3A_712 : i32 to index
        %get3A_726 = tpu.vector_load %arg25[%get3A_725] {strides = array<i32>} : memref<2000xf32, #tpu.memory_space<vmem>>, vector<16xf32>,
        %get3A_727 = arith.index_cast %mul3A_712 : i32 to index
        %get3A_728 = tpu.vector_load %arg29[%get3A_727] {strides = array<i32>} : memref<2000xf32, #tpu.memory_space<vmem>>, vector<16xf32>,
        %get3A_729 = arith.index_cast %mul3A_712 : i32 to index
        %get3A_730 = tpu.vector_load %arg33[%get3A_729] {strides = array<i32>} : memref<2000xf32, #tpu.memory_space<vmem>>, vector<16xf32>,
        %add3A_731 = arith.addf %get3A_720, %get3A_726 : vector<16xf32>
        %sub3A_732 = arith.subf %get3A_714, %add3A_731 : vector<16xf32>
        %add3A_733 = arith.addf %get3A_722, %get3A_728 : vector<16xf32>
        %sub3A_734 = arith.subf %get3A_716, %add3A_733 : vector<16xf32>
        %add3A_735 = arith.addf %get3A_724, %get3A_730 : vector<16xf32>
        %sub3A_736 = arith.subf %get3A_718, %add3A_735 : vector<16xf32>
        %mul3A_737 = arith.mulf %sub3A_732, %sub3A_732 : vector<16xf32>
        %mul3A_738 = arith.mulf %sub3A_734, %sub3A_734 : vector<16xf32>
        %add3A_739 = arith.addf %mul3A_737, %mul3A_738 : vector<16xf32>
        %mul3A_740 = arith.mulf %sub3A_736, %sub3A_736 : vector<16xf32>
        %add3A_741 = arith.addf %add3A_739, %mul3A_740 : vector<16xf32>
        %max3A_742 = arith.constant 1.000000e-30 : f32
        %max3A_743 = vector.broadcast %max3A_742 : f32 to vector<16xf32>
        %max3A_744 = arith.maximumf %add3A_741, %max3A_743 : vector<16xf32>
        %bitcast3A_745 = vector.bitcast %max3A_744 : vector<16xf32> to vector<16xi32>
        %shift_right_arithmetic3A_746 = arith.constant 1 : i32
        %shift_right_arithmetic3A_747 = vector.broadcast %shift_right_arithmetic3A_746 : i32 to vector<16xi32>
        %shift_right_arithmetic3A_748 = arith.shrsi %bitcast3A_745, %shift_right_arithmetic3A_747 : vector<16xi32>
        %sub3A_749 = arith.constant 1597463007 : i32
        %sub3A_750 = vector.broadcast %sub3A_749 : i32 to vector<16xi32>
        %sub3A_751 = arith.subi %sub3A_750, %shift_right_arithmetic3A_748 : vector<16xi32>
        %bitcast3A_752 = vector.bitcast %sub3A_751 : vector<16xi32> to vector<16xf32>
        %mul3A_753 = arith.constant 5.000000e-01 : f32
        %mul3A_754 = vector.broadcast %mul3A_753 : f32 to vector<16xf32>
        %mul3A_755 = arith.mulf %max3A_744, %mul3A_754 : vector<16xf32>
        %mul3A_756 = arith.mulf %mul3A_755, %bitcast3A_752 : vector<16xf32>
        %mul3A_757 = arith.mulf %mul3A_756, %bitcast3A_752 : vector<16xf32>
        %sub3A_758 = arith.constant 1.500000e+00 : f32
        %sub3A_759 = vector.broadcast %sub3A_758 : f32 to vector<16xf32>
        %sub3A_760 = arith.subf %sub3A_759, %mul3A_757 : vector<16xf32>
        %mul3A_761 = arith.mulf %bitcast3A_752, %sub3A_760 : vector<16xf32>
        %mul3A_762 = arith.mulf %mul3A_755, %mul3A_761 : vector<16xf32>
        %mul3A_763 = arith.mulf %mul3A_762, %mul3A_761 : vector<16xf32>
        %sub3A_764 = arith.constant 1.500000e+00 : f32
        %sub3A_765 = vector.broadcast %sub3A_764 : f32 to vector<16xf32>
        %sub3A_766 = arith.subf %sub3A_765, %mul3A_763 : vector<16xf32>
        %mul3A_767 = arith.mulf %mul3A_761, %sub3A_766 : vector<16xf32>
        %mul3A_768 = arith.mulf %mul3A_755, %mul3A_767 : vector<16xf32>
        %mul3A_769 = arith.mulf %mul3A_768, %mul3A_767 : vector<16xf32>
        %sub3A_770 = arith.constant 1.500000e+00 : f32
        %sub3A_771 = vector.broadcast %sub3A_770 : f32 to vector<16xf32>
        %sub3A_772 = arith.subf %sub3A_771, %mul3A_769 : vector<16xf32>
        %mul3A_773 = arith.mulf %mul3A_767, %sub3A_772 : vector<16xf32>
        %mul3A_774 = arith.mulf %max3A_744, %mul3A_773 : vector<16xf32>
        %swap3A_775 = arith.index_cast %mul3A_712 : i32 to index
        %swap3A_776 = tpu.vector_load %arg61[%swap3A_775] {strides = array<i32>} : memref<2000xf32, #tpu.memory_space<vmem>>, vector<16xf32>,
        tpu.vector_store %arg61[%swap3A_775], %mul3A_774 {strides = array<i32>} : memref<2000xf32, #tpu.memory_space<vmem>>, vector<16xf32>,
        %scan3A_777 = arith.constant 1 : i32
        %scan3A_778 = arith.addi %scan3A_710, %scan3A_777 : i32
        %mul3A_779 = arith.constant 16 : i32
        %mul3A_780 = arith.muli %scan3A_778, %mul3A_779 : i32
        %get3A_781 = arith.index_cast %mul3A_780 : i32 to index
        %get3A_782 = tpu.vector_load %arg37[%get3A_781] {strides = array<i32>} : memref<2000xf32, #tpu.memory_space<vmem>>, vector<16xf32>,
        %get3A_783 = arith.index_cast %mul3A_780 : i32 to index
        %get3A_784 = tpu.vector_load %arg41[%get3A_783] {strides = array<i32>} : memref<2000xf32, #tpu.memory_space<vmem>>, vector<16xf32>,
        %get3A_785 = arith.index_cast %mul3A_780 : i32 to index
        %get3A_786 = tpu.vector_load %arg45[%get3A_785] {strides = array<i32>} : memref<2000xf32, #tpu.memory_space<vmem>>, vector<16xf32>,
        %get3A_787 = arith.index_cast %mul3A_780 : i32 to index
        %get3A_788 = tpu.vector_load %arg49[%get3A_787] {strides = array<i32>} : memref<2000xf32, #tpu.memory_space<vmem>>, vector<16xf32>,
        %get3A_789 = arith.index_cast %mul3A_780 : i32 to index
        %get3A_790 = tpu.vector_load %arg53[%get3A_789] {strides = array<i32>} : memref<2000xf32, #tpu.memory_space<vmem>>, vector<16xf32>,
        %get3A_791 = arith.index_cast %mul3A_780 : i32 to index
        %get3A_792 = tpu.vector_load %arg57[%get3A_791] {strides = array<i32>} : memref<2000xf32, #tpu.memory_space<vmem>>, vector<16xf32>,
        %get3A_793 = arith.index_cast %mul3A_780 : i32 to index
        %get3A_794 = tpu.vector_load %arg25[%get3A_793] {strides = array<i32>} : memref<2000xf32, #tpu.memory_space<vmem>>, vector<16xf32>,
        %get3A_795 = arith.index_cast %mul3A_780 : i32 to index
        %get3A_796 = tpu.vector_load %arg29[%get3A_795] {strides = array<i32>} : memref<2000xf32, #tpu.memory_space<vmem>>, vector<16xf32>,
        %get3A_797 = arith.index_cast %mul3A_780 : i32 to index
        %get3A_798 = tpu.vector_load %arg33[%get3A_797] {strides = array<i32>} : memref<2000xf32, #tpu.memory_space<vmem>>, vector<16xf32>,
        %add3A_799 = arith.addf %get3A_788, %get3A_794 : vector<16xf32>
        %sub3A_800 = arith.subf %get3A_782, %add3A_799 : vector<16xf32>
        %add3A_801 = arith.addf %get3A_790, %get3A_796 : vector<16xf32>
        %sub3A_802 = arith.subf %get3A_784, %add3A_801 : vector<16xf32>
        %add3A_803 = arith.addf %get3A_792, %get3A_798 : vector<16xf32>
        %sub3A_804 = arith.subf %get3A_786, %add3A_803 : vector<16xf32>
        %mul3A_805 = arith.mulf %sub3A_800, %sub3A_800 : vector<16xf32>
        %mul3A_806 = arith.mulf %sub3A_802, %sub3A_802 : vector<16xf32>
        %add3A_807 = arith.addf %mul3A_805, %mul3A_806 : vector<16xf32>
        %mul3A_808 = arith.mulf %sub3A_804, %sub3A_804 : vector<16xf32>
        %add3A_809 = arith.addf %add3A_807, %mul3A_808 : vector<16xf32>
        %max3A_810 = arith.constant 1.000000e-30 : f32
        %max3A_811 = vector.broadcast %max3A_810 : f32 to vector<16xf32>
        %max3A_812 = arith.maximumf %add3A_809, %max3A_811 : vector<16xf32>
        %bitcast3A_813 = vector.bitcast %max3A_812 : vector<16xf32> to vector<16xi32>
        %shift_right_arithmetic3A_814 = arith.constant 1 : i32
        %shift_right_arithmetic3A_815 = vector.broadcast %shift_right_arithmetic3A_814 : i32 to vector<16xi32>
        %shift_right_arithmetic3A_816 = arith.shrsi %bitcast3A_813, %shift_right_arithmetic3A_815 : vector<16xi32>
        %sub3A_817 = arith.constant 1597463007 : i32
        %sub3A_818 = vector.broadcast %sub3A_817 : i32 to vector<16xi32>
        %sub3A_819 = arith.subi %sub3A_818, %shift_right_arithmetic3A_816 : vector<16xi32>
        %bitcast3A_820 = vector.bitcast %sub3A_819 : vector<16xi32> to vector<16xf32>
        %mul3A_821 = arith.constant 5.000000e-01 : f32
        %mul3A_822 = vector.broadcast %mul3A_821 : f32 to vector<16xf32>
        %mul3A_823 = arith.mulf %max3A_812, %mul3A_822 : vector<16xf32>
        %mul3A_824 = arith.mulf %mul3A_823, %bitcast3A_820 : vector<16xf32>
        %mul3A_825 = arith.mulf %mul3A_824, %bitcast3A_820 : vector<16xf32>
        %sub3A_826 = arith.constant 1.500000e+00 : f32
        %sub3A_827 = vector.broadcast %sub3A_826 : f32 to vector<16xf32>
        %sub3A_828 = arith.subf %sub3A_827, %mul3A_825 : vector<16xf32>
        %mul3A_829 = arith.mulf %bitcast3A_820, %sub3A_828 : vector<16xf32>
        %mul3A_830 = arith.mulf %mul3A_823, %mul3A_829 : vector<16xf32>
        %mul3A_831 = arith.mulf %mul3A_830, %mul3A_829 : vector<16xf32>
        %sub3A_832 = arith.constant 1.500000e+00 : f32
        %sub3A_833 = vector.broadcast %sub3A_832 : f32 to vector<16xf32>
        %sub3A_834 = arith.subf %sub3A_833, %mul3A_831 : vector<16xf32>
        %mul3A_835 = arith.mulf %mul3A_829, %sub3A_834 : vector<16xf32>
        %mul3A_836 = arith.mulf %mul3A_823, %mul3A_835 : vector<16xf32>
        %mul3A_837 = arith.mulf %mul3A_836, %mul3A_835 : vector<16xf32>
        %sub3A_838 = arith.constant 1.500000e+00 : f32
        %sub3A_839 = vector.broadcast %sub3A_838 : f32 to vector<16xf32>
        %sub3A_840 = arith.subf %sub3A_839, %mul3A_837 : vector<16xf32>
        %mul3A_841 = arith.mulf %mul3A_835, %sub3A_840 : vector<16xf32>
        %mul3A_842 = arith.mulf %max3A_812, %mul3A_841 : vector<16xf32>
        %swap3A_843 = arith.index_cast %mul3A_780 : i32 to index
        %swap3A_844 = tpu.vector_load %arg61[%swap3A_843] {strides = array<i32>} : memref<2000xf32, #tpu.memory_space<vmem>>, vector<16xf32>,
        tpu.vector_store %arg61[%swap3A_843], %mul3A_842 {strides = array<i32>} : memref<2000xf32, #tpu.memory_space<vmem>>, vector<16xf32>,
        %scan3A_845 = arith.constant 2 : i32
        %scan3A_846 = arith.addi %scan3A_710, %scan3A_845 : i32
        %mul3A_847 = arith.constant 16 : i32
        %mul3A_848 = arith.muli %scan3A_846, %mul3A_847 : i32
        %get3A_849 = arith.index_cast %mul3A_848 : i32 to index
        %get3A_850 = tpu.vector_load %arg37[%get3A_849] {strides = array<i32>} : memref<2000xf32, #tpu.memory_space<vmem>>, vector<16xf32>,
        %get3A_851 = arith.index_cast %mul3A_848 : i32 to index
        %get3A_852 = tpu.vector_load %arg41[%get3A_851] {strides = array<i32>} : memref<2000xf32, #tpu.memory_space<vmem>>, vector<16xf32>,
        %get3A_853 = arith.index_cast %mul3A_848 : i32 to index
        %get3A_854 = tpu.vector_load %arg45[%get3A_853] {strides = array<i32>} : memref<2000xf32, #tpu.memory_space<vmem>>, vector<16xf32>,
        %get3A_855 = arith.index_cast %mul3A_848 : i32 to index
        %get3A_856 = tpu.vector_load %arg49[%get3A_855] {strides = array<i32>} : memref<2000xf32, #tpu.memory_space<vmem>>, vector<16xf32>,
        %get3A_857 = arith.index_cast %mul3A_848 : i32 to index
        %get3A_858 = tpu.vector_load %arg53[%get3A_857] {strides = array<i32>} : memref<2000xf32, #tpu.memory_space<vmem>>, vector<16xf32>,
        %get3A_859 = arith.index_cast %mul3A_848 : i32 to index
        %get3A_860 = tpu.vector_load %arg57[%get3A_859] {strides = array<i32>} : memref<2000xf32, #tpu.memory_space<vmem>>, vector<16xf32>,
        %get3A_861 = arith.index_cast %mul3A_848 : i32 to index
        %get3A_862 = tpu.vector_load %arg25[%get3A_861] {strides = array<i32>} : memref<2000xf32, #tpu.memory_space<vmem>>, vector<16xf32>,
        %get3A_863 = arith.index_cast %mul3A_848 : i32 to index
        %get3A_864 = tpu.vector_load %arg29[%get3A_863] {strides = array<i32>} : memref<2000xf32, #tpu.memory_space<vmem>>, vector<16xf32>,
        %get3A_865 = arith.index_cast %mul3A_848 : i32 to index
        %get3A_866 = tpu.vector_load %arg33[%get3A_865] {strides = array<i32>} : memref<2000xf32, #tpu.memory_space<vmem>>, vector<16xf32>,
        %add3A_867 = arith.addf %get3A_856, %get3A_862 : vector<16xf32>
        %sub3A_868 = arith.subf %get3A_850, %add3A_867 : vector<16xf32>
        %add3A_869 = arith.addf %get3A_858, %get3A_864 : vector<16xf32>
        %sub3A_870 = arith.subf %get3A_852, %add3A_869 : vector<16xf32>
        %add3A_871 = arith.addf %get3A_860, %get3A_866 : vector<16xf32>
        %sub3A_872 = arith.subf %get3A_854, %add3A_871 : vector<16xf32>
        %mul3A_873 = arith.mulf %sub3A_868, %sub3A_868 : vector<16xf32>
        %mul3A_874 = arith.mulf %sub3A_870, %sub3A_870 : vector<16xf32>
        %add3A_875 = arith.addf %mul3A_873, %mul3A_874 : vector<16xf32>
        %mul3A_876 = arith.mulf %sub3A_872, %sub3A_872 : vector<16xf32>
        %add3A_877 = arith.addf %add3A_875, %mul3A_876 : vector<16xf32>
        %max3A_878 = arith.constant 1.000000e-30 : f32
        %max3A_879 = vector.broadcast %max3A_878 : f32 to vector<16xf32>
        %max3A_880 = arith.maximumf %add3A_877, %max3A_879 : vector<16xf32>
        %bitcast3A_881 = vector.bitcast %max3A_880 : vector<16xf32> to vector<16xi32>
        %shift_right_arithmetic3A_882 = arith.constant 1 : i32
        %shift_right_arithmetic3A_883 = vector.broadcast %shift_right_arithmetic3A_882 : i32 to vector<16xi32>
        %shift_right_arithmetic3A_884 = arith.shrsi %bitcast3A_881, %shift_right_arithmetic3A_883 : vector<16xi32>
        %sub3A_885 = arith.constant 1597463007 : i32
        %sub3A_886 = vector.broadcast %sub3A_885 : i32 to vector<16xi32>
        %sub3A_887 = arith.subi %sub3A_886, %shift_right_arithmetic3A_884 : vector<16xi32>
        %bitcast3A_888 = vector.bitcast %sub3A_887 : vector<16xi32> to vector<16xf32>
        %mul3A_889 = arith.constant 5.000000e-01 : f32
        %mul3A_890 = vector.broadcast %mul3A_889 : f32 to vector<16xf32>
        %mul3A_891 = arith.mulf %max3A_880, %mul3A_890 : vector<16xf32>
        %mul3A_892 = arith.mulf %mul3A_891, %bitcast3A_888 : vector<16xf32>
        %mul3A_893 = arith.mulf %mul3A_892, %bitcast3A_888 : vector<16xf32>
        %sub3A_894 = arith.constant 1.500000e+00 : f32
        %sub3A_895 = vector.broadcast %sub3A_894 : f32 to vector<16xf32>
        %sub3A_896 = arith.subf %sub3A_895, %mul3A_893 : vector<16xf32>
        %mul3A_897 = arith.mulf %bitcast3A_888, %sub3A_896 : vector<16xf32>
        %mul3A_898 = arith.mulf %mul3A_891, %mul3A_897 : vector<16xf32>
        %mul3A_899 = arith.mulf %mul3A_898, %mul3A_897 : vector<16xf32>
        %sub3A_900 = arith.constant 1.500000e+00 : f32
        %sub3A_901 = vector.broadcast %sub3A_900 : f32 to vector<16xf32>
        %sub3A_902 = arith.subf %sub3A_901, %mul3A_899 : vector<16xf32>
        %mul3A_903 = arith.mulf %mul3A_897, %sub3A_902 : vector<16xf32>
        %mul3A_904 = arith.mulf %mul3A_891, %mul3A_903 : vector<16xf32>
        %mul3A_905 = arith.mulf %mul3A_904, %mul3A_903 : vector<16xf32>
        %sub3A_906 = arith.constant 1.500000e+00 : f32
        %sub3A_907 = vector.broadcast %sub3A_906 : f32 to vector<16xf32>
        %sub3A_908 = arith.subf %sub3A_907, %mul3A_905 : vector<16xf32>
        %mul3A_909 = arith.mulf %mul3A_903, %sub3A_908 : vector<16xf32>
        %mul3A_910 = arith.mulf %max3A_880, %mul3A_909 : vector<16xf32>
        %swap3A_911 = arith.index_cast %mul3A_848 : i32 to index
        %swap3A_912 = tpu.vector_load %arg61[%swap3A_911] {strides = array<i32>} : memref<2000xf32, #tpu.memory_space<vmem>>, vector<16xf32>,
        tpu.vector_store %arg61[%swap3A_911], %mul3A_910 {strides = array<i32>} : memref<2000xf32, #tpu.memory_space<vmem>>, vector<16xf32>,
        %scan3A_913 = arith.constant 3 : i32
        %scan3A_914 = arith.addi %scan3A_710, %scan3A_913 : i32
        %mul3A_915 = arith.constant 16 : i32
        %mul3A_916 = arith.muli %scan3A_914, %mul3A_915 : i32
        %get3A_917 = arith.index_cast %mul3A_916 : i32 to index
        %get3A_918 = tpu.vector_load %arg37[%get3A_917] {strides = array<i32>} : memref<2000xf32, #tpu.memory_space<vmem>>, vector<16xf32>,
        %get3A_919 = arith.index_cast %mul3A_916 : i32 to index
        %get3A_920 = tpu.vector_load %arg41[%get3A_919] {strides = array<i32>} : memref<2000xf32, #tpu.memory_space<vmem>>, vector<16xf32>,
        %get3A_921 = arith.index_cast %mul3A_916 : i32 to index
        %get3A_922 = tpu.vector_load %arg45[%get3A_921] {strides = array<i32>} : memref<2000xf32, #tpu.memory_space<vmem>>, vector<16xf32>,
        %get3A_923 = arith.index_cast %mul3A_916 : i32 to index
        %get3A_924 = tpu.vector_load %arg49[%get3A_923] {strides = array<i32>} : memref<2000xf32, #tpu.memory_space<vmem>>, vector<16xf32>,
        %get3A_925 = arith.index_cast %mul3A_916 : i32 to index
        %get3A_926 = tpu.vector_load %arg53[%get3A_925] {strides = array<i32>} : memref<2000xf32, #tpu.memory_space<vmem>>, vector<16xf32>,
        %get3A_927 = arith.index_cast %mul3A_916 : i32 to index
        %get3A_928 = tpu.vector_load %arg57[%get3A_927] {strides = array<i32>} : memref<2000xf32, #tpu.memory_space<vmem>>, vector<16xf32>,
        %get3A_929 = arith.index_cast %mul3A_916 : i32 to index
        %get3A_930 = tpu.vector_load %arg25[%get3A_929] {strides = array<i32>} : memref<2000xf32, #tpu.memory_space<vmem>>, vector<16xf32>,
        %get3A_931 = arith.index_cast %mul3A_916 : i32 to index
        %get3A_932 = tpu.vector_load %arg29[%get3A_931] {strides = array<i32>} : memref<2000xf32, #tpu.memory_space<vmem>>, vector<16xf32>,
        %get3A_933 = arith.index_cast %mul3A_916 : i32 to index
        %get3A_934 = tpu.vector_load %arg33[%get3A_933] {strides = array<i32>} : memref<2000xf32, #tpu.memory_space<vmem>>, vector<16xf32>,
        %add3A_935 = arith.addf %get3A_924, %get3A_930 : vector<16xf32>
        %sub3A_936 = arith.subf %get3A_918, %add3A_935 : vector<16xf32>
        %add3A_937 = arith.addf %get3A_926, %get3A_932 : vector<16xf32>
        %sub3A_938 = arith.subf %get3A_920, %add3A_937 : vector<16xf32>
        %add3A_939 = arith.addf %get3A_928, %get3A_934 : vector<16xf32>
        %sub3A_940 = arith.subf %get3A_922, %add3A_939 : vector<16xf32>
        %mul3A_941 = arith.mulf %sub3A_936, %sub3A_936 : vector<16xf32>
        %mul3A_942 = arith.mulf %sub3A_938, %sub3A_938 : vector<16xf32>
        %add3A_943 = arith.addf %mul3A_941, %mul3A_942 : vector<16xf32>
        %mul3A_944 = arith.mulf %sub3A_940, %sub3A_940 : vector<16xf32>
        %add3A_945 = arith.addf %add3A_943, %mul3A_944 : vector<16xf32>
        %max3A_946 = arith.constant 1.000000e-30 : f32
        %max3A_947 = vector.broadcast %max3A_946 : f32 to vector<16xf32>
        %max3A_948 = arith.maximumf %add3A_945, %max3A_947 : vector<16xf32>
        %bitcast3A_949 = vector.bitcast %max3A_948 : vector<16xf32> to vector<16xi32>
        %shift_right_arithmetic3A_950 = arith.constant 1 : i32
        %shift_right_arithmetic3A_951 = vector.broadcast %shift_right_arithmetic3A_950 : i32 to vector<16xi32>
        %shift_right_arithmetic3A_952 = arith.shrsi %bitcast3A_949, %shift_right_arithmetic3A_951 : vector<16xi32>
        %sub3A_953 = arith.constant 1597463007 : i32
        %sub3A_954 = vector.broadcast %sub3A_953 : i32 to vector<16xi32>
        %sub3A_955 = arith.subi %sub3A_954, %shift_right_arithmetic3A_952 : vector<16xi32>
        %bitcast3A_956 = vector.bitcast %sub3A_955 : vector<16xi32> to vector<16xf32>
        %mul3A_957 = arith.constant 5.000000e-01 : f32
        %mul3A_958 = vector.broadcast %mul3A_957 : f32 to vector<16xf32>
        %mul3A_959 = arith.mulf %max3A_948, %mul3A_958 : vector<16xf32>
        %mul3A_960 = arith.mulf %mul3A_959, %bitcast3A_956 : vector<16xf32>
        %mul3A_961 = arith.mulf %mul3A_960, %bitcast3A_956 : vector<16xf32>
        %sub3A_962 = arith.constant 1.500000e+00 : f32
        %sub3A_963 = vector.broadcast %sub3A_962 : f32 to vector<16xf32>
        %sub3A_964 = arith.subf %sub3A_963, %mul3A_961 : vector<16xf32>
        %mul3A_965 = arith.mulf %bitcast3A_956, %sub3A_964 : vector<16xf32>
        %mul3A_966 = arith.mulf %mul3A_959, %mul3A_965 : vector<16xf32>
        %mul3A_967 = arith.mulf %mul3A_966, %mul3A_965 : vector<16xf32>
        %sub3A_968 = arith.constant 1.500000e+00 : f32
        %sub3A_969 = vector.broadcast %sub3A_968 : f32 to vector<16xf32>
        %sub3A_970 = arith.subf %sub3A_969, %mul3A_967 : vector<16xf32>
        %mul3A_971 = arith.mulf %mul3A_965, %sub3A_970 : vector<16xf32>
        %mul3A_972 = arith.mulf %mul3A_959, %mul3A_971 : vector<16xf32>
        %mul3A_973 = arith.mulf %mul3A_972, %mul3A_971 : vector<16xf32>
        %sub3A_974 = arith.constant 1.500000e+00 : f32
        %sub3A_975 = vector.broadcast %sub3A_974 : f32 to vector<16xf32>
        %sub3A_976 = arith.subf %sub3A_975, %mul3A_973 : vector<16xf32>
        %mul3A_977 = arith.mulf %mul3A_971, %sub3A_976 : vector<16xf32>
        %mul3A_978 = arith.mulf %max3A_948, %mul3A_977 : vector<16xf32>
        %swap3A_979 = arith.index_cast %mul3A_916 : i32 to index
        %swap3A_980 = tpu.vector_load %arg61[%swap3A_979] {strides = array<i32>} : memref<2000xf32, #tpu.memory_space<vmem>>, vector<16xf32>,
        tpu.vector_store %arg61[%swap3A_979], %mul3A_978 {strides = array<i32>} : memref<2000xf32, #tpu.memory_space<vmem>>, vector<16xf32>,
      }
      %scan3A_633 = arith.constant 124 : i32
      %scan3A_634 = arith.addi %scan3A_629, %scan3A_633 : i32
      %mul3A_635 = arith.constant 16 : i32
      %mul3A_636 = arith.muli %scan3A_634, %mul3A_635 : i32
      %get3A_637 = arith.index_cast %mul3A_636 : i32 to index
      %get3A_638 = tpu.vector_load %arg37[%get3A_637] {strides = array<i32>} : memref<2000xf32, #tpu.memory_space<vmem>>, vector<16xf32>,
      %get3A_639 = arith.index_cast %mul3A_636 : i32 to index
      %get3A_640 = tpu.vector_load %arg41[%get3A_639] {strides = array<i32>} : memref<2000xf32, #tpu.memory_space<vmem>>, vector<16xf32>,
      %get3A_641 = arith.index_cast %mul3A_636 : i32 to index
      %get3A_642 = tpu.vector_load %arg45[%get3A_641] {strides = array<i32>} : memref<2000xf32, #tpu.memory_space<vmem>>, vector<16xf32>,
      %get3A_643 = arith.index_cast %mul3A_636 : i32 to index
      %get3A_644 = tpu.vector_load %arg49[%get3A_643] {strides = array<i32>} : memref<2000xf32, #tpu.memory_space<vmem>>, vector<16xf32>,
      %get3A_645 = arith.index_cast %mul3A_636 : i32 to index
      %get3A_646 = tpu.vector_load %arg53[%get3A_645] {strides = array<i32>} : memref<2000xf32, #tpu.memory_space<vmem>>, vector<16xf32>,
      %get3A_647 = arith.index_cast %mul3A_636 : i32 to index
      %get3A_648 = tpu.vector_load %arg57[%get3A_647] {strides = array<i32>} : memref<2000xf32, #tpu.memory_space<vmem>>, vector<16xf32>,
      %get3A_649 = arith.index_cast %mul3A_636 : i32 to index
      %get3A_650 = tpu.vector_load %arg25[%get3A_649] {strides = array<i32>} : memref<2000xf32, #tpu.memory_space<vmem>>, vector<16xf32>,
      %get3A_651 = arith.index_cast %mul3A_636 : i32 to index
      %get3A_652 = tpu.vector_load %arg29[%get3A_651] {strides = array<i32>} : memref<2000xf32, #tpu.memory_space<vmem>>, vector<16xf32>,
      %get3A_653 = arith.index_cast %mul3A_636 : i32 to index
      %get3A_654 = tpu.vector_load %arg33[%get3A_653] {strides = array<i32>} : memref<2000xf32, #tpu.memory_space<vmem>>, vector<16xf32>,
      %add3A_655 = arith.addf %get3A_644, %get3A_650 : vector<16xf32>
      %sub3A_656 = arith.subf %get3A_638, %add3A_655 : vector<16xf32>
      %add3A_657 = arith.addf %get3A_646, %get3A_652 : vector<16xf32>
      %sub3A_658 = arith.subf %get3A_640, %add3A_657 : vector<16xf32>
      %add3A_659 = arith.addf %get3A_648, %get3A_654 : vector<16xf32>
      %sub3A_660 = arith.subf %get3A_642, %add3A_659 : vector<16xf32>
      %mul3A_661 = arith.mulf %sub3A_656, %sub3A_656 : vector<16xf32>
      %mul3A_662 = arith.mulf %sub3A_658, %sub3A_658 : vector<16xf32>
      %add3A_663 = arith.addf %mul3A_661, %mul3A_662 : vector<16xf32>
      %mul3A_664 = arith.mulf %sub3A_660, %sub3A_660 : vector<16xf32>
      %add3A_665 = arith.addf %add3A_663, %mul3A_664 : vector<16xf32>
      %max3A_666 = arith.constant 1.000000e-30 : f32
      %max3A_667 = vector.broadcast %max3A_666 : f32 to vector<16xf32>
      %max3A_668 = arith.maximumf %add3A_665, %max3A_667 : vector<16xf32>
      %bitcast3A_669 = vector.bitcast %max3A_668 : vector<16xf32> to vector<16xi32>
      %shift_right_arithmetic3A_670 = arith.constant 1 : i32
      %shift_right_arithmetic3A_671 = vector.broadcast %shift_right_arithmetic3A_670 : i32 to vector<16xi32>
      %shift_right_arithmetic3A_672 = arith.shrsi %bitcast3A_669, %shift_right_arithmetic3A_671 : vector<16xi32>
      %sub3A_673 = arith.constant 1597463007 : i32
      %sub3A_674 = vector.broadcast %sub3A_673 : i32 to vector<16xi32>
      %sub3A_675 = arith.subi %sub3A_674, %shift_right_arithmetic3A_672 : vector<16xi32>
      %bitcast3A_676 = vector.bitcast %sub3A_675 : vector<16xi32> to vector<16xf32>
      %mul3A_677 = arith.constant 5.000000e-01 : f32
      %mul3A_678 = vector.broadcast %mul3A_677 : f32 to vector<16xf32>
      %mul3A_679 = arith.mulf %max3A_668, %mul3A_678 : vector<16xf32>
      %mul3A_680 = arith.mulf %mul3A_679, %bitcast3A_676 : vector<16xf32>
      %mul3A_681 = arith.mulf %mul3A_680, %bitcast3A_676 : vector<16xf32>
      %sub3A_682 = arith.constant 1.500000e+00 : f32
      %sub3A_683 = vector.broadcast %sub3A_682 : f32 to vector<16xf32>
      %sub3A_684 = arith.subf %sub3A_683, %mul3A_681 : vector<16xf32>
      %mul3A_685 = arith.mulf %bitcast3A_676, %sub3A_684 : vector<16xf32>
      %mul3A_686 = arith.mulf %mul3A_679, %mul3A_685 : vector<16xf32>
      %mul3A_687 = arith.mulf %mul3A_686, %mul3A_685 : vector<16xf32>
      %sub3A_688 = arith.constant 1.500000e+00 : f32
      %sub3A_689 = vector.broadcast %sub3A_688 : f32 to vector<16xf32>
      %sub3A_690 = arith.subf %sub3A_689, %mul3A_687 : vector<16xf32>
      %mul3A_691 = arith.mulf %mul3A_685, %sub3A_690 : vector<16xf32>
      %mul3A_692 = arith.mulf %mul3A_679, %mul3A_691 : vector<16xf32>
      %mul3A_693 = arith.mulf %mul3A_692, %mul3A_691 : vector<16xf32>
      %sub3A_694 = arith.constant 1.500000e+00 : f32
      %sub3A_695 = vector.broadcast %sub3A_694 : f32 to vector<16xf32>
      %sub3A_696 = arith.subf %sub3A_695, %mul3A_693 : vector<16xf32>
      %mul3A_697 = arith.mulf %mul3A_691, %sub3A_696 : vector<16xf32>
      %mul3A_698 = arith.mulf %max3A_668, %mul3A_697 : vector<16xf32>
      %swap3A_699 = arith.index_cast %mul3A_636 : i32 to index
      %swap3A_700 = tpu.vector_load %arg61[%swap3A_699] {strides = array<i32>} : memref<2000xf32, #tpu.memory_space<vmem>>, vector<16xf32>,
      tpu.vector_store %arg61[%swap3A_699], %mul3A_698 {strides = array<i32>} : memref<2000xf32, #tpu.memory_space<vmem>>, vector<16xf32>,
      %scan3A_701 = arith.constant 125 : i32
      %mul3A_702 = arith.constant 2000 : i32
      %mul3A_703 = arith.muli %add3A_579, %mul3A_702 : i32
      %add3A_704 = arith.addi %mul3A_4, %mul3A_703 : i32
      %dma_start3A_705 = arith.constant 3 : i32
      %dma_start3A_706 = tpu.memref_slice %arg10[%add3A_704] : memref<6400000xf32, #tpu.memory_space<hbm>> -> memref<2000xf32, #tpu.memory_space<hbm>>
      %dma_start3A_707 = tpu.memref_slice %arg64[%dma_start3A_705] : memref<4x!tpu.dma_semaphore, #tpu.memory_space<semaphore_mem>> -> memref<1x!tpu.dma_semaphore, #tpu.memory_space<semaphore_mem>>
      %dma_start3A_708 = tpu.memref_squeeze %dma_start3A_707 : memref<1x!tpu.dma_semaphore, #tpu.memory_space<semaphore_mem>> -> memref<!tpu.dma_semaphore, #tpu.memory_space<semaphore_mem>>
      %dma_start3A_709 = tpu.memref_slice %arg10[%add3A_704] : memref<6400000xf32, #tpu.memory_space<hbm>> -> memref<2000xf32, #tpu.memory_space<hbm>>
      tpu.enqueue_dma source(%arg61 : memref<2000xf32, #tpu.memory_space<vmem>>) target(%dma_start3A_709 : memref<2000xf32, #tpu.memory_space<hbm>>) target_semaphore(%dma_start3A_708 : memref<!tpu.dma_semaphore, #tpu.memory_space<semaphore_mem>>)
    }
    %scan3A_152 = arith.constant 25 : i32
    %dma_wait3A_153 = arith.constant 0 : i32
    %dma_wait3A_154 = arith.constant 0 : i32
    %dma_wait3A_155 = tpu.memref_slice %arg10[%dma_wait3A_154] : memref<6400000xf32, #tpu.memory_space<hbm>> -> memref<2000xf32, #tpu.memory_space<hbm>>
    %dma_wait3A_156 = tpu.memref_slice %arg64[%dma_wait3A_153] : memref<4x!tpu.dma_semaphore, #tpu.memory_space<semaphore_mem>> -> memref<1x!tpu.dma_semaphore, #tpu.memory_space<semaphore_mem>>
    %dma_wait3A_157 = tpu.memref_squeeze %dma_wait3A_156 : memref<1x!tpu.dma_semaphore, #tpu.memory_space<semaphore_mem>> -> memref<!tpu.dma_semaphore, #tpu.memory_space<semaphore_mem>>
    %dma_wait3A_158 = arith.constant 0 : i32
    %dma_wait3A_159 = tpu.memref_slice %arg10[%dma_wait3A_158] : memref<6400000xf32, #tpu.memory_space<hbm>> -> memref<2000xf32, #tpu.memory_space<hbm>>
    tpu.wait_dma2 semaphore(%dma_wait3A_157 : memref<!tpu.dma_semaphore, #tpu.memory_space<semaphore_mem>>) src(%arg58 : memref<2000xf32, #tpu.memory_space<vmem>>) dst(%dma_wait3A_159 : memref<2000xf32, #tpu.memory_space<hbm>>)
    %dma_wait3A_160 = arith.constant 1 : i32
    %dma_wait3A_161 = arith.constant 0 : i32
    %dma_wait3A_162 = tpu.memref_slice %arg10[%dma_wait3A_161] : memref<6400000xf32, #tpu.memory_space<hbm>> -> memref<2000xf32, #tpu.memory_space<hbm>>
    %dma_wait3A_163 = tpu.memref_slice %arg64[%dma_wait3A_160] : memref<4x!tpu.dma_semaphore, #tpu.memory_space<semaphore_mem>> -> memref<1x!tpu.dma_semaphore, #tpu.memory_space<semaphore_mem>>
    %dma_wait3A_164 = tpu.memref_squeeze %dma_wait3A_163 : memref<1x!tpu.dma_semaphore, #tpu.memory_space<semaphore_mem>> -> memref<!tpu.dma_semaphore, #tpu.memory_space<semaphore_mem>>
    %dma_wait3A_165 = arith.constant 0 : i32
    %dma_wait3A_166 = tpu.memref_slice %arg10[%dma_wait3A_165] : memref<6400000xf32, #tpu.memory_space<hbm>> -> memref<2000xf32, #tpu.memory_space<hbm>>
    tpu.wait_dma2 semaphore(%dma_wait3A_164 : memref<!tpu.dma_semaphore, #tpu.memory_space<semaphore_mem>>) src(%arg59 : memref<2000xf32, #tpu.memory_space<vmem>>) dst(%dma_wait3A_166 : memref<2000xf32, #tpu.memory_space<hbm>>)
    %dma_wait3A_167 = arith.constant 2 : i32
    %dma_wait3A_168 = arith.constant 0 : i32
    %dma_wait3A_169 = tpu.memref_slice %arg10[%dma_wait3A_168] : memref<6400000xf32, #tpu.memory_space<hbm>> -> memref<2000xf32, #tpu.memory_space<hbm>>
    %dma_wait3A_170 = tpu.memref_slice %arg64[%dma_wait3A_167] : memref<4x!tpu.dma_semaphore, #tpu.memory_space<semaphore_mem>> -> memref<1x!tpu.dma_semaphore, #tpu.memory_space<semaphore_mem>>
    %dma_wait3A_171 = tpu.memref_squeeze %dma_wait3A_170 : memref<1x!tpu.dma_semaphore, #tpu.memory_space<semaphore_mem>> -> memref<!tpu.dma_semaphore, #tpu.memory_space<semaphore_mem>>
    %dma_wait3A_172 = arith.constant 0 : i32
    %dma_wait3A_173 = tpu.memref_slice %arg10[%dma_wait3A_172] : memref<6400000xf32, #tpu.memory_space<hbm>> -> memref<2000xf32, #tpu.memory_space<hbm>>
    tpu.wait_dma2 semaphore(%dma_wait3A_171 : memref<!tpu.dma_semaphore, #tpu.memory_space<semaphore_mem>>) src(%arg60 : memref<2000xf32, #tpu.memory_space<vmem>>) dst(%dma_wait3A_173 : memref<2000xf32, #tpu.memory_space<hbm>>)
    %dma_wait3A_174 = arith.constant 3 : i32
    %dma_wait3A_175 = arith.constant 0 : i32
    %dma_wait3A_176 = tpu.memref_slice %arg10[%dma_wait3A_175] : memref<6400000xf32, #tpu.memory_space<hbm>> -> memref<2000xf32, #tpu.memory_space<hbm>>
    %dma_wait3A_177 = tpu.memref_slice %arg64[%dma_wait3A_174] : memref<4x!tpu.dma_semaphore, #tpu.memory_space<semaphore_mem>> -> memref<1x!tpu.dma_semaphore, #tpu.memory_space<semaphore_mem>>
    %dma_wait3A_178 = tpu.memref_squeeze %dma_wait3A_177 : memref<1x!tpu.dma_semaphore, #tpu.memory_space<semaphore_mem>> -> memref<!tpu.dma_semaphore, #tpu.memory_space<semaphore_mem>>
    %dma_wait3A_179 = arith.constant 0 : i32
    %dma_wait3A_180 = tpu.memref_slice %arg10[%dma_wait3A_179] : memref<6400000xf32, #tpu.memory_space<hbm>> -> memref<2000xf32, #tpu.memory_space<hbm>>
    tpu.wait_dma2 semaphore(%dma_wait3A_178 : memref<!tpu.dma_semaphore, #tpu.memory_space<semaphore_mem>>) src(%arg61 : memref<2000xf32, #tpu.memory_space<vmem>>) dst(%dma_wait3A_180 : memref<2000xf32, #tpu.memory_space<hbm>>)
    return
  }
}

</mosaic_0001>

<sc_bundles>
// kernel: _dist.3.cloned.1.call-start
scs
__scs_entry_jumppad:
0x0: {  	(pc) =	sbr.rel $0x88, $3  }
0x1: {  	(tag) =	ssettag $0x0;
	lr =	simm.s32 $0x1  }
0x2: {  	[smem:$0x3F99] =	sst lr;
	_ =	strace $0xD0000000  }
0x3: {  	_ = 	snop  }
0x4: {  	_ = 	snop  }
0x5: {  	_ = 	snop  }
0x6: {  	_ = 	snop  }
0x7: {  	_ = 	snop  }
__scs_overlays_trampoline_lowered:
0x8: {  	[smem:$0x3FA8] =	sst s0  }
0x9: {  	[smem:$0x3FA9] =	sst s1  }
0xa: {  	[smem:$0x3FAA] =	sst s2  }
0xb: {  	[smem:$0x3FAB] =	sst s3  }
0xc: {  	[smem:$0x3FAC] =	sst s4  }
0xd: {  	[smem:$0x3FAD] =	sst s5  }
0xe: {  	[smem:$0x3FAE] =	sst s6  }
0xf: {  	[smem:$0x3FAF] =	sst s7  }
0x10: {  	[smem:$0x3FB0] =	sst s8  }
0x11: {  	[smem:$0x3FB1] =	sst s9;
	s0 =	simm.s32 @!p0 $0x0  }
0x12: {  	s1 =	sld [smem:$0x3F97];
	s0 =	simm.s32 @p0 $0x1  }
0x13: {  	[smem:$0x3FB2] =	sst s0;
	s0 =	simm.s32 @!p1 $0x0  }
0x14: {  	s2 =	sld [smem:$0x3F96];
	s0 =	simm.s32 @p1 $0x1  }
0x15: {  	[smem:$0x3FB3] =	sst s0;
	s0 =	simm.s32 @!p2 $0x0  }
0x16: {  	s3 =	sld [smem:$0x3FDB];
	s0 =	simm.s32 @p2 $0x1  }
0x17: {  	s4 =	simm.s32 $0x1BF5;
	[smem:$0x3FB5] =	sst s0  }
0x18: {  	s0 =	sld [smem:$0x3F98];
	_ =	swait.ge [sflag:s4], $0x0  }
0x19: {  	s7 =	sld [smem:$0x3F99]  }
0x1a: {  	s8 =	sadd.s32 $0xFFFFE003, lr  }
0x1b: {  	s9 =	sadd.s32 $0xFFFFFEF7, lr;
	s5 =	simm.s32 $0xFFFFFFFF;
	p2 =	slt.u32 s8, $0xFFFFF086  }
0x1c: {  	p1 =	slt.u32 s9, $0xF7A;
	s5 =	simm.s32 @!p2 $0x0  }
0x1d: {  	s5 =	simm.s32 @p1 $0x1;
	p0 =	seq.s32 s7, s2  }
0x1e: {  	s7 =	smul.u32 @!p0 $0xF7A, s2;
	p2 =	seq.s32 @!p0 s5, $0x0  }
0x1f: {  	s9 =	smul.u32 $0xF7A, s1;
	s8 =	simm.s32 @!p0 $0x1BF5;
	p2 =	por !p2, p0  }
0x20: {  	[sflag:s8] =	ssyncset.s32 @!p0 $0xFFFFF086;
	s6 =	sadd.s32 @!p0 s3, s7;
	s7 =	simm.s32 @!p0 $0x108  }
0x21: {  	s3 =	sadd.s32 s3, s9;
	s6 =	sadd.s32 @!p0 $0x88, s6;
	s7 =	simm.s32 @p2 $0x1082  }
0x22: {  	[simem:s7], [sflag:s8] =	dma.local @!p0 [hbm:s6], $0xF7A  }
0x23: {  	s9 =	sor.u32 $0xD0000000, s2;
	s6 =	simm.s32 $0x108;
	_ =	swait.ge @!p0 [sflag:s8], $0x0  }
0x24: {  	s3 =	sadd.s32 $0x88, s3;
	s6 =	simm.s32 @!p1 $0x1082;
	[sflag:s4] =	ssyncset.s32 $0xFFFFF086  }
0x25: {  	[simem:s6], [sflag:s4] =	dma.local [hbm:s3], $0xF7A  }
0x26: {  	[smem:$0x3F99] =	sst s1;
	(tag) =	ssettag s2;
	_ =	strace s9  }
0x27: {  	s1 =	sld [smem:$0x3FA9]  }
0x28: {  	s2 =	sld [smem:$0x3FAA]  }
0x29: {  	s4 =	sld [smem:$0x3FAC]  }
0x2a: {  	p0 =	seq.s32 s5, $0x0;
	s5 =	sld [smem:$0x3FAD]  }
0x2b: {  	s6 =	sld [smem:$0x3FAE]  }
0x2c: {  	s7 =	sld [smem:$0x3FAF]  }
0x2d: {  	s3 =	simm.s32 $0x108;
	s8 =	sld [smem:$0x3FB0]  }
0x2e: {  	s3 =	simm.s32 @!p0 $0x1082;
	s9 =	sld [smem:$0x3FB1]  }
0x2f: {  	lr =	sadd.s32 s0, s3;
	s0 =	sld [smem:$0x3FA8]  }
0x30: {  	s3 =	sld [smem:$0x3FAB]  }
0x31: {  	[smem:$0x3FB4] =	sst s10  }
0x32: {  	s10 =	sld [smem:$0x3FB2];
	_ =	sdelay $0x3  }
0x33: {  	p0 =	seq.s32 s10, $0x1;
	s10 =	sld [smem:$0x3FB4];
	_ =	sdelay $0x3  }
0x34: {  	[smem:$0x3FB4] =	sst s10  }
0x35: {  	s10 =	sld [smem:$0x3FB3];
	_ =	sdelay $0x3  }
0x36: {  	p1 =	seq.s32 s10, $0x1;
	s10 =	sld [smem:$0x3FB4];
	_ =	sdelay $0x3  }
0x37: {  	[smem:$0x3FB4] =	sst s10  }
0x38: {  	s10 =	sld [smem:$0x3FB5]  }
0x39: {  	_ = 	snop;
	(pc) =	sbr.ind lr, $3  }
0x3a: {  	_ = 	snop  }
0x3b: {  	_ = 	snop  }
0x3c: {  	p2 =	seq.s32 s10, $0x1;
	s10 =	sld [smem:$0x3FB4]  }
0x3d: {  	_ =	shalt  }
0x3e: {  	_ =	shalt  }
0x3f: {  	_ =	shalt  }
0x40: {  	_ =	shalt  }
0x41: {  	_ =	shalt  }
0x42: {  	_ =	shalt  }
0x43: {  	_ =	shalt  }
0x44: {  	_ =	shalt  }
0x45: {  	_ =	shalt  }
0x46: {  	_ =	shalt  }
0x47: {  	_ =	shalt  }
0x48: {  	_ =	shalt  }
0x49: {  	_ =	shalt  }
0x4a: {  	_ =	shalt  }
0x4b: {  	_ =	shalt  }
0x4c: {  	_ =	shalt  }
0x4d: {  	_ =	shalt  }
0x4e: {  	_ =	shalt  }
0x4f: {  	_ =	shalt  }
0x50: {  	_ =	shalt  }
0x51: {  	_ =	shalt  }
0x52: {  	_ =	shalt  }
0x53: {  	_ =	shalt  }
0x54: {  	_ =	shalt  }
0x55: {  	_ =	shalt  }
0x56: {  	_ =	shalt  }
0x57: {  	_ =	shalt  }
0x58: {  	_ =	shalt  }
0x59: {  	_ =	shalt  }
0x5a: {  	_ =	shalt  }
0x5b: {  	_ =	shalt  }
0x5c: {  	_ =	shalt  }
0x5d: {  	_ =	shalt  }
0x5e: {  	_ =	shalt  }
0x5f: {  	_ =	shalt  }
0x60: {  	_ =	shalt  }
0x61: {  	_ =	shalt  }
0x62: {  	_ =	shalt  }
0x63: {  	_ =	shalt  }
0x64: {  	_ =	shalt  }
0x65: {  	_ =	shalt  }
0x66: {  	_ =	shalt  }
0x67: {  	_ =	shalt  }
0x68: {  	_ =	shalt  }
0x69: {  	_ =	shalt  }
0x6a: {  	_ =	shalt  }
0x6b: {  	_ =	shalt  }
0x6c: {  	_ =	shalt  }
0x6d: {  	_ =	shalt  }
0x6e: {  	_ =	shalt  }
0x6f: {  	_ =	shalt  }
0x70: {  	_ =	shalt  }
0x71: {  	_ =	shalt  }
0x72: {  	_ =	shalt  }
0x73: {  	_ =	shalt  }
0x74: {  	_ =	shalt  }
0x75: {  	_ =	shalt  }
0x76: {  	_ =	shalt  }
0x77: {  	_ =	shalt  }
0x78: {  	_ =	shalt  }
0x79: {  	_ =	shalt  }
0x7a: {  	_ =	shalt  }
0x7b: {  	_ =	shalt  }
0x7c: {  	_ =	shalt  }
0x7d: {  	_ =	shalt  }
0x7e: {  	_ =	shalt  }
0x7f: {  	_ =	shalt  }
0x80: {  	_ =	shalt  }
0x81: {  	_ =	shalt  }
0x82: {  	_ =	shalt  }
0x83: {  	_ =	shalt  }
0x84: {  	_ =	shalt  }
0x85: {  	_ =	shalt  }
0x86: {  	_ =	shalt  }
0x87: {  	_ =	shalt  }
.Lfunc_end0:
.L_simem_size_0:
called_computation_lowered:
.L_overlay_start_0:
0x88: {  	s2 =	sld [smem:$0x3FD9]  }
0x89: {  	s3 =	sld [smem:$0x3FFE];
	_ =	sdelay $0x1  }
0x8a: {  	s1 =	srdreg.scid  }
0x8b: {  	s0 =	sand.u32 $0x1, s1  }
0x8c: {  	s18 =	sshll.u32 s0, $0xA;
	s2 =	sadd.s32 s3, s2  }
0x8d: {  	s2 =	sadd.s32 s2, s18  }
0x8e: {  	[smem:$0x3FC0] =	sst s2  }
0x8f: {  	_ = 	snop  }
0x90: {  	s2 =	sld [smem:$0x3FC9]  }
0x91: {  	s19 =	sld [smem:$0x3FC8]  }
0x92: {  	s4 =	sld [smem:$0x3FC7]  }
0x93: {  	s5 =	sld [smem:$0x3FC6]  }
0x94: {  	s6 =	sld [smem:$0x3FC5]  }
0x95: {  	s7 =	sld [smem:$0x3FC4]  }
0x96: {  	s8 =	sld [smem:$0x3FC3]  }
0x97: {  	s9 =	sld [smem:$0x3FC2]  }
0x98: {  	s10 =	sld [smem:$0x3FD0];
	(tm) =	ssettm $0x1  }
0x99: {  	s11 =	sld [smem:$0x3FFB];
	_ =	sdelay $0x3  }
0x9a: {  	_ =	strace s11  }
0x9b: {  	s11 =	sld [smem:$0x3FFC];
	_ =	sdelay $0x3  }
0x9c: {  	_ =	strace s11  }
0x9d: {  	s11 =	sld [smem:$0x3FFD];
	_ =	sdelay $0x3  }
0x9e: {  	_ =	strace s11  }
0x9f: {  	_ =	strace $0x8FFFFFFF  }
0xa0: {  	s20 =	sld [smem:$0x3FDB];
	_ =	sdelay $0x1  }
0xa1: {  	s12 =	simm.s32 $_scs_section_size  }
0xa2: {  	s13 =	simm.s32 $_size__tile_overlayer_lowered;
	s14 =	simm.s32 $_tile_overlayer_lowered  }
0xa3: {  	s23 =	simm.s32 $0x1BFF;
	s22 =	sshll.u32 s14, $0x1;
	s11 =	sadd.s32 s12, s20  }
0xa4: {  	s15 =	simm.s32 $0x0;
	s21 =	sshll.u32 s13, $0x1;
	s13 =	sadd.s32 s22, s11  }
0xa5: {  	[timem:s15], [sflag:s23] =	dma.local [hbm:s13], s21  }
0xa6: {  	_ =	swait.ge [sflag:s23], s21  }
0xa7: {  	s12 =	ssub.s32 $0x0, s21;
	[sflag:s23] =	ssyncset.done $0x0  }
0xa8: {  	[sflag:s23] =	ssyncadd.s32 s12;
	_ =	sdelay $0x1  }
0xa9: {  	s24 =	simm.s32 $0x1B8B  }
0xaa: {  	_ =	swait.ge [sflag:s24], $0x1  }
0xab: {  	[sflag:s24] =	ssyncset.done $0x0  }
0xac: {  	s25 =	simm.s32 $0x1B8E;
	[sflag:s24] =	ssyncadd.s32 $0xFFFFFFFF  }
0xad: {  	s26 =	simm.s32 $execute0_lowered;
	[smem:$0x3FD2] =	sst s25  }
0xae: {  	s12 =	sshll.u32 s26, $0x1;
	_ =	strace $0x80000046;
	[dreg:$0x1] =	wrdreg $0xFFFFFFFF  }
0xaf: {  	s28 =	simm.s32 $_size_execute0_lowered;
	s11 =	sadd.s32 s11, s12;
	[dreg:$0x0] =	wrdreg $0x0  }
0xb0: {  	s12 =	sshll.u32 s28, $0x1;
	[dreg:$0x2] =	wrdreg s11  }
0xb1: {  	[dreg:$0x3] =	wrdreg s12  }
0xb2: {  	[dreg:$0x4] =	wrdreg $0xC0  }
0xb3: {  	_ =	task [dreg:s15], $0x5FFFF  }
0xb4: {  	[dreg:$0x1] =	wrdreg $0xFFFFFFFF  }
0xb5: {  	[dreg:$0x0] =	wrdreg $0x60  }
0xb6: {  	[dreg:$0x2] =	wrdreg s2  }
0xb7: {  	[dreg:$0x3] =	wrdreg s19  }
0xb8: {  	[dreg:$0x4] =	wrdreg s4  }
0xb9: {  	[dreg:$0x5] =	wrdreg s5  }
0xba: {  	[dreg:$0x6] =	wrdreg s6  }
0xbb: {  	[dreg:$0x7] =	wrdreg s7  }
0xbc: {  	[dreg:$0x8] =	wrdreg s8  }
0xbd: {  	[dreg:$0x9] =	wrdreg s9  }
0xbe: {  	[dreg:$0xa] =	wrdreg s10  }
0xbf: {  	[dreg:$0xb] =	wrdreg $0x0  }
0xc0: {  	[dreg:$0xc] =	wrdreg $0x18700  }
0xc1: {  	[dreg:$0xd] =	wrdreg $0x30E00  }
0xc2: {  	[dreg:$0xe] =	wrdreg $0x9  }
0xc3: {  	_ =	task.clear_ibuf [dreg:s15], $0xFFFFF;
	_ =	strace $0x90000046  }
0xc4: {  	s29 =	simm.s32 $0x9;
	_ =	strace $0x80000048  }
0xc5: {  	_ =	swait.ge [sflag:s29], $0x1  }
0xc6: {  	[sflag:s29] =	ssyncadd.s32 $0xFFFFFFFF  }
0xc7: {  	_ =	strace $0x90000048  }
0xc8: {  	_ =	sfence  }
0xc9: {  	s30 =	sld [smem:$0x0];
	_ =	sdelay $0x2  }
0xca: {  	s31 =	sshll.u32 s1, $0xD;
	s1 =	sshrl.u32 s1, $0x2  }
0xcb: {  	s3 =	sand.u32 $0x4000, s31;
	s1 =	sadd.s32 s1, s30  }
0xcc: {  	s0 =	sor.u32 s3, s0;
	s1 =	sshll.u32 s1, $0x11  }
0xcd: {  	s0 =	sor.u32 s1, s0  }
0xce: {  	s0 =	sadd.s32 $0x8F2B, s0  }
0xcf: {  	[sflag:s0] =	ssyncadd.remote.s32 $0x1  }
0xd0: {  	_ =	sfence.sel $0xFFFF  }
0xd1: {  	[dreg:$0x0] =	wrdreg $0xFFFFFFFF;
	(pc) =	sbr.abs _section_cstart, $3  }
0xd2: {  	[dreg:$0x1] =	wrdreg $0xFFFFFFFF  }
0xd3: {  	_ =	task.clear_ibuf [dreg:s15], $0x2FFFF;
	_ =	strace $0x9FFFFFFF  }
0xd4: {  	(tm) =	ssettm $0x7FFFFFFF  }
0xd5: {  	_ =	shalt  }
tec
execute0_lowered:
.L_overlay_start_1:
0x0: {  	(tag) =	ssettag $0x1  }
0x1: {  	s4 =	rddreg [dreg:$0x3]  }
0x2: {  	s5 =	rddreg [dreg:$0x4]  }
0x3: {  	s8 =	rddreg [dreg:$0x5]  }
0x4: {  	s6 =	rddreg [dreg:$0x6]  }
0x5: {  	s7 =	rddreg [dreg:$0x7];
	s0 =	srdreg.scid  }
0x6: {  	s9 =	rddreg [dreg:$0x9];
	s0 =	sand.u32 $0x1, s0  }
0x7: {  	s11 =	rddreg [dreg:$0xa];
	s2 =	sshll.u32 s0, $0x4;
	s0 =	ssub.s32 $0x2, s0  }
0x8: {  	s12 =	rddreg [dreg:$0xb];
	s1 =	stileid.u32;
	s21 =	sshrl.u32 s0, $0x1  }
0x9: {  	s13 =	simm.s32 $0x0;
	s2 =	sor.u32 s1, s2;
	s0 =	ssub.s32 s0, s21  }
0xa: {  	[smem:$0x7FF] =	sst s13;
	s10 =	smul.u32 $0x30D40, s2;
	s0 =	smax.u32 s0, $0x1  }
0xb: {  	_ =	strace $0x80000047;
	[dreg:$0x1f] =	wrdreg s0  }
0xc: {  	s24 =	sadd.s32 $0x7D0, s10;
	[dreg:$0xd] =	wrdreg s10  }
0xd: {  	s22 =	sshrl.u32 s10, $0x3;
	s16 =	sadd.s32 $0xFA0, s10;
	[dreg:$0x10] =	wrdreg s24  }
0xe: {  	s3 =	sadd.s32 s6, s22;
	[dreg:$0x17] =	wrdreg s16  }
0xf: {  	s23 =	sadd.s32 s7, s22;
	[dreg:$0xe] =	wrdreg s3  }
0x10: {  	s14 =	sadd.s32 s4, s22;
	[dreg:$0xf] =	wrdreg s23  }
0x11: {  	p0 =	sne.s32 s1, $0x0;
	s25 =	sadd.s32 s5, s22;
	[dreg:$0x11] =	wrdreg s14  }
0x12: {  	s2 =	sadd.s32 s8, s22;
	s1 =	sshrl.u32 s16, $0x3;
	[dreg:$0x12] =	wrdreg s25  }
0x13: {  	[dreg:$0x13] =	wrdreg s2;
	s19 =	sadd.s32 s6, s1  }
0x14: {  	s20 =	sadd.s32 s7, s1;
	[dreg:$0x1a] =	wrdreg s19  }
0x15: {  	s28 =	simm.s32 $0x5;
	s21 =	sadd.s32 s4, s1;
	[dreg:$0x1b] =	wrdreg s20  }
0x16: {  	s29 =	simm.s32 $0x2;
	s22 =	sadd.s32 s5, s1;
	[dreg:$0x1c] =	wrdreg s21  }
0x17: {  	s30 =	simm.s32 $0x8150;
	s1 =	sadd.s32 s8, s1;
	[dreg:$0x1d] =	wrdreg s22  }
0x18: {  	s31 =	simm.s32 $0x3;
	s23 =	sadd.s32 $0x1770, s10;
	[dreg:$0x1e] =	wrdreg s1  }
0x19: {  	s3 =	sshrl.u32 s24, $0x3;
	s24 =	sadd.s32 $0x1F40, s10;
	[smem:$0x7FA] =	sst s23  }
0x1a: {  	s0 =	simm.s32 $0x7;
	s25 =	sadd.s32 $0x2710, s10;
	[smem:$0x7FB] =	sst s24  }
0x1b: {  	s26 =	sadd.s32 s6, s3;
	s14 =	sadd.s32 s7, s3;
	[smem:$0x7FC] =	sst s25  }
0x1c: {  	s15 =	sadd.s32 s4, s3;
	s17 =	sadd.s32 s5, s3;
	[dreg:$0x14] =	wrdreg s26  }
0x1d: {  	s18 =	sadd.s32 s8, s3;
	s7 =	smov.u32 s5;
	[dreg:$0x15] =	wrdreg s14  }
0x1e: {  	s6 =	smov.u32 s8;
	s25 =	simm.s32 $0x6150;
	[dreg:$0x16] =	wrdreg s15  }
0x1f: {  	s19 =	simm.s32 $0x6;
	s3 =	simm.s32 $0x0;
	[dreg:$0x18] =	wrdreg s17  }
0x20: {  	[dreg:$0x19] =	wrdreg s18;
	s26 =	sadd.s32 $0x2EE0, s10;
	s18 =	simm.s32 $0x4  }
0x21: {  	s10 =	simm.s32 $0x8;
	[smem:$0x7FD] =	sst s26;
	s26 =	simm.s32 $0x7D0  }
.LBB2_1:
0x22: {  	[smem:$0x7F9] =	sst s3  }
0x23: {  	s1 =	sshrl.u32 @!p0 s9, $0x3;
	s2 =	simm.s32 @!p0 $0x1C0D;
	s3 =	rddreg [dreg:$0x0]  }
0x24: {  	[spmem:s1], [sflag:s2] =	dma.local @!p0 [hbm:s3], $0x30E0  }
0x25: {  	s1 =	simm.s32 @!p0 $0xD  }
0x26: {  	_ =	swait.ge @!p0 [sflag:s1], $0x30E0  }
0x27: {  	[sflag:s1] =	ssyncset.done @!p0 $0x0  }
0x28: {  	[sflag:s1] =	ssyncadd.s32 @!p0 $0xFFFFCF20  }
0x29: {  	s3 =	sshrl.u32 @!p0 s11, $0x3;
	s4 =	rddreg [dreg:$0x1]  }
0x2a: {  	[spmem:s3], [sflag:s2] =	dma.local @!p0 [hbm:s4], $0x30E0  }
0x2b: {  	_ =	swait.ge @!p0 [sflag:s1], $0x30E0  }
0x2c: {  	[sflag:s1] =	ssyncset.done @!p0 $0x0  }
0x2d: {  	[sflag:s1] =	ssyncadd.s32 @!p0 $0xFFFFCF20  }
0x2e: {  	s3 =	sshrl.u32 @!p0 s12, $0x3;
	s4 =	rddreg [dreg:$0x2]  }
0x2f: {  	[spmem:s3], [sflag:s2] =	dma.local @!p0 [hbm:s4], $0x30E0  }
0x30: {  	_ =	swait.ge @!p0 [sflag:s1], $0x30E0  }
0x31: {  	[sflag:s1] =	ssyncset.done @!p0 $0x0  }
0x32: {  	[sflag:s1] =	ssyncadd.s32 @!p0 $0xFFFFCF20  }
0x33: {  	[bflag:$0x0] =	sbarrier.arrive $0xFFFF  }
0x34: {  	s2 =	simm.s32 $0x4950;
	s4 =	rddreg [dreg:$0xe]  }
0x35: {  	[tilespmem:s2], [sflag:$0x1] =	stream.linear.gather [hbm4b:s4+s13], $0x7D0, $0x38;
	[tilespmem:$0x1C950] =	vst v63  }
0x36: {  	s3 =	simm.s32 $0x6950;
	s5 =	rddreg [dreg:$0xf]  }
0x37: {  	[tilespmem:s3], [sflag:$0x1] =	stream.linear.gather [hbm4b:s5+s13], $0x7D0, $0x38;
	[tilespmem:$0x1C950] =	vst v63  }
0x38: {  	s14 =	simm.s32 $0x8950;
	s8 =	rddreg [dreg:$0x11]  }
0x39: {  	[tilespmem:s14], [sflag:$0x1] =	stream.linear.gather [hbm4b:s8+s13], $0x7D0, $0x38;
	[tilespmem:$0x1C950] =	vst v63  }
0x3a: {  	s16 =	simm.s32 $0xA950;
	s15 =	rddreg [dreg:$0x12]  }
0x3b: {  	[tilespmem:s16], [sflag:$0x1] =	stream.linear.gather [hbm4b:s15+s13], $0x7D0, $0x38;
	[tilespmem:$0x1C950] =	vst v63  }
0x3c: {  	s20 =	simm.s32 $0xC950;
	s17 =	rddreg [dreg:$0x13]  }
0x3d: {  	[tilespmem:s20], [sflag:$0x1] =	stream.linear.gather [hbm4b:s17+s13], $0x7D0, $0x38;
	[tilespmem:$0x1C950] =	vst v63  }
0x3e: {  	s22 =	simm.s32 $0x5150;
	s21 =	rddreg [dreg:$0x14]  }
0x3f: {  	[tilespmem:s22], [sflag:$0x2] =	stream.linear.gather [hbm4b:s21+s13], $0x7D0, $0x38;
	[tilespmem:$0x1C950] =	vst v63  }
0x40: {  	s24 =	simm.s32 $0x7150;
	s23 =	rddreg [dreg:$0x15]  }
0x41: {  	[tilespmem:s24], [sflag:$0x2] =	stream.linear.gather [hbm4b:s23+s13], $0x7D0, $0x38;
	[tilespmem:$0x1C950] =	vst v63  }
0x42: {  	s4 =	rddreg [dreg:$0x16];
	s5 =	simm.s32 $0x9150  }
0x43: {  	[tilespmem:s5], [sflag:$0x2] =	stream.linear.gather [hbm4b:s4+s13], $0x7D0, $0x38;
	[tilespmem:$0x1C950] =	vst v63  }
0x44: {  	s8 =	rddreg [dreg:$0x18];
	s14 =	simm.s32 $0xB150  }
0x45: {  	[tilespmem:s14], [sflag:$0x2] =	stream.linear.gather [hbm4b:s8+s13], $0x7D0, $0x38;
	[tilespmem:$0x1C950] =	vst v63  }
0x46: {  	s15 =	rddreg [dreg:$0x19];
	s16 =	simm.s32 $0xD150  }
0x47: {  	[tilespmem:s16], [sflag:$0x2] =	stream.linear.gather [hbm4b:s15+s13], $0x7D0, $0x38;
	[tilespmem:$0x1C950] =	vst v63  }
0x48: {  	s17 =	rddreg [dreg:$0x1a];
	s20 =	simm.s32 $0x5950  }
0x49: {  	[tilespmem:s20], [sflag:$0x3] =	stream.linear.gather [hbm4b:s17+s13], $0x7D0, $0x38;
	[tilespmem:$0x1C950] =	vst v63  }
0x4a: {  	s21 =	rddreg [dreg:$0x1b];
	s22 =	simm.s32 $0x7950  }
0x4b: {  	[tilespmem:s22], [sflag:$0x3] =	stream.linear.gather [hbm4b:s21+s13], $0x7D0, $0x38;
	[tilespmem:$0x1C950] =	vst v63  }
0x4c: {  	s23 =	rddreg [dreg:$0x1c];
	s24 =	simm.s32 $0x9950  }
0x4d: {  	[tilespmem:s24], [sflag:$0x3] =	stream.linear.gather [hbm4b:s23+s13], $0x7D0, $0x38;
	[tilespmem:$0x1C950] =	vst v63  }
0x4e: {  	s5 =	rddreg [dreg:$0x1d];
	s8 =	simm.s32 $0xB950  }
0x4f: {  	[tilespmem:s8], [sflag:$0x3] =	stream.linear.gather [hbm4b:s5+s13], $0x7D0, $0x38;
	[tilespmem:$0x1C950] =	vst v63  }
0x50: {  	s14 =	rddreg [dreg:$0x1e];
	s15 =	simm.s32 $0xD950;
	s16 =	simm.s32 $0x1  }
0x51: {  	[tilespmem:s15], [sflag:$0x3] =	stream.linear.gather [hbm4b:s14+s13], $0x7D0, $0x38;
	[tilespmem:$0x1C950] =	vst v63  }
0x52: {  	_ =	swait.ge [sflag:s16], $0x7D0  }
0x53: {  	[sflag:s16] =	ssyncset.done $0x0  }
0x54: {  	[sflag:s16] =	ssyncadd.s32 $0xFFFFF830  }
0x55: {  	_ =	swait.ge [sflag:s16], $0x7D0  }
0x56: {  	[sflag:s16] =	ssyncset.done $0x0  }
0x57: {  	[sflag:s16] =	ssyncadd.s32 $0xFFFFF830  }
0x58: {  	_ =	swait.ge [sflag:s16], $0x7D0  }
0x59: {  	[sflag:s16] =	ssyncset.done $0x0  }
0x5a: {  	[sflag:s16] =	ssyncadd.s32 $0xFFFFF830  }
0x5b: {  	_ =	swait.ge [sflag:s16], $0x7D0  }
0x5c: {  	[sflag:s16] =	ssyncset.done $0x0  }
0x5d: {  	[sflag:s16] =	ssyncadd.s32 $0xFFFFF830  }
0x5e: {  	_ =	swait.ge [sflag:s16], $0x7D0  }
0x5f: {  	[sflag:s16] =	ssyncset.done $0x0  }
0x60: {  	s17 =	simm.s32 $0xE950;
	[sflag:s16] =	ssyncadd.s32 $0xFFFFF830  }
0x61: {  	[tilespmem:s17], [sflag:$0x5] =	stream.indirect.gather [spmem:s9], $0x1, s2, s26, $0xb8;
	[tilespmem:$0x1C950] =	vst v63  }
0x62: {  	s20 =	simm.s32 $0x10950  }
0x63: {  	[tilespmem:s20], [sflag:$0x5] =	stream.indirect.gather [spmem:s11], $0x1, s2, s26, $0xb8;
	[tilespmem:$0x1C950] =	vst v63  }
0x64: {  	s21 =	simm.s32 $0x12950  }
0x65: {  	[tilespmem:s21], [sflag:$0x5] =	stream.indirect.gather [spmem:s12], $0x1, s2, s26, $0xb8;
	[tilespmem:$0x1C950] =	vst v63  }
0x66: {  	s22 =	simm.s32 $0x14950  }
0x67: {  	[tilespmem:s22], [sflag:$0x5] =	stream.indirect.gather [spmem:s9], $0x1, s3, s26, $0xb8;
	[tilespmem:$0x1C950] =	vst v63  }
0x68: {  	s23 =	simm.s32 $0x16950  }
0x69: {  	[tilespmem:s23], [sflag:$0x5] =	stream.indirect.gather [spmem:s11], $0x1, s3, s26, $0xb8;
	[tilespmem:$0x1C950] =	vst v63  }
0x6a: {  	s1 =	simm.s32 $0x0;
	s24 =	simm.s32 $0x18950  }
0x6b: {  	[tilespmem:s24], [sflag:$0x5] =	stream.indirect.gather [spmem:s12], $0x1, s3, s26, $0xb8;
	[tilespmem:$0x1C950] =	vst v63  }
.LBB2_2:
0x6c: {  	_ =	swait.ge [sflag:s28], $0x7D0  }
0x6d: {  	[sflag:s28] =	ssyncset.done $0x0  }
0x6e: {  	[sflag:s28] =	ssyncadd.s32 $0xFFFFF830  }
0x6f: {  	_ =	swait.ge [sflag:s28], $0x7D0  }
0x70: {  	[sflag:s28] =	ssyncset.done $0x0  }
0x71: {  	[sflag:s28] =	ssyncadd.s32 $0xFFFFF830  }
0x72: {  	_ =	swait.ge [sflag:s28], $0x7D0  }
0x73: {  	[sflag:s28] =	ssyncset.done $0x0  }
0x74: {  	[sflag:s28] =	ssyncadd.s32 $0xFFFFF830  }
0x75: {  	_ =	swait.ge [sflag:s28], $0x7D0  }
0x76: {  	[sflag:s28] =	ssyncset.done $0x0  }
0x77: {  	[sflag:s28] =	ssyncadd.s32 $0xFFFFF830  }
0x78: {  	_ =	swait.ge [sflag:s28], $0x7D0  }
0x79: {  	[sflag:s28] =	ssyncset.done $0x0  }
0x7a: {  	[sflag:s28] =	ssyncadd.s32 $0xFFFFF830  }
0x7b: {  	_ =	swait.ge [sflag:s28], $0x7D0  }
0x7c: {  	[sflag:s28] =	ssyncset.done $0x0  }
0x7d: {  	[sflag:s28] =	ssyncadd.s32 $0xFFFFF830  }
0x7e: {  	_ =	swait.ge [sflag:s29], $0x7D0  }
0x7f: {  	[sflag:s29] =	ssyncset.done $0x0  }
0x80: {  	[sflag:s29] =	ssyncadd.s32 $0xFFFFF830  }
0x81: {  	_ =	swait.ge [sflag:s29], $0x7D0  }
0x82: {  	[sflag:s29] =	ssyncset.done $0x0  }
0x83: {  	[sflag:s29] =	ssyncadd.s32 $0xFFFFF830  }
0x84: {  	_ =	swait.ge [sflag:s29], $0x7D0  }
0x85: {  	[sflag:s29] =	ssyncset.done $0x0  }
0x86: {  	[sflag:s29] =	ssyncadd.s32 $0xFFFFF830  }
0x87: {  	_ =	swait.ge [sflag:s29], $0x7D0  }
0x88: {  	[sflag:s29] =	ssyncset.done $0x0  }
0x89: {  	[sflag:s29] =	ssyncadd.s32 $0xFFFFF830  }
0x8a: {  	_ =	swait.ge [sflag:s29], $0x7D0  }
0x8b: {  	[sflag:s29] =	ssyncset.done $0x0  }
0x8c: {  	s2 =	simm.s32 $0x5150;
	s3 =	simm.s32 $0xF150;
	[sflag:s29] =	ssyncadd.s32 $0xFFFFF830  }
0x8d: {  	[tilespmem:s3], [sflag:$0x6] =	stream.indirect.gather [spmem:s9], $0x1, s2, s26, $0xb8;
	[tilespmem:$0x1C950] =	vst v63  }
0x8e: {  	s20 =	simm.s32 $0x11150  }
0x8f: {  	[tilespmem:s20], [sflag:$0x6] =	stream.indirect.gather [spmem:s11], $0x1, s2, s26, $0xb8;
	[tilespmem:$0x1C950] =	vst v63  }
0x90: {  	s21 =	simm.s32 $0x13150;
	s5 =	sld [smem:$0x7FA]  }
0x91: {  	[tilespmem:s21], [sflag:$0x6] =	stream.indirect.gather [spmem:s12], $0x1, s2, s26, $0xb8;
	[tilespmem:$0x1C950] =	vst v63  }
0x92: {  	s22 =	simm.s32 $0x7150;
	s23 =	simm.s32 $0x15150;
	s15 =	smul.u32 $0x1F40, s1  }
0x93: {  	[tilespmem:s23], [sflag:$0x6] =	stream.indirect.gather [spmem:s9], $0x1, s22, s26, $0xb8;
	[tilespmem:$0x1C950] =	vst v63  }
0x94: {  	s24 =	simm.s32 $0x17150;
	s2 =	sadd.s32 s15, s5  }
0x95: {  	[tilespmem:s24], [sflag:$0x6] =	stream.indirect.gather [spmem:s11], $0x1, s22, s26, $0xb8;
	[tilespmem:$0x1C950] =	vst v63  }
0x96: {  	s4 =	simm.s32 $0x19150;
	s8 =	rddreg [dreg:$0x6];
	s2 =	sshrl.u32 s2, $0x3  }
0x97: {  	[tilespmem:s4], [sflag:$0x6] =	stream.indirect.gather [spmem:s12], $0x1, s22, s26, $0xb8;
	[tilespmem:$0x1C950] =	vst v63  }
0x98: {  	s14 =	rddreg [dreg:$0x7];
	s3 =	sadd.s32 s8, s2  }
0x99: {  	[tilespmem:s25], [sflag:$0x4] =	stream.linear.gather [hbm4b:s3+s13], $0x7D0, $0x38;
	[tilespmem:$0x1C950] =	vst v63  }
0x9a: {  	s16 =	rddreg [dreg:$0x3];
	s3 =	sadd.s32 s14, s2  }
0x9b: {  	[tilespmem:s30], [sflag:$0x4] =	stream.linear.gather [hbm4b:s3+s13], $0x7D0, $0x38;
	[tilespmem:$0x1C950] =	vst v63  }
0x9c: {  	s4 =	simm.s32 $0xA150;
	s3 =	sadd.s32 s16, s2  }
0x9d: {  	[tilespmem:s4], [sflag:$0x4] =	stream.linear.gather [hbm4b:s3+s13], $0x7D0, $0x38;
	[tilespmem:$0x1C950] =	vst v63  }
0x9e: {  	p1 =	seq.s32 s1, $0x0;
	s20 =	simm.s32 $0xC150;
	s17 =	sadd.s32 s7, s2  }
0x9f: {  	[tilespmem:s20], [sflag:$0x4] =	stream.linear.gather [hbm4b:s17+s13], $0x7D0, $0x38;
	[tilespmem:$0x1C950] =	vst v63  }
0xa0: {  	s21 =	sadd.s32 s6, s2;
	s22 =	simm.s32 $0xE150;
	s3 =	simm.s32 @!p1 $0x9  }
0xa1: {  	[tilespmem:s22], [sflag:$0x4] =	stream.linear.gather [hbm4b:s21+s13], $0x7D0, $0x38;
	[tilespmem:$0x1C950] =	vst v63  }
0xa2: {  	_ =	swait.ge @!p1 [sflag:s3], $0x7D0  }
0xa3: {  	[sflag:s3] =	ssyncset.done @!p1 $0x0  }
0xa4: {  	s23 =	simm.s32 $0xE970;
	[sflag:s3] =	ssyncadd.s32 @!p1 $0xFFFFF830  }
0xa5: {  	s16 =	simm.s32 $0xC970;
	v0 =	vld [tilespmem:s23+$0xFFFFFFE0]  }
0xa6: {  	s24 =	simm.s32 $0xA970;
	v1 =	vld [tilespmem:s16+$0xFFFFFFE0]  }
0xa7: {  	s5 =	simm.s32 $0x8970;
	v2 =	vld [tilespmem:s24+$0xFFFFFFE0]  }
0xa8: {  	s8 =	simm.s32 $0x16970;
	v3 =	vld [tilespmem:s5+$0xFFFFFFE0]  }
0xa9: {  	s14 =	simm.s32 $0x14970;
	v4 =	vld [tilespmem:s8+$0xFFFFFFE0]  }
0xaa: {  	s20 =	simm.s32 $0x18970;
	v5 =	vld [tilespmem:s14+$0xFFFFFFE0]  }
0xab: {  	s22 =	simm.s32 $0x10970;
	v7 =	vld [tilespmem:s20+$0xFFFFFFE0]  }
0xac: {  	v6 =	vld [tilespmem:s22+$0xFFFFFFE0]  }
0xad: {  	s21 =	simm.s32 $0x12970  }
0xae: {  	v8 =	vld [tilespmem:s21+$0xFFFFFFE0]  }
0xaf: {  	v2 =	vadd.f32 v2, v4;
	v3 =	vadd.f32 v3, v5  }
0xb0: {  	v1 =	vadd.f32 v1, v7  }
0xb1: {  	v2 =	vsub.f32 v6, v2;
	v0 =	vsub.f32 v0, v3;
	_ =	sdelay $0x1  }
0xb2: {  	v1 =	vsub.f32 v8, v1;
	v0 =	vmul.f32 v0, v0;
	v2 =	vmul.f32 v2, v2;
	_ =	sdelay $0x1  }
0xb3: {  	v1 =	vmul.f32 v1, v1;
	v0 =	vadd.f32 v2, v0;
	_ =	sdelay $0x1  }
0xb4: {  	v0 =	vadd.f32 v1, v0;
	_ =	sdelay $0x1  }
0xb5: {  	v0 =	vmax.f32 v0, $1.000000000e-30  }
0xb6: {  	v1 =	vshra.s32 v0, $0x1;
	v2 =	vmul.f32 $5.000000000e-01, v0  }
0xb7: {  	v1 =	vsub.s32 $0x5F3759DF, v1  }
0xb8: {  	v3 =	vmul.f32 v1, v2;
	_ =	sdelay $0x1  }
0xb9: {  	v3 =	vmul.f32 v1, v3;
	_ =	sdelay $0x1  }
0xba: {  	v3 =	vsub.f32 $1.500000000e+00, v3;
	_ =	sdelay $0x1  }
0xbb: {  	v1 =	vmul.f32 v1, v3;
	_ =	sdelay $0x1  }
0xbc: {  	v3 =	vmul.f32 v1, v2;
	_ =	sdelay $0x1  }
0xbd: {  	v3 =	vmul.f32 v3, v1;
	_ =	sdelay $0x1  }
0xbe: {  	v3 =	vsub.f32 $1.500000000e+00, v3;
	_ =	sdelay $0x1  }
0xbf: {  	v1 =	vmul.f32 v3, v1;
	_ =	sdelay $0x1  }
0xc0: {  	v2 =	vmul.f32 v1, v2;
	_ =	sdelay $0x1  }
0xc1: {  	v2 =	vmul.f32 v2, v1;
	_ =	sdelay $0x1  }
0xc2: {  	v2 =	vsub.f32 $1.500000000e+00, v2;
	_ =	sdelay $0x1  }
0xc3: {  	v1 =	vmul.f32 v2, v1;
	_ =	sdelay $0x1  }
0xc4: {  	v0 =	vmul.f32 v1, v0  }
0xc5: {  	s17 =	simm.s32 $0x1A970  }
0xc6: {  	[tilespmem:s17+$0xFFFFFFE0] =	vst v0  }
0xc7: {  	v0 =	vld [tilespmem:s16+$0xFFFFFFF0]  }
0xc8: {  	v1 =	vld [tilespmem:s23+$0xFFFFFFF0]  }
0xc9: {  	v2 =	vld [tilespmem:s24+$0xFFFFFFF0]  }
0xca: {  	v3 =	vld [tilespmem:s14+$0xFFFFFFF0]  }
0xcb: {  	v4 =	vld [tilespmem:s5+$0xFFFFFFF0]  }
0xcc: {  	v5 =	vld [tilespmem:s8+$0xFFFFFFF0]  }
0xcd: {  	v56 =	vld [tilespmem:s20+$0xFFFFFFF0]  }
0xce: {  	v57 =	vld [tilespmem:s22+$0xFFFFFFF0];
	_ =	sdelay $0x1  }
0xcf: {  	v58 =	vld [tilespmem:s21+$0xFFFFFFF0]  }
0xd0: {  	v3 =	vadd.f32 v4, v3;
	v2 =	vadd.f32 v2, v5  }
0xd1: {  	v0 =	vadd.f32 v0, v56  }
0xd2: {  	v1 =	vsub.f32 v1, v3;
	v2 =	vsub.f32 v57, v2;
	_ =	sdelay $0x1  }
0xd3: {  	v0 =	vsub.f32 v58, v0;
	v1 =	vmul.f32 v1, v1;
	v2 =	vmul.f32 v2, v2;
	_ =	sdelay $0x1  }
0xd4: {  	v0 =	vmul.f32 v0, v0;
	v1 =	vadd.f32 v2, v1;
	_ =	sdelay $0x1  }
0xd5: {  	v0 =	vadd.f32 v0, v1;
	_ =	sdelay $0x1  }
0xd6: {  	v0 =	vmax.f32 v0, $1.000000000e-30  }
0xd7: {  	v1 =	vshra.s32 v0, $0x1;
	v2 =	vmul.f32 $5.000000000e-01, v0  }
0xd8: {  	v1 =	vsub.s32 $0x5F3759DF, v1  }
0xd9: {  	v3 =	vmul.f32 v1, v2;
	_ =	sdelay $0x1  }
0xda: {  	v3 =	vmul.f32 v1, v3;
	_ =	sdelay $0x1  }
0xdb: {  	v3 =	vsub.f32 $1.500000000e+00, v3;
	_ =	sdelay $0x1  }
0xdc: {  	v1 =	vmul.f32 v1, v3;
	_ =	sdelay $0x1  }
0xdd: {  	v3 =	vmul.f32 v1, v2;
	_ =	sdelay $0x1  }
0xde: {  	v3 =	vmul.f32 v3, v1;
	_ =	sdelay $0x1  }
0xdf: {  	v3 =	vsub.f32 $1.500000000e+00, v3;
	_ =	sdelay $0x1  }
0xe0: {  	v1 =	vmul.f32 v3, v1;
	_ =	sdelay $0x1  }
0xe1: {  	v2 =	vmul.f32 v1, v2;
	_ =	sdelay $0x1  }
0xe2: {  	v2 =	vmul.f32 v2, v1;
	_ =	sdelay $0x1  }
0xe3: {  	v2 =	vsub.f32 $1.500000000e+00, v2;
	_ =	sdelay $0x1  }
0xe4: {  	v1 =	vmul.f32 v2, v1;
	_ =	sdelay $0x1  }
0xe5: {  	v0 =	vmul.f32 v1, v0;
	_ =	sdelay $0x1  }
0xe6: {  	[tilespmem:s17+$0xFFFFFFF0] =	vst v0  }
0xe7: {  	v0 =	vld [tilespmem:s24+$0x0]  }
0xe8: {  	v1 =	vld [tilespmem:s16+$0x0]  }
0xe9: {  	v2 =	vld [tilespmem:s8+$0x0]  }
0xea: {  	v3 =	vld [tilespmem:s22+$0x0]  }
0xeb: {  	v4 =	vld [tilespmem:s5+$0x0]  }
0xec: {  	v5 =	vld [tilespmem:s14+$0x0]  }
0xed: {  	v59 =	vld [tilespmem:s20+$0x0]  }
0xee: {  	v60 =	vld [tilespmem:s23+$0x0];
	_ =	sdelay $0x1  }
0xef: {  	v0 =	vadd.f32 v0, v2;
	v2 =	vld [tilespmem:s21+$0x0]  }
0xf0: {  	v4 =	vadd.f32 v4, v5  }
0xf1: {  	v1 =	vadd.f32 v1, v59  }
0xf2: {  	v0 =	vsub.f32 v3, v0;
	v3 =	vsub.f32 v60, v4;
	_ =	sdelay $0x1  }
0xf3: {  	v0 =	vmul.f32 v0, v0;
	v1 =	vsub.f32 v2, v1;
	v2 =	vmul.f32 v3, v3;
	_ =	sdelay $0x1  }
0xf4: {  	v1 =	vmul.f32 v1, v1;
	v0 =	vadd.f32 v0, v2;
	_ =	sdelay $0x1  }
0xf5: {  	v0 =	vadd.f32 v1, v0;
	_ =	sdelay $0x1  }
0xf6: {  	v0 =	vmax.f32 v0, $1.000000000e-30  }
0xf7: {  	v1 =	vshra.s32 v0, $0x1;
	v2 =	vmul.f32 $5.000000000e-01, v0  }
0xf8: {  	v1 =	vsub.s32 $0x5F3759DF, v1  }
0xf9: {  	v3 =	vmul.f32 v1, v2;
	_ =	sdelay $0x1  }
0xfa: {  	v3 =	vmul.f32 v1, v3;
	_ =	sdelay $0x1  }
0xfb: {  	v3 =	vsub.f32 $1.500000000e+00, v3;
	_ =	sdelay $0x1  }
0xfc: {  	v1 =	vmul.f32 v1, v3;
	_ =	sdelay $0x1  }
0xfd: {  	v3 =	vmul.f32 v1, v2;
	_ =	sdelay $0x1  }
0xfe: {  	v3 =	vmul.f32 v3, v1;
	_ =	sdelay $0x1  }
0xff: {  	v3 =	vsub.f32 $1.500000000e+00, v3;
	_ =	sdelay $0x1  }
0x100: {  	v1 =	vmul.f32 v3, v1;
	_ =	sdelay $0x1  }
0x101: {  	v2 =	vmul.f32 v1, v2;
	_ =	sdelay $0x1  }
0x102: {  	v2 =	vmul.f32 v2, v1;
	_ =	sdelay $0x1  }
0x103: {  	v2 =	vsub.f32 $1.500000000e+00, v2;
	_ =	sdelay $0x1  }
0x104: {  	v1 =	vmul.f32 v2, v1;
	_ =	sdelay $0x1  }
0x105: {  	v0 =	vmul.f32 v1, v0;
	_ =	sdelay $0x1  }
0x106: {  	[tilespmem:s17+$0x0] =	vst v0  }
0x107: {  	v0 =	vld [tilespmem:s22+$0x10]  }
0x108: {  	v1 =	vld [tilespmem:s8+$0x10]  }
0x109: {  	v2 =	vld [tilespmem:s14+$0x10]  }
0x10a: {  	v3 =	vld [tilespmem:s16+$0x10]  }
0x10b: {  	v4 =	vld [tilespmem:s24+$0x10]  }
0x10c: {  	v5 =	vld [tilespmem:s5+$0x10]  }
0x10d: {  	v61 =	vld [tilespmem:s20+$0x10]  }
0x10e: {  	v62 =	vld [tilespmem:s23+$0x10];
	_ =	sdelay $0x1  }
0x10f: {  	v63 =	vld [tilespmem:s21+$0x10];
	v1 =	vadd.f32 v4, v1  }
0x110: {  	v2 =	vadd.f32 v5, v2  }
0x111: {  	v0 =	vsub.f32 v0, v1  }
0x112: {  	v1 =	vadd.f32 v3, v61;
	v2 =	vsub.f32 v62, v2;
	_ =	sdelay $0x1  }
0x113: {  	v1 =	vsub.f32 v63, v1;
	v2 =	vmul.f32 v2, v2;
	v0 =	vmul.f32 v0, v0;
	_ =	sdelay $0x1  }
0x114: {  	v0 =	vadd.f32 v0, v2;
	v1 =	vmul.f32 v1, v1;
	_ =	sdelay $0x1  }
0x115: {  	v0 =	vadd.f32 v1, v0;
	_ =	sdelay $0x1  }
0x116: {  	v0 =	vmax.f32 v0, $1.000000000e-30  }
0x117: {  	v2 =	vshra.s32 v0, $0x1;
	v1 =	vmul.f32 $5.000000000e-01, v0  }
0x118: {  	v2 =	vsub.s32 $0x5F3759DF, v2  }
0x119: {  	v3 =	vmul.f32 v2, v1;
	_ =	sdelay $0x1  }
0x11a: {  	v3 =	vmul.f32 v2, v3;
	_ =	sdelay $0x1  }
0x11b: {  	v3 =	vsub.f32 $1.500000000e+00, v3;
	_ =	sdelay $0x1  }
0x11c: {  	v2 =	vmul.f32 v2, v3  }
0x11d: {  	s4 =	simm.s32 $0xA9B0  }
0x11e: {  	s3 =	simm.s32 $0x129B0;
	s14 =	simm.s32 $0x0;
	s24 =	simm.s32 $0x109B0;
	v3 =	vmul.f32 v2, v1  }
0x11f: {  	s20 =	simm.s32 $0xE9B0;
	s22 =	simm.s32 $0x169B0;
	s23 =	simm.s32 $0x149B0  }
0x120: {  	s5 =	simm.s32 $0x89B0;
	s8 =	simm.s32 $0x189B0;
	s21 =	simm.s32 $0x1A970;
	v3 =	vmul.f32 v3, v2  }
.LBB2_3:
0x121: {  	s14 =	sadd.s32 $0x4, s14;
	s17 =	sadd.s32 $0x40, s17;
	s16 =	sadd.s32 $0x40, s16  }
0x122: {  	p1 =	slt.u32 s14, $0x78;
	v3 =	vsub.f32 $1.500000000e+00, v3;
	_ =	sdelay $0x1  }
0x123: {  	v2 =	vmul.f32 v3, v2;
	_ =	sdelay $0x1  }
0x124: {  	v1 =	vmul.f32 v2, v1;
	_ =	sdelay $0x1  }
0x125: {  	v1 =	vmul.f32 v1, v2;
	_ =	sdelay $0x1  }
0x126: {  	v1 =	vsub.f32 $1.500000000e+00, v1;
	_ =	sdelay $0x1  }
0x127: {  	v1 =	vmul.f32 v1, v2;
	_ =	sdelay $0x1  }
0x128: {  	v0 =	vmul.f32 v1, v0;
	_ =	sdelay $0x1  }
0x129: {  	[tilespmem:s21+$0x10] =	vst v0;
	s21 =	smov.u32 s17;
	_ =	sdelay $0x3  }
0x12a: {  	v0 =	vld [tilespmem:s20+$0xFFFFFFE0]  }
0x12b: {  	v1 =	vld [tilespmem:s16+$0xFFFFFFE0]  }
0x12c: {  	v2 =	vld [tilespmem:s4+$0xFFFFFFE0]  }
0x12d: {  	v3 =	vld [tilespmem:s5+$0xFFFFFFE0]  }
0x12e: {  	v4 =	vld [tilespmem:s22+$0xFFFFFFE0]  }
0x12f: {  	v5 =	vld [tilespmem:s23+$0xFFFFFFE0]  }
0x130: {  	v6 =	vld [tilespmem:s24+$0xFFFFFFE0]  }
0x131: {  	v7 =	vld [tilespmem:s8+$0xFFFFFFE0];
	_ =	sdelay $0x1  }
0x132: {  	v8 =	vld [tilespmem:s3+$0xFFFFFFE0];
	v2 =	vadd.f32 v2, v4  }
0x133: {  	v3 =	vadd.f32 v3, v5  }
0x134: {  	v2 =	vsub.f32 v6, v2  }
0x135: {  	v0 =	vsub.f32 v0, v3;
	v1 =	vadd.f32 v1, v7;
	_ =	sdelay $0x1  }
0x136: {  	v2 =	vmul.f32 v2, v2;
	v1 =	vsub.f32 v8, v1;
	v0 =	vmul.f32 v0, v0;
	_ =	sdelay $0x1  }
0x137: {  	v0 =	vadd.f32 v2, v0;
	v1 =	vmul.f32 v1, v1;
	_ =	sdelay $0x1  }
0x138: {  	v0 =	vadd.f32 v1, v0;
	_ =	sdelay $0x1  }
0x139: {  	v0 =	vmax.f32 v0, $1.000000000e-30  }
0x13a: {  	v1 =	vshra.s32 v0, $0x1;
	v2 =	vmul.f32 $5.000000000e-01, v0  }
0x13b: {  	v1 =	vsub.s32 $0x5F3759DF, v1  }
0x13c: {  	v3 =	vmul.f32 v1, v2;
	_ =	sdelay $0x1  }
0x13d: {  	v3 =	vmul.f32 v1, v3;
	_ =	sdelay $0x1  }
0x13e: {  	v3 =	vsub.f32 $1.500000000e+00, v3;
	_ =	sdelay $0x1  }
0x13f: {  	v1 =	vmul.f32 v1, v3;
	_ =	sdelay $0x1  }
0x140: {  	v3 =	vmul.f32 v1, v2;
	_ =	sdelay $0x1  }
0x141: {  	v3 =	vmul.f32 v3, v1;
	_ =	sdelay $0x1  }
0x142: {  	v3 =	vsub.f32 $1.500000000e+00, v3;
	_ =	sdelay $0x1  }
0x143: {  	v1 =	vmul.f32 v3, v1;
	_ =	sdelay $0x1  }
0x144: {  	v2 =	vmul.f32 v1, v2;
	_ =	sdelay $0x1  }
0x145: {  	v2 =	vmul.f32 v2, v1;
	_ =	sdelay $0x1  }
0x146: {  	v2 =	vsub.f32 $1.500000000e+00, v2;
	_ =	sdelay $0x1  }
0x147: {  	v1 =	vmul.f32 v2, v1;
	_ =	sdelay $0x1  }
0x148: {  	v0 =	vmul.f32 v1, v0;
	_ =	sdelay $0x1  }
0x149: {  	[tilespmem:s17+$0xFFFFFFE0] =	vst v0  }
0x14a: {  	v0 =	vld [tilespmem:s16+$0xFFFFFFF0]  }
0x14b: {  	v1 =	vld [tilespmem:s20+$0xFFFFFFF0]  }
0x14c: {  	v2 =	vld [tilespmem:s4+$0xFFFFFFF0]  }
0x14d: {  	v3 =	vld [tilespmem:s23+$0xFFFFFFF0]  }
0x14e: {  	v4 =	vld [tilespmem:s5+$0xFFFFFFF0]  }
0x14f: {  	v5 =	vld [tilespmem:s22+$0xFFFFFFF0]  }
0x150: {  	v6 =	vld [tilespmem:s8+$0xFFFFFFF0]  }
0x151: {  	v7 =	vld [tilespmem:s24+$0xFFFFFFF0]  }
0x152: {  	v8 =	vld [tilespmem:s3+$0xFFFFFFF0]  }
0x153: {  	v3 =	vadd.f32 v4, v3  }
0x154: {  	v2 =	vadd.f32 v2, v5  }
0x155: {  	v1 =	vsub.f32 v1, v3;
	v0 =	vadd.f32 v0, v6  }
0x156: {  	v2 =	vsub.f32 v7, v2  }
0x157: {  	v0 =	vsub.f32 v8, v0  }
0x158: {  	v1 =	vmul.f32 v1, v1;
	v2 =	vmul.f32 v2, v2  }
0x159: {  	v0 =	vmul.f32 v0, v0  }
0x15a: {  	v1 =	vadd.f32 v2, v1;
	_ =	sdelay $0x1  }
0x15b: {  	v0 =	vadd.f32 v0, v1;
	_ =	sdelay $0x1  }
0x15c: {  	v0 =	vmax.f32 v0, $1.000000000e-30  }
0x15d: {  	v1 =	vshra.s32 v0, $0x1;
	v2 =	vmul.f32 $5.000000000e-01, v0  }
0x15e: {  	v1 =	vsub.s32 $0x5F3759DF, v1  }
0x15f: {  	v3 =	vmul.f32 v1, v2;
	_ =	sdelay $0x1  }
0x160: {  	v3 =	vmul.f32 v1, v3;
	_ =	sdelay $0x1  }
0x161: {  	v3 =	vsub.f32 $1.500000000e+00, v3;
	_ =	sdelay $0x1  }
0x162: {  	v1 =	vmul.f32 v1, v3;
	_ =	sdelay $0x1  }
0x163: {  	v3 =	vmul.f32 v1, v2;
	_ =	sdelay $0x1  }
0x164: {  	v3 =	vmul.f32 v3, v1;
	_ =	sdelay $0x1  }
0x165: {  	v3 =	vsub.f32 $1.500000000e+00, v3;
	_ =	sdelay $0x1  }
0x166: {  	v1 =	vmul.f32 v3, v1;
	_ =	sdelay $0x1  }
0x167: {  	v2 =	vmul.f32 v1, v2;
	_ =	sdelay $0x1  }
0x168: {  	v2 =	vmul.f32 v2, v1;
	_ =	sdelay $0x1  }
0x169: {  	v2 =	vsub.f32 $1.500000000e+00, v2;
	_ =	sdelay $0x1  }
0x16a: {  	v1 =	vmul.f32 v2, v1;
	_ =	sdelay $0x1  }
0x16b: {  	v0 =	vmul.f32 v1, v0;
	_ =	sdelay $0x1  }
0x16c: {  	[tilespmem:s17+$0xFFFFFFF0] =	vst v0  }
0x16d: {  	v0 =	vld [tilespmem:s4+$0x0]  }
0x16e: {  	v1 =	vld [tilespmem:s16+$0x0]  }
0x16f: {  	v2 =	vld [tilespmem:s22+$0x0]  }
0x170: {  	v3 =	vld [tilespmem:s24+$0x0]  }
0x171: {  	v4 =	vld [tilespmem:s5+$0x0]  }
0x172: {  	v5 =	vld [tilespmem:s23+$0x0]  }
0x173: {  	v6 =	vld [tilespmem:s8+$0x0]  }
0x174: {  	v7 =	vld [tilespmem:s20+$0x0];
	v0 =	vadd.f32 v0, v2  }
0x175: {  	v2 =	vld [tilespmem:s3+$0x0]  }
0x176: {  	v0 =	vsub.f32 v3, v0  }
0x177: {  	v3 =	vadd.f32 v4, v5  }
0x178: {  	v1 =	vadd.f32 v1, v6  }
0x179: {  	v0 =	vmul.f32 v0, v0;
	v3 =	vsub.f32 v7, v3  }
0x17a: {  	v1 =	vsub.f32 v2, v1  }
0x17b: {  	v2 =	vmul.f32 v3, v3  }
0x17c: {  	v1 =	vmul.f32 v1, v1  }
0x17d: {  	v0 =	vadd.f32 v0, v2;
	_ =	sdelay $0x1  }
0x17e: {  	v0 =	vadd.f32 v1, v0;
	_ =	sdelay $0x1  }
0x17f: {  	v0 =	vmax.f32 v0, $1.000000000e-30  }
0x180: {  	v1 =	vshra.s32 v0, $0x1;
	v2 =	vmul.f32 $5.000000000e-01, v0  }
0x181: {  	v1 =	vsub.s32 $0x5F3759DF, v1  }
0x182: {  	v3 =	vmul.f32 v1, v2;
	_ =	sdelay $0x1  }
0x183: {  	v3 =	vmul.f32 v1, v3;
	_ =	sdelay $0x1  }
0x184: {  	v3 =	vsub.f32 $1.500000000e+00, v3;
	_ =	sdelay $0x1  }
0x185: {  	v1 =	vmul.f32 v1, v3;
	_ =	sdelay $0x1  }
0x186: {  	v3 =	vmul.f32 v1, v2;
	_ =	sdelay $0x1  }
0x187: {  	v3 =	vmul.f32 v3, v1;
	_ =	sdelay $0x1  }
0x188: {  	v3 =	vsub.f32 $1.500000000e+00, v3;
	_ =	sdelay $0x1  }
0x189: {  	v1 =	vmul.f32 v3, v1;
	_ =	sdelay $0x1  }
0x18a: {  	v2 =	vmul.f32 v1, v2;
	_ =	sdelay $0x1  }
0x18b: {  	v2 =	vmul.f32 v2, v1;
	_ =	sdelay $0x1  }
0x18c: {  	v2 =	vsub.f32 $1.500000000e+00, v2;
	_ =	sdelay $0x1  }
0x18d: {  	v1 =	vmul.f32 v2, v1;
	_ =	sdelay $0x1  }
0x18e: {  	v0 =	vmul.f32 v1, v0;
	_ =	sdelay $0x1  }
0x18f: {  	[tilespmem:s17+$0x0] =	vst v0  }
0x190: {  	v0 =	vld [tilespmem:s24+$0x10]  }
0x191: {  	v1 =	vld [tilespmem:s22+$0x10]  }
0x192: {  	v2 =	vld [tilespmem:s23+$0x10]  }
0x193: {  	v3 =	vld [tilespmem:s16+$0x10]  }
0x194: {  	v4 =	vld [tilespmem:s4+$0x10]  }
0x195: {  	v5 =	vld [tilespmem:s5+$0x10]  }
0x196: {  	v6 =	vld [tilespmem:s8+$0x10]  }
0x197: {  	v7 =	vld [tilespmem:s20+$0x10]  }
0x198: {  	v8 =	vld [tilespmem:s3+$0x10]  }
0x199: {  	v1 =	vadd.f32 v4, v1  }
0x19a: {  	v2 =	vadd.f32 v5, v2  }
0x19b: {  	v0 =	vsub.f32 v0, v1;
	v1 =	vadd.f32 v3, v6  }
0x19c: {  	v2 =	vsub.f32 v7, v2  }
0x19d: {  	v1 =	vsub.f32 v8, v1  }
0x19e: {  	v0 =	vmul.f32 v0, v0;
	v2 =	vmul.f32 v2, v2;
	_ =	sdelay $0x1  }
0x19f: {  	v1 =	vmul.f32 v1, v1;
	v0 =	vadd.f32 v0, v2;
	_ =	sdelay $0x1  }
0x1a0: {  	v0 =	vadd.f32 v1, v0;
	_ =	sdelay $0x1  }
0x1a1: {  	v0 =	vmax.f32 v0, $1.000000000e-30  }
0x1a2: {  	v2 =	vshra.s32 v0, $0x1;
	v1 =	vmul.f32 $5.000000000e-01, v0  }
0x1a3: {  	v2 =	vsub.s32 $0x5F3759DF, v2  }
0x1a4: {  	v3 =	vmul.f32 v2, v1;
	_ =	sdelay $0x1  }
0x1a5: {  	v3 =	vmul.f32 v2, v3;
	_ =	sdelay $0x1  }
0x1a6: {  	v3 =	vsub.f32 $1.500000000e+00, v3;
	_ =	sdelay $0x1  }
.Ltmp0:
0x1a7: {  	v2 =	vmul.f32 v2, v3;
	(pc) =	sbr.rel @p1 .LBB2_3-.Ltmp0, $4  }
0x1a8: {  	_ = 	snop  }
0x1a9: {  	s24 =	sadd.s32 $0x40, s24;
	s20 =	sadd.s32 $0x40, s20;
	v3 =	vmul.f32 v2, v1  }
0x1aa: {  	s22 =	sadd.s32 $0x40, s22;
	s23 =	sadd.s32 $0x40, s23;
	s3 =	sadd.s32 $0x40, s3  }
0x1ab: {  	s4 =	sadd.s32 $0x40, s4;
	s5 =	sadd.s32 $0x40, s5;
	s8 =	sadd.s32 $0x40, s8;
	v3 =	vmul.f32 v3, v2  }
0x1ac: {  	_ = 	snop  }
0x1ad: {  	v3 =	vsub.f32 $1.500000000e+00, v3;
	_ =	sdelay $0x1  }
0x1ae: {  	v2 =	vmul.f32 v3, v2;
	_ =	sdelay $0x1  }
0x1af: {  	v1 =	vmul.f32 v2, v1;
	_ =	sdelay $0x1  }
0x1b0: {  	v1 =	vmul.f32 v1, v2;
	_ =	sdelay $0x1  }
0x1b1: {  	v1 =	vsub.f32 $1.500000000e+00, v1;
	_ =	sdelay $0x1  }
0x1b2: {  	v1 =	vmul.f32 v1, v2;
	_ =	sdelay $0x1  }
0x1b3: {  	v0 =	vmul.f32 v1, v0;
	_ =	sdelay $0x1  }
0x1b4: {  	[tilespmem:s21+$0x10] =	vst v0  }
0x1b5: {  	v0 =	vld [tilespmem:$0xF110]  }
0x1b6: {  	v1 =	vld [tilespmem:$0x11110]  }
0x1b7: {  	v2 =	vld [tilespmem:$0x15110]  }
0x1b8: {  	v3 =	vld [tilespmem:$0x17110]  }
0x1b9: {  	v4 =	vld [tilespmem:$0x9110]  }
0x1ba: {  	v5 =	vld [tilespmem:$0xB110]  }
0x1bb: {  	v6 =	vld [tilespmem:$0x19110]  }
0x1bc: {  	v7 =	vld [tilespmem:$0xD110];
	_ =	sdelay $0x1  }
0x1bd: {  	v8 =	vld [tilespmem:$0x13110];
	v2 =	vadd.f32 v4, v2  }
0x1be: {  	v3 =	vadd.f32 v5, v3  }
0x1bf: {  	v0 =	vsub.f32 v0, v2  }
0x1c0: {  	v1 =	vsub.f32 v1, v3;
	v2 =	vadd.f32 v7, v6;
	_ =	sdelay $0x1  }
0x1c1: {  	v2 =	vsub.f32 v8, v2;
	v0 =	vmul.f32 v0, v0;
	v1 =	vmul.f32 v1, v1;
	_ =	sdelay $0x1  }
0x1c2: {  	v0 =	vadd.f32 v1, v0;
	v1 =	vmul.f32 v2, v2;
	_ =	sdelay $0x1  }
0x1c3: {  	v0 =	vadd.f32 v1, v0;
	_ =	sdelay $0x1  }
0x1c4: {  	v0 =	vmax.f32 v0, $1.000000000e-30  }
0x1c5: {  	v1 =	vshra.s32 v0, $0x1;
	v2 =	vmul.f32 $5.000000000e-01, v0  }
0x1c6: {  	v1 =	vsub.s32 $0x5F3759DF, v1  }
0x1c7: {  	v3 =	vmul.f32 v1, v2;
	_ =	sdelay $0x1  }
0x1c8: {  	v3 =	vmul.f32 v1, v3;
	_ =	sdelay $0x1  }
0x1c9: {  	v3 =	vsub.f32 $1.500000000e+00, v3;
	_ =	sdelay $0x1  }
0x1ca: {  	v1 =	vmul.f32 v1, v3;
	_ =	sdelay $0x1  }
0x1cb: {  	v3 =	vmul.f32 v1, v2;
	_ =	sdelay $0x1  }
0x1cc: {  	v3 =	vmul.f32 v3, v1;
	_ =	sdelay $0x1  }
0x1cd: {  	v3 =	vsub.f32 $1.500000000e+00, v3;
	_ =	sdelay $0x1  }
0x1ce: {  	v1 =	vmul.f32 v3, v1;
	_ =	sdelay $0x1  }
0x1cf: {  	v2 =	vmul.f32 v1, v2;
	_ =	sdelay $0x1  }
0x1d0: {  	v2 =	vmul.f32 v2, v1;
	_ =	sdelay $0x1  }
0x1d1: {  	v2 =	vsub.f32 $1.500000000e+00, v2;
	_ =	sdelay $0x1  }
0x1d2: {  	v1 =	vmul.f32 v2, v1  }
0x1d3: {  	s3 =	rddreg [dreg:$0xd]  }
0x1d4: {  	s3 =	sadd.s32 s3, s15;
	v0 =	vmul.f32 v1, v0  }
0x1d5: {  	s4 =	rddreg [dreg:$0x8];
	s3 =	sshrl.u32 s3, $0x3  }
0x1d6: {  	s8 =	simm.s32 $0x1A950;
	s3 =	sadd.s32 s4, s3;
	[tilespmem:$0x1B110] =	vst v0  }
0x1d7: {  	[hbm4b:s3+s13] =	stream.linear.scatter [tilespmem:s8], [sflag:$0x9], $0x7D0, $0x38;
	[tilespmem:$0x1C950] =	vst v63  }
0x1d8: {  	_ =	swait.ge [sflag:s19], $0x7D0  }
0x1d9: {  	[sflag:s19] =	ssyncset.done $0x0  }
0x1da: {  	[sflag:s19] =	ssyncadd.s32 $0xFFFFF830  }
0x1db: {  	_ =	swait.ge [sflag:s19], $0x7D0  }
0x1dc: {  	[sflag:s19] =	ssyncset.done $0x0  }
0x1dd: {  	[sflag:s19] =	ssyncadd.s32 $0xFFFFF830  }
0x1de: {  	_ =	swait.ge [sflag:s19], $0x7D0  }
0x1df: {  	[sflag:s19] =	ssyncset.done $0x0  }
0x1e0: {  	[sflag:s19] =	ssyncadd.s32 $0xFFFFF830  }
0x1e1: {  	_ =	swait.ge [sflag:s19], $0x7D0  }
0x1e2: {  	[sflag:s19] =	ssyncset.done $0x0  }
0x1e3: {  	[sflag:s19] =	ssyncadd.s32 $0xFFFFF830  }
0x1e4: {  	_ =	swait.ge [sflag:s19], $0x7D0  }
0x1e5: {  	[sflag:s19] =	ssyncset.done $0x0  }
0x1e6: {  	[sflag:s19] =	ssyncadd.s32 $0xFFFFF830  }
0x1e7: {  	_ =	swait.ge [sflag:s19], $0x7D0  }
0x1e8: {  	[sflag:s19] =	ssyncset.done $0x0  }
0x1e9: {  	[sflag:s19] =	ssyncadd.s32 $0xFFFFF830  }
0x1ea: {  	_ =	swait.ge [sflag:s31], $0x7D0  }
0x1eb: {  	[sflag:s31] =	ssyncset.done $0x0  }
0x1ec: {  	[sflag:s31] =	ssyncadd.s32 $0xFFFFF830  }
0x1ed: {  	_ =	swait.ge [sflag:s31], $0x7D0  }
0x1ee: {  	[sflag:s31] =	ssyncset.done $0x0  }
0x1ef: {  	[sflag:s31] =	ssyncadd.s32 $0xFFFFF830  }
0x1f0: {  	_ =	swait.ge [sflag:s31], $0x7D0  }
0x1f1: {  	[sflag:s31] =	ssyncset.done $0x0  }
0x1f2: {  	[sflag:s31] =	ssyncadd.s32 $0xFFFFF830  }
0x1f3: {  	_ =	swait.ge [sflag:s31], $0x7D0  }
0x1f4: {  	[sflag:s31] =	ssyncset.done $0x0  }
0x1f5: {  	[sflag:s31] =	ssyncadd.s32 $0xFFFFF830  }
0x1f6: {  	_ =	swait.ge [sflag:s31], $0x7D0  }
0x1f7: {  	[sflag:s31] =	ssyncset.done $0x0  }
0x1f8: {  	s14 =	simm.s32 $0x5950;
	s16 =	simm.s32 $0xF950;
	[sflag:s31] =	ssyncadd.s32 $0xFFFFF830  }
0x1f9: {  	[tilespmem:s16], [sflag:$0x7] =	stream.indirect.gather [spmem:s9], $0x1, s14, s26, $0xb8;
	[tilespmem:$0x1C950] =	vst v63  }
0x1fa: {  	s17 =	simm.s32 $0x11950  }
0x1fb: {  	[tilespmem:s17], [sflag:$0x7] =	stream.indirect.gather [spmem:s11], $0x1, s14, s26, $0xb8;
	[tilespmem:$0x1C950] =	vst v63  }
0x1fc: {  	s20 =	simm.s32 $0x13950;
	s3 =	sld [smem:$0x7FB]  }
0x1fd: {  	[tilespmem:s20], [sflag:$0x7] =	stream.indirect.gather [spmem:s12], $0x1, s14, s26, $0xb8;
	[tilespmem:$0x1C950] =	vst v63  }
0x1fe: {  	s22 =	simm.s32 $0x15950;
	p1 =	seq.s32 s1, $0x18;
	s21 =	simm.s32 $0x7950  }
0x1ff: {  	[tilespmem:s22], [sflag:$0x7] =	stream.indirect.gather [spmem:s9], $0x1, s21, s26, $0xb8;
	[tilespmem:$0x1C950] =	vst v63  }
0x200: {  	s23 =	simm.s32 $0x17950;
	s3 =	sadd.s32 @!p1 s15, s3  }
0x201: {  	[tilespmem:s23], [sflag:$0x7] =	stream.indirect.gather [spmem:s11], $0x1, s21, s26, $0xb8;
	[tilespmem:$0x1C950] =	vst v63  }
0x202: {  	s24 =	simm.s32 $0x19950;
	s4 =	rddreg [dreg:$0x6];
	s3 =	sshrl.u32 @!p1 s3, $0x3  }
0x203: {  	[tilespmem:s24], [sflag:$0x7] =	stream.indirect.gather [spmem:s12], $0x1, s21, s26, $0xb8;
	[tilespmem:$0x1C950] =	vst v63  }
0x204: {  	s5 =	simm.s32 @!p1 $0x0;
	s8 =	simm.s32 @!p1 $0x4950;
	s4 =	sadd.s32 @!p1 s4, s3  }
0x205: {  	[tilespmem:s8], [sflag:$0x1] =	stream.linear.gather @!p1 [hbm4b:s4+s5], $0x7D0, $0x38;
	[tilespmem:$0x1C950] =	vst v63  }
0x206: {  	s4 =	rddreg [dreg:$0x7]  }
0x207: {  	s8 =	simm.s32 @!p1 $0x6950;
	s4 =	sadd.s32 @!p1 s4, s3  }
0x208: {  	[tilespmem:s8], [sflag:$0x1] =	stream.linear.gather @!p1 [hbm4b:s4+s5], $0x7D0, $0x38;
	[tilespmem:$0x1C950] =	vst v63  }
0x209: {  	s4 =	rddreg [dreg:$0x3]  }
0x20a: {  	s8 =	simm.s32 @!p1 $0x8950;
	s4 =	sadd.s32 @!p1 s4, s3  }
0x20b: {  	[tilespmem:s8], [sflag:$0x1] =	stream.linear.gather @!p1 [hbm4b:s4+s5], $0x7D0, $0x38;
	[tilespmem:$0x1C950] =	vst v63  }
0x20c: {  	p2 =	seq.s32 @!p1 s1, $0x0;
	s4 =	sadd.s32 @!p1 s7, s3;
	s8 =	simm.s32 @!p1 $0xA950  }
0x20d: {  	[tilespmem:s8], [sflag:$0x1] =	stream.linear.gather @!p1 [hbm4b:s4+s5], $0x7D0, $0x38;
	[tilespmem:$0x1C950] =	vst v63  }
0x20e: {  	p2 =	por p1, !p2;
	s3 =	sadd.s32 @!p1 s6, s3;
	s4 =	simm.s32 @!p1 $0xC950  }
0x20f: {  	[tilespmem:s4], [sflag:$0x1] =	stream.linear.gather @!p1 [hbm4b:s3+s5], $0x7D0, $0x38;
	[tilespmem:$0x1C950] =	vst v63  }
0x210: {  	s3 =	simm.s32 @p2 $0xA  }
0x211: {  	_ =	swait.ge @p2 [sflag:s3], $0x7D0  }
0x212: {  	[sflag:s3] =	ssyncset.done @p2 $0x0  }
0x213: {  	[sflag:s3] =	ssyncadd.s32 @p2 $0xFFFFF830;
	s3 =	simm.s32 $0xF170  }
0x214: {  	s16 =	simm.s32 $0xD170;
	v0 =	vld [tilespmem:s3+$0xFFFFFFE0]  }
0x215: {  	s5 =	simm.s32 $0xB170;
	v1 =	vld [tilespmem:s16+$0xFFFFFFE0]  }
0x216: {  	s21 =	simm.s32 $0x9170;
	v2 =	vld [tilespmem:s5+$0xFFFFFFE0]  }
0x217: {  	s23 =	simm.s32 $0x17170;
	v3 =	vld [tilespmem:s21+$0xFFFFFFE0]  }
0x218: {  	s14 =	simm.s32 $0x15170;
	v4 =	vld [tilespmem:s23+$0xFFFFFFE0]  }
0x219: {  	s20 =	simm.s32 $0x19170;
	v5 =	vld [tilespmem:s14+$0xFFFFFFE0]  }
0x21a: {  	s22 =	simm.s32 $0x11170;
	v54 =	vld [tilespmem:s20+$0xFFFFFFE0]  }
0x21b: {  	v53 =	vld [tilespmem:s22+$0xFFFFFFE0]  }
0x21c: {  	s24 =	simm.s32 $0x13170  }
0x21d: {  	v55 =	vld [tilespmem:s24+$0xFFFFFFE0]  }
0x21e: {  	v2 =	vadd.f32 v2, v4;
	v3 =	vadd.f32 v3, v5  }
0x21f: {  	v1 =	vadd.f32 v1, v54  }
0x220: {  	v2 =	vsub.f32 v53, v2;
	v0 =	vsub.f32 v0, v3;
	_ =	sdelay $0x1  }
0x221: {  	v1 =	vsub.f32 v55, v1;
	v0 =	vmul.f32 v0, v0;
	v2 =	vmul.f32 v2, v2;
	_ =	sdelay $0x1  }
0x222: {  	v1 =	vmul.f32 v1, v1;
	v0 =	vadd.f32 v2, v0;
	_ =	sdelay $0x1  }
0x223: {  	v0 =	vadd.f32 v1, v0;
	_ =	sdelay $0x1  }
0x224: {  	v0 =	vmax.f32 v0, $1.000000000e-30  }
0x225: {  	v1 =	vshra.s32 v0, $0x1;
	v2 =	vmul.f32 $5.000000000e-01, v0  }
0x226: {  	v1 =	vsub.s32 $0x5F3759DF, v1  }
0x227: {  	v3 =	vmul.f32 v1, v2;
	_ =	sdelay $0x1  }
0x228: {  	v3 =	vmul.f32 v1, v3;
	_ =	sdelay $0x1  }
0x229: {  	v3 =	vsub.f32 $1.500000000e+00, v3;
	_ =	sdelay $0x1  }
0x22a: {  	v1 =	vmul.f32 v1, v3;
	_ =	sdelay $0x1  }
0x22b: {  	v3 =	vmul.f32 v1, v2;
	_ =	sdelay $0x1  }
0x22c: {  	v3 =	vmul.f32 v3, v1;
	_ =	sdelay $0x1  }
0x22d: {  	v3 =	vsub.f32 $1.500000000e+00, v3;
	_ =	sdelay $0x1  }
0x22e: {  	v1 =	vmul.f32 v3, v1;
	_ =	sdelay $0x1  }
0x22f: {  	v2 =	vmul.f32 v1, v2;
	_ =	sdelay $0x1  }
0x230: {  	v2 =	vmul.f32 v2, v1;
	_ =	sdelay $0x1  }
0x231: {  	v2 =	vsub.f32 $1.500000000e+00, v2;
	_ =	sdelay $0x1  }
0x232: {  	v1 =	vmul.f32 v2, v1;
	_ =	sdelay $0x1  }
0x233: {  	v0 =	vmul.f32 v1, v0  }
0x234: {  	s17 =	simm.s32 $0x1B170  }
0x235: {  	[tilespmem:s17+$0xFFFFFFE0] =	vst v0  }
0x236: {  	v0 =	vld [tilespmem:s16+$0xFFFFFFF0]  }
0x237: {  	v1 =	vld [tilespmem:s3+$0xFFFFFFF0]  }
0x238: {  	v2 =	vld [tilespmem:s5+$0xFFFFFFF0]  }
0x239: {  	v3 =	vld [tilespmem:s14+$0xFFFFFFF0]  }
0x23a: {  	v4 =	vld [tilespmem:s21+$0xFFFFFFF0]  }
0x23b: {  	v5 =	vld [tilespmem:s23+$0xFFFFFFF0]  }
0x23c: {  	v56 =	vld [tilespmem:s20+$0xFFFFFFF0]  }
0x23d: {  	v57 =	vld [tilespmem:s22+$0xFFFFFFF0];
	_ =	sdelay $0x1  }
0x23e: {  	v58 =	vld [tilespmem:s24+$0xFFFFFFF0]  }
0x23f: {  	v3 =	vadd.f32 v4, v3;
	v2 =	vadd.f32 v2, v5  }
0x240: {  	v0 =	vadd.f32 v0, v56  }
0x241: {  	v1 =	vsub.f32 v1, v3;
	v2 =	vsub.f32 v57, v2;
	_ =	sdelay $0x1  }
0x242: {  	v0 =	vsub.f32 v58, v0;
	v1 =	vmul.f32 v1, v1;
	v2 =	vmul.f32 v2, v2;
	_ =	sdelay $0x1  }
0x243: {  	v0 =	vmul.f32 v0, v0;
	v1 =	vadd.f32 v2, v1;
	_ =	sdelay $0x1  }
0x244: {  	v0 =	vadd.f32 v0, v1;
	_ =	sdelay $0x1  }
0x245: {  	v0 =	vmax.f32 v0, $1.000000000e-30  }
0x246: {  	v1 =	vshra.s32 v0, $0x1;
	v2 =	vmul.f32 $5.000000000e-01, v0  }
0x247: {  	v1 =	vsub.s32 $0x5F3759DF, v1  }
0x248: {  	v3 =	vmul.f32 v1, v2;
	_ =	sdelay $0x1  }
0x249: {  	v3 =	vmul.f32 v1, v3;
	_ =	sdelay $0x1  }
0x24a: {  	v3 =	vsub.f32 $1.500000000e+00, v3;
	_ =	sdelay $0x1  }
0x24b: {  	v1 =	vmul.f32 v1, v3;
	_ =	sdelay $0x1  }
0x24c: {  	v3 =	vmul.f32 v1, v2;
	_ =	sdelay $0x1  }
0x24d: {  	v3 =	vmul.f32 v3, v1;
	_ =	sdelay $0x1  }
0x24e: {  	v3 =	vsub.f32 $1.500000000e+00, v3;
	_ =	sdelay $0x1  }
0x24f: {  	v1 =	vmul.f32 v3, v1;
	_ =	sdelay $0x1  }
0x250: {  	v2 =	vmul.f32 v1, v2;
	_ =	sdelay $0x1  }
0x251: {  	v2 =	vmul.f32 v2, v1;
	_ =	sdelay $0x1  }
0x252: {  	v2 =	vsub.f32 $1.500000000e+00, v2;
	_ =	sdelay $0x1  }
0x253: {  	v1 =	vmul.f32 v2, v1;
	_ =	sdelay $0x1  }
0x254: {  	v0 =	vmul.f32 v1, v0;
	_ =	sdelay $0x1  }
0x255: {  	[tilespmem:s17+$0xFFFFFFF0] =	vst v0  }
0x256: {  	v0 =	vld [tilespmem:s5+$0x0]  }
0x257: {  	v1 =	vld [tilespmem:s16+$0x0]  }
0x258: {  	v2 =	vld [tilespmem:s23+$0x0]  }
0x259: {  	v3 =	vld [tilespmem:s22+$0x0]  }
0x25a: {  	v4 =	vld [tilespmem:s21+$0x0]  }
0x25b: {  	v5 =	vld [tilespmem:s14+$0x0]  }
0x25c: {  	v59 =	vld [tilespmem:s20+$0x0]  }
0x25d: {  	v60 =	vld [tilespmem:s3+$0x0];
	_ =	sdelay $0x1  }
0x25e: {  	v0 =	vadd.f32 v0, v2;
	v2 =	vld [tilespmem:s24+$0x0]  }
0x25f: {  	v4 =	vadd.f32 v4, v5  }
0x260: {  	v1 =	vadd.f32 v1, v59  }
0x261: {  	v0 =	vsub.f32 v3, v0;
	v3 =	vsub.f32 v60, v4;
	_ =	sdelay $0x1  }
0x262: {  	v0 =	vmul.f32 v0, v0;
	v1 =	vsub.f32 v2, v1;
	v2 =	vmul.f32 v3, v3;
	_ =	sdelay $0x1  }
0x263: {  	v1 =	vmul.f32 v1, v1;
	v0 =	vadd.f32 v0, v2;
	_ =	sdelay $0x1  }
0x264: {  	v0 =	vadd.f32 v1, v0;
	_ =	sdelay $0x1  }
0x265: {  	v0 =	vmax.f32 v0, $1.000000000e-30  }
0x266: {  	v1 =	vshra.s32 v0, $0x1;
	v2 =	vmul.f32 $5.000000000e-01, v0  }
0x267: {  	v1 =	vsub.s32 $0x5F3759DF, v1  }
0x268: {  	v3 =	vmul.f32 v1, v2;
	_ =	sdelay $0x1  }
0x269: {  	v3 =	vmul.f32 v1, v3;
	_ =	sdelay $0x1  }
0x26a: {  	v3 =	vsub.f32 $1.500000000e+00, v3;
	_ =	sdelay $0x1  }
0x26b: {  	v1 =	vmul.f32 v1, v3;
	_ =	sdelay $0x1  }
0x26c: {  	v3 =	vmul.f32 v1, v2;
	_ =	sdelay $0x1  }
0x26d: {  	v3 =	vmul.f32 v3, v1;
	_ =	sdelay $0x1  }
0x26e: {  	v3 =	vsub.f32 $1.500000000e+00, v3;
	_ =	sdelay $0x1  }
0x26f: {  	v1 =	vmul.f32 v3, v1;
	_ =	sdelay $0x1  }
0x270: {  	v2 =	vmul.f32 v1, v2;
	_ =	sdelay $0x1  }
0x271: {  	v2 =	vmul.f32 v2, v1;
	_ =	sdelay $0x1  }
0x272: {  	v2 =	vsub.f32 $1.500000000e+00, v2;
	_ =	sdelay $0x1  }
0x273: {  	v1 =	vmul.f32 v2, v1;
	_ =	sdelay $0x1  }
0x274: {  	v0 =	vmul.f32 v1, v0;
	_ =	sdelay $0x1  }
0x275: {  	[tilespmem:s17+$0x0] =	vst v0  }
0x276: {  	v0 =	vld [tilespmem:s22+$0x10]  }
0x277: {  	v1 =	vld [tilespmem:s23+$0x10]  }
0x278: {  	v2 =	vld [tilespmem:s14+$0x10]  }
0x279: {  	v3 =	vld [tilespmem:s16+$0x10]  }
0x27a: {  	v4 =	vld [tilespmem:s5+$0x10]  }
0x27b: {  	v5 =	vld [tilespmem:s21+$0x10]  }
0x27c: {  	v61 =	vld [tilespmem:s20+$0x10]  }
0x27d: {  	v62 =	vld [tilespmem:s3+$0x10];
	_ =	sdelay $0x1  }
0x27e: {  	v63 =	vld [tilespmem:s24+$0x10];
	v1 =	vadd.f32 v4, v1  }
0x27f: {  	v2 =	vadd.f32 v5, v2  }
0x280: {  	v0 =	vsub.f32 v0, v1  }
0x281: {  	v1 =	vadd.f32 v3, v61;
	v2 =	vsub.f32 v62, v2;
	_ =	sdelay $0x1  }
0x282: {  	v1 =	vsub.f32 v63, v1;
	v2 =	vmul.f32 v2, v2;
	v0 =	vmul.f32 v0, v0;
	_ =	sdelay $0x1  }
0x283: {  	v0 =	vadd.f32 v0, v2;
	v1 =	vmul.f32 v1, v1;
	_ =	sdelay $0x1  }
0x284: {  	v0 =	vadd.f32 v1, v0;
	_ =	sdelay $0x1  }
0x285: {  	v0 =	vmax.f32 v0, $1.000000000e-30  }
0x286: {  	v2 =	vshra.s32 v0, $0x1;
	v1 =	vmul.f32 $5.000000000e-01, v0  }
0x287: {  	v2 =	vsub.s32 $0x5F3759DF, v2  }
0x288: {  	v3 =	vmul.f32 v2, v1;
	_ =	sdelay $0x1  }
0x289: {  	v3 =	vmul.f32 v2, v3;
	_ =	sdelay $0x1  }
0x28a: {  	v3 =	vsub.f32 $1.500000000e+00, v3;
	_ =	sdelay $0x1  }
0x28b: {  	v2 =	vmul.f32 v2, v3  }
0x28c: {  	s8 =	simm.s32 $0x191B0  }
0x28d: {  	s4 =	simm.s32 $0xB1B0;
	s14 =	simm.s32 $0x0;
	s24 =	simm.s32 $0x111B0;
	v3 =	vmul.f32 v2, v1  }
0x28e: {  	s20 =	simm.s32 $0xF1B0;
	s22 =	simm.s32 $0x171B0;
	s23 =	simm.s32 $0x151B0  }
0x28f: {  	s3 =	simm.s32 $0x131B0;
	s5 =	simm.s32 $0x91B0;
	s21 =	simm.s32 $0x1B170;
	v3 =	vmul.f32 v3, v2  }
.LBB2_5:
0x290: {  	s14 =	sadd.s32 $0x4, s14;
	s17 =	sadd.s32 $0x40, s17;
	s16 =	sadd.s32 $0x40, s16  }
0x291: {  	p3 =	slt.u32 s14, $0x78;
	v3 =	vsub.f32 $1.500000000e+00, v3;
	_ =	sdelay $0x1  }
0x292: {  	v2 =	vmul.f32 v3, v2;
	_ =	sdelay $0x1  }
0x293: {  	v1 =	vmul.f32 v2, v1;
	_ =	sdelay $0x1  }
0x294: {  	v1 =	vmul.f32 v1, v2;
	_ =	sdelay $0x1  }
0x295: {  	v1 =	vsub.f32 $1.500000000e+00, v1;
	_ =	sdelay $0x1  }
0x296: {  	v1 =	vmul.f32 v1, v2;
	_ =	sdelay $0x1  }
0x297: {  	v0 =	vmul.f32 v1, v0;
	_ =	sdelay $0x1  }
0x298: {  	[tilespmem:s21+$0x10] =	vst v0;
	s21 =	smov.u32 s17;
	_ =	sdelay $0x3  }
0x299: {  	v0 =	vld [tilespmem:s20+$0xFFFFFFE0]  }
0x29a: {  	v1 =	vld [tilespmem:s16+$0xFFFFFFE0]  }
0x29b: {  	v2 =	vld [tilespmem:s4+$0xFFFFFFE0]  }
0x29c: {  	v3 =	vld [tilespmem:s5+$0xFFFFFFE0]  }
0x29d: {  	v4 =	vld [tilespmem:s22+$0xFFFFFFE0]  }
0x29e: {  	v5 =	vld [tilespmem:s23+$0xFFFFFFE0]  }
0x29f: {  	v6 =	vld [tilespmem:s24+$0xFFFFFFE0]  }
0x2a0: {  	v7 =	vld [tilespmem:s8+$0xFFFFFFE0];
	_ =	sdelay $0x1  }
0x2a1: {  	v8 =	vld [tilespmem:s3+$0xFFFFFFE0];
	v2 =	vadd.f32 v2, v4  }
0x2a2: {  	v3 =	vadd.f32 v3, v5  }
0x2a3: {  	v2 =	vsub.f32 v6, v2  }
0x2a4: {  	v0 =	vsub.f32 v0, v3;
	v1 =	vadd.f32 v1, v7;
	_ =	sdelay $0x1  }
0x2a5: {  	v2 =	vmul.f32 v2, v2;
	v1 =	vsub.f32 v8, v1;
	v0 =	vmul.f32 v0, v0;
	_ =	sdelay $0x1  }
0x2a6: {  	v0 =	vadd.f32 v2, v0;
	v1 =	vmul.f32 v1, v1;
	_ =	sdelay $0x1  }
0x2a7: {  	v0 =	vadd.f32 v1, v0;
	_ =	sdelay $0x1  }
0x2a8: {  	v0 =	vmax.f32 v0, $1.000000000e-30  }
0x2a9: {  	v1 =	vshra.s32 v0, $0x1;
	v2 =	vmul.f32 $5.000000000e-01, v0  }
0x2aa: {  	v1 =	vsub.s32 $0x5F3759DF, v1  }
0x2ab: {  	v3 =	vmul.f32 v1, v2;
	_ =	sdelay $0x1  }
0x2ac: {  	v3 =	vmul.f32 v1, v3;
	_ =	sdelay $0x1  }
0x2ad: {  	v3 =	vsub.f32 $1.500000000e+00, v3;
	_ =	sdelay $0x1  }
0x2ae: {  	v1 =	vmul.f32 v1, v3;
	_ =	sdelay $0x1  }
0x2af: {  	v3 =	vmul.f32 v1, v2;
	_ =	sdelay $0x1  }
0x2b0: {  	v3 =	vmul.f32 v3, v1;
	_ =	sdelay $0x1  }
0x2b1: {  	v3 =	vsub.f32 $1.500000000e+00, v3;
	_ =	sdelay $0x1  }
0x2b2: {  	v1 =	vmul.f32 v3, v1;
	_ =	sdelay $0x1  }
0x2b3: {  	v2 =	vmul.f32 v1, v2;
	_ =	sdelay $0x1  }
0x2b4: {  	v2 =	vmul.f32 v2, v1;
	_ =	sdelay $0x1  }
0x2b5: {  	v2 =	vsub.f32 $1.500000000e+00, v2;
	_ =	sdelay $0x1  }
0x2b6: {  	v1 =	vmul.f32 v2, v1;
	_ =	sdelay $0x1  }
0x2b7: {  	v0 =	vmul.f32 v1, v0;
	_ =	sdelay $0x1  }
0x2b8: {  	[tilespmem:s17+$0xFFFFFFE0] =	vst v0  }
0x2b9: {  	v0 =	vld [tilespmem:s16+$0xFFFFFFF0]  }
0x2ba: {  	v1 =	vld [tilespmem:s20+$0xFFFFFFF0]  }
0x2bb: {  	v2 =	vld [tilespmem:s4+$0xFFFFFFF0]  }
0x2bc: {  	v3 =	vld [tilespmem:s23+$0xFFFFFFF0]  }
0x2bd: {  	v4 =	vld [tilespmem:s5+$0xFFFFFFF0]  }
0x2be: {  	v5 =	vld [tilespmem:s22+$0xFFFFFFF0]  }
0x2bf: {  	v6 =	vld [tilespmem:s8+$0xFFFFFFF0]  }
0x2c0: {  	v7 =	vld [tilespmem:s24+$0xFFFFFFF0]  }
0x2c1: {  	v8 =	vld [tilespmem:s3+$0xFFFFFFF0]  }
0x2c2: {  	v3 =	vadd.f32 v4, v3  }
0x2c3: {  	v2 =	vadd.f32 v2, v5  }
0x2c4: {  	v1 =	vsub.f32 v1, v3;
	v0 =	vadd.f32 v0, v6  }
0x2c5: {  	v2 =	vsub.f32 v7, v2  }
0x2c6: {  	v0 =	vsub.f32 v8, v0  }
0x2c7: {  	v1 =	vmul.f32 v1, v1;
	v2 =	vmul.f32 v2, v2  }
0x2c8: {  	v0 =	vmul.f32 v0, v0  }
0x2c9: {  	v1 =	vadd.f32 v2, v1;
	_ =	sdelay $0x1  }
0x2ca: {  	v0 =	vadd.f32 v0, v1;
	_ =	sdelay $0x1  }
0x2cb: {  	v0 =	vmax.f32 v0, $1.000000000e-30  }
0x2cc: {  	v1 =	vshra.s32 v0, $0x1;
	v2 =	vmul.f32 $5.000000000e-01, v0  }
0x2cd: {  	v1 =	vsub.s32 $0x5F3759DF, v1  }
0x2ce: {  	v3 =	vmul.f32 v1, v2;
	_ =	sdelay $0x1  }
0x2cf: {  	v3 =	vmul.f32 v1, v3;
	_ =	sdelay $0x1  }
0x2d0: {  	v3 =	vsub.f32 $1.500000000e+00, v3;
	_ =	sdelay $0x1  }
0x2d1: {  	v1 =	vmul.f32 v1, v3;
	_ =	sdelay $0x1  }
0x2d2: {  	v3 =	vmul.f32 v1, v2;
	_ =	sdelay $0x1  }
0x2d3: {  	v3 =	vmul.f32 v3, v1;
	_ =	sdelay $0x1  }
0x2d4: {  	v3 =	vsub.f32 $1.500000000e+00, v3;
	_ =	sdelay $0x1  }
0x2d5: {  	v1 =	vmul.f32 v3, v1;
	_ =	sdelay $0x1  }
0x2d6: {  	v2 =	vmul.f32 v1, v2;
	_ =	sdelay $0x1  }
0x2d7: {  	v2 =	vmul.f32 v2, v1;
	_ =	sdelay $0x1  }
0x2d8: {  	v2 =	vsub.f32 $1.500000000e+00, v2;
	_ =	sdelay $0x1  }
0x2d9: {  	v1 =	vmul.f32 v2, v1;
	_ =	sdelay $0x1  }
0x2da: {  	v0 =	vmul.f32 v1, v0;
	_ =	sdelay $0x1  }
0x2db: {  	[tilespmem:s17+$0xFFFFFFF0] =	vst v0  }
0x2dc: {  	v0 =	vld [tilespmem:s4+$0x0]  }
0x2dd: {  	v1 =	vld [tilespmem:s16+$0x0]  }
0x2de: {  	v2 =	vld [tilespmem:s22+$0x0]  }
0x2df: {  	v3 =	vld [tilespmem:s24+$0x0]  }
0x2e0: {  	v4 =	vld [tilespmem:s5+$0x0]  }
0x2e1: {  	v5 =	vld [tilespmem:s23+$0x0]  }
0x2e2: {  	v6 =	vld [tilespmem:s8+$0x0]  }
0x2e3: {  	v7 =	vld [tilespmem:s20+$0x0];
	v0 =	vadd.f32 v0, v2  }
0x2e4: {  	v2 =	vld [tilespmem:s3+$0x0]  }
0x2e5: {  	v0 =	vsub.f32 v3, v0  }
0x2e6: {  	v3 =	vadd.f32 v4, v5  }
0x2e7: {  	v1 =	vadd.f32 v1, v6  }
0x2e8: {  	v0 =	vmul.f32 v0, v0;
	v3 =	vsub.f32 v7, v3  }
0x2e9: {  	v1 =	vsub.f32 v2, v1  }
0x2ea: {  	v2 =	vmul.f32 v3, v3  }
0x2eb: {  	v1 =	vmul.f32 v1, v1  }
0x2ec: {  	v0 =	vadd.f32 v0, v2;
	_ =	sdelay $0x1  }
0x2ed: {  	v0 =	vadd.f32 v1, v0;
	_ =	sdelay $0x1  }
0x2ee: {  	v0 =	vmax.f32 v0, $1.000000000e-30  }
0x2ef: {  	v1 =	vshra.s32 v0, $0x1;
	v2 =	vmul.f32 $5.000000000e-01, v0  }
0x2f0: {  	v1 =	vsub.s32 $0x5F3759DF, v1  }
0x2f1: {  	v3 =	vmul.f32 v1, v2;
	_ =	sdelay $0x1  }
0x2f2: {  	v3 =	vmul.f32 v1, v3;
	_ =	sdelay $0x1  }
0x2f3: {  	v3 =	vsub.f32 $1.500000000e+00, v3;
	_ =	sdelay $0x1  }
0x2f4: {  	v1 =	vmul.f32 v1, v3;
	_ =	sdelay $0x1  }
0x2f5: {  	v3 =	vmul.f32 v1, v2;
	_ =	sdelay $0x1  }
0x2f6: {  	v3 =	vmul.f32 v3, v1;
	_ =	sdelay $0x1  }
0x2f7: {  	v3 =	vsub.f32 $1.500000000e+00, v3;
	_ =	sdelay $0x1  }
0x2f8: {  	v1 =	vmul.f32 v3, v1;
	_ =	sdelay $0x1  }
0x2f9: {  	v2 =	vmul.f32 v1, v2;
	_ =	sdelay $0x1  }
0x2fa: {  	v2 =	vmul.f32 v2, v1;
	_ =	sdelay $0x1  }
0x2fb: {  	v2 =	vsub.f32 $1.500000000e+00, v2;
	_ =	sdelay $0x1  }
0x2fc: {  	v1 =	vmul.f32 v2, v1;
	_ =	sdelay $0x1  }
0x2fd: {  	v0 =	vmul.f32 v1, v0;
	_ =	sdelay $0x1  }
0x2fe: {  	[tilespmem:s17+$0x0] =	vst v0  }
0x2ff: {  	v0 =	vld [tilespmem:s24+$0x10]  }
0x300: {  	v1 =	vld [tilespmem:s22+$0x10]  }
0x301: {  	v2 =	vld [tilespmem:s23+$0x10]  }
0x302: {  	v3 =	vld [tilespmem:s16+$0x10]  }
0x303: {  	v4 =	vld [tilespmem:s4+$0x10]  }
0x304: {  	v5 =	vld [tilespmem:s5+$0x10]  }
0x305: {  	v6 =	vld [tilespmem:s8+$0x10]  }
0x306: {  	v7 =	vld [tilespmem:s20+$0x10]  }
0x307: {  	v8 =	vld [tilespmem:s3+$0x10]  }
0x308: {  	v1 =	vadd.f32 v4, v1  }
0x309: {  	v2 =	vadd.f32 v5, v2  }
0x30a: {  	v0 =	vsub.f32 v0, v1;
	v1 =	vadd.f32 v3, v6  }
0x30b: {  	v2 =	vsub.f32 v7, v2  }
0x30c: {  	v1 =	vsub.f32 v8, v1  }
0x30d: {  	v0 =	vmul.f32 v0, v0;
	v2 =	vmul.f32 v2, v2;
	_ =	sdelay $0x1  }
0x30e: {  	v1 =	vmul.f32 v1, v1;
	v0 =	vadd.f32 v0, v2;
	_ =	sdelay $0x1  }
0x30f: {  	v0 =	vadd.f32 v1, v0;
	_ =	sdelay $0x1  }
0x310: {  	v0 =	vmax.f32 v0, $1.000000000e-30  }
0x311: {  	v2 =	vshra.s32 v0, $0x1;
	v1 =	vmul.f32 $5.000000000e-01, v0  }
0x312: {  	v2 =	vsub.s32 $0x5F3759DF, v2  }
0x313: {  	v3 =	vmul.f32 v2, v1;
	_ =	sdelay $0x1  }
0x314: {  	v3 =	vmul.f32 v2, v3;
	_ =	sdelay $0x1  }
0x315: {  	v3 =	vsub.f32 $1.500000000e+00, v3;
	_ =	sdelay $0x1  }
.Ltmp1:
0x316: {  	v2 =	vmul.f32 v2, v3;
	(pc) =	sbr.rel @p3 .LBB2_5-.Ltmp1, $4  }
0x317: {  	_ = 	snop  }
0x318: {  	s24 =	sadd.s32 $0x40, s24;
	s20 =	sadd.s32 $0x40, s20;
	v3 =	vmul.f32 v2, v1  }
0x319: {  	s22 =	sadd.s32 $0x40, s22;
	s23 =	sadd.s32 $0x40, s23;
	s3 =	sadd.s32 $0x40, s3  }
0x31a: {  	s4 =	sadd.s32 $0x40, s4;
	s5 =	sadd.s32 $0x40, s5;
	s8 =	sadd.s32 $0x40, s8;
	v3 =	vmul.f32 v3, v2  }
0x31b: {  	_ = 	snop  }
0x31c: {  	v3 =	vsub.f32 $1.500000000e+00, v3;
	_ =	sdelay $0x1  }
0x31d: {  	v2 =	vmul.f32 v3, v2;
	_ =	sdelay $0x1  }
0x31e: {  	v1 =	vmul.f32 v2, v1;
	_ =	sdelay $0x1  }
0x31f: {  	v1 =	vmul.f32 v1, v2;
	_ =	sdelay $0x1  }
0x320: {  	v1 =	vsub.f32 $1.500000000e+00, v1;
	_ =	sdelay $0x1  }
0x321: {  	v1 =	vmul.f32 v1, v2;
	_ =	sdelay $0x1  }
0x322: {  	v0 =	vmul.f32 v1, v0;
	_ =	sdelay $0x1  }
0x323: {  	[tilespmem:s21+$0x10] =	vst v0  }
0x324: {  	v0 =	vld [tilespmem:$0xF910]  }
0x325: {  	v1 =	vld [tilespmem:$0x11910]  }
0x326: {  	v2 =	vld [tilespmem:$0x15910]  }
0x327: {  	v3 =	vld [tilespmem:$0x17910]  }
0x328: {  	v4 =	vld [tilespmem:$0x9910]  }
0x329: {  	v5 =	vld [tilespmem:$0xB910]  }
0x32a: {  	v6 =	vld [tilespmem:$0x19910]  }
0x32b: {  	v7 =	vld [tilespmem:$0xD910];
	_ =	sdelay $0x1  }
0x32c: {  	v8 =	vld [tilespmem:$0x13910];
	v2 =	vadd.f32 v4, v2  }
0x32d: {  	v3 =	vadd.f32 v5, v3  }
0x32e: {  	v0 =	vsub.f32 v0, v2  }
0x32f: {  	v1 =	vsub.f32 v1, v3;
	v2 =	vadd.f32 v7, v6;
	_ =	sdelay $0x1  }
0x330: {  	v2 =	vsub.f32 v8, v2;
	v0 =	vmul.f32 v0, v0;
	v1 =	vmul.f32 v1, v1;
	_ =	sdelay $0x1  }
0x331: {  	v0 =	vadd.f32 v1, v0;
	v1 =	vmul.f32 v2, v2;
	_ =	sdelay $0x1  }
0x332: {  	v0 =	vadd.f32 v1, v0;
	_ =	sdelay $0x1  }
0x333: {  	v0 =	vmax.f32 v0, $1.000000000e-30  }
0x334: {  	v1 =	vshra.s32 v0, $0x1;
	v2 =	vmul.f32 $5.000000000e-01, v0  }
0x335: {  	v1 =	vsub.s32 $0x5F3759DF, v1  }
0x336: {  	v3 =	vmul.f32 v1, v2;
	_ =	sdelay $0x1  }
0x337: {  	v3 =	vmul.f32 v1, v3;
	_ =	sdelay $0x1  }
0x338: {  	v3 =	vsub.f32 $1.500000000e+00, v3;
	_ =	sdelay $0x1  }
0x339: {  	v1 =	vmul.f32 v1, v3;
	_ =	sdelay $0x1  }
0x33a: {  	v3 =	vmul.f32 v1, v2;
	_ =	sdelay $0x1  }
0x33b: {  	v3 =	vmul.f32 v3, v1;
	_ =	sdelay $0x1  }
0x33c: {  	v3 =	vsub.f32 $1.500000000e+00, v3;
	_ =	sdelay $0x1  }
0x33d: {  	v1 =	vmul.f32 v3, v1;
	_ =	sdelay $0x1  }
0x33e: {  	v2 =	vmul.f32 v1, v2;
	_ =	sdelay $0x1  }
0x33f: {  	v2 =	vmul.f32 v2, v1;
	_ =	sdelay $0x1  }
0x340: {  	v2 =	vsub.f32 $1.500000000e+00, v2;
	_ =	sdelay $0x1  }
0x341: {  	v1 =	vmul.f32 v2, v1  }
0x342: {  	s3 =	rddreg [dreg:$0x10]  }
0x343: {  	s3 =	sadd.s32 s15, s3;
	v0 =	vmul.f32 v1, v0  }
0x344: {  	s4 =	rddreg [dreg:$0x8];
	s3 =	sshrl.u32 s3, $0x3  }
0x345: {  	s17 =	simm.s32 $0x1B150;
	s3 =	sadd.s32 s4, s3;
	[tilespmem:$0x1B910] =	vst v0  }
0x346: {  	[hbm4b:s3+s13] =	stream.linear.scatter [tilespmem:s17], [sflag:$0xA], $0x7D0, $0x38;
	[tilespmem:$0x1C950] =	vst v63  }
0x347: {  	_ =	swait.ge [sflag:s0], $0x7D0  }
0x348: {  	[sflag:s0] =	ssyncset.done $0x0  }
0x349: {  	[sflag:s0] =	ssyncadd.s32 $0xFFFFF830  }
0x34a: {  	_ =	swait.ge [sflag:s0], $0x7D0  }
0x34b: {  	[sflag:s0] =	ssyncset.done $0x0  }
0x34c: {  	[sflag:s0] =	ssyncadd.s32 $0xFFFFF830  }
0x34d: {  	_ =	swait.ge [sflag:s0], $0x7D0  }
0x34e: {  	[sflag:s0] =	ssyncset.done $0x0  }
0x34f: {  	[sflag:s0] =	ssyncadd.s32 $0xFFFFF830  }
0x350: {  	_ =	swait.ge [sflag:s0], $0x7D0  }
0x351: {  	[sflag:s0] =	ssyncset.done $0x0  }
0x352: {  	[sflag:s0] =	ssyncadd.s32 $0xFFFFF830  }
0x353: {  	_ =	swait.ge [sflag:s0], $0x7D0  }
0x354: {  	[sflag:s0] =	ssyncset.done $0x0  }
0x355: {  	[sflag:s0] =	ssyncadd.s32 $0xFFFFF830  }
0x356: {  	_ =	swait.ge [sflag:s0], $0x7D0  }
0x357: {  	[sflag:s0] =	ssyncset.done $0x0  }
0x358: {  	[sflag:s0] =	ssyncadd.s32 $0xFFFFF830  }
0x359: {  	_ =	swait.ge [sflag:s18], $0x7D0  }
0x35a: {  	[sflag:s18] =	ssyncset.done $0x0  }
0x35b: {  	[sflag:s18] =	ssyncadd.s32 $0xFFFFF830  }
0x35c: {  	_ =	swait.ge [sflag:s18], $0x7D0  }
0x35d: {  	[sflag:s18] =	ssyncset.done $0x0  }
0x35e: {  	[sflag:s18] =	ssyncadd.s32 $0xFFFFF830  }
0x35f: {  	_ =	swait.ge [sflag:s18], $0x7D0  }
0x360: {  	[sflag:s18] =	ssyncset.done $0x0  }
0x361: {  	[sflag:s18] =	ssyncadd.s32 $0xFFFFF830  }
0x362: {  	_ =	swait.ge [sflag:s18], $0x7D0  }
0x363: {  	[sflag:s18] =	ssyncset.done $0x0  }
0x364: {  	[sflag:s18] =	ssyncadd.s32 $0xFFFFF830  }
0x365: {  	_ =	swait.ge [sflag:s18], $0x7D0  }
0x366: {  	[sflag:s18] =	ssyncset.done $0x0  }
0x367: {  	s20 =	simm.s32 $0x10150;
	[sflag:s18] =	ssyncadd.s32 $0xFFFFF830  }
0x368: {  	[tilespmem:s20], [sflag:$0x8] =	stream.indirect.gather [spmem:s9], $0x1, s25, s26, $0xb8;
	[tilespmem:$0x1C950] =	vst v63  }
0x369: {  	s21 =	simm.s32 $0x12150  }
0x36a: {  	[tilespmem:s21], [sflag:$0x8] =	stream.indirect.gather [spmem:s11], $0x1, s25, s26, $0xb8;
	[tilespmem:$0x1C950] =	vst v63  }
0x36b: {  	s22 =	simm.s32 $0x14150  }
0x36c: {  	[tilespmem:s22], [sflag:$0x8] =	stream.indirect.gather [spmem:s12], $0x1, s25, s26, $0xb8;
	[tilespmem:$0x1C950] =	vst v63  }
0x36d: {  	s23 =	simm.s32 $0x16150;
	s3 =	sld [smem:$0x7FC]  }
0x36e: {  	[tilespmem:s23], [sflag:$0x8] =	stream.indirect.gather [spmem:s9], $0x1, s30, s26, $0xb8;
	[tilespmem:$0x1C950] =	vst v63  }
0x36f: {  	s24 =	simm.s32 $0x18150  }
0x370: {  	[tilespmem:s24], [sflag:$0x8] =	stream.indirect.gather [spmem:s11], $0x1, s30, s26, $0xb8;
	[tilespmem:$0x1C950] =	vst v63  }
0x371: {  	s4 =	simm.s32 $0x1A150;
	s3 =	sadd.s32 @!p1 s15, s3  }
0x372: {  	[tilespmem:s4], [sflag:$0x8] =	stream.indirect.gather [spmem:s12], $0x1, s30, s26, $0xb8;
	[tilespmem:$0x1C950] =	vst v63  }
0x373: {  	s3 =	sshrl.u32 @!p1 s3, $0x3;
	s4 =	rddreg [dreg:$0x6]  }
0x374: {  	s5 =	simm.s32 @!p1 $0x0;
	s8 =	simm.s32 @!p1 $0x5150;
	s4 =	sadd.s32 @!p1 s4, s3  }
0x375: {  	[tilespmem:s8], [sflag:$0x2] =	stream.linear.gather @!p1 [hbm4b:s4+s5], $0x7D0, $0x38;
	[tilespmem:$0x1C950] =	vst v63  }
0x376: {  	s4 =	rddreg [dreg:$0x7]  }
0x377: {  	s8 =	simm.s32 @!p1 $0x7150;
	s4 =	sadd.s32 @!p1 s4, s3  }
0x378: {  	[tilespmem:s8], [sflag:$0x2] =	stream.linear.gather @!p1 [hbm4b:s4+s5], $0x7D0, $0x38;
	[tilespmem:$0x1C950] =	vst v63  }
0x379: {  	s4 =	rddreg [dreg:$0x3]  }
0x37a: {  	s8 =	simm.s32 @!p1 $0x9150;
	s4 =	sadd.s32 @!p1 s4, s3  }
0x37b: {  	[tilespmem:s8], [sflag:$0x2] =	stream.linear.gather @!p1 [hbm4b:s4+s5], $0x7D0, $0x38;
	[tilespmem:$0x1C950] =	vst v63  }
0x37c: {  	s4 =	sadd.s32 @!p1 s7, s3;
	s8 =	simm.s32 @!p1 $0xB150  }
0x37d: {  	[tilespmem:s8], [sflag:$0x2] =	stream.linear.gather @!p1 [hbm4b:s4+s5], $0x7D0, $0x38;
	[tilespmem:$0x1C950] =	vst v63  }
0x37e: {  	s3 =	sadd.s32 @!p1 s6, s3;
	s4 =	simm.s32 @!p1 $0xD150  }
0x37f: {  	[tilespmem:s4], [sflag:$0x2] =	stream.linear.gather @!p1 [hbm4b:s3+s5], $0x7D0, $0x38;
	[tilespmem:$0x1C950] =	vst v63  }
0x380: {  	s3 =	simm.s32 @p2 $0xB  }
0x381: {  	_ =	swait.ge @p2 [sflag:s3], $0x7D0  }
0x382: {  	[sflag:s3] =	ssyncset.done @p2 $0x0  }
0x383: {  	[sflag:s3] =	ssyncadd.s32 @p2 $0xFFFFF830;
	s3 =	simm.s32 $0xF970  }
0x384: {  	s16 =	simm.s32 $0xD970;
	v0 =	vld [tilespmem:s3+$0xFFFFFFE0]  }
0x385: {  	s5 =	simm.s32 $0xB970;
	v1 =	vld [tilespmem:s16+$0xFFFFFFE0]  }
0x386: {  	s21 =	simm.s32 $0x9970;
	v2 =	vld [tilespmem:s5+$0xFFFFFFE0]  }
0x387: {  	s23 =	simm.s32 $0x17970;
	v3 =	vld [tilespmem:s21+$0xFFFFFFE0]  }
0x388: {  	s14 =	simm.s32 $0x15970;
	v4 =	vld [tilespmem:s23+$0xFFFFFFE0]  }
0x389: {  	s20 =	simm.s32 $0x19970;
	v5 =	vld [tilespmem:s14+$0xFFFFFFE0]  }
0x38a: {  	s22 =	simm.s32 $0x11970;
	v54 =	vld [tilespmem:s20+$0xFFFFFFE0]  }
0x38b: {  	v53 =	vld [tilespmem:s22+$0xFFFFFFE0]  }
0x38c: {  	s24 =	simm.s32 $0x13970  }
0x38d: {  	v55 =	vld [tilespmem:s24+$0xFFFFFFE0]  }
0x38e: {  	v2 =	vadd.f32 v2, v4;
	v3 =	vadd.f32 v3, v5  }
0x38f: {  	v1 =	vadd.f32 v1, v54  }
0x390: {  	v2 =	vsub.f32 v53, v2;
	v0 =	vsub.f32 v0, v3;
	_ =	sdelay $0x1  }
0x391: {  	v1 =	vsub.f32 v55, v1;
	v0 =	vmul.f32 v0, v0;
	v2 =	vmul.f32 v2, v2;
	_ =	sdelay $0x1  }
0x392: {  	v1 =	vmul.f32 v1, v1;
	v0 =	vadd.f32 v2, v0;
	_ =	sdelay $0x1  }
0x393: {  	v0 =	vadd.f32 v1, v0;
	_ =	sdelay $0x1  }
0x394: {  	v0 =	vmax.f32 v0, $1.000000000e-30  }
0x395: {  	v1 =	vshra.s32 v0, $0x1;
	v2 =	vmul.f32 $5.000000000e-01, v0  }
0x396: {  	v1 =	vsub.s32 $0x5F3759DF, v1  }
0x397: {  	v3 =	vmul.f32 v1, v2;
	_ =	sdelay $0x1  }
0x398: {  	v3 =	vmul.f32 v1, v3;
	_ =	sdelay $0x1  }
0x399: {  	v3 =	vsub.f32 $1.500000000e+00, v3;
	_ =	sdelay $0x1  }
0x39a: {  	v1 =	vmul.f32 v1, v3;
	_ =	sdelay $0x1  }
0x39b: {  	v3 =	vmul.f32 v1, v2;
	_ =	sdelay $0x1  }
0x39c: {  	v3 =	vmul.f32 v3, v1;
	_ =	sdelay $0x1  }
0x39d: {  	v3 =	vsub.f32 $1.500000000e+00, v3;
	_ =	sdelay $0x1  }
0x39e: {  	v1 =	vmul.f32 v3, v1;
	_ =	sdelay $0x1  }
0x39f: {  	v2 =	vmul.f32 v1, v2;
	_ =	sdelay $0x1  }
0x3a0: {  	v2 =	vmul.f32 v2, v1;
	_ =	sdelay $0x1  }
0x3a1: {  	v2 =	vsub.f32 $1.500000000e+00, v2;
	_ =	sdelay $0x1  }
0x3a2: {  	v1 =	vmul.f32 v2, v1;
	_ =	sdelay $0x1  }
0x3a3: {  	v0 =	vmul.f32 v1, v0  }
0x3a4: {  	s17 =	simm.s32 $0x1B970  }
0x3a5: {  	[tilespmem:s17+$0xFFFFFFE0] =	vst v0  }
0x3a6: {  	v0 =	vld [tilespmem:s16+$0xFFFFFFF0]  }
0x3a7: {  	v1 =	vld [tilespmem:s3+$0xFFFFFFF0]  }
0x3a8: {  	v2 =	vld [tilespmem:s5+$0xFFFFFFF0]  }
0x3a9: {  	v3 =	vld [tilespmem:s14+$0xFFFFFFF0]  }
0x3aa: {  	v4 =	vld [tilespmem:s21+$0xFFFFFFF0]  }
0x3ab: {  	v5 =	vld [tilespmem:s23+$0xFFFFFFF0]  }
0x3ac: {  	v56 =	vld [tilespmem:s20+$0xFFFFFFF0]  }
0x3ad: {  	v57 =	vld [tilespmem:s22+$0xFFFFFFF0];
	_ =	sdelay $0x1  }
0x3ae: {  	v58 =	vld [tilespmem:s24+$0xFFFFFFF0]  }
0x3af: {  	v3 =	vadd.f32 v4, v3;
	v2 =	vadd.f32 v2, v5  }
0x3b0: {  	v0 =	vadd.f32 v0, v56  }
0x3b1: {  	v1 =	vsub.f32 v1, v3;
	v2 =	vsub.f32 v57, v2;
	_ =	sdelay $0x1  }
0x3b2: {  	v0 =	vsub.f32 v58, v0;
	v1 =	vmul.f32 v1, v1;
	v2 =	vmul.f32 v2, v2;
	_ =	sdelay $0x1  }
0x3b3: {  	v0 =	vmul.f32 v0, v0;
	v1 =	vadd.f32 v2, v1;
	_ =	sdelay $0x1  }
0x3b4: {  	v0 =	vadd.f32 v0, v1;
	_ =	sdelay $0x1  }
0x3b5: {  	v0 =	vmax.f32 v0, $1.000000000e-30  }
0x3b6: {  	v1 =	vshra.s32 v0, $0x1;
	v2 =	vmul.f32 $5.000000000e-01, v0  }
0x3b7: {  	v1 =	vsub.s32 $0x5F3759DF, v1  }
0x3b8: {  	v3 =	vmul.f32 v1, v2;
	_ =	sdelay $0x1  }
0x3b9: {  	v3 =	vmul.f32 v1, v3;
	_ =	sdelay $0x1  }
0x3ba: {  	v3 =	vsub.f32 $1.500000000e+00, v3;
	_ =	sdelay $0x1  }
0x3bb: {  	v1 =	vmul.f32 v1, v3;
	_ =	sdelay $0x1  }
0x3bc: {  	v3 =	vmul.f32 v1, v2;
	_ =	sdelay $0x1  }
0x3bd: {  	v3 =	vmul.f32 v3, v1;
	_ =	sdelay $0x1  }
0x3be: {  	v3 =	vsub.f32 $1.500000000e+00, v3;
	_ =	sdelay $0x1  }
0x3bf: {  	v1 =	vmul.f32 v3, v1;
	_ =	sdelay $0x1  }
0x3c0: {  	v2 =	vmul.f32 v1, v2;
	_ =	sdelay $0x1  }
0x3c1: {  	v2 =	vmul.f32 v2, v1;
	_ =	sdelay $0x1  }
0x3c2: {  	v2 =	vsub.f32 $1.500000000e+00, v2;
	_ =	sdelay $0x1  }
0x3c3: {  	v1 =	vmul.f32 v2, v1;
	_ =	sdelay $0x1  }
0x3c4: {  	v0 =	vmul.f32 v1, v0;
	_ =	sdelay $0x1  }
0x3c5: {  	[tilespmem:s17+$0xFFFFFFF0] =	vst v0  }
0x3c6: {  	v0 =	vld [tilespmem:s5+$0x0]  }
0x3c7: {  	v1 =	vld [tilespmem:s16+$0x0]  }
0x3c8: {  	v2 =	vld [tilespmem:s23+$0x0]  }
0x3c9: {  	v3 =	vld [tilespmem:s22+$0x0]  }
0x3ca: {  	v4 =	vld [tilespmem:s21+$0x0]  }
0x3cb: {  	v5 =	vld [tilespmem:s14+$0x0]  }
0x3cc: {  	v59 =	vld [tilespmem:s20+$0x0]  }
0x3cd: {  	v60 =	vld [tilespmem:s3+$0x0];
	_ =	sdelay $0x1  }
0x3ce: {  	v0 =	vadd.f32 v0, v2;
	v2 =	vld [tilespmem:s24+$0x0]  }
0x3cf: {  	v4 =	vadd.f32 v4, v5  }
0x3d0: {  	v1 =	vadd.f32 v1, v59  }
0x3d1: {  	v0 =	vsub.f32 v3, v0;
	v3 =	vsub.f32 v60, v4;
	_ =	sdelay $0x1  }
0x3d2: {  	v0 =	vmul.f32 v0, v0;
	v1 =	vsub.f32 v2, v1;
	v2 =	vmul.f32 v3, v3;
	_ =	sdelay $0x1  }
0x3d3: {  	v1 =	vmul.f32 v1, v1;
	v0 =	vadd.f32 v0, v2;
	_ =	sdelay $0x1  }
0x3d4: {  	v0 =	vadd.f32 v1, v0;
	_ =	sdelay $0x1  }
0x3d5: {  	v0 =	vmax.f32 v0, $1.000000000e-30  }
0x3d6: {  	v1 =	vshra.s32 v0, $0x1;
	v2 =	vmul.f32 $5.000000000e-01, v0  }
0x3d7: {  	v1 =	vsub.s32 $0x5F3759DF, v1  }
0x3d8: {  	v3 =	vmul.f32 v1, v2;
	_ =	sdelay $0x1  }
0x3d9: {  	v3 =	vmul.f32 v1, v3;
	_ =	sdelay $0x1  }
0x3da: {  	v3 =	vsub.f32 $1.500000000e+00, v3;
	_ =	sdelay $0x1  }
0x3db: {  	v1 =	vmul.f32 v1, v3;
	_ =	sdelay $0x1  }
0x3dc: {  	v3 =	vmul.f32 v1, v2;
	_ =	sdelay $0x1  }
0x3dd: {  	v3 =	vmul.f32 v3, v1;
	_ =	sdelay $0x1  }
0x3de: {  	v3 =	vsub.f32 $1.500000000e+00, v3;
	_ =	sdelay $0x1  }
0x3df: {  	v1 =	vmul.f32 v3, v1;
	_ =	sdelay $0x1  }
0x3e0: {  	v2 =	vmul.f32 v1, v2;
	_ =	sdelay $0x1  }
0x3e1: {  	v2 =	vmul.f32 v2, v1;
	_ =	sdelay $0x1  }
0x3e2: {  	v2 =	vsub.f32 $1.500000000e+00, v2;
	_ =	sdelay $0x1  }
0x3e3: {  	v1 =	vmul.f32 v2, v1;
	_ =	sdelay $0x1  }
0x3e4: {  	v0 =	vmul.f32 v1, v0;
	_ =	sdelay $0x1  }
0x3e5: {  	[tilespmem:s17+$0x0] =	vst v0  }
0x3e6: {  	v0 =	vld [tilespmem:s22+$0x10]  }
0x3e7: {  	v1 =	vld [tilespmem:s23+$0x10]  }
0x3e8: {  	v2 =	vld [tilespmem:s14+$0x10]  }
0x3e9: {  	v3 =	vld [tilespmem:s16+$0x10]  }
0x3ea: {  	v4 =	vld [tilespmem:s5+$0x10]  }
0x3eb: {  	v5 =	vld [tilespmem:s21+$0x10]  }
0x3ec: {  	v61 =	vld [tilespmem:s20+$0x10]  }
0x3ed: {  	v62 =	vld [tilespmem:s3+$0x10];
	_ =	sdelay $0x1  }
0x3ee: {  	v63 =	vld [tilespmem:s24+$0x10];
	v1 =	vadd.f32 v4, v1  }
0x3ef: {  	v2 =	vadd.f32 v5, v2  }
0x3f0: {  	v0 =	vsub.f32 v0, v1  }
0x3f1: {  	v1 =	vadd.f32 v3, v61;
	v2 =	vsub.f32 v62, v2;
	_ =	sdelay $0x1  }
0x3f2: {  	v1 =	vsub.f32 v63, v1;
	v2 =	vmul.f32 v2, v2;
	v0 =	vmul.f32 v0, v0;
	_ =	sdelay $0x1  }
0x3f3: {  	v0 =	vadd.f32 v0, v2;
	v1 =	vmul.f32 v1, v1;
	_ =	sdelay $0x1  }
0x3f4: {  	v0 =	vadd.f32 v1, v0;
	_ =	sdelay $0x1  }
0x3f5: {  	v0 =	vmax.f32 v0, $1.000000000e-30  }
0x3f6: {  	v2 =	vshra.s32 v0, $0x1;
	v1 =	vmul.f32 $5.000000000e-01, v0  }
0x3f7: {  	v2 =	vsub.s32 $0x5F3759DF, v2  }
0x3f8: {  	v3 =	vmul.f32 v2, v1;
	_ =	sdelay $0x1  }
0x3f9: {  	v3 =	vmul.f32 v2, v3;
	_ =	sdelay $0x1  }
0x3fa: {  	v3 =	vsub.f32 $1.500000000e+00, v3;
	_ =	sdelay $0x1  }
0x3fb: {  	v2 =	vmul.f32 v2, v3  }
0x3fc: {  	s8 =	simm.s32 $0x199B0  }
0x3fd: {  	s4 =	simm.s32 $0xB9B0;
	s14 =	simm.s32 $0x0;
	s24 =	simm.s32 $0x119B0;
	v3 =	vmul.f32 v2, v1  }
0x3fe: {  	s20 =	simm.s32 $0xF9B0;
	s22 =	simm.s32 $0x179B0;
	s23 =	simm.s32 $0x159B0  }
0x3ff: {  	s3 =	simm.s32 $0x139B0;
	s5 =	simm.s32 $0x99B0;
	s21 =	simm.s32 $0x1B970;
	v3 =	vmul.f32 v3, v2  }
.LBB2_7:
0x400: {  	s14 =	sadd.s32 $0x4, s14;
	s17 =	sadd.s32 $0x40, s17;
	s16 =	sadd.s32 $0x40, s16  }
0x401: {  	p3 =	slt.u32 s14, $0x78;
	v3 =	vsub.f32 $1.500000000e+00, v3;
	_ =	sdelay $0x1  }
0x402: {  	v2 =	vmul.f32 v3, v2;
	_ =	sdelay $0x1  }
0x403: {  	v1 =	vmul.f32 v2, v1;
	_ =	sdelay $0x1  }
0x404: {  	v1 =	vmul.f32 v1, v2;
	_ =	sdelay $0x1  }
0x405: {  	v1 =	vsub.f32 $1.500000000e+00, v1;
	_ =	sdelay $0x1  }
0x406: {  	v1 =	vmul.f32 v1, v2;
	_ =	sdelay $0x1  }
0x407: {  	v0 =	vmul.f32 v1, v0;
	_ =	sdelay $0x1  }
0x408: {  	[tilespmem:s21+$0x10] =	vst v0;
	s21 =	smov.u32 s17;
	_ =	sdelay $0x3  }
0x409: {  	v0 =	vld [tilespmem:s20+$0xFFFFFFE0]  }
0x40a: {  	v1 =	vld [tilespmem:s16+$0xFFFFFFE0]  }
0x40b: {  	v2 =	vld [tilespmem:s4+$0xFFFFFFE0]  }
0x40c: {  	v3 =	vld [tilespmem:s5+$0xFFFFFFE0]  }
0x40d: {  	v4 =	vld [tilespmem:s22+$0xFFFFFFE0]  }
0x40e: {  	v5 =	vld [tilespmem:s23+$0xFFFFFFE0]  }
0x40f: {  	v6 =	vld [tilespmem:s24+$0xFFFFFFE0]  }
0x410: {  	v7 =	vld [tilespmem:s8+$0xFFFFFFE0];
	_ =	sdelay $0x1  }
0x411: {  	v8 =	vld [tilespmem:s3+$0xFFFFFFE0];
	v2 =	vadd.f32 v2, v4  }
0x412: {  	v3 =	vadd.f32 v3, v5  }
0x413: {  	v2 =	vsub.f32 v6, v2  }
0x414: {  	v0 =	vsub.f32 v0, v3;
	v1 =	vadd.f32 v1, v7;
	_ =	sdelay $0x1  }
0x415: {  	v2 =	vmul.f32 v2, v2;
	v1 =	vsub.f32 v8, v1;
	v0 =	vmul.f32 v0, v0;
	_ =	sdelay $0x1  }
0x416: {  	v0 =	vadd.f32 v2, v0;
	v1 =	vmul.f32 v1, v1;
	_ =	sdelay $0x1  }
0x417: {  	v0 =	vadd.f32 v1, v0;
	_ =	sdelay $0x1  }
0x418: {  	v0 =	vmax.f32 v0, $1.000000000e-30  }
0x419: {  	v1 =	vshra.s32 v0, $0x1;
	v2 =	vmul.f32 $5.000000000e-01, v0  }
0x41a: {  	v1 =	vsub.s32 $0x5F3759DF, v1  }
0x41b: {  	v3 =	vmul.f32 v1, v2;
	_ =	sdelay $0x1  }
0x41c: {  	v3 =	vmul.f32 v1, v3;
	_ =	sdelay $0x1  }
0x41d: {  	v3 =	vsub.f32 $1.500000000e+00, v3;
	_ =	sdelay $0x1  }
0x41e: {  	v1 =	vmul.f32 v1, v3;
	_ =	sdelay $0x1  }
0x41f: {  	v3 =	vmul.f32 v1, v2;
	_ =	sdelay $0x1  }
0x420: {  	v3 =	vmul.f32 v3, v1;
	_ =	sdelay $0x1  }
0x421: {  	v3 =	vsub.f32 $1.500000000e+00, v3;
	_ =	sdelay $0x1  }
0x422: {  	v1 =	vmul.f32 v3, v1;
	_ =	sdelay $0x1  }
0x423: {  	v2 =	vmul.f32 v1, v2;
	_ =	sdelay $0x1  }
0x424: {  	v2 =	vmul.f32 v2, v1;
	_ =	sdelay $0x1  }
0x425: {  	v2 =	vsub.f32 $1.500000000e+00, v2;
	_ =	sdelay $0x1  }
0x426: {  	v1 =	vmul.f32 v2, v1;
	_ =	sdelay $0x1  }
0x427: {  	v0 =	vmul.f32 v1, v0;
	_ =	sdelay $0x1  }
0x428: {  	[tilespmem:s17+$0xFFFFFFE0] =	vst v0  }
0x429: {  	v0 =	vld [tilespmem:s16+$0xFFFFFFF0]  }
0x42a: {  	v1 =	vld [tilespmem:s20+$0xFFFFFFF0]  }
0x42b: {  	v2 =	vld [tilespmem:s4+$0xFFFFFFF0]  }
0x42c: {  	v3 =	vld [tilespmem:s23+$0xFFFFFFF0]  }
0x42d: {  	v4 =	vld [tilespmem:s5+$0xFFFFFFF0]  }
0x42e: {  	v5 =	vld [tilespmem:s22+$0xFFFFFFF0]  }
0x42f: {  	v6 =	vld [tilespmem:s8+$0xFFFFFFF0]  }
0x430: {  	v7 =	vld [tilespmem:s24+$0xFFFFFFF0]  }
0x431: {  	v8 =	vld [tilespmem:s3+$0xFFFFFFF0]  }
0x432: {  	v3 =	vadd.f32 v4, v3  }
0x433: {  	v2 =	vadd.f32 v2, v5  }
0x434: {  	v1 =	vsub.f32 v1, v3;
	v0 =	vadd.f32 v0, v6  }
0x435: {  	v2 =	vsub.f32 v7, v2  }
0x436: {  	v0 =	vsub.f32 v8, v0  }
0x437: {  	v1 =	vmul.f32 v1, v1;
	v2 =	vmul.f32 v2, v2  }
0x438: {  	v0 =	vmul.f32 v0, v0  }
0x439: {  	v1 =	vadd.f32 v2, v1;
	_ =	sdelay $0x1  }
0x43a: {  	v0 =	vadd.f32 v0, v1;
	_ =	sdelay $0x1  }
0x43b: {  	v0 =	vmax.f32 v0, $1.000000000e-30  }
0x43c: {  	v1 =	vshra.s32 v0, $0x1;
	v2 =	vmul.f32 $5.000000000e-01, v0  }
0x43d: {  	v1 =	vsub.s32 $0x5F3759DF, v1  }
0x43e: {  	v3 =	vmul.f32 v1, v2;
	_ =	sdelay $0x1  }
0x43f: {  	v3 =	vmul.f32 v1, v3;
	_ =	sdelay $0x1  }
0x440: {  	v3 =	vsub.f32 $1.500000000e+00, v3;
	_ =	sdelay $0x1  }
0x441: {  	v1 =	vmul.f32 v1, v3;
	_ =	sdelay $0x1  }
0x442: {  	v3 =	vmul.f32 v1, v2;
	_ =	sdelay $0x1  }
0x443: {  	v3 =	vmul.f32 v3, v1;
	_ =	sdelay $0x1  }
0x444: {  	v3 =	vsub.f32 $1.500000000e+00, v3;
	_ =	sdelay $0x1  }
0x445: {  	v1 =	vmul.f32 v3, v1;
	_ =	sdelay $0x1  }
0x446: {  	v2 =	vmul.f32 v1, v2;
	_ =	sdelay $0x1  }
0x447: {  	v2 =	vmul.f32 v2, v1;
	_ =	sdelay $0x1  }
0x448: {  	v2 =	vsub.f32 $1.500000000e+00, v2;
	_ =	sdelay $0x1  }
0x449: {  	v1 =	vmul.f32 v2, v1;
	_ =	sdelay $0x1  }
0x44a: {  	v0 =	vmul.f32 v1, v0;
	_ =	sdelay $0x1  }
0x44b: {  	[tilespmem:s17+$0xFFFFFFF0] =	vst v0  }
0x44c: {  	v0 =	vld [tilespmem:s4+$0x0]  }
0x44d: {  	v1 =	vld [tilespmem:s16+$0x0]  }
0x44e: {  	v2 =	vld [tilespmem:s22+$0x0]  }
0x44f: {  	v3 =	vld [tilespmem:s24+$0x0]  }
0x450: {  	v4 =	vld [tilespmem:s5+$0x0]  }
0x451: {  	v5 =	vld [tilespmem:s23+$0x0]  }
0x452: {  	v6 =	vld [tilespmem:s8+$0x0]  }
0x453: {  	v7 =	vld [tilespmem:s20+$0x0];
	v0 =	vadd.f32 v0, v2  }
0x454: {  	v2 =	vld [tilespmem:s3+$0x0]  }
0x455: {  	v0 =	vsub.f32 v3, v0  }
0x456: {  	v3 =	vadd.f32 v4, v5  }
0x457: {  	v1 =	vadd.f32 v1, v6  }
0x458: {  	v0 =	vmul.f32 v0, v0;
	v3 =	vsub.f32 v7, v3  }
0x459: {  	v1 =	vsub.f32 v2, v1  }
0x45a: {  	v2 =	vmul.f32 v3, v3  }
0x45b: {  	v1 =	vmul.f32 v1, v1  }
0x45c: {  	v0 =	vadd.f32 v0, v2;
	_ =	sdelay $0x1  }
0x45d: {  	v0 =	vadd.f32 v1, v0;
	_ =	sdelay $0x1  }
0x45e: {  	v0 =	vmax.f32 v0, $1.000000000e-30  }
0x45f: {  	v1 =	vshra.s32 v0, $0x1;
	v2 =	vmul.f32 $5.000000000e-01, v0  }
0x460: {  	v1 =	vsub.s32 $0x5F3759DF, v1  }
0x461: {  	v3 =	vmul.f32 v1, v2;
	_ =	sdelay $0x1  }
0x462: {  	v3 =	vmul.f32 v1, v3;
	_ =	sdelay $0x1  }
0x463: {  	v3 =	vsub.f32 $1.500000000e+00, v3;
	_ =	sdelay $0x1  }
0x464: {  	v1 =	vmul.f32 v1, v3;
	_ =	sdelay $0x1  }
0x465: {  	v3 =	vmul.f32 v1, v2;
	_ =	sdelay $0x1  }
0x466: {  	v3 =	vmul.f32 v3, v1;
	_ =	sdelay $0x1  }
0x467: {  	v3 =	vsub.f32 $1.500000000e+00, v3;
	_ =	sdelay $0x1  }
0x468: {  	v1 =	vmul.f32 v3, v1;
	_ =	sdelay $0x1  }
0x469: {  	v2 =	vmul.f32 v1, v2;
	_ =	sdelay $0x1  }
0x46a: {  	v2 =	vmul.f32 v2, v1;
	_ =	sdelay $0x1  }
0x46b: {  	v2 =	vsub.f32 $1.500000000e+00, v2;
	_ =	sdelay $0x1  }
0x46c: {  	v1 =	vmul.f32 v2, v1;
	_ =	sdelay $0x1  }
0x46d: {  	v0 =	vmul.f32 v1, v0;
	_ =	sdelay $0x1  }
0x46e: {  	[tilespmem:s17+$0x0] =	vst v0  }
0x46f: {  	v0 =	vld [tilespmem:s24+$0x10]  }
0x470: {  	v1 =	vld [tilespmem:s22+$0x10]  }
0x471: {  	v2 =	vld [tilespmem:s23+$0x10]  }
0x472: {  	v3 =	vld [tilespmem:s16+$0x10]  }
0x473: {  	v4 =	vld [tilespmem:s4+$0x10]  }
0x474: {  	v5 =	vld [tilespmem:s5+$0x10]  }
0x475: {  	v6 =	vld [tilespmem:s8+$0x10]  }
0x476: {  	v7 =	vld [tilespmem:s20+$0x10]  }
0x477: {  	v8 =	vld [tilespmem:s3+$0x10]  }
0x478: {  	v1 =	vadd.f32 v4, v1  }
0x479: {  	v2 =	vadd.f32 v5, v2  }
0x47a: {  	v0 =	vsub.f32 v0, v1;
	v1 =	vadd.f32 v3, v6  }
0x47b: {  	v2 =	vsub.f32 v7, v2  }
0x47c: {  	v1 =	vsub.f32 v8, v1  }
0x47d: {  	v0 =	vmul.f32 v0, v0;
	v2 =	vmul.f32 v2, v2;
	_ =	sdelay $0x1  }
0x47e: {  	v1 =	vmul.f32 v1, v1;
	v0 =	vadd.f32 v0, v2;
	_ =	sdelay $0x1  }
0x47f: {  	v0 =	vadd.f32 v1, v0;
	_ =	sdelay $0x1  }
0x480: {  	v0 =	vmax.f32 v0, $1.000000000e-30  }
0x481: {  	v2 =	vshra.s32 v0, $0x1;
	v1 =	vmul.f32 $5.000000000e-01, v0  }
0x482: {  	v2 =	vsub.s32 $0x5F3759DF, v2  }
0x483: {  	v3 =	vmul.f32 v2, v1;
	_ =	sdelay $0x1  }
0x484: {  	v3 =	vmul.f32 v2, v3;
	_ =	sdelay $0x1  }
0x485: {  	v3 =	vsub.f32 $1.500000000e+00, v3;
	_ =	sdelay $0x1  }
.Ltmp2:
0x486: {  	v2 =	vmul.f32 v2, v3;
	(pc) =	sbr.rel @p3 .LBB2_7-.Ltmp2, $4  }
0x487: {  	_ = 	snop  }
0x488: {  	s24 =	sadd.s32 $0x40, s24;
	s20 =	sadd.s32 $0x40, s20;
	v3 =	vmul.f32 v2, v1  }
0x489: {  	s22 =	sadd.s32 $0x40, s22;
	s23 =	sadd.s32 $0x40, s23;
	s3 =	sadd.s32 $0x40, s3  }
0x48a: {  	s4 =	sadd.s32 $0x40, s4;
	s5 =	sadd.s32 $0x40, s5;
	s8 =	sadd.s32 $0x40, s8;
	v3 =	vmul.f32 v3, v2  }
0x48b: {  	_ = 	snop  }
0x48c: {  	v3 =	vsub.f32 $1.500000000e+00, v3;
	_ =	sdelay $0x1  }
0x48d: {  	v2 =	vmul.f32 v3, v2;
	_ =	sdelay $0x1  }
0x48e: {  	v1 =	vmul.f32 v2, v1;
	_ =	sdelay $0x1  }
0x48f: {  	v1 =	vmul.f32 v1, v2;
	_ =	sdelay $0x1  }
0x490: {  	v1 =	vsub.f32 $1.500000000e+00, v1;
	_ =	sdelay $0x1  }
0x491: {  	v1 =	vmul.f32 v1, v2;
	_ =	sdelay $0x1  }
0x492: {  	v0 =	vmul.f32 v1, v0;
	_ =	sdelay $0x1  }
0x493: {  	[tilespmem:s21+$0x10] =	vst v0  }
0x494: {  	v0 =	vld [tilespmem:$0x10110]  }
0x495: {  	v1 =	vld [tilespmem:$0x12110]  }
0x496: {  	v2 =	vld [tilespmem:$0x16110]  }
0x497: {  	v3 =	vld [tilespmem:$0x18110]  }
0x498: {  	v4 =	vld [tilespmem:$0xA110]  }
0x499: {  	v5 =	vld [tilespmem:$0xC110]  }
0x49a: {  	v6 =	vld [tilespmem:$0x1A110]  }
0x49b: {  	v7 =	vld [tilespmem:$0xE110];
	_ =	sdelay $0x1  }
0x49c: {  	v8 =	vld [tilespmem:$0x14110];
	v2 =	vadd.f32 v4, v2  }
0x49d: {  	v3 =	vadd.f32 v5, v3  }
0x49e: {  	v0 =	vsub.f32 v0, v2  }
0x49f: {  	v1 =	vsub.f32 v1, v3;
	v2 =	vadd.f32 v7, v6;
	_ =	sdelay $0x1  }
0x4a0: {  	v2 =	vsub.f32 v8, v2;
	v0 =	vmul.f32 v0, v0;
	v1 =	vmul.f32 v1, v1;
	_ =	sdelay $0x1  }
0x4a1: {  	v0 =	vadd.f32 v1, v0;
	v1 =	vmul.f32 v2, v2;
	_ =	sdelay $0x1  }
0x4a2: {  	v0 =	vadd.f32 v1, v0;
	_ =	sdelay $0x1  }
0x4a3: {  	v0 =	vmax.f32 v0, $1.000000000e-30  }
0x4a4: {  	v1 =	vshra.s32 v0, $0x1;
	v2 =	vmul.f32 $5.000000000e-01, v0  }
0x4a5: {  	v1 =	vsub.s32 $0x5F3759DF, v1  }
0x4a6: {  	v3 =	vmul.f32 v1, v2;
	_ =	sdelay $0x1  }
0x4a7: {  	v3 =	vmul.f32 v1, v3;
	_ =	sdelay $0x1  }
0x4a8: {  	v3 =	vsub.f32 $1.500000000e+00, v3;
	_ =	sdelay $0x1  }
0x4a9: {  	v1 =	vmul.f32 v1, v3;
	_ =	sdelay $0x1  }
0x4aa: {  	v3 =	vmul.f32 v1, v2;
	_ =	sdelay $0x1  }
0x4ab: {  	v3 =	vmul.f32 v3, v1;
	_ =	sdelay $0x1  }
0x4ac: {  	v3 =	vsub.f32 $1.500000000e+00, v3;
	_ =	sdelay $0x1  }
0x4ad: {  	v1 =	vmul.f32 v3, v1;
	_ =	sdelay $0x1  }
0x4ae: {  	v2 =	vmul.f32 v1, v2;
	_ =	sdelay $0x1  }
0x4af: {  	v2 =	vmul.f32 v2, v1;
	_ =	sdelay $0x1  }
0x4b0: {  	v2 =	vsub.f32 $1.500000000e+00, v2;
	_ =	sdelay $0x1  }
0x4b1: {  	v1 =	vmul.f32 v2, v1  }
0x4b2: {  	s3 =	rddreg [dreg:$0x17]  }
0x4b3: {  	s3 =	sadd.s32 s15, s3;
	v0 =	vmul.f32 v1, v0  }
0x4b4: {  	s4 =	rddreg [dreg:$0x8];
	s3 =	sshrl.u32 s3, $0x3  }
0x4b5: {  	s24 =	simm.s32 $0x1B950;
	s3 =	sadd.s32 s4, s3;
	[tilespmem:$0x1C110] =	vst v0  }
0x4b6: {  	[hbm4b:s3+s13] =	stream.linear.scatter [tilespmem:s24], [sflag:$0xB], $0x7D0, $0x38;
	[tilespmem:$0x1C950] =	vst v63  }
0x4b7: {  	_ =	swait.ge [sflag:s10], $0x7D0  }
0x4b8: {  	[sflag:s10] =	ssyncset.done $0x0  }
0x4b9: {  	[sflag:s10] =	ssyncadd.s32 $0xFFFFF830  }
0x4ba: {  	_ =	swait.ge [sflag:s10], $0x7D0  }
0x4bb: {  	[sflag:s10] =	ssyncset.done $0x0  }
0x4bc: {  	[sflag:s10] =	ssyncadd.s32 $0xFFFFF830  }
0x4bd: {  	_ =	swait.ge [sflag:s10], $0x7D0  }
0x4be: {  	[sflag:s10] =	ssyncset.done $0x0  }
0x4bf: {  	[sflag:s10] =	ssyncadd.s32 $0xFFFFF830  }
0x4c0: {  	_ =	swait.ge [sflag:s10], $0x7D0  }
0x4c1: {  	[sflag:s10] =	ssyncset.done $0x0  }
0x4c2: {  	[sflag:s10] =	ssyncadd.s32 $0xFFFFF830  }
0x4c3: {  	_ =	swait.ge [sflag:s10], $0x7D0  }
0x4c4: {  	[sflag:s10] =	ssyncset.done $0x0  }
0x4c5: {  	[sflag:s10] =	ssyncadd.s32 $0xFFFFF830  }
0x4c6: {  	_ =	swait.ge [sflag:s10], $0x7D0  }
0x4c7: {  	[sflag:s10] =	ssyncset.done $0x0  }
0x4c8: {  	s3 =	simm.s32 @!p1 $0x1;
	[sflag:s10] =	ssyncadd.s32 $0xFFFFF830  }
0x4c9: {  	_ =	swait.ge @!p1 [sflag:s3], $0x7D0  }
0x4ca: {  	[sflag:s3] =	ssyncset.done @!p1 $0x0  }
0x4cb: {  	[sflag:s3] =	ssyncadd.s32 @!p1 $0xFFFFF830  }
0x4cc: {  	_ =	swait.ge @!p1 [sflag:s3], $0x7D0  }
0x4cd: {  	[sflag:s3] =	ssyncset.done @!p1 $0x0  }
0x4ce: {  	[sflag:s3] =	ssyncadd.s32 @!p1 $0xFFFFF830  }
0x4cf: {  	_ =	swait.ge @!p1 [sflag:s3], $0x7D0  }
0x4d0: {  	[sflag:s3] =	ssyncset.done @!p1 $0x0  }
0x4d1: {  	[sflag:s3] =	ssyncadd.s32 @!p1 $0xFFFFF830  }
0x4d2: {  	_ =	swait.ge @!p1 [sflag:s3], $0x7D0  }
0x4d3: {  	[sflag:s3] =	ssyncset.done @!p1 $0x0  }
0x4d4: {  	[sflag:s3] =	ssyncadd.s32 @!p1 $0xFFFFF830  }
0x4d5: {  	_ =	swait.ge @!p1 [sflag:s3], $0x7D0  }
0x4d6: {  	s5 =	simm.s32 @!p1 $0xE950;
	[sflag:s3] =	ssyncset.done @!p1 $0x0  }
0x4d7: {  	s4 =	simm.s32 @!p1 $0x4950;
	[sflag:s3] =	ssyncadd.s32 @!p1 $0xFFFFF830;
	s3 =	simm.s32 @!p1 $0x7D0  }
0x4d8: {  	[tilespmem:s5], [sflag:$0x5] =	stream.indirect.gather @!p1 [spmem:s9], $0x1, s4, s3, $0xb8;
	[tilespmem:$0x1C950] =	vst v63  }
0x4d9: {  	s5 =	simm.s32 @!p1 $0x10950  }
0x4da: {  	[tilespmem:s5], [sflag:$0x5] =	stream.indirect.gather @!p1 [spmem:s11], $0x1, s4, s3, $0xb8;
	[tilespmem:$0x1C950] =	vst v63  }
0x4db: {  	s5 =	simm.s32 @!p1 $0x12950  }
0x4dc: {  	[tilespmem:s5], [sflag:$0x5] =	stream.indirect.gather @!p1 [spmem:s12], $0x1, s4, s3, $0xb8;
	[tilespmem:$0x1C950] =	vst v63  }
0x4dd: {  	s4 =	simm.s32 @!p1 $0x6950;
	s5 =	simm.s32 @!p1 $0x14950  }
0x4de: {  	[tilespmem:s5], [sflag:$0x5] =	stream.indirect.gather @!p1 [spmem:s9], $0x1, s4, s3, $0xb8;
	[tilespmem:$0x1C950] =	vst v63  }
0x4df: {  	s5 =	simm.s32 @!p1 $0x16950  }
0x4e0: {  	[tilespmem:s5], [sflag:$0x5] =	stream.indirect.gather @!p1 [spmem:s11], $0x1, s4, s3, $0xb8;
	[tilespmem:$0x1C950] =	vst v63  }
0x4e1: {  	s5 =	simm.s32 @!p1 $0x18950  }
0x4e2: {  	[tilespmem:s5], [sflag:$0x5] =	stream.indirect.gather @!p1 [spmem:s12], $0x1, s4, s3, $0xb8;
	[tilespmem:$0x1C950] =	vst v63  }
0x4e3: {  	s3 =	sld [smem:$0x7FD];
	_ =	sdelay $0x2  }
0x4e4: {  	s3 =	sadd.s32 @!p1 s15, s3  }
0x4e5: {  	s4 =	rddreg [dreg:$0x6];
	s3 =	sshrl.u32 @!p1 s3, $0x3  }
0x4e6: {  	s8 =	simm.s32 @!p1 $0x5950;
	s5 =	simm.s32 @!p1 $0x0;
	s4 =	sadd.s32 @!p1 s4, s3  }
0x4e7: {  	[tilespmem:s8], [sflag:$0x3] =	stream.linear.gather @!p1 [hbm4b:s4+s5], $0x7D0, $0x38;
	[tilespmem:$0x1C950] =	vst v63  }
0x4e8: {  	s4 =	rddreg [dreg:$0x7]  }
0x4e9: {  	s8 =	simm.s32 @!p1 $0x7950;
	s4 =	sadd.s32 @!p1 s4, s3  }
0x4ea: {  	[tilespmem:s8], [sflag:$0x3] =	stream.linear.gather @!p1 [hbm4b:s4+s5], $0x7D0, $0x38;
	[tilespmem:$0x1C950] =	vst v63  }
0x4eb: {  	s4 =	rddreg [dreg:$0x3]  }
0x4ec: {  	s8 =	simm.s32 @!p1 $0x9950;
	s4 =	sadd.s32 @!p1 s4, s3  }
0x4ed: {  	[tilespmem:s8], [sflag:$0x3] =	stream.linear.gather @!p1 [hbm4b:s4+s5], $0x7D0, $0x38;
	[tilespmem:$0x1C950] =	vst v63  }
0x4ee: {  	s4 =	sadd.s32 @!p1 s7, s3;
	s8 =	simm.s32 @!p1 $0xB950  }
0x4ef: {  	[tilespmem:s8], [sflag:$0x3] =	stream.linear.gather @!p1 [hbm4b:s4+s5], $0x7D0, $0x38;
	[tilespmem:$0x1C950] =	vst v63  }
0x4f0: {  	s3 =	sadd.s32 @!p1 s6, s3;
	s4 =	simm.s32 @!p1 $0xD950  }
0x4f1: {  	[tilespmem:s4], [sflag:$0x3] =	stream.linear.gather @!p1 [hbm4b:s3+s5], $0x7D0, $0x38;
	[tilespmem:$0x1C950] =	vst v63  }
0x4f2: {  	s3 =	simm.s32 @p2 $0xC  }
0x4f3: {  	_ =	swait.ge @p2 [sflag:s3], $0x7D0  }
0x4f4: {  	[sflag:s3] =	ssyncset.done @p2 $0x0  }
0x4f5: {  	[sflag:s3] =	ssyncadd.s32 @p2 $0xFFFFF830;
	s3 =	simm.s32 $0x10170  }
0x4f6: {  	s15 =	simm.s32 $0xE170;
	v0 =	vld [tilespmem:s3+$0xFFFFFFE0]  }
0x4f7: {  	s5 =	simm.s32 $0xC170;
	v1 =	vld [tilespmem:s15+$0xFFFFFFE0]  }
0x4f8: {  	s22 =	simm.s32 $0xA170;
	v2 =	vld [tilespmem:s5+$0xFFFFFFE0]  }
0x4f9: {  	s23 =	simm.s32 $0x18170;
	v3 =	vld [tilespmem:s22+$0xFFFFFFE0]  }
0x4fa: {  	s14 =	simm.s32 $0x16170;
	v4 =	vld [tilespmem:s23+$0xFFFFFFE0]  }
0x4fb: {  	s17 =	simm.s32 $0x1A170;
	v5 =	vld [tilespmem:s14+$0xFFFFFFE0]  }
0x4fc: {  	s24 =	simm.s32 $0x12170;
	v54 =	vld [tilespmem:s17+$0xFFFFFFE0]  }
0x4fd: {  	v53 =	vld [tilespmem:s24+$0xFFFFFFE0]  }
0x4fe: {  	s20 =	simm.s32 $0x14170  }
0x4ff: {  	v55 =	vld [tilespmem:s20+$0xFFFFFFE0]  }
0x500: {  	v2 =	vadd.f32 v2, v4;
	v3 =	vadd.f32 v3, v5  }
0x501: {  	v1 =	vadd.f32 v1, v54  }
0x502: {  	v2 =	vsub.f32 v53, v2;
	v0 =	vsub.f32 v0, v3;
	_ =	sdelay $0x1  }
0x503: {  	v1 =	vsub.f32 v55, v1;
	v0 =	vmul.f32 v0, v0;
	v2 =	vmul.f32 v2, v2;
	_ =	sdelay $0x1  }
0x504: {  	v1 =	vmul.f32 v1, v1;
	v0 =	vadd.f32 v2, v0;
	_ =	sdelay $0x1  }
0x505: {  	v0 =	vadd.f32 v1, v0;
	_ =	sdelay $0x1  }
0x506: {  	v0 =	vmax.f32 v0, $1.000000000e-30  }
0x507: {  	v1 =	vshra.s32 v0, $0x1;
	v2 =	vmul.f32 $5.000000000e-01, v0  }
0x508: {  	v1 =	vsub.s32 $0x5F3759DF, v1  }
0x509: {  	v3 =	vmul.f32 v1, v2;
	_ =	sdelay $0x1  }
0x50a: {  	v3 =	vmul.f32 v1, v3;
	_ =	sdelay $0x1  }
0x50b: {  	v3 =	vsub.f32 $1.500000000e+00, v3;
	_ =	sdelay $0x1  }
0x50c: {  	v1 =	vmul.f32 v1, v3;
	_ =	sdelay $0x1  }
0x50d: {  	v3 =	vmul.f32 v1, v2;
	_ =	sdelay $0x1  }
0x50e: {  	v3 =	vmul.f32 v3, v1;
	_ =	sdelay $0x1  }
0x50f: {  	v3 =	vsub.f32 $1.500000000e+00, v3;
	_ =	sdelay $0x1  }
0x510: {  	v1 =	vmul.f32 v3, v1;
	_ =	sdelay $0x1  }
0x511: {  	v2 =	vmul.f32 v1, v2;
	_ =	sdelay $0x1  }
0x512: {  	v2 =	vmul.f32 v2, v1;
	_ =	sdelay $0x1  }
0x513: {  	v2 =	vsub.f32 $1.500000000e+00, v2;
	_ =	sdelay $0x1  }
0x514: {  	v1 =	vmul.f32 v2, v1;
	_ =	sdelay $0x1  }
0x515: {  	v0 =	vmul.f32 v1, v0  }
0x516: {  	s16 =	simm.s32 $0x1C170  }
0x517: {  	[tilespmem:s16+$0xFFFFFFE0] =	vst v0  }
0x518: {  	v0 =	vld [tilespmem:s15+$0xFFFFFFF0]  }
0x519: {  	v1 =	vld [tilespmem:s3+$0xFFFFFFF0]  }
0x51a: {  	v2 =	vld [tilespmem:s5+$0xFFFFFFF0]  }
0x51b: {  	v3 =	vld [tilespmem:s14+$0xFFFFFFF0]  }
0x51c: {  	v4 =	vld [tilespmem:s22+$0xFFFFFFF0]  }
0x51d: {  	v5 =	vld [tilespmem:s23+$0xFFFFFFF0]  }
0x51e: {  	v56 =	vld [tilespmem:s17+$0xFFFFFFF0]  }
0x51f: {  	v57 =	vld [tilespmem:s24+$0xFFFFFFF0];
	_ =	sdelay $0x1  }
0x520: {  	v58 =	vld [tilespmem:s20+$0xFFFFFFF0]  }
0x521: {  	v3 =	vadd.f32 v4, v3;
	v2 =	vadd.f32 v2, v5  }
0x522: {  	v0 =	vadd.f32 v0, v56  }
0x523: {  	v1 =	vsub.f32 v1, v3;
	v2 =	vsub.f32 v57, v2;
	_ =	sdelay $0x1  }
0x524: {  	v0 =	vsub.f32 v58, v0;
	v1 =	vmul.f32 v1, v1;
	v2 =	vmul.f32 v2, v2;
	_ =	sdelay $0x1  }
0x525: {  	v0 =	vmul.f32 v0, v0;
	v1 =	vadd.f32 v2, v1;
	_ =	sdelay $0x1  }
0x526: {  	v0 =	vadd.f32 v0, v1;
	_ =	sdelay $0x1  }
0x527: {  	v0 =	vmax.f32 v0, $1.000000000e-30  }
0x528: {  	v1 =	vshra.s32 v0, $0x1;
	v2 =	vmul.f32 $5.000000000e-01, v0  }
0x529: {  	v1 =	vsub.s32 $0x5F3759DF, v1  }
0x52a: {  	v3 =	vmul.f32 v1, v2;
	_ =	sdelay $0x1  }
0x52b: {  	v3 =	vmul.f32 v1, v3;
	_ =	sdelay $0x1  }
0x52c: {  	v3 =	vsub.f32 $1.500000000e+00, v3;
	_ =	sdelay $0x1  }
0x52d: {  	v1 =	vmul.f32 v1, v3;
	_ =	sdelay $0x1  }
0x52e: {  	v3 =	vmul.f32 v1, v2;
	_ =	sdelay $0x1  }
0x52f: {  	v3 =	vmul.f32 v3, v1;
	_ =	sdelay $0x1  }
0x530: {  	v3 =	vsub.f32 $1.500000000e+00, v3;
	_ =	sdelay $0x1  }
0x531: {  	v1 =	vmul.f32 v3, v1;
	_ =	sdelay $0x1  }
0x532: {  	v2 =	vmul.f32 v1, v2;
	_ =	sdelay $0x1  }
0x533: {  	v2 =	vmul.f32 v2, v1;
	_ =	sdelay $0x1  }
0x534: {  	v2 =	vsub.f32 $1.500000000e+00, v2;
	_ =	sdelay $0x1  }
0x535: {  	v1 =	vmul.f32 v2, v1;
	_ =	sdelay $0x1  }
0x536: {  	v0 =	vmul.f32 v1, v0;
	_ =	sdelay $0x1  }
0x537: {  	[tilespmem:s16+$0xFFFFFFF0] =	vst v0  }
0x538: {  	v0 =	vld [tilespmem:s5+$0x0]  }
0x539: {  	v1 =	vld [tilespmem:s15+$0x0]  }
0x53a: {  	v2 =	vld [tilespmem:s23+$0x0]  }
0x53b: {  	v3 =	vld [tilespmem:s24+$0x0]  }
0x53c: {  	v4 =	vld [tilespmem:s22+$0x0]  }
0x53d: {  	v5 =	vld [tilespmem:s14+$0x0]  }
0x53e: {  	v59 =	vld [tilespmem:s17+$0x0]  }
0x53f: {  	v60 =	vld [tilespmem:s3+$0x0];
	_ =	sdelay $0x1  }
0x540: {  	v0 =	vadd.f32 v0, v2;
	v2 =	vld [tilespmem:s20+$0x0]  }
0x541: {  	v4 =	vadd.f32 v4, v5  }
0x542: {  	v1 =	vadd.f32 v1, v59  }
0x543: {  	v0 =	vsub.f32 v3, v0;
	v3 =	vsub.f32 v60, v4;
	_ =	sdelay $0x1  }
0x544: {  	v0 =	vmul.f32 v0, v0;
	v1 =	vsub.f32 v2, v1;
	v2 =	vmul.f32 v3, v3;
	_ =	sdelay $0x1  }
0x545: {  	v1 =	vmul.f32 v1, v1;
	v0 =	vadd.f32 v0, v2;
	_ =	sdelay $0x1  }
0x546: {  	v0 =	vadd.f32 v1, v0;
	_ =	sdelay $0x1  }
0x547: {  	v0 =	vmax.f32 v0, $1.000000000e-30  }
0x548: {  	v1 =	vshra.s32 v0, $0x1;
	v2 =	vmul.f32 $5.000000000e-01, v0  }
0x549: {  	v1 =	vsub.s32 $0x5F3759DF, v1  }
0x54a: {  	v3 =	vmul.f32 v1, v2;
	_ =	sdelay $0x1  }
0x54b: {  	v3 =	vmul.f32 v1, v3;
	_ =	sdelay $0x1  }
0x54c: {  	v3 =	vsub.f32 $1.500000000e+00, v3;
	_ =	sdelay $0x1  }
0x54d: {  	v1 =	vmul.f32 v1, v3;
	_ =	sdelay $0x1  }
0x54e: {  	v3 =	vmul.f32 v1, v2;
	_ =	sdelay $0x1  }
0x54f: {  	v3 =	vmul.f32 v3, v1;
	_ =	sdelay $0x1  }
0x550: {  	v3 =	vsub.f32 $1.500000000e+00, v3;
	_ =	sdelay $0x1  }
0x551: {  	v1 =	vmul.f32 v3, v1;
	_ =	sdelay $0x1  }
0x552: {  	v2 =	vmul.f32 v1, v2;
	_ =	sdelay $0x1  }
0x553: {  	v2 =	vmul.f32 v2, v1;
	_ =	sdelay $0x1  }
0x554: {  	v2 =	vsub.f32 $1.500000000e+00, v2;
	_ =	sdelay $0x1  }
0x555: {  	v1 =	vmul.f32 v2, v1;
	_ =	sdelay $0x1  }
0x556: {  	v0 =	vmul.f32 v1, v0;
	_ =	sdelay $0x1  }
0x557: {  	[tilespmem:s16+$0x0] =	vst v0  }
0x558: {  	v0 =	vld [tilespmem:s24+$0x10]  }
0x559: {  	v1 =	vld [tilespmem:s23+$0x10]  }
0x55a: {  	v2 =	vld [tilespmem:s14+$0x10]  }
0x55b: {  	v3 =	vld [tilespmem:s15+$0x10]  }
0x55c: {  	v4 =	vld [tilespmem:s5+$0x10]  }
0x55d: {  	v5 =	vld [tilespmem:s22+$0x10]  }
0x55e: {  	v61 =	vld [tilespmem:s17+$0x10]  }
0x55f: {  	v62 =	vld [tilespmem:s3+$0x10];
	_ =	sdelay $0x1  }
0x560: {  	v63 =	vld [tilespmem:s20+$0x10];
	v1 =	vadd.f32 v4, v1  }
0x561: {  	v2 =	vadd.f32 v5, v2  }
0x562: {  	v0 =	vsub.f32 v0, v1  }
0x563: {  	v1 =	vadd.f32 v3, v61;
	v2 =	vsub.f32 v62, v2;
	_ =	sdelay $0x1  }
0x564: {  	v1 =	vsub.f32 v63, v1;
	v2 =	vmul.f32 v2, v2;
	v0 =	vmul.f32 v0, v0;
	_ =	sdelay $0x1  }
0x565: {  	v0 =	vadd.f32 v0, v2;
	v1 =	vmul.f32 v1, v1;
	_ =	sdelay $0x1  }
0x566: {  	v0 =	vadd.f32 v1, v0;
	_ =	sdelay $0x1  }
0x567: {  	v0 =	vmax.f32 v0, $1.000000000e-30  }
0x568: {  	v2 =	vshra.s32 v0, $0x1;
	v1 =	vmul.f32 $5.000000000e-01, v0  }
0x569: {  	v2 =	vsub.s32 $0x5F3759DF, v2  }
0x56a: {  	v3 =	vmul.f32 v2, v1;
	_ =	sdelay $0x1  }
0x56b: {  	v3 =	vmul.f32 v2, v3;
	_ =	sdelay $0x1  }
0x56c: {  	v3 =	vsub.f32 $1.500000000e+00, v3;
	_ =	sdelay $0x1  }
0x56d: {  	v2 =	vmul.f32 v2, v3  }
0x56e: {  	s21 =	simm.s32 $0x1C170  }
0x56f: {  	s8 =	simm.s32 $0x1A1B0;
	s4 =	simm.s32 $0xC1B0;
	s14 =	simm.s32 $0x0;
	v3 =	vmul.f32 v2, v1  }
0x570: {  	s17 =	simm.s32 $0x121B0;
	s20 =	simm.s32 $0x101B0;
	s22 =	simm.s32 $0x181B0  }
0x571: {  	s23 =	simm.s32 $0x161B0;
	s3 =	simm.s32 $0x141B0;
	s5 =	simm.s32 $0xA1B0;
	v3 =	vmul.f32 v3, v2  }
.LBB2_9:
0x572: {  	s14 =	sadd.s32 $0x4, s14;
	s16 =	sadd.s32 $0x40, s16;
	s15 =	sadd.s32 $0x40, s15  }
0x573: {  	p1 =	slt.u32 s14, $0x78;
	v3 =	vsub.f32 $1.500000000e+00, v3;
	_ =	sdelay $0x1  }
0x574: {  	v2 =	vmul.f32 v3, v2;
	_ =	sdelay $0x1  }
0x575: {  	v1 =	vmul.f32 v2, v1;
	_ =	sdelay $0x1  }
0x576: {  	v1 =	vmul.f32 v1, v2;
	_ =	sdelay $0x1  }
0x577: {  	v1 =	vsub.f32 $1.500000000e+00, v1;
	_ =	sdelay $0x1  }
0x578: {  	v1 =	vmul.f32 v1, v2;
	_ =	sdelay $0x1  }
0x579: {  	v0 =	vmul.f32 v1, v0;
	_ =	sdelay $0x1  }
0x57a: {  	[tilespmem:s21+$0x10] =	vst v0;
	s21 =	smov.u32 s16;
	_ =	sdelay $0x3  }
0x57b: {  	v0 =	vld [tilespmem:s20+$0xFFFFFFE0]  }
0x57c: {  	v1 =	vld [tilespmem:s15+$0xFFFFFFE0]  }
0x57d: {  	v2 =	vld [tilespmem:s4+$0xFFFFFFE0]  }
0x57e: {  	v3 =	vld [tilespmem:s5+$0xFFFFFFE0]  }
0x57f: {  	v4 =	vld [tilespmem:s22+$0xFFFFFFE0]  }
0x580: {  	v5 =	vld [tilespmem:s23+$0xFFFFFFE0]  }
0x581: {  	v6 =	vld [tilespmem:s17+$0xFFFFFFE0]  }
0x582: {  	v7 =	vld [tilespmem:s8+$0xFFFFFFE0];
	_ =	sdelay $0x1  }
0x583: {  	v8 =	vld [tilespmem:s3+$0xFFFFFFE0];
	v2 =	vadd.f32 v2, v4  }
0x584: {  	v3 =	vadd.f32 v3, v5  }
0x585: {  	v2 =	vsub.f32 v6, v2  }
0x586: {  	v0 =	vsub.f32 v0, v3;
	v1 =	vadd.f32 v1, v7;
	_ =	sdelay $0x1  }
0x587: {  	v2 =	vmul.f32 v2, v2;
	v1 =	vsub.f32 v8, v1;
	v0 =	vmul.f32 v0, v0;
	_ =	sdelay $0x1  }
0x588: {  	v0 =	vadd.f32 v2, v0;
	v1 =	vmul.f32 v1, v1;
	_ =	sdelay $0x1  }
0x589: {  	v0 =	vadd.f32 v1, v0;
	_ =	sdelay $0x1  }
0x58a: {  	v0 =	vmax.f32 v0, $1.000000000e-30  }
0x58b: {  	v1 =	vshra.s32 v0, $0x1;
	v2 =	vmul.f32 $5.000000000e-01, v0  }
0x58c: {  	v1 =	vsub.s32 $0x5F3759DF, v1  }
0x58d: {  	v3 =	vmul.f32 v1, v2;
	_ =	sdelay $0x1  }
0x58e: {  	v3 =	vmul.f32 v1, v3;
	_ =	sdelay $0x1  }
0x58f: {  	v3 =	vsub.f32 $1.500000000e+00, v3;
	_ =	sdelay $0x1  }
0x590: {  	v1 =	vmul.f32 v1, v3;
	_ =	sdelay $0x1  }
0x591: {  	v3 =	vmul.f32 v1, v2;
	_ =	sdelay $0x1  }
0x592: {  	v3 =	vmul.f32 v3, v1;
	_ =	sdelay $0x1  }
0x593: {  	v3 =	vsub.f32 $1.500000000e+00, v3;
	_ =	sdelay $0x1  }
0x594: {  	v1 =	vmul.f32 v3, v1;
	_ =	sdelay $0x1  }
0x595: {  	v2 =	vmul.f32 v1, v2;
	_ =	sdelay $0x1  }
0x596: {  	v2 =	vmul.f32 v2, v1;
	_ =	sdelay $0x1  }
0x597: {  	v2 =	vsub.f32 $1.500000000e+00, v2;
	_ =	sdelay $0x1  }
0x598: {  	v1 =	vmul.f32 v2, v1;
	_ =	sdelay $0x1  }
0x599: {  	v0 =	vmul.f32 v1, v0;
	_ =	sdelay $0x1  }
0x59a: {  	[tilespmem:s16+$0xFFFFFFE0] =	vst v0  }
0x59b: {  	v0 =	vld [tilespmem:s15+$0xFFFFFFF0]  }
0x59c: {  	v1 =	vld [tilespmem:s20+$0xFFFFFFF0]  }
0x59d: {  	v2 =	vld [tilespmem:s4+$0xFFFFFFF0]  }
0x59e: {  	v3 =	vld [tilespmem:s23+$0xFFFFFFF0]  }
0x59f: {  	v4 =	vld [tilespmem:s5+$0xFFFFFFF0]  }
0x5a0: {  	v5 =	vld [tilespmem:s22+$0xFFFFFFF0]  }
0x5a1: {  	v6 =	vld [tilespmem:s8+$0xFFFFFFF0]  }
0x5a2: {  	v7 =	vld [tilespmem:s17+$0xFFFFFFF0]  }
0x5a3: {  	v8 =	vld [tilespmem:s3+$0xFFFFFFF0]  }
0x5a4: {  	v3 =	vadd.f32 v4, v3  }
0x5a5: {  	v2 =	vadd.f32 v2, v5  }
0x5a6: {  	v1 =	vsub.f32 v1, v3;
	v0 =	vadd.f32 v0, v6  }
0x5a7: {  	v2 =	vsub.f32 v7, v2  }
0x5a8: {  	v0 =	vsub.f32 v8, v0  }
0x5a9: {  	v1 =	vmul.f32 v1, v1;
	v2 =	vmul.f32 v2, v2  }
0x5aa: {  	v0 =	vmul.f32 v0, v0  }
0x5ab: {  	v1 =	vadd.f32 v2, v1;
	_ =	sdelay $0x1  }
0x5ac: {  	v0 =	vadd.f32 v0, v1;
	_ =	sdelay $0x1  }
0x5ad: {  	v0 =	vmax.f32 v0, $1.000000000e-30  }
0x5ae: {  	v1 =	vshra.s32 v0, $0x1;
	v2 =	vmul.f32 $5.000000000e-01, v0  }
0x5af: {  	v1 =	vsub.s32 $0x5F3759DF, v1  }
0x5b0: {  	v3 =	vmul.f32 v1, v2;
	_ =	sdelay $0x1  }
0x5b1: {  	v3 =	vmul.f32 v1, v3;
	_ =	sdelay $0x1  }
0x5b2: {  	v3 =	vsub.f32 $1.500000000e+00, v3;
	_ =	sdelay $0x1  }
0x5b3: {  	v1 =	vmul.f32 v1, v3;
	_ =	sdelay $0x1  }
0x5b4: {  	v3 =	vmul.f32 v1, v2;
	_ =	sdelay $0x1  }
0x5b5: {  	v3 =	vmul.f32 v3, v1;
	_ =	sdelay $0x1  }
0x5b6: {  	v3 =	vsub.f32 $1.500000000e+00, v3;
	_ =	sdelay $0x1  }
0x5b7: {  	v1 =	vmul.f32 v3, v1;
	_ =	sdelay $0x1  }
0x5b8: {  	v2 =	vmul.f32 v1, v2;
	_ =	sdelay $0x1  }
0x5b9: {  	v2 =	vmul.f32 v2, v1;
	_ =	sdelay $0x1  }
0x5ba: {  	v2 =	vsub.f32 $1.500000000e+00, v2;
	_ =	sdelay $0x1  }
0x5bb: {  	v1 =	vmul.f32 v2, v1;
	_ =	sdelay $0x1  }
0x5bc: {  	v0 =	vmul.f32 v1, v0;
	_ =	sdelay $0x1  }
0x5bd: {  	[tilespmem:s16+$0xFFFFFFF0] =	vst v0  }
0x5be: {  	v0 =	vld [tilespmem:s4+$0x0]  }
0x5bf: {  	v1 =	vld [tilespmem:s15+$0x0]  }
0x5c0: {  	v2 =	vld [tilespmem:s22+$0x0]  }
0x5c1: {  	v3 =	vld [tilespmem:s17+$0x0]  }
0x5c2: {  	v4 =	vld [tilespmem:s5+$0x0]  }
0x5c3: {  	v5 =	vld [tilespmem:s23+$0x0]  }
0x5c4: {  	v6 =	vld [tilespmem:s8+$0x0]  }
0x5c5: {  	v7 =	vld [tilespmem:s20+$0x0];
	v0 =	vadd.f32 v0, v2  }
0x5c6: {  	v2 =	vld [tilespmem:s3+$0x0]  }
0x5c7: {  	v0 =	vsub.f32 v3, v0  }
0x5c8: {  	v3 =	vadd.f32 v4, v5  }
0x5c9: {  	v1 =	vadd.f32 v1, v6  }
0x5ca: {  	v0 =	vmul.f32 v0, v0;
	v3 =	vsub.f32 v7, v3  }
0x5cb: {  	v1 =	vsub.f32 v2, v1  }
0x5cc: {  	v2 =	vmul.f32 v3, v3  }
0x5cd: {  	v1 =	vmul.f32 v1, v1  }
0x5ce: {  	v0 =	vadd.f32 v0, v2;
	_ =	sdelay $0x1  }
0x5cf: {  	v0 =	vadd.f32 v1, v0;
	_ =	sdelay $0x1  }
0x5d0: {  	v0 =	vmax.f32 v0, $1.000000000e-30  }
0x5d1: {  	v1 =	vshra.s32 v0, $0x1;
	v2 =	vmul.f32 $5.000000000e-01, v0  }
0x5d2: {  	v1 =	vsub.s32 $0x5F3759DF, v1  }
0x5d3: {  	v3 =	vmul.f32 v1, v2;
	_ =	sdelay $0x1  }
0x5d4: {  	v3 =	vmul.f32 v1, v3;
	_ =	sdelay $0x1  }
0x5d5: {  	v3 =	vsub.f32 $1.500000000e+00, v3;
	_ =	sdelay $0x1  }
0x5d6: {  	v1 =	vmul.f32 v1, v3;
	_ =	sdelay $0x1  }
0x5d7: {  	v3 =	vmul.f32 v1, v2;
	_ =	sdelay $0x1  }
0x5d8: {  	v3 =	vmul.f32 v3, v1;
	_ =	sdelay $0x1  }
0x5d9: {  	v3 =	vsub.f32 $1.500000000e+00, v3;
	_ =	sdelay $0x1  }
0x5da: {  	v1 =	vmul.f32 v3, v1;
	_ =	sdelay $0x1  }
0x5db: {  	v2 =	vmul.f32 v1, v2;
	_ =	sdelay $0x1  }
0x5dc: {  	v2 =	vmul.f32 v2, v1;
	_ =	sdelay $0x1  }
0x5dd: {  	v2 =	vsub.f32 $1.500000000e+00, v2;
	_ =	sdelay $0x1  }
0x5de: {  	v1 =	vmul.f32 v2, v1;
	_ =	sdelay $0x1  }
0x5df: {  	v0 =	vmul.f32 v1, v0;
	_ =	sdelay $0x1  }
0x5e0: {  	[tilespmem:s16+$0x0] =	vst v0  }
0x5e1: {  	v0 =	vld [tilespmem:s17+$0x10]  }
0x5e2: {  	v1 =	vld [tilespmem:s22+$0x10]  }
0x5e3: {  	v2 =	vld [tilespmem:s23+$0x10]  }
0x5e4: {  	v3 =	vld [tilespmem:s15+$0x10]  }
0x5e5: {  	v4 =	vld [tilespmem:s4+$0x10]  }
0x5e6: {  	v5 =	vld [tilespmem:s5+$0x10]  }
0x5e7: {  	v6 =	vld [tilespmem:s8+$0x10]  }
0x5e8: {  	v7 =	vld [tilespmem:s20+$0x10]  }
0x5e9: {  	v8 =	vld [tilespmem:s3+$0x10]  }
0x5ea: {  	v1 =	vadd.f32 v4, v1  }
0x5eb: {  	v2 =	vadd.f32 v5, v2  }
0x5ec: {  	v0 =	vsub.f32 v0, v1;
	v1 =	vadd.f32 v3, v6  }
0x5ed: {  	v2 =	vsub.f32 v7, v2  }
0x5ee: {  	v1 =	vsub.f32 v8, v1  }
0x5ef: {  	v0 =	vmul.f32 v0, v0;
	v2 =	vmul.f32 v2, v2;
	_ =	sdelay $0x1  }
0x5f0: {  	v1 =	vmul.f32 v1, v1;
	v0 =	vadd.f32 v0, v2;
	_ =	sdelay $0x1  }
0x5f1: {  	v0 =	vadd.f32 v1, v0;
	_ =	sdelay $0x1  }
0x5f2: {  	v0 =	vmax.f32 v0, $1.000000000e-30  }
0x5f3: {  	v2 =	vshra.s32 v0, $0x1;
	v1 =	vmul.f32 $5.000000000e-01, v0  }
0x5f4: {  	v2 =	vsub.s32 $0x5F3759DF, v2  }
0x5f5: {  	v3 =	vmul.f32 v2, v1;
	_ =	sdelay $0x1  }
0x5f6: {  	v3 =	vmul.f32 v2, v3;
	_ =	sdelay $0x1  }
0x5f7: {  	v3 =	vsub.f32 $1.500000000e+00, v3;
	_ =	sdelay $0x1  }
.Ltmp3:
0x5f8: {  	v2 =	vmul.f32 v2, v3;
	(pc) =	sbr.rel @p1 .LBB2_9-.Ltmp3, $4  }
0x5f9: {  	_ = 	snop  }
0x5fa: {  	s17 =	sadd.s32 $0x40, s17;
	s20 =	sadd.s32 $0x40, s20;
	v3 =	vmul.f32 v2, v1  }
0x5fb: {  	s22 =	sadd.s32 $0x40, s22;
	s23 =	sadd.s32 $0x40, s23;
	s3 =	sadd.s32 $0x40, s3  }
0x5fc: {  	s4 =	sadd.s32 $0x40, s4;
	s5 =	sadd.s32 $0x40, s5;
	s8 =	sadd.s32 $0x40, s8;
	v3 =	vmul.f32 v3, v2  }
0x5fd: {  	_ = 	snop  }
0x5fe: {  	v3 =	vsub.f32 $1.500000000e+00, v3;
	_ =	sdelay $0x1  }
0x5ff: {  	v2 =	vmul.f32 v3, v2;
	_ =	sdelay $0x1  }
0x600: {  	v1 =	vmul.f32 v2, v1;
	_ =	sdelay $0x1  }
0x601: {  	v1 =	vmul.f32 v1, v2;
	_ =	sdelay $0x1  }
0x602: {  	v1 =	vsub.f32 $1.500000000e+00, v1;
	_ =	sdelay $0x1  }
0x603: {  	v1 =	vmul.f32 v1, v2;
	_ =	sdelay $0x1  }
0x604: {  	v0 =	vmul.f32 v1, v0;
	_ =	sdelay $0x1  }
0x605: {  	[tilespmem:s21+$0x10] =	vst v0  }
0x606: {  	v0 =	vld [tilespmem:$0x10910]  }
0x607: {  	v57 =	vld [tilespmem:$0x16910]  }
0x608: {  	v58 =	vld [tilespmem:$0x18910]  }
0x609: {  	v4 =	vld [tilespmem:$0xA910]  }
0x60a: {  	v5 =	vld [tilespmem:$0xC910]  }
0x60b: {  	v6 =	vld [tilespmem:$0x1A910]  }
0x60c: {  	v7 =	vld [tilespmem:$0xE910]  }
0x60d: {  	v56 =	vld [tilespmem:$0x12910];
	_ =	sdelay $0x1  }
0x60e: {  	v8 =	vld [tilespmem:$0x14910]  }
0x60f: {  	v2 =	vadd.f32 v4, v57;
	v3 =	vadd.f32 v5, v58  }
0x610: {  	v59 =	vadd.f32 v7, v6  }
0x611: {  	v0 =	vsub.f32 v0, v2;
	v1 =	vsub.f32 v56, v3;
	_ =	sdelay $0x1  }
0x612: {  	v2 =	vsub.f32 v8, v59;
	v0 =	vmul.f32 v0, v0;
	v1 =	vmul.f32 v1, v1;
	_ =	sdelay $0x1  }
0x613: {  	v60 =	vmul.f32 v2, v2;
	v0 =	vadd.f32 v1, v0;
	_ =	sdelay $0x1  }
0x614: {  	v0 =	vadd.f32 v60, v0;
	_ =	sdelay $0x1  }
0x615: {  	v0 =	vmax.f32 v0, $1.000000000e-30  }
0x616: {  	v61 =	vshra.s32 v0, $0x1;
	v62 =	vmul.f32 $5.000000000e-01, v0  }
0x617: {  	v1 =	vsub.s32 $0x5F3759DF, v61  }
0x618: {  	v63 =	vmul.f32 v1, v62;
	_ =	sdelay $0x1  }
0x619: {  	v3 =	vmul.f32 v1, v63;
	_ =	sdelay $0x1  }
0x61a: {  	v3 =	vsub.f32 $1.500000000e+00, v3;
	_ =	sdelay $0x1  }
0x61b: {  	v1 =	vmul.f32 v1, v3;
	_ =	sdelay $0x1  }
0x61c: {  	v3 =	vmul.f32 v1, v62;
	_ =	sdelay $0x1  }
0x61d: {  	v3 =	vmul.f32 v3, v1;
	_ =	sdelay $0x1  }
0x61e: {  	v3 =	vsub.f32 $1.500000000e+00, v3;
	_ =	sdelay $0x1  }
0x61f: {  	v1 =	vmul.f32 v3, v1;
	_ =	sdelay $0x1  }
0x620: {  	v2 =	vmul.f32 v1, v62;
	_ =	sdelay $0x1  }
0x621: {  	v2 =	vmul.f32 v2, v1;
	_ =	sdelay $0x1  }
0x622: {  	v2 =	vsub.f32 $1.500000000e+00, v2  }
0x623: {  	s1 =	sadd.s32 $0x1, s1  }
0x624: {  	p1 =	sne.s32 s1, $0x19;
	v1 =	vmul.f32 v2, v1  }
.Ltmp4:
0x625: {  	_ = 	snop;
	(pc) =	sbr.rel @p1 .LBB2_2-.Ltmp4, $4  }
0x626: {  	v0 =	vmul.f32 v1, v0  }
0x627: {  	s3 =	rddreg [dreg:$0x8]  }
0x628: {  	s24 =	simm.s32 $0x1C150;
	s2 =	sadd.s32 s3, s2;
	[tilespmem:$0x1C910] =	vst v0  }
0x629: {  	[hbm4b:s2+s13] =	stream.linear.scatter [tilespmem:s24], [sflag:$0xC], $0x7D0, $0x38;
	[tilespmem:$0x1C950] =	vst v63  }
0x62a: {  	s1 =	simm.s32 $0x9  }
0x62b: {  	_ =	swait.ge [sflag:s1], $0x7D0  }
0x62c: {  	[sflag:s1] =	ssyncset.done $0x0  }
0x62d: {  	s22 =	simm.s32 $0xA;
	[sflag:s1] =	ssyncadd.s32 $0xFFFFF830  }
0x62e: {  	_ =	swait.ge [sflag:s22], $0x7D0  }
0x62f: {  	[sflag:s22] =	ssyncset.done $0x0  }
0x630: {  	s23 =	simm.s32 $0xB;
	[sflag:s22] =	ssyncadd.s32 $0xFFFFF830  }
0x631: {  	_ =	swait.ge [sflag:s23], $0x7D0  }
0x632: {  	[sflag:s23] =	ssyncset.done $0x0  }
0x633: {  	s2 =	simm.s32 $0xC;
	[sflag:s23] =	ssyncadd.s32 $0xFFFFF830  }
0x634: {  	_ =	swait.ge [sflag:s2], $0x7D0  }
0x635: {  	s3 =	sld [smem:$0x7F9];
	_ =	sdelay $0x2  }
0x636: {  	s24 =	rddreg [dreg:$0x1f];
	s3 =	sadd.s32 $0x1, s3  }
0x637: {  	p1 =	sne.s32 s3, s24  }
.Ltmp5:
0x638: {  	_ = 	snop;
	(pc) =	sbr.rel @p1 .LBB2_1-.Ltmp5, $3  }
0x639: {  	_ =	sdelay $0x1  }
0x63a: {  	[sflag:s2] =	ssyncset.done $0x0  }
0x63b: {  	[sflag:s2] =	ssyncadd.s32 $0xFFFFF830  }
0x63c: {  	_ =	sfence.sel $0x180000  }
0x63d: {  	[bflag:$0x0] =	sbarrier.arrive $0xFFFF  }
0x63e: {  	_ =	strace $0x90000047  }
0x63f: {  	[bflag:$0x2] =	sbarrier.arrive $0xFFFF  }
0x640: {  	s0 =	rddreg [dreg:$0xc]  }
0x641: {  	s0 =	sadd.s32 @!p0 $0x100000, s0  }
0x642: {  	[sflag:s0] =	ssyncadd.tile.s32 @!p0 $0x1;
	_ =	shalt  }
.Lfunc_end2:
_tile_overlayer_lowered:
.L_overlay_start_2:
0x643: {  	(tag) =	ssettag $0x2  }
0x644: {  	s0 =	rddreg [dreg:$0x0];
	s2 =	stileid.u32  }
0x645: {  	s1 =	rddreg [dreg:$0x1];
	p0 =	sne.s32 s2, $0x0  }
0x646: {  	s3 =	rddreg [dreg:$0x2];
	[bflag:$0x3] =	sbarrier.arrive $0xFFFF;
	s2 =	simm.s32 @!p0 $0x1C0D  }
0x647: {  	[timem:s3], [sflag:s2] =	dma.local @!p0 [hbm:s0], s1  }
0x648: {  	s0 =	simm.s32 @!p0 $0xD  }
0x649: {  	_ =	swait.ge @!p0 [sflag:s0], s1  }
0x64a: {  	s1 =	ssub.s32 @!p0 $0x0, s1;
	[sflag:s0] =	ssyncset.done @!p0 $0x0  }
0x64b: {  	[sflag:s0] =	ssyncadd.s32 @!p0 s1  }
0x64c: {  	[bflag:$0x3] =	sbarrier.arrive $0xFFFF  }
0x64d: {  	_ =	shalt  }

</sc_bundles>
